<compile_context>
chip_gen: v7x
topology: tpu7x:2x2x1
jax: 0.10.2.dev20260603
libtpu: 0.0.44.dev20260713+nightly
codegen_flags: <defaults>
</compile_context>

<pallas_src>
import functools

import jax
import jax.numpy as jnp
from jax import lax
from jax.experimental import pallas as pl
from jax.experimental.pallas import tpu as pltpu
from jax.experimental.pallas import tpu_sc as plsc

N = 10000
D = 128
E = 320000
NC, NS = 2, 16
NW = NC * NS
EPW = E // NW
K = 96
NCH = 108
EPWP = NCH * K
EPAD = NW * EPWP - E
NP = 10112
SROWS = NP // NS
RB = 400
NRB = N // RB

_mesh = plsc.VectorSubcoreMesh(
    core_axis_name="c", subcore_axis_name="s", num_cores=NC, num_subcores=NS
)


def _deg_body(dst_hbm, out_hbm, dst_v, hist_v):
    c = lax.axis_index("c")
    s = lax.axis_index("s")
    wid = s * NC + c
    zeros16 = jnp.zeros((16,), jnp.float32)
    ones16 = jnp.ones((16,), jnp.float32)

    def zero_it(j, carry):
        hist_v[pl.ds(j * 16, 16)] = zeros16
        return carry

    lax.fori_loop(0, N // 16, zero_it, 0)
    pltpu.sync_copy(dst_hbm.at[pl.ds(wid * EPW, EPW)], dst_v)

    def hist_it(j, carry):
        idx = dst_v[pl.ds(j * 16, 16)]
        plsc.addupdate_scatter(hist_v, [idx], ones16)
        return carry

    lax.fori_loop(0, EPW // 16, hist_it, 0)
    pltpu.sync_copy(hist_v, out_hbm.at[wid])


_deg_call = functools.partial(
    pl.kernel,
    out_type=jax.ShapeDtypeStruct((NW, N), jnp.float32),
    mesh=_mesh,
    scratch_types=[
        pltpu.VMEM((EPW,), jnp.int32),
        pltpu.VMEM((N,), jnp.float32),
    ],
    compiler_params=pltpu.CompilerParams(needs_layout_passes=False),
    name="sc_degree",
)(_deg_body)


def _agg_body(g_hbm, ev_hbm, zer_hbm, out_hbm, evv, rows,
              acc_sh, isem0, isem1, isem2, gsem0, gsem1, gsem2, gsem3,
              ssem0, ssem1):
    c = lax.axis_index("c")
    s = lax.axis_index("s")
    wid = s * NC + c
    pltpu.sync_copy(zer_hbm, acc_sh.at[pl.ds(s * SROWS, SROWS)])
    plsc.subcore_barrier()

    isem = (isem0, isem1, isem2)
    gsem = ((gsem0, gsem1), (gsem2, gsem3))
    ssem = (ssem0, ssem1)
    K2 = K // 2

    def idx_start(ci, b):
        pltpu.async_copy(ev_hbm.at[wid, ci], evv.at[b], isem[b])

    def idx_wait(ci, b):
        pltpu.make_async_copy(ev_hbm.at[wid, ci], evv.at[b],
                              isem[b]).wait()

    def gather_start(b, bi):
        for h in range(2):
            pltpu.async_copy(
                g_hbm.at[evv.at[bi, 0, pl.ds(h * K2, K2)]],
                rows.at[b, pl.ds(h * K2, K2)], gsem[b][h])

    def gather_wait(b, bi):
        for h in range(2):
            pltpu.make_async_copy(
                g_hbm.at[evv.at[bi, 0, pl.ds(h * K2, K2)]],
                rows.at[b, pl.ds(h * K2, K2)], gsem[b][h]).wait()

    def scatter_start(b, bi):
        pltpu.async_copy(rows.at[b], acc_sh.at[evv.at[bi, 1]], ssem[b],
                         add=True)

    def scatter_wait(b, bi):
        pltpu.make_async_copy(rows.at[b], acc_sh.at[evv.at[bi, 1]],
                              ssem[b]).wait()

    idx_start(0, 0)
    idx_start(1, 1)
    idx_wait(0, 0)
    gather_start(0, 0)

    def body(j, carry):
        i6 = j * 6
        for u in range(6):
            i = i6 + u
            @pl.when(i > 0)
            def _():
                scatter_wait((u + 1) % 2, (u + 2) % 3)

            @pl.when(i + 2 < NCH)
            def _():
                idx_start(i + 2, (u + 2) % 3)

            @pl.when(i + 1 < NCH)
            def _():
                idx_wait(i + 1, (u + 1) % 3)

            @pl.when(i + 1 < NCH)
            def _():
                gather_start((u + 1) % 2, (u + 1) % 3)

            gather_wait(u % 2, u % 3)
            scatter_start(u % 2, u % 3)
        return carry

    lax.fori_loop(0, NCH // 6, body, 0)
    scatter_wait(1, 2)
    plsc.subcore_barrier()
    pltpu.sync_copy(
        acc_sh.at[pl.ds(s * SROWS, SROWS)],
        out_hbm.at[pl.ds(c * NP + s * SROWS, SROWS)],
    )


_agg_call = functools.partial(
    pl.kernel,
    out_type=jax.ShapeDtypeStruct((NC * NP, D), jnp.float32),
    mesh=_mesh,
    scratch_types=[
        pltpu.VMEM((3, 2, K), jnp.int32),
        pltpu.VMEM((2, K, D), jnp.float32),
        pltpu.VMEM_SHARED((NP, D), jnp.float32),
    ] + [pltpu.SemaphoreType.DMA] * 9,
    name="sc_aggregate",
)(_agg_body)


def _dinv(degt_ref):
    dsum = jnp.sum(degt_ref[...], axis=1, keepdims=True) + 1.0
    return lax.rsqrt(dsum)


def _mm1_body(x_ref, w_ref, degt_ref, o_ref):
    o_ref[...] = (
        jnp.dot(x_ref[...], w_ref[...], preferred_element_type=jnp.float32)
        * _dinv(degt_ref)
    )


def _mid_body(a0_ref, a1_ref, g_ref, degt_ref, b_ref, w_ref, o_ref):
    dinv = _dinv(degt_ref)
    z = (a0_ref[...] + a1_ref[...] + g_ref[...]) * dinv + b_ref[...]
    h = jnp.tanh(z)
    o_ref[...] = (
        jnp.dot(h, w_ref[...], preferred_element_type=jnp.float32) * dinv
    )


def _fin_body(a0_ref, a1_ref, g_ref, degt_ref, b_ref, o_ref):
    dinv = _dinv(degt_ref)
    z = (a0_ref[...] + a1_ref[...] + g_ref[...]) * dinv + b_ref[...]
    o_ref[...] = jnp.tanh(z)


_row = pl.BlockSpec((RB, D), lambda i: (i, 0))
_wspec = pl.BlockSpec((D, D), lambda i: (0, 0))
_dspec = pl.BlockSpec((RB, NW), lambda i: (i, 0))
_bspec = pl.BlockSpec((1, D), lambda i: (0, 0))
_oshape = jax.ShapeDtypeStruct((N, D), jnp.float32)

_mm1 = pl.pallas_call(
    _mm1_body, grid=(NRB,),
    in_specs=[_row, _wspec, _dspec], out_specs=_row, out_shape=_oshape,
)
_mid = pl.pallas_call(
    _mid_body, grid=(NRB,),
    in_specs=[_row, _row, _row, _dspec, _bspec, _wspec],
    out_specs=_row, out_shape=_oshape,
)
_fin = pl.pallas_call(
    _fin_body, grid=(NRB,),
    in_specs=[_row, _row, _row, _dspec, _bspec],
    out_specs=_row, out_shape=_oshape,
)


def kernel(x, edge_index, W1, b1, W2, b2):
    ei = edge_index.astype(jnp.int32)
    dst_flat = ei[1]
    pad_src = (jnp.arange(EPAD, dtype=jnp.int32) * 7) % N
    pad_dst = N + (jnp.arange(EPAD, dtype=jnp.int32) % (NP - N))
    src = jnp.concatenate([ei[0], pad_src]).reshape(NW, NCH, K)
    dst = jnp.concatenate([dst_flat, pad_dst]).reshape(NW, NCH, K)
    ev = jnp.stack([src, dst], axis=2)
    zer = jnp.zeros((SROWS, D), jnp.float32)
    b1r = b1.reshape(1, D)
    b2r = b2.reshape(1, D)

    degp = _deg_call(dst_flat)
    degt = degp.T

    g1 = _mm1(x, W1, degt)
    acc1 = _agg_call(g1, ev, zer)
    g2 = _mid(acc1[:N], acc1[NP:NP + N], g1, degt, b1r, W2)
    acc2 = _agg_call(g2, ev, zer)
    return _fin(acc2[:N], acc2[NP:NP + N], g2, degt, b2r)

# --- scband reference (transcript-rebuilt; emitter-appended) ---
"""Pipeline reference for scband-encoder-2662879724015 (READ-ONLY COPY).

The authoritative reference and input builder live on the scoring server;
editing this copy changes nothing except your own understanding.
"""

import jax, jax.numpy as jnp
import numpy as np

N_NODES = 10000
D = 128
E = 320000


def setup_inputs(seed: int = 0) -> dict:
    key = jax.random.key(seed)
    k1, k2, k3, k4, k5, k6 = jax.random.split(key, 6)
    x = jax.random.normal(k1, (N_NODES, D), dtype=jnp.float32)
    edge_index = jax.random.randint(k2, (2, E), 0, N_NODES, dtype=jnp.int64)
    # Glorot-style init for GCN linear weights
    s = 1.0 / np.sqrt(D)
    W1 = jax.random.uniform(k3, (D, D), dtype=jnp.float32, minval=-s, maxval=s)
    b1 = jnp.zeros((D,), dtype=jnp.float32)
    W2 = jax.random.uniform(k4, (D, D), dtype=jnp.float32, minval=-s, maxval=s)
    b2 = jnp.zeros((D,), dtype=jnp.float32)
    return {"x": x, "edge_index": edge_index, "W1": W1, "b1": b1, "W2": W2, "b2": b2}


def _gcn_conv(x, W, b, src, dst, n):
    # GCNConv (PyG semantics): linear transform, add self-loops,
    # symmetric normalization D^{-1/2} (A+I) D^{-1/2}, scatter-add aggregate, bias.
    h = x @ W
    loop = jnp.arange(n, dtype=src.dtype)
    src2 = jnp.concatenate([src, loop])
    dst2 = jnp.concatenate([dst, loop])
    ones = jnp.ones(src2.shape[0], dtype=h.dtype)
    deg = jnp.zeros((n,), dtype=h.dtype).at[dst2].add(ones)
    dinv = jnp.where(deg > 0, jax.lax.rsqrt(deg), 0.0)
    norm = dinv[src2] * dinv[dst2]
    msgs = h[src2] * norm[:, None]
    out = jnp.zeros((n, h.shape[1]), dtype=h.dtype).at[dst2].add(msgs)
    return out + b


def reference(x, edge_index, W1, b1, W2, b2):
    n = x.shape[0]
    src = edge_index[0]
    dst = edge_index[1]
    h = jnp.tanh(_gcn_conv(x, W1, b1, src, dst, n))
    h = jnp.tanh(_gcn_conv(h, W2, b2, src, dst, n))
    return h

if __name__ == "__main__":
    import jax
    _d = setup_inputs()
    print(jax.jit(kernel)(*tuple(_d.values())))

</pallas_src>

<mosaic_0001>
#map = affine_map<(d0, d1) -> (0, 0)>
#map1 = affine_map<(d0, d1) -> (0, 0, 0, 0)>
module attributes {stable_mosaic.version = 14 : i64} {
  func.func @sc_aggregate(%arg0: i32, %arg1: i32, %arg2: memref<10000x128xf32, #tpu.memory_space<hbm>>, %arg3: memref<32x108x2x96xi32, #tpu.memory_space<hbm>>, %arg4: memref<632x128xf32, #tpu.memory_space<hbm>>, %arg5: memref<20224x128xf32, #tpu.memory_space<hbm>>, %arg6: memref<3x2x96xi32, #tpu.memory_space<vmem>>, %arg7: memref<2x96x128xf32, #tpu.memory_space<vmem>>, %arg8: memref<10112x128xf32, #tpu.memory_space<vmem_shared>>, %arg9: memref<!tpu.dma_semaphore, #tpu.memory_space<semaphore_mem>>, %arg10: memref<!tpu.dma_semaphore, #tpu.memory_space<semaphore_mem>>, %arg11: memref<!tpu.dma_semaphore, #tpu.memory_space<semaphore_mem>>, %arg12: memref<!tpu.dma_semaphore, #tpu.memory_space<semaphore_mem>>, %arg13: memref<!tpu.dma_semaphore, #tpu.memory_space<semaphore_mem>>, %arg14: memref<!tpu.dma_semaphore, #tpu.memory_space<semaphore_mem>>, %arg15: memref<!tpu.dma_semaphore, #tpu.memory_space<semaphore_mem>>, %arg16: memref<!tpu.dma_semaphore, #tpu.memory_space<semaphore_mem>>, %arg17: memref<!tpu.dma_semaphore, #tpu.memory_space<semaphore_mem>>) attributes {dimension_semantics = [#tpu.dimension_semantics<core_parallel>, #tpu.dimension_semantics<subcore_parallel>], iteration_bounds = array<i64: 2, 16>, scalar_prefetch = 0 : i64, scratch_operands = 12 : i64, tpu.core_type = #tpu.core_type<sc_vector_subcore>, window_params = [{transform_indices = #map}, {transform_indices = #map1}, {transform_indices = #map}, {transform_indices = #map}]} {
    %mul3A = arith.constant 2 : i32
    %mul3A_0 = arith.muli %arg1, %mul3A : i32
    %add3A = arith.addi %mul3A_0, %arg0 : i32
    %mul3A_1 = arith.constant 632 : i32
    %mul3A_2 = arith.muli %arg1, %mul3A_1 : i32
    "tpu.region"() ({
      %run_scoped3A = tpu.sem_alloc : memref<!tpu.dma_semaphore, #tpu.memory_space<semaphore_mem>>
      %dma_start3A_107 = arith.constant 0 : i32
      %dma_start3A_108 = tpu.memref_slice %arg8[%mul3A_2, %dma_start3A_107] : memref<10112x128xf32, #tpu.memory_space<vmem_shared>> -> memref<632x128xf32, #tpu.memory_space<vmem_shared>>
      tpu.enqueue_dma source(%arg4 : memref<632x128xf32, #tpu.memory_space<hbm>>) target(%dma_start3A_108 : memref<632x128xf32, #tpu.memory_space<vmem_shared>>) target_semaphore(%run_scoped3A : memref<!tpu.dma_semaphore, #tpu.memory_space<semaphore_mem>>)
      %dma_wait3A_109 = arith.constant 0 : i32
      %dma_wait3A_110 = tpu.memref_slice %arg8[%mul3A_2, %dma_wait3A_109] : memref<10112x128xf32, #tpu.memory_space<vmem_shared>> -> memref<632x128xf32, #tpu.memory_space<vmem_shared>>
      tpu.wait_dma2 semaphore(%run_scoped3A : memref<!tpu.dma_semaphore, #tpu.memory_space<semaphore_mem>>) src(%arg4 : memref<632x128xf32, #tpu.memory_space<hbm>>) dst(%dma_wait3A_110 : memref<632x128xf32, #tpu.memory_space<vmem_shared>>)
      tpu.yield
    }) : () -> ()
    %barrier3A = arith.constant 0 : index
    tpu.barrier barrier_id(%barrier3A)
    %dma_start3A = arith.constant 0 : i32
    %dma_start3A_3 = arith.constant 0 : i32
    %dma_start3A_4 = arith.constant 0 : i32
    %dma_start3A_5 = arith.constant 0 : i32
    %dma_start3A_6 = tpu.memref_slice %arg6[%dma_start3A_3, %dma_start3A_4, %dma_start3A_5] : memref<3x2x96xi32, #tpu.memory_space<vmem>> -> memref<1x2x96xi32, #tpu.memory_space<vmem>>
    %dma_start3A_7 = tpu.memref_squeeze %dma_start3A_6 : memref<1x2x96xi32, #tpu.memory_space<vmem>> -> memref<2x96xi32, #tpu.memory_space<vmem>>
    %dma_start3A_8 = arith.constant 0 : i32
    %dma_start3A_9 = arith.constant 0 : i32
    %dma_start3A_10 = tpu.memref_slice %arg3[%add3A, %dma_start3A, %dma_start3A_8, %dma_start3A_9] : memref<32x108x2x96xi32, #tpu.memory_space<hbm>> -> memref<1x1x2x96xi32, #tpu.memory_space<hbm>>
    %dma_start3A_11 = tpu.memref_squeeze %dma_start3A_10 : memref<1x1x2x96xi32, #tpu.memory_space<hbm>> -> memref<2x96xi32, #tpu.memory_space<hbm>>
    %dma_start3A_12 = arith.constant 0 : i32
    %dma_start3A_13 = arith.constant 0 : i32
    %dma_start3A_14 = tpu.memref_slice %arg6[%dma_start3A_3, %dma_start3A_12, %dma_start3A_13] : memref<3x2x96xi32, #tpu.memory_space<vmem>> -> memref<1x2x96xi32, #tpu.memory_space<vmem>>
    %dma_start3A_15 = tpu.memref_squeeze %dma_start3A_14 : memref<1x2x96xi32, #tpu.memory_space<vmem>> -> memref<2x96xi32, #tpu.memory_space<vmem>>
    %dma_start3A_16 = arith.constant 0 : i32
    %dma_start3A_17 = arith.constant 0 : i32
    %dma_start3A_18 = tpu.memref_slice %arg3[%add3A, %dma_start3A, %dma_start3A_16, %dma_start3A_17] : memref<32x108x2x96xi32, #tpu.memory_space<hbm>> -> memref<1x1x2x96xi32, #tpu.memory_space<hbm>>
    %dma_start3A_19 = tpu.memref_squeeze %dma_start3A_18 : memref<1x1x2x96xi32, #tpu.memory_space<hbm>> -> memref<2x96xi32, #tpu.memory_space<hbm>>
    tpu.enqueue_dma source(%dma_start3A_19 : memref<2x96xi32, #tpu.memory_space<hbm>>) target(%dma_start3A_15 : memref<2x96xi32, #tpu.memory_space<vmem>>) target_semaphore(%arg9 : memref<!tpu.dma_semaphore, #tpu.memory_space<semaphore_mem>>)
    %dma_start3A_20 = arith.constant 1 : i32
    %dma_start3A_21 = arith.constant 1 : i32
    %dma_start3A_22 = arith.constant 0 : i32
    %dma_start3A_23 = arith.constant 0 : i32
    %dma_start3A_24 = tpu.memref_slice %arg6[%dma_start3A_21, %dma_start3A_22, %dma_start3A_23] : memref<3x2x96xi32, #tpu.memory_space<vmem>> -> memref<1x2x96xi32, #tpu.memory_space<vmem>>
    %dma_start3A_25 = tpu.memref_squeeze %dma_start3A_24 : memref<1x2x96xi32, #tpu.memory_space<vmem>> -> memref<2x96xi32, #tpu.memory_space<vmem>>
    %dma_start3A_26 = arith.constant 0 : i32
    %dma_start3A_27 = arith.constant 0 : i32
    %dma_start3A_28 = tpu.memref_slice %arg3[%add3A, %dma_start3A_20, %dma_start3A_26, %dma_start3A_27] : memref<32x108x2x96xi32, #tpu.memory_space<hbm>> -> memref<1x1x2x96xi32, #tpu.memory_space<hbm>>
    %dma_start3A_29 = tpu.memref_squeeze %dma_start3A_28 : memref<1x1x2x96xi32, #tpu.memory_space<hbm>> -> memref<2x96xi32, #tpu.memory_space<hbm>>
    %dma_start3A_30 = arith.constant 0 : i32
    %dma_start3A_31 = arith.constant 0 : i32
    %dma_start3A_32 = tpu.memref_slice %arg6[%dma_start3A_21, %dma_start3A_30, %dma_start3A_31] : memref<3x2x96xi32, #tpu.memory_space<vmem>> -> memref<1x2x96xi32, #tpu.memory_space<vmem>>
    %dma_start3A_33 = tpu.memref_squeeze %dma_start3A_32 : memref<1x2x96xi32, #tpu.memory_space<vmem>> -> memref<2x96xi32, #tpu.memory_space<vmem>>
    %dma_start3A_34 = arith.constant 0 : i32
    %dma_start3A_35 = arith.constant 0 : i32
    %dma_start3A_36 = tpu.memref_slice %arg3[%add3A, %dma_start3A_20, %dma_start3A_34, %dma_start3A_35] : memref<32x108x2x96xi32, #tpu.memory_space<hbm>> -> memref<1x1x2x96xi32, #tpu.memory_space<hbm>>
    %dma_start3A_37 = tpu.memref_squeeze %dma_start3A_36 : memref<1x1x2x96xi32, #tpu.memory_space<hbm>> -> memref<2x96xi32, #tpu.memory_space<hbm>>
    tpu.enqueue_dma source(%dma_start3A_37 : memref<2x96xi32, #tpu.memory_space<hbm>>) target(%dma_start3A_33 : memref<2x96xi32, #tpu.memory_space<vmem>>) target_semaphore(%arg10 : memref<!tpu.dma_semaphore, #tpu.memory_space<semaphore_mem>>)
    %dma_wait3A = arith.constant 0 : i32
    %dma_wait3A_38 = arith.constant 0 : i32
    %dma_wait3A_39 = arith.constant 0 : i32
    %dma_wait3A_40 = arith.constant 0 : i32
    %dma_wait3A_41 = tpu.memref_slice %arg6[%dma_wait3A_38, %dma_wait3A_39, %dma_wait3A_40] : memref<3x2x96xi32, #tpu.memory_space<vmem>> -> memref<1x2x96xi32, #tpu.memory_space<vmem>>
    %dma_wait3A_42 = tpu.memref_squeeze %dma_wait3A_41 : memref<1x2x96xi32, #tpu.memory_space<vmem>> -> memref<2x96xi32, #tpu.memory_space<vmem>>
    %dma_wait3A_43 = arith.constant 0 : i32
    %dma_wait3A_44 = arith.constant 0 : i32
    %dma_wait3A_45 = tpu.memref_slice %arg3[%add3A, %dma_wait3A, %dma_wait3A_43, %dma_wait3A_44] : memref<32x108x2x96xi32, #tpu.memory_space<hbm>> -> memref<1x1x2x96xi32, #tpu.memory_space<hbm>>
    %dma_wait3A_46 = tpu.memref_squeeze %dma_wait3A_45 : memref<1x1x2x96xi32, #tpu.memory_space<hbm>> -> memref<2x96xi32, #tpu.memory_space<hbm>>
    %dma_wait3A_47 = arith.constant 0 : i32
    %dma_wait3A_48 = arith.constant 0 : i32
    %dma_wait3A_49 = tpu.memref_slice %arg6[%dma_wait3A_38, %dma_wait3A_47, %dma_wait3A_48] : memref<3x2x96xi32, #tpu.memory_space<vmem>> -> memref<1x2x96xi32, #tpu.memory_space<vmem>>
    %dma_wait3A_50 = tpu.memref_squeeze %dma_wait3A_49 : memref<1x2x96xi32, #tpu.memory_space<vmem>> -> memref<2x96xi32, #tpu.memory_space<vmem>>
    %dma_wait3A_51 = arith.constant 0 : i32
    %dma_wait3A_52 = arith.constant 0 : i32
    %dma_wait3A_53 = tpu.memref_slice %arg3[%add3A, %dma_wait3A, %dma_wait3A_51, %dma_wait3A_52] : memref<32x108x2x96xi32, #tpu.memory_space<hbm>> -> memref<1x1x2x96xi32, #tpu.memory_space<hbm>>
    %dma_wait3A_54 = tpu.memref_squeeze %dma_wait3A_53 : memref<1x1x2x96xi32, #tpu.memory_space<hbm>> -> memref<2x96xi32, #tpu.memory_space<hbm>>
    tpu.wait_dma2 semaphore(%arg9 : memref<!tpu.dma_semaphore, #tpu.memory_space<semaphore_mem>>) src(%dma_wait3A_54 : memref<2x96xi32, #tpu.memory_space<hbm>>) dst(%dma_wait3A_50 : memref<2x96xi32, #tpu.memory_space<vmem>>)
    %dma_start3A_55 = arith.constant 0 : i32
    %dma_start3A_56 = arith.constant 0 : i32
    %dma_start3A_57 = arith.constant 0 : i32
    %dma_start3A_58 = arith.constant 0 : i32
    %dma_start3A_59 = arith.constant 0 : i32
    %dma_start3A_60 = tpu.memref_slice %arg7[%dma_start3A_57, %dma_start3A_58, %dma_start3A_59] : memref<2x96x128xf32, #tpu.memory_space<vmem>> -> memref<1x48x128xf32, #tpu.memory_space<vmem>>
    %dma_start3A_61 = tpu.memref_squeeze %dma_start3A_60 : memref<1x48x128xf32, #tpu.memory_space<vmem>> -> memref<48x128xf32, #tpu.memory_space<vmem>>
    %dma_start3A_62 = arith.constant 0 : i32
    %dma_start3A_63 = tpu.memref_slice %arg6[%dma_start3A_55, %dma_start3A_56, %dma_start3A_62] : memref<3x2x96xi32, #tpu.memory_space<vmem>> -> memref<1x1x48xi32, #tpu.memory_space<vmem>>
    %dma_start3A_64 = tpu.memref_squeeze %dma_start3A_63 : memref<1x1x48xi32, #tpu.memory_space<vmem>> -> memref<48xi32, #tpu.memory_space<vmem>>
    %dma_start3A_65 = arith.constant 0 : i32
    %dma_start3A_66 = arith.constant 0 : i32
    %dma_start3A_67 = tpu.memref_slice %arg2[%dma_start3A_65, %dma_start3A_66] : memref<10000x128xf32, #tpu.memory_space<hbm>> -> memref<10000x128xf32, #tpu.memory_space<hbm>>
    tpu.enqueue_indirect_dma source(%dma_start3A_67 : memref<10000x128xf32, #tpu.memory_space<hbm>>) target(%dma_start3A_61 : memref<48x128xf32, #tpu.memory_space<vmem>>) offsets(%dma_start3A_64 : memref<48xi32, #tpu.memory_space<vmem>>) semaphore(%arg12 : memref<!tpu.dma_semaphore, #tpu.memory_space<semaphore_mem>>)
    %dma_start3A_68 = arith.constant 0 : i32
    %dma_start3A_69 = arith.constant 0 : i32
    %dma_start3A_70 = arith.constant 0 : i32
    %dma_start3A_71 = arith.constant 48 : i32
    %dma_start3A_72 = arith.constant 0 : i32
    %dma_start3A_73 = tpu.memref_slice %arg7[%dma_start3A_70, %dma_start3A_71, %dma_start3A_72] : memref<2x96x128xf32, #tpu.memory_space<vmem>> -> memref<1x48x128xf32, #tpu.memory_space<vmem>>
    %dma_start3A_74 = tpu.memref_squeeze %dma_start3A_73 : memref<1x48x128xf32, #tpu.memory_space<vmem>> -> memref<48x128xf32, #tpu.memory_space<vmem>>
    %dma_start3A_75 = arith.constant 48 : i32
    %dma_start3A_76 = tpu.memref_slice %arg6[%dma_start3A_68, %dma_start3A_69, %dma_start3A_75] : memref<3x2x96xi32, #tpu.memory_space<vmem>> -> memref<1x1x48xi32, #tpu.memory_space<vmem>>
    %dma_start3A_77 = tpu.memref_squeeze %dma_start3A_76 : memref<1x1x48xi32, #tpu.memory_space<vmem>> -> memref<48xi32, #tpu.memory_space<vmem>>
    %dma_start3A_78 = arith.constant 0 : i32
    %dma_start3A_79 = arith.constant 0 : i32
    %dma_start3A_80 = tpu.memref_slice %arg2[%dma_start3A_78, %dma_start3A_79] : memref<10000x128xf32, #tpu.memory_space<hbm>> -> memref<10000x128xf32, #tpu.memory_space<hbm>>
    tpu.enqueue_indirect_dma source(%dma_start3A_80 : memref<10000x128xf32, #tpu.memory_space<hbm>>) target(%dma_start3A_74 : memref<48x128xf32, #tpu.memory_space<vmem>>) offsets(%dma_start3A_77 : memref<48xi32, #tpu.memory_space<vmem>>) semaphore(%arg13 : memref<!tpu.dma_semaphore, #tpu.memory_space<semaphore_mem>>)
    %scan3A = arith.constant 0 : i32
    %scan3A_81 = arith.constant 0 : i32
    %scan3A_82 = arith.constant 18 : i32
    %scan3A_83 = arith.addi %scan3A_81, %scan3A_82 : i32
    %scan3A_84 = arith.constant 1 : i32
    scf.for %scan3A_107 = %scan3A_81 to %scan3A_83 step %scan3A_84  : i32 {
      %mul3A_108 = arith.constant 6 : i32
      %mul3A_109 = arith.muli %scan3A_107, %mul3A_108 : i32
      %add3A_110 = arith.constant 0 : i32
      %add3A_111 = arith.addi %mul3A_109, %add3A_110 : i32
      %gt3A = arith.constant 0 : i32
      %gt3A_112 = arith.cmpi sgt, %add3A_111, %gt3A : i32
      %convert_element_type3A = arith.extui %gt3A_112 : i1 to i32
      %cond3A = arith.constant 0 : i32
      %cond3A_113 = arith.cmpi ne, %convert_element_type3A, %cond3A : i32
      scf.if %cond3A_113 {
        %dma_wait3A_508 = arith.constant 1 : i32
        %dma_wait3A_509 = arith.constant 2 : i32
        %dma_wait3A_510 = arith.constant 1 : i32
        %dma_wait3A_511 = arith.constant 0 : i32
        %dma_wait3A_512 = arith.constant 0 : i32
        %dma_wait3A_513 = tpu.memref_slice %arg7[%dma_wait3A_508, %dma_wait3A_511, %dma_wait3A_512] : memref<2x96x128xf32, #tpu.memory_space<vmem>> -> memref<1x96x128xf32, #tpu.memory_space<vmem>>
        %dma_wait3A_514 = tpu.memref_squeeze %dma_wait3A_513 : memref<1x96x128xf32, #tpu.memory_space<vmem>> -> memref<96x128xf32, #tpu.memory_space<vmem>>
        %dma_wait3A_515 = arith.constant 0 : i32
        %dma_wait3A_516 = tpu.memref_slice %arg6[%dma_wait3A_509, %dma_wait3A_510, %dma_wait3A_515] : memref<3x2x96xi32, #tpu.memory_space<vmem>> -> memref<1x1x96xi32, #tpu.memory_space<vmem>>
        %dma_wait3A_517 = tpu.memref_squeeze %dma_wait3A_516 : memref<1x1x96xi32, #tpu.memory_space<vmem>> -> memref<96xi32, #tpu.memory_space<vmem>>
        %dma_wait3A_518 = arith.constant 0 : i32
        %dma_wait3A_519 = arith.constant 0 : i32
        %dma_wait3A_520 = tpu.memref_slice %arg8[%dma_wait3A_518, %dma_wait3A_519] : memref<10112x128xf32, #tpu.memory_space<vmem_shared>> -> memref<10112x128xf32, #tpu.memory_space<vmem_shared>>
        tpu.wait_indirect_dma semaphore(%arg17 : memref<!tpu.dma_semaphore, #tpu.memory_space<semaphore_mem>>) src(%dma_wait3A_514 : memref<96x128xf32, #tpu.memory_space<vmem>>) dst(%dma_wait3A_520 : memref<10112x128xf32, #tpu.memory_space<vmem_shared>>)
      } else {
      }
      %add3A_114 = arith.constant 2 : i32
      %add3A_115 = arith.addi %add3A_111, %add3A_114 : i32
      %lt3A = arith.constant 108 : i32
      %lt3A_116 = arith.cmpi slt, %add3A_115, %lt3A : i32
      %convert_element_type3A_117 = arith.extui %lt3A_116 : i1 to i32
      %cond3A_118 = arith.constant 0 : i32
      %cond3A_119 = arith.cmpi ne, %convert_element_type3A_117, %cond3A_118 : i32
      scf.if %cond3A_119 {
        %add3A_508 = arith.constant 2 : i32
        %add3A_509 = arith.addi %add3A_111, %add3A_508 : i32
        %dma_start3A_510 = arith.constant 2 : i32
        %dma_start3A_511 = arith.constant 0 : i32
        %dma_start3A_512 = arith.constant 0 : i32
        %dma_start3A_513 = tpu.memref_slice %arg6[%dma_start3A_510, %dma_start3A_511, %dma_start3A_512] : memref<3x2x96xi32, #tpu.memory_space<vmem>> -> memref<1x2x96xi32, #tpu.memory_space<vmem>>
        %dma_start3A_514 = tpu.memref_squeeze %dma_start3A_513 : memref<1x2x96xi32, #tpu.memory_space<vmem>> -> memref<2x96xi32, #tpu.memory_space<vmem>>
        %dma_start3A_515 = arith.constant 0 : i32
        %dma_start3A_516 = arith.constant 0 : i32
        %dma_start3A_517 = tpu.memref_slice %arg3[%add3A, %add3A_509, %dma_start3A_515, %dma_start3A_516] : memref<32x108x2x96xi32, #tpu.memory_space<hbm>> -> memref<1x1x2x96xi32, #tpu.memory_space<hbm>>
        %dma_start3A_518 = tpu.memref_squeeze %dma_start3A_517 : memref<1x1x2x96xi32, #tpu.memory_space<hbm>> -> memref<2x96xi32, #tpu.memory_space<hbm>>
        %dma_start3A_519 = arith.constant 0 : i32
        %dma_start3A_520 = arith.constant 0 : i32
        %dma_start3A_521 = tpu.memref_slice %arg6[%dma_start3A_510, %dma_start3A_519, %dma_start3A_520] : memref<3x2x96xi32, #tpu.memory_space<vmem>> -> memref<1x2x96xi32, #tpu.memory_space<vmem>>
        %dma_start3A_522 = tpu.memref_squeeze %dma_start3A_521 : memref<1x2x96xi32, #tpu.memory_space<vmem>> -> memref<2x96xi32, #tpu.memory_space<vmem>>
        %dma_start3A_523 = arith.constant 0 : i32
        %dma_start3A_524 = arith.constant 0 : i32
        %dma_start3A_525 = tpu.memref_slice %arg3[%add3A, %add3A_509, %dma_start3A_523, %dma_start3A_524] : memref<32x108x2x96xi32, #tpu.memory_space<hbm>> -> memref<1x1x2x96xi32, #tpu.memory_space<hbm>>
        %dma_start3A_526 = tpu.memref_squeeze %dma_start3A_525 : memref<1x1x2x96xi32, #tpu.memory_space<hbm>> -> memref<2x96xi32, #tpu.memory_space<hbm>>
        tpu.enqueue_dma source(%dma_start3A_526 : memref<2x96xi32, #tpu.memory_space<hbm>>) target(%dma_start3A_522 : memref<2x96xi32, #tpu.memory_space<vmem>>) target_semaphore(%arg11 : memref<!tpu.dma_semaphore, #tpu.memory_space<semaphore_mem>>)
      } else {
      }
      %add3A_120 = arith.constant 1 : i32
      %add3A_121 = arith.addi %add3A_111, %add3A_120 : i32
      %lt3A_122 = arith.constant 108 : i32
      %lt3A_123 = arith.cmpi slt, %add3A_121, %lt3A_122 : i32
      %convert_element_type3A_124 = arith.extui %lt3A_123 : i1 to i32
      %cond3A_125 = arith.constant 0 : i32
      %cond3A_126 = arith.cmpi ne, %convert_element_type3A_124, %cond3A_125 : i32
      scf.if %cond3A_126 {
        %add3A_508 = arith.constant 1 : i32
        %add3A_509 = arith.addi %add3A_111, %add3A_508 : i32
        %dma_wait3A_510 = arith.constant 1 : i32
        %dma_wait3A_511 = arith.constant 0 : i32
        %dma_wait3A_512 = arith.constant 0 : i32
        %dma_wait3A_513 = tpu.memref_slice %arg6[%dma_wait3A_510, %dma_wait3A_511, %dma_wait3A_512] : memref<3x2x96xi32, #tpu.memory_space<vmem>> -> memref<1x2x96xi32, #tpu.memory_space<vmem>>
        %dma_wait3A_514 = tpu.memref_squeeze %dma_wait3A_513 : memref<1x2x96xi32, #tpu.memory_space<vmem>> -> memref<2x96xi32, #tpu.memory_space<vmem>>
        %dma_wait3A_515 = arith.constant 0 : i32
        %dma_wait3A_516 = arith.constant 0 : i32
        %dma_wait3A_517 = tpu.memref_slice %arg3[%add3A, %add3A_509, %dma_wait3A_515, %dma_wait3A_516] : memref<32x108x2x96xi32, #tpu.memory_space<hbm>> -> memref<1x1x2x96xi32, #tpu.memory_space<hbm>>
        %dma_wait3A_518 = tpu.memref_squeeze %dma_wait3A_517 : memref<1x1x2x96xi32, #tpu.memory_space<hbm>> -> memref<2x96xi32, #tpu.memory_space<hbm>>
        %dma_wait3A_519 = arith.constant 0 : i32
        %dma_wait3A_520 = arith.constant 0 : i32
        %dma_wait3A_521 = tpu.memref_slice %arg6[%dma_wait3A_510, %dma_wait3A_519, %dma_wait3A_520] : memref<3x2x96xi32, #tpu.memory_space<vmem>> -> memref<1x2x96xi32, #tpu.memory_space<vmem>>
        %dma_wait3A_522 = tpu.memref_squeeze %dma_wait3A_521 : memref<1x2x96xi32, #tpu.memory_space<vmem>> -> memref<2x96xi32, #tpu.memory_space<vmem>>
        %dma_wait3A_523 = arith.constant 0 : i32
        %dma_wait3A_524 = arith.constant 0 : i32
        %dma_wait3A_525 = tpu.memref_slice %arg3[%add3A, %add3A_509, %dma_wait3A_523, %dma_wait3A_524] : memref<32x108x2x96xi32, #tpu.memory_space<hbm>> -> memref<1x1x2x96xi32, #tpu.memory_space<hbm>>
        %dma_wait3A_526 = tpu.memref_squeeze %dma_wait3A_525 : memref<1x1x2x96xi32, #tpu.memory_space<hbm>> -> memref<2x96xi32, #tpu.memory_space<hbm>>
        tpu.wait_dma2 semaphore(%arg10 : memref<!tpu.dma_semaphore, #tpu.memory_space<semaphore_mem>>) src(%dma_wait3A_526 : memref<2x96xi32, #tpu.memory_space<hbm>>) dst(%dma_wait3A_522 : memref<2x96xi32, #tpu.memory_space<vmem>>)
      } else {
      }
      %add3A_127 = arith.constant 1 : i32
      %add3A_128 = arith.addi %add3A_111, %add3A_127 : i32
      %lt3A_129 = arith.constant 108 : i32
      %lt3A_130 = arith.cmpi slt, %add3A_128, %lt3A_129 : i32
      %convert_element_type3A_131 = arith.extui %lt3A_130 : i1 to i32
      %cond3A_132 = arith.constant 0 : i32
      %cond3A_133 = arith.cmpi ne, %convert_element_type3A_131, %cond3A_132 : i32
      scf.if %cond3A_133 {
        %dma_start3A_508 = arith.constant 1 : i32
        %dma_start3A_509 = arith.constant 0 : i32
        %dma_start3A_510 = arith.constant 1 : i32
        %dma_start3A_511 = arith.constant 0 : i32
        %dma_start3A_512 = arith.constant 0 : i32
        %dma_start3A_513 = tpu.memref_slice %arg7[%dma_start3A_510, %dma_start3A_511, %dma_start3A_512] : memref<2x96x128xf32, #tpu.memory_space<vmem>> -> memref<1x48x128xf32, #tpu.memory_space<vmem>>
        %dma_start3A_514 = tpu.memref_squeeze %dma_start3A_513 : memref<1x48x128xf32, #tpu.memory_space<vmem>> -> memref<48x128xf32, #tpu.memory_space<vmem>>
        %dma_start3A_515 = arith.constant 0 : i32
        %dma_start3A_516 = tpu.memref_slice %arg6[%dma_start3A_508, %dma_start3A_509, %dma_start3A_515] : memref<3x2x96xi32, #tpu.memory_space<vmem>> -> memref<1x1x48xi32, #tpu.memory_space<vmem>>
        %dma_start3A_517 = tpu.memref_squeeze %dma_start3A_516 : memref<1x1x48xi32, #tpu.memory_space<vmem>> -> memref<48xi32, #tpu.memory_space<vmem>>
        %dma_start3A_518 = arith.constant 0 : i32
        %dma_start3A_519 = arith.constant 0 : i32
        %dma_start3A_520 = tpu.memref_slice %arg2[%dma_start3A_518, %dma_start3A_519] : memref<10000x128xf32, #tpu.memory_space<hbm>> -> memref<10000x128xf32, #tpu.memory_space<hbm>>
        tpu.enqueue_indirect_dma source(%dma_start3A_520 : memref<10000x128xf32, #tpu.memory_space<hbm>>) target(%dma_start3A_514 : memref<48x128xf32, #tpu.memory_space<vmem>>) offsets(%dma_start3A_517 : memref<48xi32, #tpu.memory_space<vmem>>) semaphore(%arg14 : memref<!tpu.dma_semaphore, #tpu.memory_space<semaphore_mem>>)
        %dma_start3A_521 = arith.constant 1 : i32
        %dma_start3A_522 = arith.constant 0 : i32
        %dma_start3A_523 = arith.constant 1 : i32
        %dma_start3A_524 = arith.constant 48 : i32
        %dma_start3A_525 = arith.constant 0 : i32
        %dma_start3A_526 = tpu.memref_slice %arg7[%dma_start3A_523, %dma_start3A_524, %dma_start3A_525] : memref<2x96x128xf32, #tpu.memory_space<vmem>> -> memref<1x48x128xf32, #tpu.memory_space<vmem>>
        %dma_start3A_527 = tpu.memref_squeeze %dma_start3A_526 : memref<1x48x128xf32, #tpu.memory_space<vmem>> -> memref<48x128xf32, #tpu.memory_space<vmem>>
        %dma_start3A_528 = arith.constant 48 : i32
        %dma_start3A_529 = tpu.memref_slice %arg6[%dma_start3A_521, %dma_start3A_522, %dma_start3A_528] : memref<3x2x96xi32, #tpu.memory_space<vmem>> -> memref<1x1x48xi32, #tpu.memory_space<vmem>>
        %dma_start3A_530 = tpu.memref_squeeze %dma_start3A_529 : memref<1x1x48xi32, #tpu.memory_space<vmem>> -> memref<48xi32, #tpu.memory_space<vmem>>
        %dma_start3A_531 = arith.constant 0 : i32
        %dma_start3A_532 = arith.constant 0 : i32
        %dma_start3A_533 = tpu.memref_slice %arg2[%dma_start3A_531, %dma_start3A_532] : memref<10000x128xf32, #tpu.memory_space<hbm>> -> memref<10000x128xf32, #tpu.memory_space<hbm>>
        tpu.enqueue_indirect_dma source(%dma_start3A_533 : memref<10000x128xf32, #tpu.memory_space<hbm>>) target(%dma_start3A_527 : memref<48x128xf32, #tpu.memory_space<vmem>>) offsets(%dma_start3A_530 : memref<48xi32, #tpu.memory_space<vmem>>) semaphore(%arg15 : memref<!tpu.dma_semaphore, #tpu.memory_space<semaphore_mem>>)
      } else {
      }
      %dma_wait3A_134 = arith.constant 0 : i32
      %dma_wait3A_135 = arith.constant 0 : i32
      %dma_wait3A_136 = arith.constant 0 : i32
      %dma_wait3A_137 = arith.constant 0 : i32
      %dma_wait3A_138 = arith.constant 0 : i32
      %dma_wait3A_139 = tpu.memref_slice %arg7[%dma_wait3A_136, %dma_wait3A_137, %dma_wait3A_138] : memref<2x96x128xf32, #tpu.memory_space<vmem>> -> memref<1x48x128xf32, #tpu.memory_space<vmem>>
      %dma_wait3A_140 = tpu.memref_squeeze %dma_wait3A_139 : memref<1x48x128xf32, #tpu.memory_space<vmem>> -> memref<48x128xf32, #tpu.memory_space<vmem>>
      %dma_wait3A_141 = arith.constant 0 : i32
      %dma_wait3A_142 = tpu.memref_slice %arg6[%dma_wait3A_134, %dma_wait3A_135, %dma_wait3A_141] : memref<3x2x96xi32, #tpu.memory_space<vmem>> -> memref<1x1x48xi32, #tpu.memory_space<vmem>>
      %dma_wait3A_143 = tpu.memref_squeeze %dma_wait3A_142 : memref<1x1x48xi32, #tpu.memory_space<vmem>> -> memref<48xi32, #tpu.memory_space<vmem>>
      %dma_wait3A_144 = arith.constant 0 : i32
      %dma_wait3A_145 = arith.constant 0 : i32
      %dma_wait3A_146 = tpu.memref_slice %arg2[%dma_wait3A_144, %dma_wait3A_145] : memref<10000x128xf32, #tpu.memory_space<hbm>> -> memref<10000x128xf32, #tpu.memory_space<hbm>>
      tpu.wait_indirect_dma semaphore(%arg12 : memref<!tpu.dma_semaphore, #tpu.memory_space<semaphore_mem>>) src(%dma_wait3A_146 : memref<10000x128xf32, #tpu.memory_space<hbm>>) dst(%dma_wait3A_140 : memref<48x128xf32, #tpu.memory_space<vmem>>)
      %dma_wait3A_147 = arith.constant 0 : i32
      %dma_wait3A_148 = arith.constant 0 : i32
      %dma_wait3A_149 = arith.constant 0 : i32
      %dma_wait3A_150 = arith.constant 48 : i32
      %dma_wait3A_151 = arith.constant 0 : i32
      %dma_wait3A_152 = tpu.memref_slice %arg7[%dma_wait3A_149, %dma_wait3A_150, %dma_wait3A_151] : memref<2x96x128xf32, #tpu.memory_space<vmem>> -> memref<1x48x128xf32, #tpu.memory_space<vmem>>
      %dma_wait3A_153 = tpu.memref_squeeze %dma_wait3A_152 : memref<1x48x128xf32, #tpu.memory_space<vmem>> -> memref<48x128xf32, #tpu.memory_space<vmem>>
      %dma_wait3A_154 = arith.constant 48 : i32
      %dma_wait3A_155 = tpu.memref_slice %arg6[%dma_wait3A_147, %dma_wait3A_148, %dma_wait3A_154] : memref<3x2x96xi32, #tpu.memory_space<vmem>> -> memref<1x1x48xi32, #tpu.memory_space<vmem>>
      %dma_wait3A_156 = tpu.memref_squeeze %dma_wait3A_155 : memref<1x1x48xi32, #tpu.memory_space<vmem>> -> memref<48xi32, #tpu.memory_space<vmem>>
      %dma_wait3A_157 = arith.constant 0 : i32
      %dma_wait3A_158 = arith.constant 0 : i32
      %dma_wait3A_159 = tpu.memref_slice %arg2[%dma_wait3A_157, %dma_wait3A_158] : memref<10000x128xf32, #tpu.memory_space<hbm>> -> memref<10000x128xf32, #tpu.memory_space<hbm>>
      tpu.wait_indirect_dma semaphore(%arg13 : memref<!tpu.dma_semaphore, #tpu.memory_space<semaphore_mem>>) src(%dma_wait3A_159 : memref<10000x128xf32, #tpu.memory_space<hbm>>) dst(%dma_wait3A_153 : memref<48x128xf32, #tpu.memory_space<vmem>>)
      %dma_start3A_160 = arith.constant 0 : i32
      %dma_start3A_161 = arith.constant 0 : i32
      %dma_start3A_162 = arith.constant 1 : i32
      %dma_start3A_163 = arith.constant 0 : i32
      %dma_start3A_164 = arith.constant 0 : i32
      %dma_start3A_165 = tpu.memref_slice %arg7[%dma_start3A_160, %dma_start3A_163, %dma_start3A_164] : memref<2x96x128xf32, #tpu.memory_space<vmem>> -> memref<1x96x128xf32, #tpu.memory_space<vmem>>
      %dma_start3A_166 = tpu.memref_squeeze %dma_start3A_165 : memref<1x96x128xf32, #tpu.memory_space<vmem>> -> memref<96x128xf32, #tpu.memory_space<vmem>>
      %dma_start3A_167 = arith.constant 0 : i32
      %dma_start3A_168 = tpu.memref_slice %arg6[%dma_start3A_161, %dma_start3A_162, %dma_start3A_167] : memref<3x2x96xi32, #tpu.memory_space<vmem>> -> memref<1x1x96xi32, #tpu.memory_space<vmem>>
      %dma_start3A_169 = tpu.memref_squeeze %dma_start3A_168 : memref<1x1x96xi32, #tpu.memory_space<vmem>> -> memref<96xi32, #tpu.memory_space<vmem>>
      %dma_start3A_170 = arith.constant 0 : i32
      %dma_start3A_171 = arith.constant 0 : i32
      %dma_start3A_172 = tpu.memref_slice %arg8[%dma_start3A_170, %dma_start3A_171] : memref<10112x128xf32, #tpu.memory_space<vmem_shared>> -> memref<10112x128xf32, #tpu.memory_space<vmem_shared>>
      tpu.enqueue_indirect_dma source(%dma_start3A_166 : memref<96x128xf32, #tpu.memory_space<vmem>>) target(%dma_start3A_172 : memref<10112x128xf32, #tpu.memory_space<vmem_shared>>) offsets(%dma_start3A_169 : memref<96xi32, #tpu.memory_space<vmem>>) semaphore(%arg16 : memref<!tpu.dma_semaphore, #tpu.memory_space<semaphore_mem>>) {add = true}
      %add3A_173 = arith.constant 1 : i32
      %add3A_174 = arith.addi %mul3A_109, %add3A_173 : i32
      %gt3A_175 = arith.constant 0 : i32
      %gt3A_176 = arith.cmpi sgt, %add3A_174, %gt3A_175 : i32
      %convert_element_type3A_177 = arith.extui %gt3A_176 : i1 to i32
      %cond3A_178 = arith.constant 0 : i32
      %cond3A_179 = arith.cmpi ne, %convert_element_type3A_177, %cond3A_178 : i32
      scf.if %cond3A_179 {
        %dma_wait3A_508 = arith.constant 0 : i32
        %dma_wait3A_509 = arith.constant 0 : i32
        %dma_wait3A_510 = arith.constant 1 : i32
        %dma_wait3A_511 = arith.constant 0 : i32
        %dma_wait3A_512 = arith.constant 0 : i32
        %dma_wait3A_513 = tpu.memref_slice %arg7[%dma_wait3A_508, %dma_wait3A_511, %dma_wait3A_512] : memref<2x96x128xf32, #tpu.memory_space<vmem>> -> memref<1x96x128xf32, #tpu.memory_space<vmem>>
        %dma_wait3A_514 = tpu.memref_squeeze %dma_wait3A_513 : memref<1x96x128xf32, #tpu.memory_space<vmem>> -> memref<96x128xf32, #tpu.memory_space<vmem>>
        %dma_wait3A_515 = arith.constant 0 : i32
        %dma_wait3A_516 = tpu.memref_slice %arg6[%dma_wait3A_509, %dma_wait3A_510, %dma_wait3A_515] : memref<3x2x96xi32, #tpu.memory_space<vmem>> -> memref<1x1x96xi32, #tpu.memory_space<vmem>>
        %dma_wait3A_517 = tpu.memref_squeeze %dma_wait3A_516 : memref<1x1x96xi32, #tpu.memory_space<vmem>> -> memref<96xi32, #tpu.memory_space<vmem>>
        %dma_wait3A_518 = arith.constant 0 : i32
        %dma_wait3A_519 = arith.constant 0 : i32
        %dma_wait3A_520 = tpu.memref_slice %arg8[%dma_wait3A_518, %dma_wait3A_519] : memref<10112x128xf32, #tpu.memory_space<vmem_shared>> -> memref<10112x128xf32, #tpu.memory_space<vmem_shared>>
        tpu.wait_indirect_dma semaphore(%arg16 : memref<!tpu.dma_semaphore, #tpu.memory_space<semaphore_mem>>) src(%dma_wait3A_514 : memref<96x128xf32, #tpu.memory_space<vmem>>) dst(%dma_wait3A_520 : memref<10112x128xf32, #tpu.memory_space<vmem_shared>>)
      } else {
      }
      %add3A_180 = arith.constant 2 : i32
      %add3A_181 = arith.addi %add3A_174, %add3A_180 : i32
      %lt3A_182 = arith.constant 108 : i32
      %lt3A_183 = arith.cmpi slt, %add3A_181, %lt3A_182 : i32
      %convert_element_type3A_184 = arith.extui %lt3A_183 : i1 to i32
      %cond3A_185 = arith.constant 0 : i32
      %cond3A_186 = arith.cmpi ne, %convert_element_type3A_184, %cond3A_185 : i32
      scf.if %cond3A_186 {
        %add3A_508 = arith.constant 2 : i32
        %add3A_509 = arith.addi %add3A_174, %add3A_508 : i32
        %dma_start3A_510 = arith.constant 0 : i32
        %dma_start3A_511 = arith.constant 0 : i32
        %dma_start3A_512 = arith.constant 0 : i32
        %dma_start3A_513 = tpu.memref_slice %arg6[%dma_start3A_510, %dma_start3A_511, %dma_start3A_512] : memref<3x2x96xi32, #tpu.memory_space<vmem>> -> memref<1x2x96xi32, #tpu.memory_space<vmem>>
        %dma_start3A_514 = tpu.memref_squeeze %dma_start3A_513 : memref<1x2x96xi32, #tpu.memory_space<vmem>> -> memref<2x96xi32, #tpu.memory_space<vmem>>
        %dma_start3A_515 = arith.constant 0 : i32
        %dma_start3A_516 = arith.constant 0 : i32
        %dma_start3A_517 = tpu.memref_slice %arg3[%add3A, %add3A_509, %dma_start3A_515, %dma_start3A_516] : memref<32x108x2x96xi32, #tpu.memory_space<hbm>> -> memref<1x1x2x96xi32, #tpu.memory_space<hbm>>
        %dma_start3A_518 = tpu.memref_squeeze %dma_start3A_517 : memref<1x1x2x96xi32, #tpu.memory_space<hbm>> -> memref<2x96xi32, #tpu.memory_space<hbm>>
        %dma_start3A_519 = arith.constant 0 : i32
        %dma_start3A_520 = arith.constant 0 : i32
        %dma_start3A_521 = tpu.memref_slice %arg6[%dma_start3A_510, %dma_start3A_519, %dma_start3A_520] : memref<3x2x96xi32, #tpu.memory_space<vmem>> -> memref<1x2x96xi32, #tpu.memory_space<vmem>>
        %dma_start3A_522 = tpu.memref_squeeze %dma_start3A_521 : memref<1x2x96xi32, #tpu.memory_space<vmem>> -> memref<2x96xi32, #tpu.memory_space<vmem>>
        %dma_start3A_523 = arith.constant 0 : i32
        %dma_start3A_524 = arith.constant 0 : i32
        %dma_start3A_525 = tpu.memref_slice %arg3[%add3A, %add3A_509, %dma_start3A_523, %dma_start3A_524] : memref<32x108x2x96xi32, #tpu.memory_space<hbm>> -> memref<1x1x2x96xi32, #tpu.memory_space<hbm>>
        %dma_start3A_526 = tpu.memref_squeeze %dma_start3A_525 : memref<1x1x2x96xi32, #tpu.memory_space<hbm>> -> memref<2x96xi32, #tpu.memory_space<hbm>>
        tpu.enqueue_dma source(%dma_start3A_526 : memref<2x96xi32, #tpu.memory_space<hbm>>) target(%dma_start3A_522 : memref<2x96xi32, #tpu.memory_space<vmem>>) target_semaphore(%arg9 : memref<!tpu.dma_semaphore, #tpu.memory_space<semaphore_mem>>)
      } else {
      }
      %add3A_187 = arith.constant 1 : i32
      %add3A_188 = arith.addi %add3A_174, %add3A_187 : i32
      %lt3A_189 = arith.constant 108 : i32
      %lt3A_190 = arith.cmpi slt, %add3A_188, %lt3A_189 : i32
      %convert_element_type3A_191 = arith.extui %lt3A_190 : i1 to i32
      %cond3A_192 = arith.constant 0 : i32
      %cond3A_193 = arith.cmpi ne, %convert_element_type3A_191, %cond3A_192 : i32
      scf.if %cond3A_193 {
        %add3A_508 = arith.constant 1 : i32
        %add3A_509 = arith.addi %add3A_174, %add3A_508 : i32
        %dma_wait3A_510 = arith.constant 2 : i32
        %dma_wait3A_511 = arith.constant 0 : i32
        %dma_wait3A_512 = arith.constant 0 : i32
        %dma_wait3A_513 = tpu.memref_slice %arg6[%dma_wait3A_510, %dma_wait3A_511, %dma_wait3A_512] : memref<3x2x96xi32, #tpu.memory_space<vmem>> -> memref<1x2x96xi32, #tpu.memory_space<vmem>>
        %dma_wait3A_514 = tpu.memref_squeeze %dma_wait3A_513 : memref<1x2x96xi32, #tpu.memory_space<vmem>> -> memref<2x96xi32, #tpu.memory_space<vmem>>
        %dma_wait3A_515 = arith.constant 0 : i32
        %dma_wait3A_516 = arith.constant 0 : i32
        %dma_wait3A_517 = tpu.memref_slice %arg3[%add3A, %add3A_509, %dma_wait3A_515, %dma_wait3A_516] : memref<32x108x2x96xi32, #tpu.memory_space<hbm>> -> memref<1x1x2x96xi32, #tpu.memory_space<hbm>>
        %dma_wait3A_518 = tpu.memref_squeeze %dma_wait3A_517 : memref<1x1x2x96xi32, #tpu.memory_space<hbm>> -> memref<2x96xi32, #tpu.memory_space<hbm>>
        %dma_wait3A_519 = arith.constant 0 : i32
        %dma_wait3A_520 = arith.constant 0 : i32
        %dma_wait3A_521 = tpu.memref_slice %arg6[%dma_wait3A_510, %dma_wait3A_519, %dma_wait3A_520] : memref<3x2x96xi32, #tpu.memory_space<vmem>> -> memref<1x2x96xi32, #tpu.memory_space<vmem>>
        %dma_wait3A_522 = tpu.memref_squeeze %dma_wait3A_521 : memref<1x2x96xi32, #tpu.memory_space<vmem>> -> memref<2x96xi32, #tpu.memory_space<vmem>>
        %dma_wait3A_523 = arith.constant 0 : i32
        %dma_wait3A_524 = arith.constant 0 : i32
        %dma_wait3A_525 = tpu.memref_slice %arg3[%add3A, %add3A_509, %dma_wait3A_523, %dma_wait3A_524] : memref<32x108x2x96xi32, #tpu.memory_space<hbm>> -> memref<1x1x2x96xi32, #tpu.memory_space<hbm>>
        %dma_wait3A_526 = tpu.memref_squeeze %dma_wait3A_525 : memref<1x1x2x96xi32, #tpu.memory_space<hbm>> -> memref<2x96xi32, #tpu.memory_space<hbm>>
        tpu.wait_dma2 semaphore(%arg11 : memref<!tpu.dma_semaphore, #tpu.memory_space<semaphore_mem>>) src(%dma_wait3A_526 : memref<2x96xi32, #tpu.memory_space<hbm>>) dst(%dma_wait3A_522 : memref<2x96xi32, #tpu.memory_space<vmem>>)
      } else {
      }
      %add3A_194 = arith.constant 1 : i32
      %add3A_195 = arith.addi %add3A_174, %add3A_194 : i32
      %lt3A_196 = arith.constant 108 : i32
      %lt3A_197 = arith.cmpi slt, %add3A_195, %lt3A_196 : i32
      %convert_element_type3A_198 = arith.extui %lt3A_197 : i1 to i32
      %cond3A_199 = arith.constant 0 : i32
      %cond3A_200 = arith.cmpi ne, %convert_element_type3A_198, %cond3A_199 : i32
      scf.if %cond3A_200 {
        %dma_start3A_508 = arith.constant 2 : i32
        %dma_start3A_509 = arith.constant 0 : i32
        %dma_start3A_510 = arith.constant 0 : i32
        %dma_start3A_511 = arith.constant 0 : i32
        %dma_start3A_512 = arith.constant 0 : i32
        %dma_start3A_513 = tpu.memref_slice %arg7[%dma_start3A_510, %dma_start3A_511, %dma_start3A_512] : memref<2x96x128xf32, #tpu.memory_space<vmem>> -> memref<1x48x128xf32, #tpu.memory_space<vmem>>
        %dma_start3A_514 = tpu.memref_squeeze %dma_start3A_513 : memref<1x48x128xf32, #tpu.memory_space<vmem>> -> memref<48x128xf32, #tpu.memory_space<vmem>>
        %dma_start3A_515 = arith.constant 0 : i32
        %dma_start3A_516 = tpu.memref_slice %arg6[%dma_start3A_508, %dma_start3A_509, %dma_start3A_515] : memref<3x2x96xi32, #tpu.memory_space<vmem>> -> memref<1x1x48xi32, #tpu.memory_space<vmem>>
        %dma_start3A_517 = tpu.memref_squeeze %dma_start3A_516 : memref<1x1x48xi32, #tpu.memory_space<vmem>> -> memref<48xi32, #tpu.memory_space<vmem>>
        %dma_start3A_518 = arith.constant 0 : i32
        %dma_start3A_519 = arith.constant 0 : i32
        %dma_start3A_520 = tpu.memref_slice %arg2[%dma_start3A_518, %dma_start3A_519] : memref<10000x128xf32, #tpu.memory_space<hbm>> -> memref<10000x128xf32, #tpu.memory_space<hbm>>
        tpu.enqueue_indirect_dma source(%dma_start3A_520 : memref<10000x128xf32, #tpu.memory_space<hbm>>) target(%dma_start3A_514 : memref<48x128xf32, #tpu.memory_space<vmem>>) offsets(%dma_start3A_517 : memref<48xi32, #tpu.memory_space<vmem>>) semaphore(%arg12 : memref<!tpu.dma_semaphore, #tpu.memory_space<semaphore_mem>>)
        %dma_start3A_521 = arith.constant 2 : i32
        %dma_start3A_522 = arith.constant 0 : i32
        %dma_start3A_523 = arith.constant 0 : i32
        %dma_start3A_524 = arith.constant 48 : i32
        %dma_start3A_525 = arith.constant 0 : i32
        %dma_start3A_526 = tpu.memref_slice %arg7[%dma_start3A_523, %dma_start3A_524, %dma_start3A_525] : memref<2x96x128xf32, #tpu.memory_space<vmem>> -> memref<1x48x128xf32, #tpu.memory_space<vmem>>
        %dma_start3A_527 = tpu.memref_squeeze %dma_start3A_526 : memref<1x48x128xf32, #tpu.memory_space<vmem>> -> memref<48x128xf32, #tpu.memory_space<vmem>>
        %dma_start3A_528 = arith.constant 48 : i32
        %dma_start3A_529 = tpu.memref_slice %arg6[%dma_start3A_521, %dma_start3A_522, %dma_start3A_528] : memref<3x2x96xi32, #tpu.memory_space<vmem>> -> memref<1x1x48xi32, #tpu.memory_space<vmem>>
        %dma_start3A_530 = tpu.memref_squeeze %dma_start3A_529 : memref<1x1x48xi32, #tpu.memory_space<vmem>> -> memref<48xi32, #tpu.memory_space<vmem>>
        %dma_start3A_531 = arith.constant 0 : i32
        %dma_start3A_532 = arith.constant 0 : i32
        %dma_start3A_533 = tpu.memref_slice %arg2[%dma_start3A_531, %dma_start3A_532] : memref<10000x128xf32, #tpu.memory_space<hbm>> -> memref<10000x128xf32, #tpu.memory_space<hbm>>
        tpu.enqueue_indirect_dma source(%dma_start3A_533 : memref<10000x128xf32, #tpu.memory_space<hbm>>) target(%dma_start3A_527 : memref<48x128xf32, #tpu.memory_space<vmem>>) offsets(%dma_start3A_530 : memref<48xi32, #tpu.memory_space<vmem>>) semaphore(%arg13 : memref<!tpu.dma_semaphore, #tpu.memory_space<semaphore_mem>>)
      } else {
      }
      %dma_wait3A_201 = arith.constant 1 : i32
      %dma_wait3A_202 = arith.constant 0 : i32
      %dma_wait3A_203 = arith.constant 1 : i32
      %dma_wait3A_204 = arith.constant 0 : i32
      %dma_wait3A_205 = arith.constant 0 : i32
      %dma_wait3A_206 = tpu.memref_slice %arg7[%dma_wait3A_203, %dma_wait3A_204, %dma_wait3A_205] : memref<2x96x128xf32, #tpu.memory_space<vmem>> -> memref<1x48x128xf32, #tpu.memory_space<vmem>>
      %dma_wait3A_207 = tpu.memref_squeeze %dma_wait3A_206 : memref<1x48x128xf32, #tpu.memory_space<vmem>> -> memref<48x128xf32, #tpu.memory_space<vmem>>
      %dma_wait3A_208 = arith.constant 0 : i32
      %dma_wait3A_209 = tpu.memref_slice %arg6[%dma_wait3A_201, %dma_wait3A_202, %dma_wait3A_208] : memref<3x2x96xi32, #tpu.memory_space<vmem>> -> memref<1x1x48xi32, #tpu.memory_space<vmem>>
      %dma_wait3A_210 = tpu.memref_squeeze %dma_wait3A_209 : memref<1x1x48xi32, #tpu.memory_space<vmem>> -> memref<48xi32, #tpu.memory_space<vmem>>
      %dma_wait3A_211 = arith.constant 0 : i32
      %dma_wait3A_212 = arith.constant 0 : i32
      %dma_wait3A_213 = tpu.memref_slice %arg2[%dma_wait3A_211, %dma_wait3A_212] : memref<10000x128xf32, #tpu.memory_space<hbm>> -> memref<10000x128xf32, #tpu.memory_space<hbm>>
      tpu.wait_indirect_dma semaphore(%arg14 : memref<!tpu.dma_semaphore, #tpu.memory_space<semaphore_mem>>) src(%dma_wait3A_213 : memref<10000x128xf32, #tpu.memory_space<hbm>>) dst(%dma_wait3A_207 : memref<48x128xf32, #tpu.memory_space<vmem>>)
      %dma_wait3A_214 = arith.constant 1 : i32
      %dma_wait3A_215 = arith.constant 0 : i32
      %dma_wait3A_216 = arith.constant 1 : i32
      %dma_wait3A_217 = arith.constant 48 : i32
      %dma_wait3A_218 = arith.constant 0 : i32
      %dma_wait3A_219 = tpu.memref_slice %arg7[%dma_wait3A_216, %dma_wait3A_217, %dma_wait3A_218] : memref<2x96x128xf32, #tpu.memory_space<vmem>> -> memref<1x48x128xf32, #tpu.memory_space<vmem>>
      %dma_wait3A_220 = tpu.memref_squeeze %dma_wait3A_219 : memref<1x48x128xf32, #tpu.memory_space<vmem>> -> memref<48x128xf32, #tpu.memory_space<vmem>>
      %dma_wait3A_221 = arith.constant 48 : i32
      %dma_wait3A_222 = tpu.memref_slice %arg6[%dma_wait3A_214, %dma_wait3A_215, %dma_wait3A_221] : memref<3x2x96xi32, #tpu.memory_space<vmem>> -> memref<1x1x48xi32, #tpu.memory_space<vmem>>
      %dma_wait3A_223 = tpu.memref_squeeze %dma_wait3A_222 : memref<1x1x48xi32, #tpu.memory_space<vmem>> -> memref<48xi32, #tpu.memory_space<vmem>>
      %dma_wait3A_224 = arith.constant 0 : i32
      %dma_wait3A_225 = arith.constant 0 : i32
      %dma_wait3A_226 = tpu.memref_slice %arg2[%dma_wait3A_224, %dma_wait3A_225] : memref<10000x128xf32, #tpu.memory_space<hbm>> -> memref<10000x128xf32, #tpu.memory_space<hbm>>
      tpu.wait_indirect_dma semaphore(%arg15 : memref<!tpu.dma_semaphore, #tpu.memory_space<semaphore_mem>>) src(%dma_wait3A_226 : memref<10000x128xf32, #tpu.memory_space<hbm>>) dst(%dma_wait3A_220 : memref<48x128xf32, #tpu.memory_space<vmem>>)
      %dma_start3A_227 = arith.constant 1 : i32
      %dma_start3A_228 = arith.constant 1 : i32
      %dma_start3A_229 = arith.constant 1 : i32
      %dma_start3A_230 = arith.constant 0 : i32
      %dma_start3A_231 = arith.constant 0 : i32
      %dma_start3A_232 = tpu.memref_slice %arg7[%dma_start3A_227, %dma_start3A_230, %dma_start3A_231] : memref<2x96x128xf32, #tpu.memory_space<vmem>> -> memref<1x96x128xf32, #tpu.memory_space<vmem>>
      %dma_start3A_233 = tpu.memref_squeeze %dma_start3A_232 : memref<1x96x128xf32, #tpu.memory_space<vmem>> -> memref<96x128xf32, #tpu.memory_space<vmem>>
      %dma_start3A_234 = arith.constant 0 : i32
      %dma_start3A_235 = tpu.memref_slice %arg6[%dma_start3A_228, %dma_start3A_229, %dma_start3A_234] : memref<3x2x96xi32, #tpu.memory_space<vmem>> -> memref<1x1x96xi32, #tpu.memory_space<vmem>>
      %dma_start3A_236 = tpu.memref_squeeze %dma_start3A_235 : memref<1x1x96xi32, #tpu.memory_space<vmem>> -> memref<96xi32, #tpu.memory_space<vmem>>
      %dma_start3A_237 = arith.constant 0 : i32
      %dma_start3A_238 = arith.constant 0 : i32
      %dma_start3A_239 = tpu.memref_slice %arg8[%dma_start3A_237, %dma_start3A_238] : memref<10112x128xf32, #tpu.memory_space<vmem_shared>> -> memref<10112x128xf32, #tpu.memory_space<vmem_shared>>
      tpu.enqueue_indirect_dma source(%dma_start3A_233 : memref<96x128xf32, #tpu.memory_space<vmem>>) target(%dma_start3A_239 : memref<10112x128xf32, #tpu.memory_space<vmem_shared>>) offsets(%dma_start3A_236 : memref<96xi32, #tpu.memory_space<vmem>>) semaphore(%arg17 : memref<!tpu.dma_semaphore, #tpu.memory_space<semaphore_mem>>) {add = true}
      %add3A_240 = arith.constant 2 : i32
      %add3A_241 = arith.addi %mul3A_109, %add3A_240 : i32
      %gt3A_242 = arith.constant 0 : i32
      %gt3A_243 = arith.cmpi sgt, %add3A_241, %gt3A_242 : i32
      %convert_element_type3A_244 = arith.extui %gt3A_243 : i1 to i32
      %cond3A_245 = arith.constant 0 : i32
      %cond3A_246 = arith.cmpi ne, %convert_element_type3A_244, %cond3A_245 : i32
      scf.if %cond3A_246 {
        %dma_wait3A_508 = arith.constant 1 : i32
        %dma_wait3A_509 = arith.constant 1 : i32
        %dma_wait3A_510 = arith.constant 1 : i32
        %dma_wait3A_511 = arith.constant 0 : i32
        %dma_wait3A_512 = arith.constant 0 : i32
        %dma_wait3A_513 = tpu.memref_slice %arg7[%dma_wait3A_508, %dma_wait3A_511, %dma_wait3A_512] : memref<2x96x128xf32, #tpu.memory_space<vmem>> -> memref<1x96x128xf32, #tpu.memory_space<vmem>>
        %dma_wait3A_514 = tpu.memref_squeeze %dma_wait3A_513 : memref<1x96x128xf32, #tpu.memory_space<vmem>> -> memref<96x128xf32, #tpu.memory_space<vmem>>
        %dma_wait3A_515 = arith.constant 0 : i32
        %dma_wait3A_516 = tpu.memref_slice %arg6[%dma_wait3A_509, %dma_wait3A_510, %dma_wait3A_515] : memref<3x2x96xi32, #tpu.memory_space<vmem>> -> memref<1x1x96xi32, #tpu.memory_space<vmem>>
        %dma_wait3A_517 = tpu.memref_squeeze %dma_wait3A_516 : memref<1x1x96xi32, #tpu.memory_space<vmem>> -> memref<96xi32, #tpu.memory_space<vmem>>
        %dma_wait3A_518 = arith.constant 0 : i32
        %dma_wait3A_519 = arith.constant 0 : i32
        %dma_wait3A_520 = tpu.memref_slice %arg8[%dma_wait3A_518, %dma_wait3A_519] : memref<10112x128xf32, #tpu.memory_space<vmem_shared>> -> memref<10112x128xf32, #tpu.memory_space<vmem_shared>>
        tpu.wait_indirect_dma semaphore(%arg17 : memref<!tpu.dma_semaphore, #tpu.memory_space<semaphore_mem>>) src(%dma_wait3A_514 : memref<96x128xf32, #tpu.memory_space<vmem>>) dst(%dma_wait3A_520 : memref<10112x128xf32, #tpu.memory_space<vmem_shared>>)
      } else {
      }
      %add3A_247 = arith.constant 2 : i32
      %add3A_248 = arith.addi %add3A_241, %add3A_247 : i32
      %lt3A_249 = arith.constant 108 : i32
      %lt3A_250 = arith.cmpi slt, %add3A_248, %lt3A_249 : i32
      %convert_element_type3A_251 = arith.extui %lt3A_250 : i1 to i32
      %cond3A_252 = arith.constant 0 : i32
      %cond3A_253 = arith.cmpi ne, %convert_element_type3A_251, %cond3A_252 : i32
      scf.if %cond3A_253 {
        %add3A_508 = arith.constant 2 : i32
        %add3A_509 = arith.addi %add3A_241, %add3A_508 : i32
        %dma_start3A_510 = arith.constant 1 : i32
        %dma_start3A_511 = arith.constant 0 : i32
        %dma_start3A_512 = arith.constant 0 : i32
        %dma_start3A_513 = tpu.memref_slice %arg6[%dma_start3A_510, %dma_start3A_511, %dma_start3A_512] : memref<3x2x96xi32, #tpu.memory_space<vmem>> -> memref<1x2x96xi32, #tpu.memory_space<vmem>>
        %dma_start3A_514 = tpu.memref_squeeze %dma_start3A_513 : memref<1x2x96xi32, #tpu.memory_space<vmem>> -> memref<2x96xi32, #tpu.memory_space<vmem>>
        %dma_start3A_515 = arith.constant 0 : i32
        %dma_start3A_516 = arith.constant 0 : i32
        %dma_start3A_517 = tpu.memref_slice %arg3[%add3A, %add3A_509, %dma_start3A_515, %dma_start3A_516] : memref<32x108x2x96xi32, #tpu.memory_space<hbm>> -> memref<1x1x2x96xi32, #tpu.memory_space<hbm>>
        %dma_start3A_518 = tpu.memref_squeeze %dma_start3A_517 : memref<1x1x2x96xi32, #tpu.memory_space<hbm>> -> memref<2x96xi32, #tpu.memory_space<hbm>>
        %dma_start3A_519 = arith.constant 0 : i32
        %dma_start3A_520 = arith.constant 0 : i32
        %dma_start3A_521 = tpu.memref_slice %arg6[%dma_start3A_510, %dma_start3A_519, %dma_start3A_520] : memref<3x2x96xi32, #tpu.memory_space<vmem>> -> memref<1x2x96xi32, #tpu.memory_space<vmem>>
        %dma_start3A_522 = tpu.memref_squeeze %dma_start3A_521 : memref<1x2x96xi32, #tpu.memory_space<vmem>> -> memref<2x96xi32, #tpu.memory_space<vmem>>
        %dma_start3A_523 = arith.constant 0 : i32
        %dma_start3A_524 = arith.constant 0 : i32
        %dma_start3A_525 = tpu.memref_slice %arg3[%add3A, %add3A_509, %dma_start3A_523, %dma_start3A_524] : memref<32x108x2x96xi32, #tpu.memory_space<hbm>> -> memref<1x1x2x96xi32, #tpu.memory_space<hbm>>
        %dma_start3A_526 = tpu.memref_squeeze %dma_start3A_525 : memref<1x1x2x96xi32, #tpu.memory_space<hbm>> -> memref<2x96xi32, #tpu.memory_space<hbm>>
        tpu.enqueue_dma source(%dma_start3A_526 : memref<2x96xi32, #tpu.memory_space<hbm>>) target(%dma_start3A_522 : memref<2x96xi32, #tpu.memory_space<vmem>>) target_semaphore(%arg10 : memref<!tpu.dma_semaphore, #tpu.memory_space<semaphore_mem>>)
      } else {
      }
      %add3A_254 = arith.constant 1 : i32
      %add3A_255 = arith.addi %add3A_241, %add3A_254 : i32
      %lt3A_256 = arith.constant 108 : i32
      %lt3A_257 = arith.cmpi slt, %add3A_255, %lt3A_256 : i32
      %convert_element_type3A_258 = arith.extui %lt3A_257 : i1 to i32
      %cond3A_259 = arith.constant 0 : i32
      %cond3A_260 = arith.cmpi ne, %convert_element_type3A_258, %cond3A_259 : i32
      scf.if %cond3A_260 {
        %add3A_508 = arith.constant 1 : i32
        %add3A_509 = arith.addi %add3A_241, %add3A_508 : i32
        %dma_wait3A_510 = arith.constant 0 : i32
        %dma_wait3A_511 = arith.constant 0 : i32
        %dma_wait3A_512 = arith.constant 0 : i32
        %dma_wait3A_513 = tpu.memref_slice %arg6[%dma_wait3A_510, %dma_wait3A_511, %dma_wait3A_512] : memref<3x2x96xi32, #tpu.memory_space<vmem>> -> memref<1x2x96xi32, #tpu.memory_space<vmem>>
        %dma_wait3A_514 = tpu.memref_squeeze %dma_wait3A_513 : memref<1x2x96xi32, #tpu.memory_space<vmem>> -> memref<2x96xi32, #tpu.memory_space<vmem>>
        %dma_wait3A_515 = arith.constant 0 : i32
        %dma_wait3A_516 = arith.constant 0 : i32
        %dma_wait3A_517 = tpu.memref_slice %arg3[%add3A, %add3A_509, %dma_wait3A_515, %dma_wait3A_516] : memref<32x108x2x96xi32, #tpu.memory_space<hbm>> -> memref<1x1x2x96xi32, #tpu.memory_space<hbm>>
        %dma_wait3A_518 = tpu.memref_squeeze %dma_wait3A_517 : memref<1x1x2x96xi32, #tpu.memory_space<hbm>> -> memref<2x96xi32, #tpu.memory_space<hbm>>
        %dma_wait3A_519 = arith.constant 0 : i32
        %dma_wait3A_520 = arith.constant 0 : i32
        %dma_wait3A_521 = tpu.memref_slice %arg6[%dma_wait3A_510, %dma_wait3A_519, %dma_wait3A_520] : memref<3x2x96xi32, #tpu.memory_space<vmem>> -> memref<1x2x96xi32, #tpu.memory_space<vmem>>
        %dma_wait3A_522 = tpu.memref_squeeze %dma_wait3A_521 : memref<1x2x96xi32, #tpu.memory_space<vmem>> -> memref<2x96xi32, #tpu.memory_space<vmem>>
        %dma_wait3A_523 = arith.constant 0 : i32
        %dma_wait3A_524 = arith.constant 0 : i32
        %dma_wait3A_525 = tpu.memref_slice %arg3[%add3A, %add3A_509, %dma_wait3A_523, %dma_wait3A_524] : memref<32x108x2x96xi32, #tpu.memory_space<hbm>> -> memref<1x1x2x96xi32, #tpu.memory_space<hbm>>
        %dma_wait3A_526 = tpu.memref_squeeze %dma_wait3A_525 : memref<1x1x2x96xi32, #tpu.memory_space<hbm>> -> memref<2x96xi32, #tpu.memory_space<hbm>>
        tpu.wait_dma2 semaphore(%arg9 : memref<!tpu.dma_semaphore, #tpu.memory_space<semaphore_mem>>) src(%dma_wait3A_526 : memref<2x96xi32, #tpu.memory_space<hbm>>) dst(%dma_wait3A_522 : memref<2x96xi32, #tpu.memory_space<vmem>>)
      } else {
      }
      %add3A_261 = arith.constant 1 : i32
      %add3A_262 = arith.addi %add3A_241, %add3A_261 : i32
      %lt3A_263 = arith.constant 108 : i32
      %lt3A_264 = arith.cmpi slt, %add3A_262, %lt3A_263 : i32
      %convert_element_type3A_265 = arith.extui %lt3A_264 : i1 to i32
      %cond3A_266 = arith.constant 0 : i32
      %cond3A_267 = arith.cmpi ne, %convert_element_type3A_265, %cond3A_266 : i32
      scf.if %cond3A_267 {
        %dma_start3A_508 = arith.constant 0 : i32
        %dma_start3A_509 = arith.constant 0 : i32
        %dma_start3A_510 = arith.constant 1 : i32
        %dma_start3A_511 = arith.constant 0 : i32
        %dma_start3A_512 = arith.constant 0 : i32
        %dma_start3A_513 = tpu.memref_slice %arg7[%dma_start3A_510, %dma_start3A_511, %dma_start3A_512] : memref<2x96x128xf32, #tpu.memory_space<vmem>> -> memref<1x48x128xf32, #tpu.memory_space<vmem>>
        %dma_start3A_514 = tpu.memref_squeeze %dma_start3A_513 : memref<1x48x128xf32, #tpu.memory_space<vmem>> -> memref<48x128xf32, #tpu.memory_space<vmem>>
        %dma_start3A_515 = arith.constant 0 : i32
        %dma_start3A_516 = tpu.memref_slice %arg6[%dma_start3A_508, %dma_start3A_509, %dma_start3A_515] : memref<3x2x96xi32, #tpu.memory_space<vmem>> -> memref<1x1x48xi32, #tpu.memory_space<vmem>>
        %dma_start3A_517 = tpu.memref_squeeze %dma_start3A_516 : memref<1x1x48xi32, #tpu.memory_space<vmem>> -> memref<48xi32, #tpu.memory_space<vmem>>
        %dma_start3A_518 = arith.constant 0 : i32
        %dma_start3A_519 = arith.constant 0 : i32
        %dma_start3A_520 = tpu.memref_slice %arg2[%dma_start3A_518, %dma_start3A_519] : memref<10000x128xf32, #tpu.memory_space<hbm>> -> memref<10000x128xf32, #tpu.memory_space<hbm>>
        tpu.enqueue_indirect_dma source(%dma_start3A_520 : memref<10000x128xf32, #tpu.memory_space<hbm>>) target(%dma_start3A_514 : memref<48x128xf32, #tpu.memory_space<vmem>>) offsets(%dma_start3A_517 : memref<48xi32, #tpu.memory_space<vmem>>) semaphore(%arg14 : memref<!tpu.dma_semaphore, #tpu.memory_space<semaphore_mem>>)
        %dma_start3A_521 = arith.constant 0 : i32
        %dma_start3A_522 = arith.constant 0 : i32
        %dma_start3A_523 = arith.constant 1 : i32
        %dma_start3A_524 = arith.constant 48 : i32
        %dma_start3A_525 = arith.constant 0 : i32
        %dma_start3A_526 = tpu.memref_slice %arg7[%dma_start3A_523, %dma_start3A_524, %dma_start3A_525] : memref<2x96x128xf32, #tpu.memory_space<vmem>> -> memref<1x48x128xf32, #tpu.memory_space<vmem>>
        %dma_start3A_527 = tpu.memref_squeeze %dma_start3A_526 : memref<1x48x128xf32, #tpu.memory_space<vmem>> -> memref<48x128xf32, #tpu.memory_space<vmem>>
        %dma_start3A_528 = arith.constant 48 : i32
        %dma_start3A_529 = tpu.memref_slice %arg6[%dma_start3A_521, %dma_start3A_522, %dma_start3A_528] : memref<3x2x96xi32, #tpu.memory_space<vmem>> -> memref<1x1x48xi32, #tpu.memory_space<vmem>>
        %dma_start3A_530 = tpu.memref_squeeze %dma_start3A_529 : memref<1x1x48xi32, #tpu.memory_space<vmem>> -> memref<48xi32, #tpu.memory_space<vmem>>
        %dma_start3A_531 = arith.constant 0 : i32
        %dma_start3A_532 = arith.constant 0 : i32
        %dma_start3A_533 = tpu.memref_slice %arg2[%dma_start3A_531, %dma_start3A_532] : memref<10000x128xf32, #tpu.memory_space<hbm>> -> memref<10000x128xf32, #tpu.memory_space<hbm>>
        tpu.enqueue_indirect_dma source(%dma_start3A_533 : memref<10000x128xf32, #tpu.memory_space<hbm>>) target(%dma_start3A_527 : memref<48x128xf32, #tpu.memory_space<vmem>>) offsets(%dma_start3A_530 : memref<48xi32, #tpu.memory_space<vmem>>) semaphore(%arg15 : memref<!tpu.dma_semaphore, #tpu.memory_space<semaphore_mem>>)
      } else {
      }
      %dma_wait3A_268 = arith.constant 2 : i32
      %dma_wait3A_269 = arith.constant 0 : i32
      %dma_wait3A_270 = arith.constant 0 : i32
      %dma_wait3A_271 = arith.constant 0 : i32
      %dma_wait3A_272 = arith.constant 0 : i32
      %dma_wait3A_273 = tpu.memref_slice %arg7[%dma_wait3A_270, %dma_wait3A_271, %dma_wait3A_272] : memref<2x96x128xf32, #tpu.memory_space<vmem>> -> memref<1x48x128xf32, #tpu.memory_space<vmem>>
      %dma_wait3A_274 = tpu.memref_squeeze %dma_wait3A_273 : memref<1x48x128xf32, #tpu.memory_space<vmem>> -> memref<48x128xf32, #tpu.memory_space<vmem>>
      %dma_wait3A_275 = arith.constant 0 : i32
      %dma_wait3A_276 = tpu.memref_slice %arg6[%dma_wait3A_268, %dma_wait3A_269, %dma_wait3A_275] : memref<3x2x96xi32, #tpu.memory_space<vmem>> -> memref<1x1x48xi32, #tpu.memory_space<vmem>>
      %dma_wait3A_277 = tpu.memref_squeeze %dma_wait3A_276 : memref<1x1x48xi32, #tpu.memory_space<vmem>> -> memref<48xi32, #tpu.memory_space<vmem>>
      %dma_wait3A_278 = arith.constant 0 : i32
      %dma_wait3A_279 = arith.constant 0 : i32
      %dma_wait3A_280 = tpu.memref_slice %arg2[%dma_wait3A_278, %dma_wait3A_279] : memref<10000x128xf32, #tpu.memory_space<hbm>> -> memref<10000x128xf32, #tpu.memory_space<hbm>>
      tpu.wait_indirect_dma semaphore(%arg12 : memref<!tpu.dma_semaphore, #tpu.memory_space<semaphore_mem>>) src(%dma_wait3A_280 : memref<10000x128xf32, #tpu.memory_space<hbm>>) dst(%dma_wait3A_274 : memref<48x128xf32, #tpu.memory_space<vmem>>)
      %dma_wait3A_281 = arith.constant 2 : i32
      %dma_wait3A_282 = arith.constant 0 : i32
      %dma_wait3A_283 = arith.constant 0 : i32
      %dma_wait3A_284 = arith.constant 48 : i32
      %dma_wait3A_285 = arith.constant 0 : i32
      %dma_wait3A_286 = tpu.memref_slice %arg7[%dma_wait3A_283, %dma_wait3A_284, %dma_wait3A_285] : memref<2x96x128xf32, #tpu.memory_space<vmem>> -> memref<1x48x128xf32, #tpu.memory_space<vmem>>
      %dma_wait3A_287 = tpu.memref_squeeze %dma_wait3A_286 : memref<1x48x128xf32, #tpu.memory_space<vmem>> -> memref<48x128xf32, #tpu.memory_space<vmem>>
      %dma_wait3A_288 = arith.constant 48 : i32
      %dma_wait3A_289 = tpu.memref_slice %arg6[%dma_wait3A_281, %dma_wait3A_282, %dma_wait3A_288] : memref<3x2x96xi32, #tpu.memory_space<vmem>> -> memref<1x1x48xi32, #tpu.memory_space<vmem>>
      %dma_wait3A_290 = tpu.memref_squeeze %dma_wait3A_289 : memref<1x1x48xi32, #tpu.memory_space<vmem>> -> memref<48xi32, #tpu.memory_space<vmem>>
      %dma_wait3A_291 = arith.constant 0 : i32
      %dma_wait3A_292 = arith.constant 0 : i32
      %dma_wait3A_293 = tpu.memref_slice %arg2[%dma_wait3A_291, %dma_wait3A_292] : memref<10000x128xf32, #tpu.memory_space<hbm>> -> memref<10000x128xf32, #tpu.memory_space<hbm>>
      tpu.wait_indirect_dma semaphore(%arg13 : memref<!tpu.dma_semaphore, #tpu.memory_space<semaphore_mem>>) src(%dma_wait3A_293 : memref<10000x128xf32, #tpu.memory_space<hbm>>) dst(%dma_wait3A_287 : memref<48x128xf32, #tpu.memory_space<vmem>>)
      %dma_start3A_294 = arith.constant 0 : i32
      %dma_start3A_295 = arith.constant 2 : i32
      %dma_start3A_296 = arith.constant 1 : i32
      %dma_start3A_297 = arith.constant 0 : i32
      %dma_start3A_298 = arith.constant 0 : i32
      %dma_start3A_299 = tpu.memref_slice %arg7[%dma_start3A_294, %dma_start3A_297, %dma_start3A_298] : memref<2x96x128xf32, #tpu.memory_space<vmem>> -> memref<1x96x128xf32, #tpu.memory_space<vmem>>
      %dma_start3A_300 = tpu.memref_squeeze %dma_start3A_299 : memref<1x96x128xf32, #tpu.memory_space<vmem>> -> memref<96x128xf32, #tpu.memory_space<vmem>>
      %dma_start3A_301 = arith.constant 0 : i32
      %dma_start3A_302 = tpu.memref_slice %arg6[%dma_start3A_295, %dma_start3A_296, %dma_start3A_301] : memref<3x2x96xi32, #tpu.memory_space<vmem>> -> memref<1x1x96xi32, #tpu.memory_space<vmem>>
      %dma_start3A_303 = tpu.memref_squeeze %dma_start3A_302 : memref<1x1x96xi32, #tpu.memory_space<vmem>> -> memref<96xi32, #tpu.memory_space<vmem>>
      %dma_start3A_304 = arith.constant 0 : i32
      %dma_start3A_305 = arith.constant 0 : i32
      %dma_start3A_306 = tpu.memref_slice %arg8[%dma_start3A_304, %dma_start3A_305] : memref<10112x128xf32, #tpu.memory_space<vmem_shared>> -> memref<10112x128xf32, #tpu.memory_space<vmem_shared>>
      tpu.enqueue_indirect_dma source(%dma_start3A_300 : memref<96x128xf32, #tpu.memory_space<vmem>>) target(%dma_start3A_306 : memref<10112x128xf32, #tpu.memory_space<vmem_shared>>) offsets(%dma_start3A_303 : memref<96xi32, #tpu.memory_space<vmem>>) semaphore(%arg16 : memref<!tpu.dma_semaphore, #tpu.memory_space<semaphore_mem>>) {add = true}
      %add3A_307 = arith.constant 3 : i32
      %add3A_308 = arith.addi %mul3A_109, %add3A_307 : i32
      %gt3A_309 = arith.constant 0 : i32
      %gt3A_310 = arith.cmpi sgt, %add3A_308, %gt3A_309 : i32
      %convert_element_type3A_311 = arith.extui %gt3A_310 : i1 to i32
      %cond3A_312 = arith.constant 0 : i32
      %cond3A_313 = arith.cmpi ne, %convert_element_type3A_311, %cond3A_312 : i32
      scf.if %cond3A_313 {
        %dma_wait3A_508 = arith.constant 0 : i32
        %dma_wait3A_509 = arith.constant 2 : i32
        %dma_wait3A_510 = arith.constant 1 : i32
        %dma_wait3A_511 = arith.constant 0 : i32
        %dma_wait3A_512 = arith.constant 0 : i32
        %dma_wait3A_513 = tpu.memref_slice %arg7[%dma_wait3A_508, %dma_wait3A_511, %dma_wait3A_512] : memref<2x96x128xf32, #tpu.memory_space<vmem>> -> memref<1x96x128xf32, #tpu.memory_space<vmem>>
        %dma_wait3A_514 = tpu.memref_squeeze %dma_wait3A_513 : memref<1x96x128xf32, #tpu.memory_space<vmem>> -> memref<96x128xf32, #tpu.memory_space<vmem>>
        %dma_wait3A_515 = arith.constant 0 : i32
        %dma_wait3A_516 = tpu.memref_slice %arg6[%dma_wait3A_509, %dma_wait3A_510, %dma_wait3A_515] : memref<3x2x96xi32, #tpu.memory_space<vmem>> -> memref<1x1x96xi32, #tpu.memory_space<vmem>>
        %dma_wait3A_517 = tpu.memref_squeeze %dma_wait3A_516 : memref<1x1x96xi32, #tpu.memory_space<vmem>> -> memref<96xi32, #tpu.memory_space<vmem>>
        %dma_wait3A_518 = arith.constant 0 : i32
        %dma_wait3A_519 = arith.constant 0 : i32
        %dma_wait3A_520 = tpu.memref_slice %arg8[%dma_wait3A_518, %dma_wait3A_519] : memref<10112x128xf32, #tpu.memory_space<vmem_shared>> -> memref<10112x128xf32, #tpu.memory_space<vmem_shared>>
        tpu.wait_indirect_dma semaphore(%arg16 : memref<!tpu.dma_semaphore, #tpu.memory_space<semaphore_mem>>) src(%dma_wait3A_514 : memref<96x128xf32, #tpu.memory_space<vmem>>) dst(%dma_wait3A_520 : memref<10112x128xf32, #tpu.memory_space<vmem_shared>>)
      } else {
      }
      %add3A_314 = arith.constant 2 : i32
      %add3A_315 = arith.addi %add3A_308, %add3A_314 : i32
      %lt3A_316 = arith.constant 108 : i32
      %lt3A_317 = arith.cmpi slt, %add3A_315, %lt3A_316 : i32
      %convert_element_type3A_318 = arith.extui %lt3A_317 : i1 to i32
      %cond3A_319 = arith.constant 0 : i32
      %cond3A_320 = arith.cmpi ne, %convert_element_type3A_318, %cond3A_319 : i32
      scf.if %cond3A_320 {
        %add3A_508 = arith.constant 2 : i32
        %add3A_509 = arith.addi %add3A_308, %add3A_508 : i32
        %dma_start3A_510 = arith.constant 2 : i32
        %dma_start3A_511 = arith.constant 0 : i32
        %dma_start3A_512 = arith.constant 0 : i32
        %dma_start3A_513 = tpu.memref_slice %arg6[%dma_start3A_510, %dma_start3A_511, %dma_start3A_512] : memref<3x2x96xi32, #tpu.memory_space<vmem>> -> memref<1x2x96xi32, #tpu.memory_space<vmem>>
        %dma_start3A_514 = tpu.memref_squeeze %dma_start3A_513 : memref<1x2x96xi32, #tpu.memory_space<vmem>> -> memref<2x96xi32, #tpu.memory_space<vmem>>
        %dma_start3A_515 = arith.constant 0 : i32
        %dma_start3A_516 = arith.constant 0 : i32
        %dma_start3A_517 = tpu.memref_slice %arg3[%add3A, %add3A_509, %dma_start3A_515, %dma_start3A_516] : memref<32x108x2x96xi32, #tpu.memory_space<hbm>> -> memref<1x1x2x96xi32, #tpu.memory_space<hbm>>
        %dma_start3A_518 = tpu.memref_squeeze %dma_start3A_517 : memref<1x1x2x96xi32, #tpu.memory_space<hbm>> -> memref<2x96xi32, #tpu.memory_space<hbm>>
        %dma_start3A_519 = arith.constant 0 : i32
        %dma_start3A_520 = arith.constant 0 : i32
        %dma_start3A_521 = tpu.memref_slice %arg6[%dma_start3A_510, %dma_start3A_519, %dma_start3A_520] : memref<3x2x96xi32, #tpu.memory_space<vmem>> -> memref<1x2x96xi32, #tpu.memory_space<vmem>>
        %dma_start3A_522 = tpu.memref_squeeze %dma_start3A_521 : memref<1x2x96xi32, #tpu.memory_space<vmem>> -> memref<2x96xi32, #tpu.memory_space<vmem>>
        %dma_start3A_523 = arith.constant 0 : i32
        %dma_start3A_524 = arith.constant 0 : i32
        %dma_start3A_525 = tpu.memref_slice %arg3[%add3A, %add3A_509, %dma_start3A_523, %dma_start3A_524] : memref<32x108x2x96xi32, #tpu.memory_space<hbm>> -> memref<1x1x2x96xi32, #tpu.memory_space<hbm>>
        %dma_start3A_526 = tpu.memref_squeeze %dma_start3A_525 : memref<1x1x2x96xi32, #tpu.memory_space<hbm>> -> memref<2x96xi32, #tpu.memory_space<hbm>>
        tpu.enqueue_dma source(%dma_start3A_526 : memref<2x96xi32, #tpu.memory_space<hbm>>) target(%dma_start3A_522 : memref<2x96xi32, #tpu.memory_space<vmem>>) target_semaphore(%arg11 : memref<!tpu.dma_semaphore, #tpu.memory_space<semaphore_mem>>)
      } else {
      }
      %add3A_321 = arith.constant 1 : i32
      %add3A_322 = arith.addi %add3A_308, %add3A_321 : i32
      %lt3A_323 = arith.constant 108 : i32
      %lt3A_324 = arith.cmpi slt, %add3A_322, %lt3A_323 : i32
      %convert_element_type3A_325 = arith.extui %lt3A_324 : i1 to i32
      %cond3A_326 = arith.constant 0 : i32
      %cond3A_327 = arith.cmpi ne, %convert_element_type3A_325, %cond3A_326 : i32
      scf.if %cond3A_327 {
        %add3A_508 = arith.constant 1 : i32
        %add3A_509 = arith.addi %add3A_308, %add3A_508 : i32
        %dma_wait3A_510 = arith.constant 1 : i32
        %dma_wait3A_511 = arith.constant 0 : i32
        %dma_wait3A_512 = arith.constant 0 : i32
        %dma_wait3A_513 = tpu.memref_slice %arg6[%dma_wait3A_510, %dma_wait3A_511, %dma_wait3A_512] : memref<3x2x96xi32, #tpu.memory_space<vmem>> -> memref<1x2x96xi32, #tpu.memory_space<vmem>>
        %dma_wait3A_514 = tpu.memref_squeeze %dma_wait3A_513 : memref<1x2x96xi32, #tpu.memory_space<vmem>> -> memref<2x96xi32, #tpu.memory_space<vmem>>
        %dma_wait3A_515 = arith.constant 0 : i32
        %dma_wait3A_516 = arith.constant 0 : i32
        %dma_wait3A_517 = tpu.memref_slice %arg3[%add3A, %add3A_509, %dma_wait3A_515, %dma_wait3A_516] : memref<32x108x2x96xi32, #tpu.memory_space<hbm>> -> memref<1x1x2x96xi32, #tpu.memory_space<hbm>>
        %dma_wait3A_518 = tpu.memref_squeeze %dma_wait3A_517 : memref<1x1x2x96xi32, #tpu.memory_space<hbm>> -> memref<2x96xi32, #tpu.memory_space<hbm>>
        %dma_wait3A_519 = arith.constant 0 : i32
        %dma_wait3A_520 = arith.constant 0 : i32
        %dma_wait3A_521 = tpu.memref_slice %arg6[%dma_wait3A_510, %dma_wait3A_519, %dma_wait3A_520] : memref<3x2x96xi32, #tpu.memory_space<vmem>> -> memref<1x2x96xi32, #tpu.memory_space<vmem>>
        %dma_wait3A_522 = tpu.memref_squeeze %dma_wait3A_521 : memref<1x2x96xi32, #tpu.memory_space<vmem>> -> memref<2x96xi32, #tpu.memory_space<vmem>>
        %dma_wait3A_523 = arith.constant 0 : i32
        %dma_wait3A_524 = arith.constant 0 : i32
        %dma_wait3A_525 = tpu.memref_slice %arg3[%add3A, %add3A_509, %dma_wait3A_523, %dma_wait3A_524] : memref<32x108x2x96xi32, #tpu.memory_space<hbm>> -> memref<1x1x2x96xi32, #tpu.memory_space<hbm>>
        %dma_wait3A_526 = tpu.memref_squeeze %dma_wait3A_525 : memref<1x1x2x96xi32, #tpu.memory_space<hbm>> -> memref<2x96xi32, #tpu.memory_space<hbm>>
        tpu.wait_dma2 semaphore(%arg10 : memref<!tpu.dma_semaphore, #tpu.memory_space<semaphore_mem>>) src(%dma_wait3A_526 : memref<2x96xi32, #tpu.memory_space<hbm>>) dst(%dma_wait3A_522 : memref<2x96xi32, #tpu.memory_space<vmem>>)
      } else {
      }
      %add3A_328 = arith.constant 1 : i32
      %add3A_329 = arith.addi %add3A_308, %add3A_328 : i32
      %lt3A_330 = arith.constant 108 : i32
      %lt3A_331 = arith.cmpi slt, %add3A_329, %lt3A_330 : i32
      %convert_element_type3A_332 = arith.extui %lt3A_331 : i1 to i32
      %cond3A_333 = arith.constant 0 : i32
      %cond3A_334 = arith.cmpi ne, %convert_element_type3A_332, %cond3A_333 : i32
      scf.if %cond3A_334 {
        %dma_start3A_508 = arith.constant 1 : i32
        %dma_start3A_509 = arith.constant 0 : i32
        %dma_start3A_510 = arith.constant 0 : i32
        %dma_start3A_511 = arith.constant 0 : i32
        %dma_start3A_512 = arith.constant 0 : i32
        %dma_start3A_513 = tpu.memref_slice %arg7[%dma_start3A_510, %dma_start3A_511, %dma_start3A_512] : memref<2x96x128xf32, #tpu.memory_space<vmem>> -> memref<1x48x128xf32, #tpu.memory_space<vmem>>
        %dma_start3A_514 = tpu.memref_squeeze %dma_start3A_513 : memref<1x48x128xf32, #tpu.memory_space<vmem>> -> memref<48x128xf32, #tpu.memory_space<vmem>>
        %dma_start3A_515 = arith.constant 0 : i32
        %dma_start3A_516 = tpu.memref_slice %arg6[%dma_start3A_508, %dma_start3A_509, %dma_start3A_515] : memref<3x2x96xi32, #tpu.memory_space<vmem>> -> memref<1x1x48xi32, #tpu.memory_space<vmem>>
        %dma_start3A_517 = tpu.memref_squeeze %dma_start3A_516 : memref<1x1x48xi32, #tpu.memory_space<vmem>> -> memref<48xi32, #tpu.memory_space<vmem>>
        %dma_start3A_518 = arith.constant 0 : i32
        %dma_start3A_519 = arith.constant 0 : i32
        %dma_start3A_520 = tpu.memref_slice %arg2[%dma_start3A_518, %dma_start3A_519] : memref<10000x128xf32, #tpu.memory_space<hbm>> -> memref<10000x128xf32, #tpu.memory_space<hbm>>
        tpu.enqueue_indirect_dma source(%dma_start3A_520 : memref<10000x128xf32, #tpu.memory_space<hbm>>) target(%dma_start3A_514 : memref<48x128xf32, #tpu.memory_space<vmem>>) offsets(%dma_start3A_517 : memref<48xi32, #tpu.memory_space<vmem>>) semaphore(%arg12 : memref<!tpu.dma_semaphore, #tpu.memory_space<semaphore_mem>>)
        %dma_start3A_521 = arith.constant 1 : i32
        %dma_start3A_522 = arith.constant 0 : i32
        %dma_start3A_523 = arith.constant 0 : i32
        %dma_start3A_524 = arith.constant 48 : i32
        %dma_start3A_525 = arith.constant 0 : i32
        %dma_start3A_526 = tpu.memref_slice %arg7[%dma_start3A_523, %dma_start3A_524, %dma_start3A_525] : memref<2x96x128xf32, #tpu.memory_space<vmem>> -> memref<1x48x128xf32, #tpu.memory_space<vmem>>
        %dma_start3A_527 = tpu.memref_squeeze %dma_start3A_526 : memref<1x48x128xf32, #tpu.memory_space<vmem>> -> memref<48x128xf32, #tpu.memory_space<vmem>>
        %dma_start3A_528 = arith.constant 48 : i32
        %dma_start3A_529 = tpu.memref_slice %arg6[%dma_start3A_521, %dma_start3A_522, %dma_start3A_528] : memref<3x2x96xi32, #tpu.memory_space<vmem>> -> memref<1x1x48xi32, #tpu.memory_space<vmem>>
        %dma_start3A_530 = tpu.memref_squeeze %dma_start3A_529 : memref<1x1x48xi32, #tpu.memory_space<vmem>> -> memref<48xi32, #tpu.memory_space<vmem>>
        %dma_start3A_531 = arith.constant 0 : i32
        %dma_start3A_532 = arith.constant 0 : i32
        %dma_start3A_533 = tpu.memref_slice %arg2[%dma_start3A_531, %dma_start3A_532] : memref<10000x128xf32, #tpu.memory_space<hbm>> -> memref<10000x128xf32, #tpu.memory_space<hbm>>
        tpu.enqueue_indirect_dma source(%dma_start3A_533 : memref<10000x128xf32, #tpu.memory_space<hbm>>) target(%dma_start3A_527 : memref<48x128xf32, #tpu.memory_space<vmem>>) offsets(%dma_start3A_530 : memref<48xi32, #tpu.memory_space<vmem>>) semaphore(%arg13 : memref<!tpu.dma_semaphore, #tpu.memory_space<semaphore_mem>>)
      } else {
      }
      %dma_wait3A_335 = arith.constant 0 : i32
      %dma_wait3A_336 = arith.constant 0 : i32
      %dma_wait3A_337 = arith.constant 1 : i32
      %dma_wait3A_338 = arith.constant 0 : i32
      %dma_wait3A_339 = arith.constant 0 : i32
      %dma_wait3A_340 = tpu.memref_slice %arg7[%dma_wait3A_337, %dma_wait3A_338, %dma_wait3A_339] : memref<2x96x128xf32, #tpu.memory_space<vmem>> -> memref<1x48x128xf32, #tpu.memory_space<vmem>>
      %dma_wait3A_341 = tpu.memref_squeeze %dma_wait3A_340 : memref<1x48x128xf32, #tpu.memory_space<vmem>> -> memref<48x128xf32, #tpu.memory_space<vmem>>
      %dma_wait3A_342 = arith.constant 0 : i32
      %dma_wait3A_343 = tpu.memref_slice %arg6[%dma_wait3A_335, %dma_wait3A_336, %dma_wait3A_342] : memref<3x2x96xi32, #tpu.memory_space<vmem>> -> memref<1x1x48xi32, #tpu.memory_space<vmem>>
      %dma_wait3A_344 = tpu.memref_squeeze %dma_wait3A_343 : memref<1x1x48xi32, #tpu.memory_space<vmem>> -> memref<48xi32, #tpu.memory_space<vmem>>
      %dma_wait3A_345 = arith.constant 0 : i32
      %dma_wait3A_346 = arith.constant 0 : i32
      %dma_wait3A_347 = tpu.memref_slice %arg2[%dma_wait3A_345, %dma_wait3A_346] : memref<10000x128xf32, #tpu.memory_space<hbm>> -> memref<10000x128xf32, #tpu.memory_space<hbm>>
      tpu.wait_indirect_dma semaphore(%arg14 : memref<!tpu.dma_semaphore, #tpu.memory_space<semaphore_mem>>) src(%dma_wait3A_347 : memref<10000x128xf32, #tpu.memory_space<hbm>>) dst(%dma_wait3A_341 : memref<48x128xf32, #tpu.memory_space<vmem>>)
      %dma_wait3A_348 = arith.constant 0 : i32
      %dma_wait3A_349 = arith.constant 0 : i32
      %dma_wait3A_350 = arith.constant 1 : i32
      %dma_wait3A_351 = arith.constant 48 : i32
      %dma_wait3A_352 = arith.constant 0 : i32
      %dma_wait3A_353 = tpu.memref_slice %arg7[%dma_wait3A_350, %dma_wait3A_351, %dma_wait3A_352] : memref<2x96x128xf32, #tpu.memory_space<vmem>> -> memref<1x48x128xf32, #tpu.memory_space<vmem>>
      %dma_wait3A_354 = tpu.memref_squeeze %dma_wait3A_353 : memref<1x48x128xf32, #tpu.memory_space<vmem>> -> memref<48x128xf32, #tpu.memory_space<vmem>>
      %dma_wait3A_355 = arith.constant 48 : i32
      %dma_wait3A_356 = tpu.memref_slice %arg6[%dma_wait3A_348, %dma_wait3A_349, %dma_wait3A_355] : memref<3x2x96xi32, #tpu.memory_space<vmem>> -> memref<1x1x48xi32, #tpu.memory_space<vmem>>
      %dma_wait3A_357 = tpu.memref_squeeze %dma_wait3A_356 : memref<1x1x48xi32, #tpu.memory_space<vmem>> -> memref<48xi32, #tpu.memory_space<vmem>>
      %dma_wait3A_358 = arith.constant 0 : i32
      %dma_wait3A_359 = arith.constant 0 : i32
      %dma_wait3A_360 = tpu.memref_slice %arg2[%dma_wait3A_358, %dma_wait3A_359] : memref<10000x128xf32, #tpu.memory_space<hbm>> -> memref<10000x128xf32, #tpu.memory_space<hbm>>
      tpu.wait_indirect_dma semaphore(%arg15 : memref<!tpu.dma_semaphore, #tpu.memory_space<semaphore_mem>>) src(%dma_wait3A_360 : memref<10000x128xf32, #tpu.memory_space<hbm>>) dst(%dma_wait3A_354 : memref<48x128xf32, #tpu.memory_space<vmem>>)
      %dma_start3A_361 = arith.constant 1 : i32
      %dma_start3A_362 = arith.constant 0 : i32
      %dma_start3A_363 = arith.constant 1 : i32
      %dma_start3A_364 = arith.constant 0 : i32
      %dma_start3A_365 = arith.constant 0 : i32
      %dma_start3A_366 = tpu.memref_slice %arg7[%dma_start3A_361, %dma_start3A_364, %dma_start3A_365] : memref<2x96x128xf32, #tpu.memory_space<vmem>> -> memref<1x96x128xf32, #tpu.memory_space<vmem>>
      %dma_start3A_367 = tpu.memref_squeeze %dma_start3A_366 : memref<1x96x128xf32, #tpu.memory_space<vmem>> -> memref<96x128xf32, #tpu.memory_space<vmem>>
      %dma_start3A_368 = arith.constant 0 : i32
      %dma_start3A_369 = tpu.memref_slice %arg6[%dma_start3A_362, %dma_start3A_363, %dma_start3A_368] : memref<3x2x96xi32, #tpu.memory_space<vmem>> -> memref<1x1x96xi32, #tpu.memory_space<vmem>>
      %dma_start3A_370 = tpu.memref_squeeze %dma_start3A_369 : memref<1x1x96xi32, #tpu.memory_space<vmem>> -> memref<96xi32, #tpu.memory_space<vmem>>
      %dma_start3A_371 = arith.constant 0 : i32
      %dma_start3A_372 = arith.constant 0 : i32
      %dma_start3A_373 = tpu.memref_slice %arg8[%dma_start3A_371, %dma_start3A_372] : memref<10112x128xf32, #tpu.memory_space<vmem_shared>> -> memref<10112x128xf32, #tpu.memory_space<vmem_shared>>
      tpu.enqueue_indirect_dma source(%dma_start3A_367 : memref<96x128xf32, #tpu.memory_space<vmem>>) target(%dma_start3A_373 : memref<10112x128xf32, #tpu.memory_space<vmem_shared>>) offsets(%dma_start3A_370 : memref<96xi32, #tpu.memory_space<vmem>>) semaphore(%arg17 : memref<!tpu.dma_semaphore, #tpu.memory_space<semaphore_mem>>) {add = true}
      %add3A_374 = arith.constant 4 : i32
      %add3A_375 = arith.addi %mul3A_109, %add3A_374 : i32
      %gt3A_376 = arith.constant 0 : i32
      %gt3A_377 = arith.cmpi sgt, %add3A_375, %gt3A_376 : i32
      %convert_element_type3A_378 = arith.extui %gt3A_377 : i1 to i32
      %cond3A_379 = arith.constant 0 : i32
      %cond3A_380 = arith.cmpi ne, %convert_element_type3A_378, %cond3A_379 : i32
      scf.if %cond3A_380 {
        %dma_wait3A_508 = arith.constant 1 : i32
        %dma_wait3A_509 = arith.constant 0 : i32
        %dma_wait3A_510 = arith.constant 1 : i32
        %dma_wait3A_511 = arith.constant 0 : i32
        %dma_wait3A_512 = arith.constant 0 : i32
        %dma_wait3A_513 = tpu.memref_slice %arg7[%dma_wait3A_508, %dma_wait3A_511, %dma_wait3A_512] : memref<2x96x128xf32, #tpu.memory_space<vmem>> -> memref<1x96x128xf32, #tpu.memory_space<vmem>>
        %dma_wait3A_514 = tpu.memref_squeeze %dma_wait3A_513 : memref<1x96x128xf32, #tpu.memory_space<vmem>> -> memref<96x128xf32, #tpu.memory_space<vmem>>
        %dma_wait3A_515 = arith.constant 0 : i32
        %dma_wait3A_516 = tpu.memref_slice %arg6[%dma_wait3A_509, %dma_wait3A_510, %dma_wait3A_515] : memref<3x2x96xi32, #tpu.memory_space<vmem>> -> memref<1x1x96xi32, #tpu.memory_space<vmem>>
        %dma_wait3A_517 = tpu.memref_squeeze %dma_wait3A_516 : memref<1x1x96xi32, #tpu.memory_space<vmem>> -> memref<96xi32, #tpu.memory_space<vmem>>
        %dma_wait3A_518 = arith.constant 0 : i32
        %dma_wait3A_519 = arith.constant 0 : i32
        %dma_wait3A_520 = tpu.memref_slice %arg8[%dma_wait3A_518, %dma_wait3A_519] : memref<10112x128xf32, #tpu.memory_space<vmem_shared>> -> memref<10112x128xf32, #tpu.memory_space<vmem_shared>>
        tpu.wait_indirect_dma semaphore(%arg17 : memref<!tpu.dma_semaphore, #tpu.memory_space<semaphore_mem>>) src(%dma_wait3A_514 : memref<96x128xf32, #tpu.memory_space<vmem>>) dst(%dma_wait3A_520 : memref<10112x128xf32, #tpu.memory_space<vmem_shared>>)
      } else {
      }
      %add3A_381 = arith.constant 2 : i32
      %add3A_382 = arith.addi %add3A_375, %add3A_381 : i32
      %lt3A_383 = arith.constant 108 : i32
      %lt3A_384 = arith.cmpi slt, %add3A_382, %lt3A_383 : i32
      %convert_element_type3A_385 = arith.extui %lt3A_384 : i1 to i32
      %cond3A_386 = arith.constant 0 : i32
      %cond3A_387 = arith.cmpi ne, %convert_element_type3A_385, %cond3A_386 : i32
      scf.if %cond3A_387 {
        %add3A_508 = arith.constant 2 : i32
        %add3A_509 = arith.addi %add3A_375, %add3A_508 : i32
        %dma_start3A_510 = arith.constant 0 : i32
        %dma_start3A_511 = arith.constant 0 : i32
        %dma_start3A_512 = arith.constant 0 : i32
        %dma_start3A_513 = tpu.memref_slice %arg6[%dma_start3A_510, %dma_start3A_511, %dma_start3A_512] : memref<3x2x96xi32, #tpu.memory_space<vmem>> -> memref<1x2x96xi32, #tpu.memory_space<vmem>>
        %dma_start3A_514 = tpu.memref_squeeze %dma_start3A_513 : memref<1x2x96xi32, #tpu.memory_space<vmem>> -> memref<2x96xi32, #tpu.memory_space<vmem>>
        %dma_start3A_515 = arith.constant 0 : i32
        %dma_start3A_516 = arith.constant 0 : i32
        %dma_start3A_517 = tpu.memref_slice %arg3[%add3A, %add3A_509, %dma_start3A_515, %dma_start3A_516] : memref<32x108x2x96xi32, #tpu.memory_space<hbm>> -> memref<1x1x2x96xi32, #tpu.memory_space<hbm>>
        %dma_start3A_518 = tpu.memref_squeeze %dma_start3A_517 : memref<1x1x2x96xi32, #tpu.memory_space<hbm>> -> memref<2x96xi32, #tpu.memory_space<hbm>>
        %dma_start3A_519 = arith.constant 0 : i32
        %dma_start3A_520 = arith.constant 0 : i32
        %dma_start3A_521 = tpu.memref_slice %arg6[%dma_start3A_510, %dma_start3A_519, %dma_start3A_520] : memref<3x2x96xi32, #tpu.memory_space<vmem>> -> memref<1x2x96xi32, #tpu.memory_space<vmem>>
        %dma_start3A_522 = tpu.memref_squeeze %dma_start3A_521 : memref<1x2x96xi32, #tpu.memory_space<vmem>> -> memref<2x96xi32, #tpu.memory_space<vmem>>
        %dma_start3A_523 = arith.constant 0 : i32
        %dma_start3A_524 = arith.constant 0 : i32
        %dma_start3A_525 = tpu.memref_slice %arg3[%add3A, %add3A_509, %dma_start3A_523, %dma_start3A_524] : memref<32x108x2x96xi32, #tpu.memory_space<hbm>> -> memref<1x1x2x96xi32, #tpu.memory_space<hbm>>
        %dma_start3A_526 = tpu.memref_squeeze %dma_start3A_525 : memref<1x1x2x96xi32, #tpu.memory_space<hbm>> -> memref<2x96xi32, #tpu.memory_space<hbm>>
        tpu.enqueue_dma source(%dma_start3A_526 : memref<2x96xi32, #tpu.memory_space<hbm>>) target(%dma_start3A_522 : memref<2x96xi32, #tpu.memory_space<vmem>>) target_semaphore(%arg9 : memref<!tpu.dma_semaphore, #tpu.memory_space<semaphore_mem>>)
      } else {
      }
      %add3A_388 = arith.constant 1 : i32
      %add3A_389 = arith.addi %add3A_375, %add3A_388 : i32
      %lt3A_390 = arith.constant 108 : i32
      %lt3A_391 = arith.cmpi slt, %add3A_389, %lt3A_390 : i32
      %convert_element_type3A_392 = arith.extui %lt3A_391 : i1 to i32
      %cond3A_393 = arith.constant 0 : i32
      %cond3A_394 = arith.cmpi ne, %convert_element_type3A_392, %cond3A_393 : i32
      scf.if %cond3A_394 {
        %add3A_508 = arith.constant 1 : i32
        %add3A_509 = arith.addi %add3A_375, %add3A_508 : i32
        %dma_wait3A_510 = arith.constant 2 : i32
        %dma_wait3A_511 = arith.constant 0 : i32
        %dma_wait3A_512 = arith.constant 0 : i32
        %dma_wait3A_513 = tpu.memref_slice %arg6[%dma_wait3A_510, %dma_wait3A_511, %dma_wait3A_512] : memref<3x2x96xi32, #tpu.memory_space<vmem>> -> memref<1x2x96xi32, #tpu.memory_space<vmem>>
        %dma_wait3A_514 = tpu.memref_squeeze %dma_wait3A_513 : memref<1x2x96xi32, #tpu.memory_space<vmem>> -> memref<2x96xi32, #tpu.memory_space<vmem>>
        %dma_wait3A_515 = arith.constant 0 : i32
        %dma_wait3A_516 = arith.constant 0 : i32
        %dma_wait3A_517 = tpu.memref_slice %arg3[%add3A, %add3A_509, %dma_wait3A_515, %dma_wait3A_516] : memref<32x108x2x96xi32, #tpu.memory_space<hbm>> -> memref<1x1x2x96xi32, #tpu.memory_space<hbm>>
        %dma_wait3A_518 = tpu.memref_squeeze %dma_wait3A_517 : memref<1x1x2x96xi32, #tpu.memory_space<hbm>> -> memref<2x96xi32, #tpu.memory_space<hbm>>
        %dma_wait3A_519 = arith.constant 0 : i32
        %dma_wait3A_520 = arith.constant 0 : i32
        %dma_wait3A_521 = tpu.memref_slice %arg6[%dma_wait3A_510, %dma_wait3A_519, %dma_wait3A_520] : memref<3x2x96xi32, #tpu.memory_space<vmem>> -> memref<1x2x96xi32, #tpu.memory_space<vmem>>
        %dma_wait3A_522 = tpu.memref_squeeze %dma_wait3A_521 : memref<1x2x96xi32, #tpu.memory_space<vmem>> -> memref<2x96xi32, #tpu.memory_space<vmem>>
        %dma_wait3A_523 = arith.constant 0 : i32
        %dma_wait3A_524 = arith.constant 0 : i32
        %dma_wait3A_525 = tpu.memref_slice %arg3[%add3A, %add3A_509, %dma_wait3A_523, %dma_wait3A_524] : memref<32x108x2x96xi32, #tpu.memory_space<hbm>> -> memref<1x1x2x96xi32, #tpu.memory_space<hbm>>
        %dma_wait3A_526 = tpu.memref_squeeze %dma_wait3A_525 : memref<1x1x2x96xi32, #tpu.memory_space<hbm>> -> memref<2x96xi32, #tpu.memory_space<hbm>>
        tpu.wait_dma2 semaphore(%arg11 : memref<!tpu.dma_semaphore, #tpu.memory_space<semaphore_mem>>) src(%dma_wait3A_526 : memref<2x96xi32, #tpu.memory_space<hbm>>) dst(%dma_wait3A_522 : memref<2x96xi32, #tpu.memory_space<vmem>>)
      } else {
      }
      %add3A_395 = arith.constant 1 : i32
      %add3A_396 = arith.addi %add3A_375, %add3A_395 : i32
      %lt3A_397 = arith.constant 108 : i32
      %lt3A_398 = arith.cmpi slt, %add3A_396, %lt3A_397 : i32
      %convert_element_type3A_399 = arith.extui %lt3A_398 : i1 to i32
      %cond3A_400 = arith.constant 0 : i32
      %cond3A_401 = arith.cmpi ne, %convert_element_type3A_399, %cond3A_400 : i32
      scf.if %cond3A_401 {
        %dma_start3A_508 = arith.constant 2 : i32
        %dma_start3A_509 = arith.constant 0 : i32
        %dma_start3A_510 = arith.constant 1 : i32
        %dma_start3A_511 = arith.constant 0 : i32
        %dma_start3A_512 = arith.constant 0 : i32
        %dma_start3A_513 = tpu.memref_slice %arg7[%dma_start3A_510, %dma_start3A_511, %dma_start3A_512] : memref<2x96x128xf32, #tpu.memory_space<vmem>> -> memref<1x48x128xf32, #tpu.memory_space<vmem>>
        %dma_start3A_514 = tpu.memref_squeeze %dma_start3A_513 : memref<1x48x128xf32, #tpu.memory_space<vmem>> -> memref<48x128xf32, #tpu.memory_space<vmem>>
        %dma_start3A_515 = arith.constant 0 : i32
        %dma_start3A_516 = tpu.memref_slice %arg6[%dma_start3A_508, %dma_start3A_509, %dma_start3A_515] : memref<3x2x96xi32, #tpu.memory_space<vmem>> -> memref<1x1x48xi32, #tpu.memory_space<vmem>>
        %dma_start3A_517 = tpu.memref_squeeze %dma_start3A_516 : memref<1x1x48xi32, #tpu.memory_space<vmem>> -> memref<48xi32, #tpu.memory_space<vmem>>
        %dma_start3A_518 = arith.constant 0 : i32
        %dma_start3A_519 = arith.constant 0 : i32
        %dma_start3A_520 = tpu.memref_slice %arg2[%dma_start3A_518, %dma_start3A_519] : memref<10000x128xf32, #tpu.memory_space<hbm>> -> memref<10000x128xf32, #tpu.memory_space<hbm>>
        tpu.enqueue_indirect_dma source(%dma_start3A_520 : memref<10000x128xf32, #tpu.memory_space<hbm>>) target(%dma_start3A_514 : memref<48x128xf32, #tpu.memory_space<vmem>>) offsets(%dma_start3A_517 : memref<48xi32, #tpu.memory_space<vmem>>) semaphore(%arg14 : memref<!tpu.dma_semaphore, #tpu.memory_space<semaphore_mem>>)
        %dma_start3A_521 = arith.constant 2 : i32
        %dma_start3A_522 = arith.constant 0 : i32
        %dma_start3A_523 = arith.constant 1 : i32
        %dma_start3A_524 = arith.constant 48 : i32
        %dma_start3A_525 = arith.constant 0 : i32
        %dma_start3A_526 = tpu.memref_slice %arg7[%dma_start3A_523, %dma_start3A_524, %dma_start3A_525] : memref<2x96x128xf32, #tpu.memory_space<vmem>> -> memref<1x48x128xf32, #tpu.memory_space<vmem>>
        %dma_start3A_527 = tpu.memref_squeeze %dma_start3A_526 : memref<1x48x128xf32, #tpu.memory_space<vmem>> -> memref<48x128xf32, #tpu.memory_space<vmem>>
        %dma_start3A_528 = arith.constant 48 : i32
        %dma_start3A_529 = tpu.memref_slice %arg6[%dma_start3A_521, %dma_start3A_522, %dma_start3A_528] : memref<3x2x96xi32, #tpu.memory_space<vmem>> -> memref<1x1x48xi32, #tpu.memory_space<vmem>>
        %dma_start3A_530 = tpu.memref_squeeze %dma_start3A_529 : memref<1x1x48xi32, #tpu.memory_space<vmem>> -> memref<48xi32, #tpu.memory_space<vmem>>
        %dma_start3A_531 = arith.constant 0 : i32
        %dma_start3A_532 = arith.constant 0 : i32
        %dma_start3A_533 = tpu.memref_slice %arg2[%dma_start3A_531, %dma_start3A_532] : memref<10000x128xf32, #tpu.memory_space<hbm>> -> memref<10000x128xf32, #tpu.memory_space<hbm>>
        tpu.enqueue_indirect_dma source(%dma_start3A_533 : memref<10000x128xf32, #tpu.memory_space<hbm>>) target(%dma_start3A_527 : memref<48x128xf32, #tpu.memory_space<vmem>>) offsets(%dma_start3A_530 : memref<48xi32, #tpu.memory_space<vmem>>) semaphore(%arg15 : memref<!tpu.dma_semaphore, #tpu.memory_space<semaphore_mem>>)
      } else {
      }
      %dma_wait3A_402 = arith.constant 1 : i32
      %dma_wait3A_403 = arith.constant 0 : i32
      %dma_wait3A_404 = arith.constant 0 : i32
      %dma_wait3A_405 = arith.constant 0 : i32
      %dma_wait3A_406 = arith.constant 0 : i32
      %dma_wait3A_407 = tpu.memref_slice %arg7[%dma_wait3A_404, %dma_wait3A_405, %dma_wait3A_406] : memref<2x96x128xf32, #tpu.memory_space<vmem>> -> memref<1x48x128xf32, #tpu.memory_space<vmem>>
      %dma_wait3A_408 = tpu.memref_squeeze %dma_wait3A_407 : memref<1x48x128xf32, #tpu.memory_space<vmem>> -> memref<48x128xf32, #tpu.memory_space<vmem>>
      %dma_wait3A_409 = arith.constant 0 : i32
      %dma_wait3A_410 = tpu.memref_slice %arg6[%dma_wait3A_402, %dma_wait3A_403, %dma_wait3A_409] : memref<3x2x96xi32, #tpu.memory_space<vmem>> -> memref<1x1x48xi32, #tpu.memory_space<vmem>>
      %dma_wait3A_411 = tpu.memref_squeeze %dma_wait3A_410 : memref<1x1x48xi32, #tpu.memory_space<vmem>> -> memref<48xi32, #tpu.memory_space<vmem>>
      %dma_wait3A_412 = arith.constant 0 : i32
      %dma_wait3A_413 = arith.constant 0 : i32
      %dma_wait3A_414 = tpu.memref_slice %arg2[%dma_wait3A_412, %dma_wait3A_413] : memref<10000x128xf32, #tpu.memory_space<hbm>> -> memref<10000x128xf32, #tpu.memory_space<hbm>>
      tpu.wait_indirect_dma semaphore(%arg12 : memref<!tpu.dma_semaphore, #tpu.memory_space<semaphore_mem>>) src(%dma_wait3A_414 : memref<10000x128xf32, #tpu.memory_space<hbm>>) dst(%dma_wait3A_408 : memref<48x128xf32, #tpu.memory_space<vmem>>)
      %dma_wait3A_415 = arith.constant 1 : i32
      %dma_wait3A_416 = arith.constant 0 : i32
      %dma_wait3A_417 = arith.constant 0 : i32
      %dma_wait3A_418 = arith.constant 48 : i32
      %dma_wait3A_419 = arith.constant 0 : i32
      %dma_wait3A_420 = tpu.memref_slice %arg7[%dma_wait3A_417, %dma_wait3A_418, %dma_wait3A_419] : memref<2x96x128xf32, #tpu.memory_space<vmem>> -> memref<1x48x128xf32, #tpu.memory_space<vmem>>
      %dma_wait3A_421 = tpu.memref_squeeze %dma_wait3A_420 : memref<1x48x128xf32, #tpu.memory_space<vmem>> -> memref<48x128xf32, #tpu.memory_space<vmem>>
      %dma_wait3A_422 = arith.constant 48 : i32
      %dma_wait3A_423 = tpu.memref_slice %arg6[%dma_wait3A_415, %dma_wait3A_416, %dma_wait3A_422] : memref<3x2x96xi32, #tpu.memory_space<vmem>> -> memref<1x1x48xi32, #tpu.memory_space<vmem>>
      %dma_wait3A_424 = tpu.memref_squeeze %dma_wait3A_423 : memref<1x1x48xi32, #tpu.memory_space<vmem>> -> memref<48xi32, #tpu.memory_space<vmem>>
      %dma_wait3A_425 = arith.constant 0 : i32
      %dma_wait3A_426 = arith.constant 0 : i32
      %dma_wait3A_427 = tpu.memref_slice %arg2[%dma_wait3A_425, %dma_wait3A_426] : memref<10000x128xf32, #tpu.memory_space<hbm>> -> memref<10000x128xf32, #tpu.memory_space<hbm>>
      tpu.wait_indirect_dma semaphore(%arg13 : memref<!tpu.dma_semaphore, #tpu.memory_space<semaphore_mem>>) src(%dma_wait3A_427 : memref<10000x128xf32, #tpu.memory_space<hbm>>) dst(%dma_wait3A_421 : memref<48x128xf32, #tpu.memory_space<vmem>>)
      %dma_start3A_428 = arith.constant 0 : i32
      %dma_start3A_429 = arith.constant 1 : i32
      %dma_start3A_430 = arith.constant 1 : i32
      %dma_start3A_431 = arith.constant 0 : i32
      %dma_start3A_432 = arith.constant 0 : i32
      %dma_start3A_433 = tpu.memref_slice %arg7[%dma_start3A_428, %dma_start3A_431, %dma_start3A_432] : memref<2x96x128xf32, #tpu.memory_space<vmem>> -> memref<1x96x128xf32, #tpu.memory_space<vmem>>
      %dma_start3A_434 = tpu.memref_squeeze %dma_start3A_433 : memref<1x96x128xf32, #tpu.memory_space<vmem>> -> memref<96x128xf32, #tpu.memory_space<vmem>>
      %dma_start3A_435 = arith.constant 0 : i32
      %dma_start3A_436 = tpu.memref_slice %arg6[%dma_start3A_429, %dma_start3A_430, %dma_start3A_435] : memref<3x2x96xi32, #tpu.memory_space<vmem>> -> memref<1x1x96xi32, #tpu.memory_space<vmem>>
      %dma_start3A_437 = tpu.memref_squeeze %dma_start3A_436 : memref<1x1x96xi32, #tpu.memory_space<vmem>> -> memref<96xi32, #tpu.memory_space<vmem>>
      %dma_start3A_438 = arith.constant 0 : i32
      %dma_start3A_439 = arith.constant 0 : i32
      %dma_start3A_440 = tpu.memref_slice %arg8[%dma_start3A_438, %dma_start3A_439] : memref<10112x128xf32, #tpu.memory_space<vmem_shared>> -> memref<10112x128xf32, #tpu.memory_space<vmem_shared>>
      tpu.enqueue_indirect_dma source(%dma_start3A_434 : memref<96x128xf32, #tpu.memory_space<vmem>>) target(%dma_start3A_440 : memref<10112x128xf32, #tpu.memory_space<vmem_shared>>) offsets(%dma_start3A_437 : memref<96xi32, #tpu.memory_space<vmem>>) semaphore(%arg16 : memref<!tpu.dma_semaphore, #tpu.memory_space<semaphore_mem>>) {add = true}
      %add3A_441 = arith.constant 5 : i32
      %add3A_442 = arith.addi %mul3A_109, %add3A_441 : i32
      %gt3A_443 = arith.constant 0 : i32
      %gt3A_444 = arith.cmpi sgt, %add3A_442, %gt3A_443 : i32
      %convert_element_type3A_445 = arith.extui %gt3A_444 : i1 to i32
      %cond3A_446 = arith.constant 0 : i32
      %cond3A_447 = arith.cmpi ne, %convert_element_type3A_445, %cond3A_446 : i32
      scf.if %cond3A_447 {
        %dma_wait3A_508 = arith.constant 0 : i32
        %dma_wait3A_509 = arith.constant 1 : i32
        %dma_wait3A_510 = arith.constant 1 : i32
        %dma_wait3A_511 = arith.constant 0 : i32
        %dma_wait3A_512 = arith.constant 0 : i32
        %dma_wait3A_513 = tpu.memref_slice %arg7[%dma_wait3A_508, %dma_wait3A_511, %dma_wait3A_512] : memref<2x96x128xf32, #tpu.memory_space<vmem>> -> memref<1x96x128xf32, #tpu.memory_space<vmem>>
        %dma_wait3A_514 = tpu.memref_squeeze %dma_wait3A_513 : memref<1x96x128xf32, #tpu.memory_space<vmem>> -> memref<96x128xf32, #tpu.memory_space<vmem>>
        %dma_wait3A_515 = arith.constant 0 : i32
        %dma_wait3A_516 = tpu.memref_slice %arg6[%dma_wait3A_509, %dma_wait3A_510, %dma_wait3A_515] : memref<3x2x96xi32, #tpu.memory_space<vmem>> -> memref<1x1x96xi32, #tpu.memory_space<vmem>>
        %dma_wait3A_517 = tpu.memref_squeeze %dma_wait3A_516 : memref<1x1x96xi32, #tpu.memory_space<vmem>> -> memref<96xi32, #tpu.memory_space<vmem>>
        %dma_wait3A_518 = arith.constant 0 : i32
        %dma_wait3A_519 = arith.constant 0 : i32
        %dma_wait3A_520 = tpu.memref_slice %arg8[%dma_wait3A_518, %dma_wait3A_519] : memref<10112x128xf32, #tpu.memory_space<vmem_shared>> -> memref<10112x128xf32, #tpu.memory_space<vmem_shared>>
        tpu.wait_indirect_dma semaphore(%arg16 : memref<!tpu.dma_semaphore, #tpu.memory_space<semaphore_mem>>) src(%dma_wait3A_514 : memref<96x128xf32, #tpu.memory_space<vmem>>) dst(%dma_wait3A_520 : memref<10112x128xf32, #tpu.memory_space<vmem_shared>>)
      } else {
      }
      %add3A_448 = arith.constant 2 : i32
      %add3A_449 = arith.addi %add3A_442, %add3A_448 : i32
      %lt3A_450 = arith.constant 108 : i32
      %lt3A_451 = arith.cmpi slt, %add3A_449, %lt3A_450 : i32
      %convert_element_type3A_452 = arith.extui %lt3A_451 : i1 to i32
      %cond3A_453 = arith.constant 0 : i32
      %cond3A_454 = arith.cmpi ne, %convert_element_type3A_452, %cond3A_453 : i32
      scf.if %cond3A_454 {
        %add3A_508 = arith.constant 2 : i32
        %add3A_509 = arith.addi %add3A_442, %add3A_508 : i32
        %dma_start3A_510 = arith.constant 1 : i32
        %dma_start3A_511 = arith.constant 0 : i32
        %dma_start3A_512 = arith.constant 0 : i32
        %dma_start3A_513 = tpu.memref_slice %arg6[%dma_start3A_510, %dma_start3A_511, %dma_start3A_512] : memref<3x2x96xi32, #tpu.memory_space<vmem>> -> memref<1x2x96xi32, #tpu.memory_space<vmem>>
        %dma_start3A_514 = tpu.memref_squeeze %dma_start3A_513 : memref<1x2x96xi32, #tpu.memory_space<vmem>> -> memref<2x96xi32, #tpu.memory_space<vmem>>
        %dma_start3A_515 = arith.constant 0 : i32
        %dma_start3A_516 = arith.constant 0 : i32
        %dma_start3A_517 = tpu.memref_slice %arg3[%add3A, %add3A_509, %dma_start3A_515, %dma_start3A_516] : memref<32x108x2x96xi32, #tpu.memory_space<hbm>> -> memref<1x1x2x96xi32, #tpu.memory_space<hbm>>
        %dma_start3A_518 = tpu.memref_squeeze %dma_start3A_517 : memref<1x1x2x96xi32, #tpu.memory_space<hbm>> -> memref<2x96xi32, #tpu.memory_space<hbm>>
        %dma_start3A_519 = arith.constant 0 : i32
        %dma_start3A_520 = arith.constant 0 : i32
        %dma_start3A_521 = tpu.memref_slice %arg6[%dma_start3A_510, %dma_start3A_519, %dma_start3A_520] : memref<3x2x96xi32, #tpu.memory_space<vmem>> -> memref<1x2x96xi32, #tpu.memory_space<vmem>>
        %dma_start3A_522 = tpu.memref_squeeze %dma_start3A_521 : memref<1x2x96xi32, #tpu.memory_space<vmem>> -> memref<2x96xi32, #tpu.memory_space<vmem>>
        %dma_start3A_523 = arith.constant 0 : i32
        %dma_start3A_524 = arith.constant 0 : i32
        %dma_start3A_525 = tpu.memref_slice %arg3[%add3A, %add3A_509, %dma_start3A_523, %dma_start3A_524] : memref<32x108x2x96xi32, #tpu.memory_space<hbm>> -> memref<1x1x2x96xi32, #tpu.memory_space<hbm>>
        %dma_start3A_526 = tpu.memref_squeeze %dma_start3A_525 : memref<1x1x2x96xi32, #tpu.memory_space<hbm>> -> memref<2x96xi32, #tpu.memory_space<hbm>>
        tpu.enqueue_dma source(%dma_start3A_526 : memref<2x96xi32, #tpu.memory_space<hbm>>) target(%dma_start3A_522 : memref<2x96xi32, #tpu.memory_space<vmem>>) target_semaphore(%arg10 : memref<!tpu.dma_semaphore, #tpu.memory_space<semaphore_mem>>)
      } else {
      }
      %add3A_455 = arith.constant 1 : i32
      %add3A_456 = arith.addi %add3A_442, %add3A_455 : i32
      %lt3A_457 = arith.constant 108 : i32
      %lt3A_458 = arith.cmpi slt, %add3A_456, %lt3A_457 : i32
      %convert_element_type3A_459 = arith.extui %lt3A_458 : i1 to i32
      %cond3A_460 = arith.constant 0 : i32
      %cond3A_461 = arith.cmpi ne, %convert_element_type3A_459, %cond3A_460 : i32
      scf.if %cond3A_461 {
        %add3A_508 = arith.constant 1 : i32
        %add3A_509 = arith.addi %add3A_442, %add3A_508 : i32
        %dma_wait3A_510 = arith.constant 0 : i32
        %dma_wait3A_511 = arith.constant 0 : i32
        %dma_wait3A_512 = arith.constant 0 : i32
        %dma_wait3A_513 = tpu.memref_slice %arg6[%dma_wait3A_510, %dma_wait3A_511, %dma_wait3A_512] : memref<3x2x96xi32, #tpu.memory_space<vmem>> -> memref<1x2x96xi32, #tpu.memory_space<vmem>>
        %dma_wait3A_514 = tpu.memref_squeeze %dma_wait3A_513 : memref<1x2x96xi32, #tpu.memory_space<vmem>> -> memref<2x96xi32, #tpu.memory_space<vmem>>
        %dma_wait3A_515 = arith.constant 0 : i32
        %dma_wait3A_516 = arith.constant 0 : i32
        %dma_wait3A_517 = tpu.memref_slice %arg3[%add3A, %add3A_509, %dma_wait3A_515, %dma_wait3A_516] : memref<32x108x2x96xi32, #tpu.memory_space<hbm>> -> memref<1x1x2x96xi32, #tpu.memory_space<hbm>>
        %dma_wait3A_518 = tpu.memref_squeeze %dma_wait3A_517 : memref<1x1x2x96xi32, #tpu.memory_space<hbm>> -> memref<2x96xi32, #tpu.memory_space<hbm>>
        %dma_wait3A_519 = arith.constant 0 : i32
        %dma_wait3A_520 = arith.constant 0 : i32
        %dma_wait3A_521 = tpu.memref_slice %arg6[%dma_wait3A_510, %dma_wait3A_519, %dma_wait3A_520] : memref<3x2x96xi32, #tpu.memory_space<vmem>> -> memref<1x2x96xi32, #tpu.memory_space<vmem>>
        %dma_wait3A_522 = tpu.memref_squeeze %dma_wait3A_521 : memref<1x2x96xi32, #tpu.memory_space<vmem>> -> memref<2x96xi32, #tpu.memory_space<vmem>>
        %dma_wait3A_523 = arith.constant 0 : i32
        %dma_wait3A_524 = arith.constant 0 : i32
        %dma_wait3A_525 = tpu.memref_slice %arg3[%add3A, %add3A_509, %dma_wait3A_523, %dma_wait3A_524] : memref<32x108x2x96xi32, #tpu.memory_space<hbm>> -> memref<1x1x2x96xi32, #tpu.memory_space<hbm>>
        %dma_wait3A_526 = tpu.memref_squeeze %dma_wait3A_525 : memref<1x1x2x96xi32, #tpu.memory_space<hbm>> -> memref<2x96xi32, #tpu.memory_space<hbm>>
        tpu.wait_dma2 semaphore(%arg9 : memref<!tpu.dma_semaphore, #tpu.memory_space<semaphore_mem>>) src(%dma_wait3A_526 : memref<2x96xi32, #tpu.memory_space<hbm>>) dst(%dma_wait3A_522 : memref<2x96xi32, #tpu.memory_space<vmem>>)
      } else {
      }
      %add3A_462 = arith.constant 1 : i32
      %add3A_463 = arith.addi %add3A_442, %add3A_462 : i32
      %lt3A_464 = arith.constant 108 : i32
      %lt3A_465 = arith.cmpi slt, %add3A_463, %lt3A_464 : i32
      %convert_element_type3A_466 = arith.extui %lt3A_465 : i1 to i32
      %cond3A_467 = arith.constant 0 : i32
      %cond3A_468 = arith.cmpi ne, %convert_element_type3A_466, %cond3A_467 : i32
      scf.if %cond3A_468 {
        %dma_start3A_508 = arith.constant 0 : i32
        %dma_start3A_509 = arith.constant 0 : i32
        %dma_start3A_510 = arith.constant 0 : i32
        %dma_start3A_511 = arith.constant 0 : i32
        %dma_start3A_512 = arith.constant 0 : i32
        %dma_start3A_513 = tpu.memref_slice %arg7[%dma_start3A_510, %dma_start3A_511, %dma_start3A_512] : memref<2x96x128xf32, #tpu.memory_space<vmem>> -> memref<1x48x128xf32, #tpu.memory_space<vmem>>
        %dma_start3A_514 = tpu.memref_squeeze %dma_start3A_513 : memref<1x48x128xf32, #tpu.memory_space<vmem>> -> memref<48x128xf32, #tpu.memory_space<vmem>>
        %dma_start3A_515 = arith.constant 0 : i32
        %dma_start3A_516 = tpu.memref_slice %arg6[%dma_start3A_508, %dma_start3A_509, %dma_start3A_515] : memref<3x2x96xi32, #tpu.memory_space<vmem>> -> memref<1x1x48xi32, #tpu.memory_space<vmem>>
        %dma_start3A_517 = tpu.memref_squeeze %dma_start3A_516 : memref<1x1x48xi32, #tpu.memory_space<vmem>> -> memref<48xi32, #tpu.memory_space<vmem>>
        %dma_start3A_518 = arith.constant 0 : i32
        %dma_start3A_519 = arith.constant 0 : i32
        %dma_start3A_520 = tpu.memref_slice %arg2[%dma_start3A_518, %dma_start3A_519] : memref<10000x128xf32, #tpu.memory_space<hbm>> -> memref<10000x128xf32, #tpu.memory_space<hbm>>
        tpu.enqueue_indirect_dma source(%dma_start3A_520 : memref<10000x128xf32, #tpu.memory_space<hbm>>) target(%dma_start3A_514 : memref<48x128xf32, #tpu.memory_space<vmem>>) offsets(%dma_start3A_517 : memref<48xi32, #tpu.memory_space<vmem>>) semaphore(%arg12 : memref<!tpu.dma_semaphore, #tpu.memory_space<semaphore_mem>>)
        %dma_start3A_521 = arith.constant 0 : i32
        %dma_start3A_522 = arith.constant 0 : i32
        %dma_start3A_523 = arith.constant 0 : i32
        %dma_start3A_524 = arith.constant 48 : i32
        %dma_start3A_525 = arith.constant 0 : i32
        %dma_start3A_526 = tpu.memref_slice %arg7[%dma_start3A_523, %dma_start3A_524, %dma_start3A_525] : memref<2x96x128xf32, #tpu.memory_space<vmem>> -> memref<1x48x128xf32, #tpu.memory_space<vmem>>
        %dma_start3A_527 = tpu.memref_squeeze %dma_start3A_526 : memref<1x48x128xf32, #tpu.memory_space<vmem>> -> memref<48x128xf32, #tpu.memory_space<vmem>>
        %dma_start3A_528 = arith.constant 48 : i32
        %dma_start3A_529 = tpu.memref_slice %arg6[%dma_start3A_521, %dma_start3A_522, %dma_start3A_528] : memref<3x2x96xi32, #tpu.memory_space<vmem>> -> memref<1x1x48xi32, #tpu.memory_space<vmem>>
        %dma_start3A_530 = tpu.memref_squeeze %dma_start3A_529 : memref<1x1x48xi32, #tpu.memory_space<vmem>> -> memref<48xi32, #tpu.memory_space<vmem>>
        %dma_start3A_531 = arith.constant 0 : i32
        %dma_start3A_532 = arith.constant 0 : i32
        %dma_start3A_533 = tpu.memref_slice %arg2[%dma_start3A_531, %dma_start3A_532] : memref<10000x128xf32, #tpu.memory_space<hbm>> -> memref<10000x128xf32, #tpu.memory_space<hbm>>
        tpu.enqueue_indirect_dma source(%dma_start3A_533 : memref<10000x128xf32, #tpu.memory_space<hbm>>) target(%dma_start3A_527 : memref<48x128xf32, #tpu.memory_space<vmem>>) offsets(%dma_start3A_530 : memref<48xi32, #tpu.memory_space<vmem>>) semaphore(%arg13 : memref<!tpu.dma_semaphore, #tpu.memory_space<semaphore_mem>>)
      } else {
      }
      %dma_wait3A_469 = arith.constant 2 : i32
      %dma_wait3A_470 = arith.constant 0 : i32
      %dma_wait3A_471 = arith.constant 1 : i32
      %dma_wait3A_472 = arith.constant 0 : i32
      %dma_wait3A_473 = arith.constant 0 : i32
      %dma_wait3A_474 = tpu.memref_slice %arg7[%dma_wait3A_471, %dma_wait3A_472, %dma_wait3A_473] : memref<2x96x128xf32, #tpu.memory_space<vmem>> -> memref<1x48x128xf32, #tpu.memory_space<vmem>>
      %dma_wait3A_475 = tpu.memref_squeeze %dma_wait3A_474 : memref<1x48x128xf32, #tpu.memory_space<vmem>> -> memref<48x128xf32, #tpu.memory_space<vmem>>
      %dma_wait3A_476 = arith.constant 0 : i32
      %dma_wait3A_477 = tpu.memref_slice %arg6[%dma_wait3A_469, %dma_wait3A_470, %dma_wait3A_476] : memref<3x2x96xi32, #tpu.memory_space<vmem>> -> memref<1x1x48xi32, #tpu.memory_space<vmem>>
      %dma_wait3A_478 = tpu.memref_squeeze %dma_wait3A_477 : memref<1x1x48xi32, #tpu.memory_space<vmem>> -> memref<48xi32, #tpu.memory_space<vmem>>
      %dma_wait3A_479 = arith.constant 0 : i32
      %dma_wait3A_480 = arith.constant 0 : i32
      %dma_wait3A_481 = tpu.memref_slice %arg2[%dma_wait3A_479, %dma_wait3A_480] : memref<10000x128xf32, #tpu.memory_space<hbm>> -> memref<10000x128xf32, #tpu.memory_space<hbm>>
      tpu.wait_indirect_dma semaphore(%arg14 : memref<!tpu.dma_semaphore, #tpu.memory_space<semaphore_mem>>) src(%dma_wait3A_481 : memref<10000x128xf32, #tpu.memory_space<hbm>>) dst(%dma_wait3A_475 : memref<48x128xf32, #tpu.memory_space<vmem>>)
      %dma_wait3A_482 = arith.constant 2 : i32
      %dma_wait3A_483 = arith.constant 0 : i32
      %dma_wait3A_484 = arith.constant 1 : i32
      %dma_wait3A_485 = arith.constant 48 : i32
      %dma_wait3A_486 = arith.constant 0 : i32
      %dma_wait3A_487 = tpu.memref_slice %arg7[%dma_wait3A_484, %dma_wait3A_485, %dma_wait3A_486] : memref<2x96x128xf32, #tpu.memory_space<vmem>> -> memref<1x48x128xf32, #tpu.memory_space<vmem>>
      %dma_wait3A_488 = tpu.memref_squeeze %dma_wait3A_487 : memref<1x48x128xf32, #tpu.memory_space<vmem>> -> memref<48x128xf32, #tpu.memory_space<vmem>>
      %dma_wait3A_489 = arith.constant 48 : i32
      %dma_wait3A_490 = tpu.memref_slice %arg6[%dma_wait3A_482, %dma_wait3A_483, %dma_wait3A_489] : memref<3x2x96xi32, #tpu.memory_space<vmem>> -> memref<1x1x48xi32, #tpu.memory_space<vmem>>
      %dma_wait3A_491 = tpu.memref_squeeze %dma_wait3A_490 : memref<1x1x48xi32, #tpu.memory_space<vmem>> -> memref<48xi32, #tpu.memory_space<vmem>>
      %dma_wait3A_492 = arith.constant 0 : i32
      %dma_wait3A_493 = arith.constant 0 : i32
      %dma_wait3A_494 = tpu.memref_slice %arg2[%dma_wait3A_492, %dma_wait3A_493] : memref<10000x128xf32, #tpu.memory_space<hbm>> -> memref<10000x128xf32, #tpu.memory_space<hbm>>
      tpu.wait_indirect_dma semaphore(%arg15 : memref<!tpu.dma_semaphore, #tpu.memory_space<semaphore_mem>>) src(%dma_wait3A_494 : memref<10000x128xf32, #tpu.memory_space<hbm>>) dst(%dma_wait3A_488 : memref<48x128xf32, #tpu.memory_space<vmem>>)
      %dma_start3A_495 = arith.constant 1 : i32
      %dma_start3A_496 = arith.constant 2 : i32
      %dma_start3A_497 = arith.constant 1 : i32
      %dma_start3A_498 = arith.constant 0 : i32
      %dma_start3A_499 = arith.constant 0 : i32
      %dma_start3A_500 = tpu.memref_slice %arg7[%dma_start3A_495, %dma_start3A_498, %dma_start3A_499] : memref<2x96x128xf32, #tpu.memory_space<vmem>> -> memref<1x96x128xf32, #tpu.memory_space<vmem>>
      %dma_start3A_501 = tpu.memref_squeeze %dma_start3A_500 : memref<1x96x128xf32, #tpu.memory_space<vmem>> -> memref<96x128xf32, #tpu.memory_space<vmem>>
      %dma_start3A_502 = arith.constant 0 : i32
      %dma_start3A_503 = tpu.memref_slice %arg6[%dma_start3A_496, %dma_start3A_497, %dma_start3A_502] : memref<3x2x96xi32, #tpu.memory_space<vmem>> -> memref<1x1x96xi32, #tpu.memory_space<vmem>>
      %dma_start3A_504 = tpu.memref_squeeze %dma_start3A_503 : memref<1x1x96xi32, #tpu.memory_space<vmem>> -> memref<96xi32, #tpu.memory_space<vmem>>
      %dma_start3A_505 = arith.constant 0 : i32
      %dma_start3A_506 = arith.constant 0 : i32
      %dma_start3A_507 = tpu.memref_slice %arg8[%dma_start3A_505, %dma_start3A_506] : memref<10112x128xf32, #tpu.memory_space<vmem_shared>> -> memref<10112x128xf32, #tpu.memory_space<vmem_shared>>
      tpu.enqueue_indirect_dma source(%dma_start3A_501 : memref<96x128xf32, #tpu.memory_space<vmem>>) target(%dma_start3A_507 : memref<10112x128xf32, #tpu.memory_space<vmem_shared>>) offsets(%dma_start3A_504 : memref<96xi32, #tpu.memory_space<vmem>>) semaphore(%arg17 : memref<!tpu.dma_semaphore, #tpu.memory_space<semaphore_mem>>) {add = true}
    }
    %scan3A_85 = arith.constant 18 : i32
    %dma_wait3A_86 = arith.constant 1 : i32
    %dma_wait3A_87 = arith.constant 2 : i32
    %dma_wait3A_88 = arith.constant 1 : i32
    %dma_wait3A_89 = arith.constant 0 : i32
    %dma_wait3A_90 = arith.constant 0 : i32
    %dma_wait3A_91 = tpu.memref_slice %arg7[%dma_wait3A_86, %dma_wait3A_89, %dma_wait3A_90] : memref<2x96x128xf32, #tpu.memory_space<vmem>> -> memref<1x96x128xf32, #tpu.memory_space<vmem>>
    %dma_wait3A_92 = tpu.memref_squeeze %dma_wait3A_91 : memref<1x96x128xf32, #tpu.memory_space<vmem>> -> memref<96x128xf32, #tpu.memory_space<vmem>>
    %dma_wait3A_93 = arith.constant 0 : i32
    %dma_wait3A_94 = tpu.memref_slice %arg6[%dma_wait3A_87, %dma_wait3A_88, %dma_wait3A_93] : memref<3x2x96xi32, #tpu.memory_space<vmem>> -> memref<1x1x96xi32, #tpu.memory_space<vmem>>
    %dma_wait3A_95 = tpu.memref_squeeze %dma_wait3A_94 : memref<1x1x96xi32, #tpu.memory_space<vmem>> -> memref<96xi32, #tpu.memory_space<vmem>>
    %dma_wait3A_96 = arith.constant 0 : i32
    %dma_wait3A_97 = arith.constant 0 : i32
    %dma_wait3A_98 = tpu.memref_slice %arg8[%dma_wait3A_96, %dma_wait3A_97] : memref<10112x128xf32, #tpu.memory_space<vmem_shared>> -> memref<10112x128xf32, #tpu.memory_space<vmem_shared>>
    tpu.wait_indirect_dma semaphore(%arg17 : memref<!tpu.dma_semaphore, #tpu.memory_space<semaphore_mem>>) src(%dma_wait3A_92 : memref<96x128xf32, #tpu.memory_space<vmem>>) dst(%dma_wait3A_98 : memref<10112x128xf32, #tpu.memory_space<vmem_shared>>)
    %barrier3A_99 = arith.constant 0 : index
    tpu.barrier barrier_id(%barrier3A_99)
    %mul3A_100 = arith.constant 632 : i32
    %mul3A_101 = arith.muli %arg1, %mul3A_100 : i32
    %mul3A_102 = arith.constant 10112 : i32
    %mul3A_103 = arith.muli %arg0, %mul3A_102 : i32
    %mul3A_104 = arith.constant 632 : i32
    %mul3A_105 = arith.muli %arg1, %mul3A_104 : i32
    %add3A_106 = arith.addi %mul3A_103, %mul3A_105 : i32
    "tpu.region"() ({
      %run_scoped3A = tpu.sem_alloc : memref<!tpu.dma_semaphore, #tpu.memory_space<semaphore_mem>>
      %dma_start3A_107 = arith.constant 0 : i32
      %dma_start3A_108 = tpu.memref_slice %arg5[%add3A_106, %dma_start3A_107] : memref<20224x128xf32, #tpu.memory_space<hbm>> -> memref<632x128xf32, #tpu.memory_space<hbm>>
      %dma_start3A_109 = arith.constant 0 : i32
      %dma_start3A_110 = tpu.memref_slice %arg8[%mul3A_101, %dma_start3A_109] : memref<10112x128xf32, #tpu.memory_space<vmem_shared>> -> memref<632x128xf32, #tpu.memory_space<vmem_shared>>
      tpu.enqueue_dma source(%dma_start3A_110 : memref<632x128xf32, #tpu.memory_space<vmem_shared>>) target(%dma_start3A_108 : memref<632x128xf32, #tpu.memory_space<hbm>>) target_semaphore(%run_scoped3A : memref<!tpu.dma_semaphore, #tpu.memory_space<semaphore_mem>>)
      %dma_wait3A_111 = arith.constant 0 : i32
      %dma_wait3A_112 = tpu.memref_slice %arg5[%add3A_106, %dma_wait3A_111] : memref<20224x128xf32, #tpu.memory_space<hbm>> -> memref<632x128xf32, #tpu.memory_space<hbm>>
      %dma_wait3A_113 = arith.constant 0 : i32
      %dma_wait3A_114 = tpu.memref_slice %arg8[%mul3A_101, %dma_wait3A_113] : memref<10112x128xf32, #tpu.memory_space<vmem_shared>> -> memref<632x128xf32, #tpu.memory_space<vmem_shared>>
      tpu.wait_dma2 semaphore(%run_scoped3A : memref<!tpu.dma_semaphore, #tpu.memory_space<semaphore_mem>>) src(%dma_wait3A_114 : memref<632x128xf32, #tpu.memory_space<vmem_shared>>) dst(%dma_wait3A_112 : memref<632x128xf32, #tpu.memory_space<hbm>>)
      tpu.yield
    }) : () -> ()
    return
  }
}

#map = affine_map<(d0, d1) -> (0)>
#map1 = affine_map<(d0, d1) -> (0, 0)>
module attributes {stable_mosaic.version = 14 : i64} {
  func.func @sc_degree(%arg0: i32, %arg1: i32, %arg2: memref<320000xi32, #tpu.memory_space<hbm>>, %arg3: memref<32x10000xf32, #tpu.memory_space<hbm>>, %arg4: memref<10000xi32, #tpu.memory_space<vmem>>, %arg5: memref<10000xf32, #tpu.memory_space<vmem>>) attributes {dimension_semantics = [#tpu.dimension_semantics<core_parallel>, #tpu.dimension_semantics<subcore_parallel>], iteration_bounds = array<i64: 2, 16>, scalar_prefetch = 0 : i64, scratch_operands = 2 : i64, tpu.core_type = #tpu.core_type<sc_vector_subcore>, window_params = [{transform_indices = #map}, {transform_indices = #map1}]} {
    %mul3A = arith.constant 2 : i32
    %mul3A_0 = arith.muli %arg1, %mul3A : i32
    %add3A = arith.addi %mul3A_0, %arg0 : i32
    %broadcast_in_dim3A = arith.constant 0.000000e+00 : f32
    %broadcast_in_dim3A_1 = vector.broadcast %broadcast_in_dim3A : f32 to vector<16xf32>
    %broadcast_in_dim3A_2 = arith.constant 1.000000e+00 : f32
    %broadcast_in_dim3A_3 = vector.broadcast %broadcast_in_dim3A_2 : f32 to vector<16xf32>
    %scan3A = arith.constant 0 : i32
    %scan3A_4 = arith.constant 0 : i32
    %scan3A_5 = arith.constant 625 : i32
    %scan3A_6 = arith.addi %scan3A_4, %scan3A_5 : i32
    %scan3A_7 = arith.constant 1 : i32
    scf.for %scan3A_17 = %scan3A_4 to %scan3A_6 step %scan3A_7  : i32 {
      %mul3A_18 = arith.constant 16 : i32
      %mul3A_19 = arith.muli %scan3A_17, %mul3A_18 : i32
      %swap3A = arith.index_cast %mul3A_19 : i32 to index
      %swap3A_20 = tpu.vector_load %arg5[%swap3A] {strides = array<i32>} : memref<10000xf32, #tpu.memory_space<vmem>>, vector<16xf32>,
      tpu.vector_store %arg5[%swap3A], %broadcast_in_dim3A_1 {strides = array<i32>} : memref<10000xf32, #tpu.memory_space<vmem>>, vector<16xf32>,
    }
    %scan3A_8 = arith.constant 625 : i32
    %mul3A_9 = arith.constant 10000 : i32
    %mul3A_10 = arith.muli %add3A, %mul3A_9 : i32
    "tpu.region"() ({
      %run_scoped3A = tpu.sem_alloc : memref<!tpu.dma_semaphore, #tpu.memory_space<semaphore_mem>>
      %dma_start3A = tpu.memref_slice %arg2[%mul3A_10] : memref<320000xi32, #tpu.memory_space<hbm>> -> memref<10000xi32, #tpu.memory_space<hbm>>
      %dma_start3A_17 = tpu.memref_slice %arg2[%mul3A_10] : memref<320000xi32, #tpu.memory_space<hbm>> -> memref<10000xi32, #tpu.memory_space<hbm>>
      tpu.enqueue_dma source(%dma_start3A_17 : memref<10000xi32, #tpu.memory_space<hbm>>) target(%arg4 : memref<10000xi32, #tpu.memory_space<vmem>>) target_semaphore(%run_scoped3A : memref<!tpu.dma_semaphore, #tpu.memory_space<semaphore_mem>>)
      %dma_wait3A = tpu.memref_slice %arg2[%mul3A_10] : memref<320000xi32, #tpu.memory_space<hbm>> -> memref<10000xi32, #tpu.memory_space<hbm>>
      %dma_wait3A_18 = tpu.memref_slice %arg2[%mul3A_10] : memref<320000xi32, #tpu.memory_space<hbm>> -> memref<10000xi32, #tpu.memory_space<hbm>>
      tpu.wait_dma2 semaphore(%run_scoped3A : memref<!tpu.dma_semaphore, #tpu.memory_space<semaphore_mem>>) src(%dma_wait3A_18 : memref<10000xi32, #tpu.memory_space<hbm>>) dst(%arg4 : memref<10000xi32, #tpu.memory_space<vmem>>)
      tpu.yield
    }) : () -> ()
    %scan3A_11 = arith.constant 0 : i32
    %scan3A_12 = arith.constant 0 : i32
    %scan3A_13 = arith.constant 625 : i32
    %scan3A_14 = arith.addi %scan3A_12, %scan3A_13 : i32
    %scan3A_15 = arith.constant 1 : i32
    scf.for %scan3A_17 = %scan3A_12 to %scan3A_14 step %scan3A_15  : i32 {
      %mul3A_18 = arith.constant 16 : i32
      %mul3A_19 = arith.muli %scan3A_17, %mul3A_18 : i32
      %get3A = arith.index_cast %mul3A_19 : i32 to index
      %get3A_20 = tpu.vector_load %arg4[%get3A] {strides = array<i32>} : memref<10000xi32, #tpu.memory_space<vmem>>, vector<16xi32>,
      tpu.vector_store_idx %arg5[%get3A_20], %broadcast_in_dim3A_3 {add = true} : memref<10000xf32, #tpu.memory_space<vmem>>[vector<16xi32>], vector<16xf32>,
    }
    %scan3A_16 = arith.constant 625 : i32
    "tpu.region"() ({
      %run_scoped3A = tpu.sem_alloc : memref<!tpu.dma_semaphore, #tpu.memory_space<semaphore_mem>>
      %dma_start3A = arith.constant 0 : i32
      %dma_start3A_17 = tpu.memref_slice %arg3[%add3A, %dma_start3A] : memref<32x10000xf32, #tpu.memory_space<hbm>> -> memref<1x10000xf32, #tpu.memory_space<hbm>>
      %dma_start3A_18 = tpu.memref_squeeze %dma_start3A_17 : memref<1x10000xf32, #tpu.memory_space<hbm>> -> memref<10000xf32, #tpu.memory_space<hbm>>
      %dma_start3A_19 = arith.constant 0 : i32
      %dma_start3A_20 = tpu.memref_slice %arg3[%add3A, %dma_start3A_19] : memref<32x10000xf32, #tpu.memory_space<hbm>> -> memref<1x10000xf32, #tpu.memory_space<hbm>>
      %dma_start3A_21 = tpu.memref_squeeze %dma_start3A_20 : memref<1x10000xf32, #tpu.memory_space<hbm>> -> memref<10000xf32, #tpu.memory_space<hbm>>
      tpu.enqueue_dma source(%arg5 : memref<10000xf32, #tpu.memory_space<vmem>>) target(%dma_start3A_21 : memref<10000xf32, #tpu.memory_space<hbm>>) target_semaphore(%run_scoped3A : memref<!tpu.dma_semaphore, #tpu.memory_space<semaphore_mem>>)
      %dma_wait3A = arith.constant 0 : i32
      %dma_wait3A_22 = tpu.memref_slice %arg3[%add3A, %dma_wait3A] : memref<32x10000xf32, #tpu.memory_space<hbm>> -> memref<1x10000xf32, #tpu.memory_space<hbm>>
      %dma_wait3A_23 = tpu.memref_squeeze %dma_wait3A_22 : memref<1x10000xf32, #tpu.memory_space<hbm>> -> memref<10000xf32, #tpu.memory_space<hbm>>
      %dma_wait3A_24 = arith.constant 0 : i32
      %dma_wait3A_25 = tpu.memref_slice %arg3[%add3A, %dma_wait3A_24] : memref<32x10000xf32, #tpu.memory_space<hbm>> -> memref<1x10000xf32, #tpu.memory_space<hbm>>
      %dma_wait3A_26 = tpu.memref_squeeze %dma_wait3A_25 : memref<1x10000xf32, #tpu.memory_space<hbm>> -> memref<10000xf32, #tpu.memory_space<hbm>>
      tpu.wait_dma2 semaphore(%run_scoped3A : memref<!tpu.dma_semaphore, #tpu.memory_space<semaphore_mem>>) src(%arg5 : memref<10000xf32, #tpu.memory_space<vmem>>) dst(%dma_wait3A_26 : memref<10000xf32, #tpu.memory_space<hbm>>)
      tpu.yield
    }) : () -> ()
    return
  }
}

#map = affine_map<(d0, d1) -> (0, 0)>
#map1 = affine_map<(d0, d1) -> (0, 0, 0, 0)>
module attributes {stable_mosaic.version = 14 : i64} {
  func.func @sc_aggregate(%arg0: i32, %arg1: i32, %arg2: memref<10000x128xf32, #tpu.memory_space<hbm>>, %arg3: memref<32x108x2x96xi32, #tpu.memory_space<hbm>>, %arg4: memref<632x128xf32, #tpu.memory_space<hbm>>, %arg5: memref<20224x128xf32, #tpu.memory_space<hbm>>, %arg6: memref<3x2x96xi32, #tpu.memory_space<vmem>>, %arg7: memref<2x96x128xf32, #tpu.memory_space<vmem>>, %arg8: memref<10112x128xf32, #tpu.memory_space<vmem_shared>>, %arg9: memref<!tpu.dma_semaphore, #tpu.memory_space<semaphore_mem>>, %arg10: memref<!tpu.dma_semaphore, #tpu.memory_space<semaphore_mem>>, %arg11: memref<!tpu.dma_semaphore, #tpu.memory_space<semaphore_mem>>, %arg12: memref<!tpu.dma_semaphore, #tpu.memory_space<semaphore_mem>>, %arg13: memref<!tpu.dma_semaphore, #tpu.memory_space<semaphore_mem>>, %arg14: memref<!tpu.dma_semaphore, #tpu.memory_space<semaphore_mem>>, %arg15: memref<!tpu.dma_semaphore, #tpu.memory_space<semaphore_mem>>, %arg16: memref<!tpu.dma_semaphore, #tpu.memory_space<semaphore_mem>>, %arg17: memref<!tpu.dma_semaphore, #tpu.memory_space<semaphore_mem>>) attributes {dimension_semantics = [#tpu.dimension_semantics<core_parallel>, #tpu.dimension_semantics<subcore_parallel>], iteration_bounds = array<i64: 2, 16>, scalar_prefetch = 0 : i64, scratch_operands = 12 : i64, tpu.core_type = #tpu.core_type<sc_vector_subcore>, window_params = [{transform_indices = #map}, {transform_indices = #map1}, {transform_indices = #map}, {transform_indices = #map}]} {
    %mul3A = arith.constant 2 : i32
    %mul3A_0 = arith.muli %arg1, %mul3A : i32
    %add3A = arith.addi %mul3A_0, %arg0 : i32
    %mul3A_1 = arith.constant 632 : i32
    %mul3A_2 = arith.muli %arg1, %mul3A_1 : i32
    "tpu.region"() ({
      %run_scoped3A = tpu.sem_alloc : memref<!tpu.dma_semaphore, #tpu.memory_space<semaphore_mem>>
      %dma_start3A_107 = arith.constant 0 : i32
      %dma_start3A_108 = tpu.memref_slice %arg8[%mul3A_2, %dma_start3A_107] : memref<10112x128xf32, #tpu.memory_space<vmem_shared>> -> memref<632x128xf32, #tpu.memory_space<vmem_shared>>
      tpu.enqueue_dma source(%arg4 : memref<632x128xf32, #tpu.memory_space<hbm>>) target(%dma_start3A_108 : memref<632x128xf32, #tpu.memory_space<vmem_shared>>) target_semaphore(%run_scoped3A : memref<!tpu.dma_semaphore, #tpu.memory_space<semaphore_mem>>)
      %dma_wait3A_109 = arith.constant 0 : i32
      %dma_wait3A_110 = tpu.memref_slice %arg8[%mul3A_2, %dma_wait3A_109] : memref<10112x128xf32, #tpu.memory_space<vmem_shared>> -> memref<632x128xf32, #tpu.memory_space<vmem_shared>>
      tpu.wait_dma2 semaphore(%run_scoped3A : memref<!tpu.dma_semaphore, #tpu.memory_space<semaphore_mem>>) src(%arg4 : memref<632x128xf32, #tpu.memory_space<hbm>>) dst(%dma_wait3A_110 : memref<632x128xf32, #tpu.memory_space<vmem_shared>>)
      tpu.yield
    }) : () -> ()
    %barrier3A = arith.constant 0 : index
    tpu.barrier barrier_id(%barrier3A)
    %dma_start3A = arith.constant 0 : i32
    %dma_start3A_3 = arith.constant 0 : i32
    %dma_start3A_4 = arith.constant 0 : i32
    %dma_start3A_5 = arith.constant 0 : i32
    %dma_start3A_6 = tpu.memref_slice %arg6[%dma_start3A_3, %dma_start3A_4, %dma_start3A_5] : memref<3x2x96xi32, #tpu.memory_space<vmem>> -> memref<1x2x96xi32, #tpu.memory_space<vmem>>
    %dma_start3A_7 = tpu.memref_squeeze %dma_start3A_6 : memref<1x2x96xi32, #tpu.memory_space<vmem>> -> memref<2x96xi32, #tpu.memory_space<vmem>>
    %dma_start3A_8 = arith.constant 0 : i32
    %dma_start3A_9 = arith.constant 0 : i32
    %dma_start3A_10 = tpu.memref_slice %arg3[%add3A, %dma_start3A, %dma_start3A_8, %dma_start3A_9] : memref<32x108x2x96xi32, #tpu.memory_space<hbm>> -> memref<1x1x2x96xi32, #tpu.memory_space<hbm>>
    %dma_start3A_11 = tpu.memref_squeeze %dma_start3A_10 : memref<1x1x2x96xi32, #tpu.memory_space<hbm>> -> memref<2x96xi32, #tpu.memory_space<hbm>>
    %dma_start3A_12 = arith.constant 0 : i32
    %dma_start3A_13 = arith.constant 0 : i32
    %dma_start3A_14 = tpu.memref_slice %arg6[%dma_start3A_3, %dma_start3A_12, %dma_start3A_13] : memref<3x2x96xi32, #tpu.memory_space<vmem>> -> memref<1x2x96xi32, #tpu.memory_space<vmem>>
    %dma_start3A_15 = tpu.memref_squeeze %dma_start3A_14 : memref<1x2x96xi32, #tpu.memory_space<vmem>> -> memref<2x96xi32, #tpu.memory_space<vmem>>
    %dma_start3A_16 = arith.constant 0 : i32
    %dma_start3A_17 = arith.constant 0 : i32
    %dma_start3A_18 = tpu.memref_slice %arg3[%add3A, %dma_start3A, %dma_start3A_16, %dma_start3A_17] : memref<32x108x2x96xi32, #tpu.memory_space<hbm>> -> memref<1x1x2x96xi32, #tpu.memory_space<hbm>>
    %dma_start3A_19 = tpu.memref_squeeze %dma_start3A_18 : memref<1x1x2x96xi32, #tpu.memory_space<hbm>> -> memref<2x96xi32, #tpu.memory_space<hbm>>
    tpu.enqueue_dma source(%dma_start3A_19 : memref<2x96xi32, #tpu.memory_space<hbm>>) target(%dma_start3A_15 : memref<2x96xi32, #tpu.memory_space<vmem>>) target_semaphore(%arg9 : memref<!tpu.dma_semaphore, #tpu.memory_space<semaphore_mem>>)
    %dma_start3A_20 = arith.constant 1 : i32
    %dma_start3A_21 = arith.constant 1 : i32
    %dma_start3A_22 = arith.constant 0 : i32
    %dma_start3A_23 = arith.constant 0 : i32
    %dma_start3A_24 = tpu.memref_slice %arg6[%dma_start3A_21, %dma_start3A_22, %dma_start3A_23] : memref<3x2x96xi32, #tpu.memory_space<vmem>> -> memref<1x2x96xi32, #tpu.memory_space<vmem>>
    %dma_start3A_25 = tpu.memref_squeeze %dma_start3A_24 : memref<1x2x96xi32, #tpu.memory_space<vmem>> -> memref<2x96xi32, #tpu.memory_space<vmem>>
    %dma_start3A_26 = arith.constant 0 : i32
    %dma_start3A_27 = arith.constant 0 : i32
    %dma_start3A_28 = tpu.memref_slice %arg3[%add3A, %dma_start3A_20, %dma_start3A_26, %dma_start3A_27] : memref<32x108x2x96xi32, #tpu.memory_space<hbm>> -> memref<1x1x2x96xi32, #tpu.memory_space<hbm>>
    %dma_start3A_29 = tpu.memref_squeeze %dma_start3A_28 : memref<1x1x2x96xi32, #tpu.memory_space<hbm>> -> memref<2x96xi32, #tpu.memory_space<hbm>>
    %dma_start3A_30 = arith.constant 0 : i32
    %dma_start3A_31 = arith.constant 0 : i32
    %dma_start3A_32 = tpu.memref_slice %arg6[%dma_start3A_21, %dma_start3A_30, %dma_start3A_31] : memref<3x2x96xi32, #tpu.memory_space<vmem>> -> memref<1x2x96xi32, #tpu.memory_space<vmem>>
    %dma_start3A_33 = tpu.memref_squeeze %dma_start3A_32 : memref<1x2x96xi32, #tpu.memory_space<vmem>> -> memref<2x96xi32, #tpu.memory_space<vmem>>
    %dma_start3A_34 = arith.constant 0 : i32
    %dma_start3A_35 = arith.constant 0 : i32
    %dma_start3A_36 = tpu.memref_slice %arg3[%add3A, %dma_start3A_20, %dma_start3A_34, %dma_start3A_35] : memref<32x108x2x96xi32, #tpu.memory_space<hbm>> -> memref<1x1x2x96xi32, #tpu.memory_space<hbm>>
    %dma_start3A_37 = tpu.memref_squeeze %dma_start3A_36 : memref<1x1x2x96xi32, #tpu.memory_space<hbm>> -> memref<2x96xi32, #tpu.memory_space<hbm>>
    tpu.enqueue_dma source(%dma_start3A_37 : memref<2x96xi32, #tpu.memory_space<hbm>>) target(%dma_start3A_33 : memref<2x96xi32, #tpu.memory_space<vmem>>) target_semaphore(%arg10 : memref<!tpu.dma_semaphore, #tpu.memory_space<semaphore_mem>>)
    %dma_wait3A = arith.constant 0 : i32
    %dma_wait3A_38 = arith.constant 0 : i32
    %dma_wait3A_39 = arith.constant 0 : i32
    %dma_wait3A_40 = arith.constant 0 : i32
    %dma_wait3A_41 = tpu.memref_slice %arg6[%dma_wait3A_38, %dma_wait3A_39, %dma_wait3A_40] : memref<3x2x96xi32, #tpu.memory_space<vmem>> -> memref<1x2x96xi32, #tpu.memory_space<vmem>>
    %dma_wait3A_42 = tpu.memref_squeeze %dma_wait3A_41 : memref<1x2x96xi32, #tpu.memory_space<vmem>> -> memref<2x96xi32, #tpu.memory_space<vmem>>
    %dma_wait3A_43 = arith.constant 0 : i32
    %dma_wait3A_44 = arith.constant 0 : i32
    %dma_wait3A_45 = tpu.memref_slice %arg3[%add3A, %dma_wait3A, %dma_wait3A_43, %dma_wait3A_44] : memref<32x108x2x96xi32, #tpu.memory_space<hbm>> -> memref<1x1x2x96xi32, #tpu.memory_space<hbm>>
    %dma_wait3A_46 = tpu.memref_squeeze %dma_wait3A_45 : memref<1x1x2x96xi32, #tpu.memory_space<hbm>> -> memref<2x96xi32, #tpu.memory_space<hbm>>
    %dma_wait3A_47 = arith.constant 0 : i32
    %dma_wait3A_48 = arith.constant 0 : i32
    %dma_wait3A_49 = tpu.memref_slice %arg6[%dma_wait3A_38, %dma_wait3A_47, %dma_wait3A_48] : memref<3x2x96xi32, #tpu.memory_space<vmem>> -> memref<1x2x96xi32, #tpu.memory_space<vmem>>
    %dma_wait3A_50 = tpu.memref_squeeze %dma_wait3A_49 : memref<1x2x96xi32, #tpu.memory_space<vmem>> -> memref<2x96xi32, #tpu.memory_space<vmem>>
    %dma_wait3A_51 = arith.constant 0 : i32
    %dma_wait3A_52 = arith.constant 0 : i32
    %dma_wait3A_53 = tpu.memref_slice %arg3[%add3A, %dma_wait3A, %dma_wait3A_51, %dma_wait3A_52] : memref<32x108x2x96xi32, #tpu.memory_space<hbm>> -> memref<1x1x2x96xi32, #tpu.memory_space<hbm>>
    %dma_wait3A_54 = tpu.memref_squeeze %dma_wait3A_53 : memref<1x1x2x96xi32, #tpu.memory_space<hbm>> -> memref<2x96xi32, #tpu.memory_space<hbm>>
    tpu.wait_dma2 semaphore(%arg9 : memref<!tpu.dma_semaphore, #tpu.memory_space<semaphore_mem>>) src(%dma_wait3A_54 : memref<2x96xi32, #tpu.memory_space<hbm>>) dst(%dma_wait3A_50 : memref<2x96xi32, #tpu.memory_space<vmem>>)
    %dma_start3A_55 = arith.constant 0 : i32
    %dma_start3A_56 = arith.constant 0 : i32
    %dma_start3A_57 = arith.constant 0 : i32
    %dma_start3A_58 = arith.constant 0 : i32
    %dma_start3A_59 = arith.constant 0 : i32
    %dma_start3A_60 = tpu.memref_slice %arg7[%dma_start3A_57, %dma_start3A_58, %dma_start3A_59] : memref<2x96x128xf32, #tpu.memory_space<vmem>> -> memref<1x48x128xf32, #tpu.memory_space<vmem>>
    %dma_start3A_61 = tpu.memref_squeeze %dma_start3A_60 : memref<1x48x128xf32, #tpu.memory_space<vmem>> -> memref<48x128xf32, #tpu.memory_space<vmem>>
    %dma_start3A_62 = arith.constant 0 : i32
    %dma_start3A_63 = tpu.memref_slice %arg6[%dma_start3A_55, %dma_start3A_56, %dma_start3A_62] : memref<3x2x96xi32, #tpu.memory_space<vmem>> -> memref<1x1x48xi32, #tpu.memory_space<vmem>>
    %dma_start3A_64 = tpu.memref_squeeze %dma_start3A_63 : memref<1x1x48xi32, #tpu.memory_space<vmem>> -> memref<48xi32, #tpu.memory_space<vmem>>
    %dma_start3A_65 = arith.constant 0 : i32
    %dma_start3A_66 = arith.constant 0 : i32
    %dma_start3A_67 = tpu.memref_slice %arg2[%dma_start3A_65, %dma_start3A_66] : memref<10000x128xf32, #tpu.memory_space<hbm>> -> memref<10000x128xf32, #tpu.memory_space<hbm>>
    tpu.enqueue_indirect_dma source(%dma_start3A_67 : memref<10000x128xf32, #tpu.memory_space<hbm>>) target(%dma_start3A_61 : memref<48x128xf32, #tpu.memory_space<vmem>>) offsets(%dma_start3A_64 : memref<48xi32, #tpu.memory_space<vmem>>) semaphore(%arg12 : memref<!tpu.dma_semaphore, #tpu.memory_space<semaphore_mem>>)
    %dma_start3A_68 = arith.constant 0 : i32
    %dma_start3A_69 = arith.constant 0 : i32
    %dma_start3A_70 = arith.constant 0 : i32
    %dma_start3A_71 = arith.constant 48 : i32
    %dma_start3A_72 = arith.constant 0 : i32
    %dma_start3A_73 = tpu.memref_slice %arg7[%dma_start3A_70, %dma_start3A_71, %dma_start3A_72] : memref<2x96x128xf32, #tpu.memory_space<vmem>> -> memref<1x48x128xf32, #tpu.memory_space<vmem>>
    %dma_start3A_74 = tpu.memref_squeeze %dma_start3A_73 : memref<1x48x128xf32, #tpu.memory_space<vmem>> -> memref<48x128xf32, #tpu.memory_space<vmem>>
    %dma_start3A_75 = arith.constant 48 : i32
    %dma_start3A_76 = tpu.memref_slice %arg6[%dma_start3A_68, %dma_start3A_69, %dma_start3A_75] : memref<3x2x96xi32, #tpu.memory_space<vmem>> -> memref<1x1x48xi32, #tpu.memory_space<vmem>>
    %dma_start3A_77 = tpu.memref_squeeze %dma_start3A_76 : memref<1x1x48xi32, #tpu.memory_space<vmem>> -> memref<48xi32, #tpu.memory_space<vmem>>
    %dma_start3A_78 = arith.constant 0 : i32
    %dma_start3A_79 = arith.constant 0 : i32
    %dma_start3A_80 = tpu.memref_slice %arg2[%dma_start3A_78, %dma_start3A_79] : memref<10000x128xf32, #tpu.memory_space<hbm>> -> memref<10000x128xf32, #tpu.memory_space<hbm>>
    tpu.enqueue_indirect_dma source(%dma_start3A_80 : memref<10000x128xf32, #tpu.memory_space<hbm>>) target(%dma_start3A_74 : memref<48x128xf32, #tpu.memory_space<vmem>>) offsets(%dma_start3A_77 : memref<48xi32, #tpu.memory_space<vmem>>) semaphore(%arg13 : memref<!tpu.dma_semaphore, #tpu.memory_space<semaphore_mem>>)
    %scan3A = arith.constant 0 : i32
    %scan3A_81 = arith.constant 0 : i32
    %scan3A_82 = arith.constant 18 : i32
    %scan3A_83 = arith.addi %scan3A_81, %scan3A_82 : i32
    %scan3A_84 = arith.constant 1 : i32
    scf.for %scan3A_107 = %scan3A_81 to %scan3A_83 step %scan3A_84  : i32 {
      %mul3A_108 = arith.constant 6 : i32
      %mul3A_109 = arith.muli %scan3A_107, %mul3A_108 : i32
      %add3A_110 = arith.constant 0 : i32
      %add3A_111 = arith.addi %mul3A_109, %add3A_110 : i32
      %gt3A = arith.constant 0 : i32
      %gt3A_112 = arith.cmpi sgt, %add3A_111, %gt3A : i32
      %convert_element_type3A = arith.extui %gt3A_112 : i1 to i32
      %cond3A = arith.constant 0 : i32
      %cond3A_113 = arith.cmpi ne, %convert_element_type3A, %cond3A : i32
      scf.if %cond3A_113 {
        %dma_wait3A_508 = arith.constant 1 : i32
        %dma_wait3A_509 = arith.constant 2 : i32
        %dma_wait3A_510 = arith.constant 1 : i32
        %dma_wait3A_511 = arith.constant 0 : i32
        %dma_wait3A_512 = arith.constant 0 : i32
        %dma_wait3A_513 = tpu.memref_slice %arg7[%dma_wait3A_508, %dma_wait3A_511, %dma_wait3A_512] : memref<2x96x128xf32, #tpu.memory_space<vmem>> -> memref<1x96x128xf32, #tpu.memory_space<vmem>>
        %dma_wait3A_514 = tpu.memref_squeeze %dma_wait3A_513 : memref<1x96x128xf32, #tpu.memory_space<vmem>> -> memref<96x128xf32, #tpu.memory_space<vmem>>
        %dma_wait3A_515 = arith.constant 0 : i32
        %dma_wait3A_516 = tpu.memref_slice %arg6[%dma_wait3A_509, %dma_wait3A_510, %dma_wait3A_515] : memref<3x2x96xi32, #tpu.memory_space<vmem>> -> memref<1x1x96xi32, #tpu.memory_space<vmem>>
        %dma_wait3A_517 = tpu.memref_squeeze %dma_wait3A_516 : memref<1x1x96xi32, #tpu.memory_space<vmem>> -> memref<96xi32, #tpu.memory_space<vmem>>
        %dma_wait3A_518 = arith.constant 0 : i32
        %dma_wait3A_519 = arith.constant 0 : i32
        %dma_wait3A_520 = tpu.memref_slice %arg8[%dma_wait3A_518, %dma_wait3A_519] : memref<10112x128xf32, #tpu.memory_space<vmem_shared>> -> memref<10112x128xf32, #tpu.memory_space<vmem_shared>>
        tpu.wait_indirect_dma semaphore(%arg17 : memref<!tpu.dma_semaphore, #tpu.memory_space<semaphore_mem>>) src(%dma_wait3A_514 : memref<96x128xf32, #tpu.memory_space<vmem>>) dst(%dma_wait3A_520 : memref<10112x128xf32, #tpu.memory_space<vmem_shared>>)
      } else {
      }
      %add3A_114 = arith.constant 2 : i32
      %add3A_115 = arith.addi %add3A_111, %add3A_114 : i32
      %lt3A = arith.constant 108 : i32
      %lt3A_116 = arith.cmpi slt, %add3A_115, %lt3A : i32
      %convert_element_type3A_117 = arith.extui %lt3A_116 : i1 to i32
      %cond3A_118 = arith.constant 0 : i32
      %cond3A_119 = arith.cmpi ne, %convert_element_type3A_117, %cond3A_118 : i32
      scf.if %cond3A_119 {
        %add3A_508 = arith.constant 2 : i32
        %add3A_509 = arith.addi %add3A_111, %add3A_508 : i32
        %dma_start3A_510 = arith.constant 2 : i32
        %dma_start3A_511 = arith.constant 0 : i32
        %dma_start3A_512 = arith.constant 0 : i32
        %dma_start3A_513 = tpu.memref_slice %arg6[%dma_start3A_510, %dma_start3A_511, %dma_start3A_512] : memref<3x2x96xi32, #tpu.memory_space<vmem>> -> memref<1x2x96xi32, #tpu.memory_space<vmem>>
        %dma_start3A_514 = tpu.memref_squeeze %dma_start3A_513 : memref<1x2x96xi32, #tpu.memory_space<vmem>> -> memref<2x96xi32, #tpu.memory_space<vmem>>
        %dma_start3A_515 = arith.constant 0 : i32
        %dma_start3A_516 = arith.constant 0 : i32
        %dma_start3A_517 = tpu.memref_slice %arg3[%add3A, %add3A_509, %dma_start3A_515, %dma_start3A_516] : memref<32x108x2x96xi32, #tpu.memory_space<hbm>> -> memref<1x1x2x96xi32, #tpu.memory_space<hbm>>
        %dma_start3A_518 = tpu.memref_squeeze %dma_start3A_517 : memref<1x1x2x96xi32, #tpu.memory_space<hbm>> -> memref<2x96xi32, #tpu.memory_space<hbm>>
        %dma_start3A_519 = arith.constant 0 : i32
        %dma_start3A_520 = arith.constant 0 : i32
        %dma_start3A_521 = tpu.memref_slice %arg6[%dma_start3A_510, %dma_start3A_519, %dma_start3A_520] : memref<3x2x96xi32, #tpu.memory_space<vmem>> -> memref<1x2x96xi32, #tpu.memory_space<vmem>>
        %dma_start3A_522 = tpu.memref_squeeze %dma_start3A_521 : memref<1x2x96xi32, #tpu.memory_space<vmem>> -> memref<2x96xi32, #tpu.memory_space<vmem>>
        %dma_start3A_523 = arith.constant 0 : i32
        %dma_start3A_524 = arith.constant 0 : i32
        %dma_start3A_525 = tpu.memref_slice %arg3[%add3A, %add3A_509, %dma_start3A_523, %dma_start3A_524] : memref<32x108x2x96xi32, #tpu.memory_space<hbm>> -> memref<1x1x2x96xi32, #tpu.memory_space<hbm>>
        %dma_start3A_526 = tpu.memref_squeeze %dma_start3A_525 : memref<1x1x2x96xi32, #tpu.memory_space<hbm>> -> memref<2x96xi32, #tpu.memory_space<hbm>>
        tpu.enqueue_dma source(%dma_start3A_526 : memref<2x96xi32, #tpu.memory_space<hbm>>) target(%dma_start3A_522 : memref<2x96xi32, #tpu.memory_space<vmem>>) target_semaphore(%arg11 : memref<!tpu.dma_semaphore, #tpu.memory_space<semaphore_mem>>)
      } else {
      }
      %add3A_120 = arith.constant 1 : i32
      %add3A_121 = arith.addi %add3A_111, %add3A_120 : i32
      %lt3A_122 = arith.constant 108 : i32
      %lt3A_123 = arith.cmpi slt, %add3A_121, %lt3A_122 : i32
      %convert_element_type3A_124 = arith.extui %lt3A_123 : i1 to i32
      %cond3A_125 = arith.constant 0 : i32
      %cond3A_126 = arith.cmpi ne, %convert_element_type3A_124, %cond3A_125 : i32
      scf.if %cond3A_126 {
        %add3A_508 = arith.constant 1 : i32
        %add3A_509 = arith.addi %add3A_111, %add3A_508 : i32
        %dma_wait3A_510 = arith.constant 1 : i32
        %dma_wait3A_511 = arith.constant 0 : i32
        %dma_wait3A_512 = arith.constant 0 : i32
        %dma_wait3A_513 = tpu.memref_slice %arg6[%dma_wait3A_510, %dma_wait3A_511, %dma_wait3A_512] : memref<3x2x96xi32, #tpu.memory_space<vmem>> -> memref<1x2x96xi32, #tpu.memory_space<vmem>>
        %dma_wait3A_514 = tpu.memref_squeeze %dma_wait3A_513 : memref<1x2x96xi32, #tpu.memory_space<vmem>> -> memref<2x96xi32, #tpu.memory_space<vmem>>
        %dma_wait3A_515 = arith.constant 0 : i32
        %dma_wait3A_516 = arith.constant 0 : i32
        %dma_wait3A_517 = tpu.memref_slice %arg3[%add3A, %add3A_509, %dma_wait3A_515, %dma_wait3A_516] : memref<32x108x2x96xi32, #tpu.memory_space<hbm>> -> memref<1x1x2x96xi32, #tpu.memory_space<hbm>>
        %dma_wait3A_518 = tpu.memref_squeeze %dma_wait3A_517 : memref<1x1x2x96xi32, #tpu.memory_space<hbm>> -> memref<2x96xi32, #tpu.memory_space<hbm>>
        %dma_wait3A_519 = arith.constant 0 : i32
        %dma_wait3A_520 = arith.constant 0 : i32
        %dma_wait3A_521 = tpu.memref_slice %arg6[%dma_wait3A_510, %dma_wait3A_519, %dma_wait3A_520] : memref<3x2x96xi32, #tpu.memory_space<vmem>> -> memref<1x2x96xi32, #tpu.memory_space<vmem>>
        %dma_wait3A_522 = tpu.memref_squeeze %dma_wait3A_521 : memref<1x2x96xi32, #tpu.memory_space<vmem>> -> memref<2x96xi32, #tpu.memory_space<vmem>>
        %dma_wait3A_523 = arith.constant 0 : i32
        %dma_wait3A_524 = arith.constant 0 : i32
        %dma_wait3A_525 = tpu.memref_slice %arg3[%add3A, %add3A_509, %dma_wait3A_523, %dma_wait3A_524] : memref<32x108x2x96xi32, #tpu.memory_space<hbm>> -> memref<1x1x2x96xi32, #tpu.memory_space<hbm>>
        %dma_wait3A_526 = tpu.memref_squeeze %dma_wait3A_525 : memref<1x1x2x96xi32, #tpu.memory_space<hbm>> -> memref<2x96xi32, #tpu.memory_space<hbm>>
        tpu.wait_dma2 semaphore(%arg10 : memref<!tpu.dma_semaphore, #tpu.memory_space<semaphore_mem>>) src(%dma_wait3A_526 : memref<2x96xi32, #tpu.memory_space<hbm>>) dst(%dma_wait3A_522 : memref<2x96xi32, #tpu.memory_space<vmem>>)
      } else {
      }
      %add3A_127 = arith.constant 1 : i32
      %add3A_128 = arith.addi %add3A_111, %add3A_127 : i32
      %lt3A_129 = arith.constant 108 : i32
      %lt3A_130 = arith.cmpi slt, %add3A_128, %lt3A_129 : i32
      %convert_element_type3A_131 = arith.extui %lt3A_130 : i1 to i32
      %cond3A_132 = arith.constant 0 : i32
      %cond3A_133 = arith.cmpi ne, %convert_element_type3A_131, %cond3A_132 : i32
      scf.if %cond3A_133 {
        %dma_start3A_508 = arith.constant 1 : i32
        %dma_start3A_509 = arith.constant 0 : i32
        %dma_start3A_510 = arith.constant 1 : i32
        %dma_start3A_511 = arith.constant 0 : i32
        %dma_start3A_512 = arith.constant 0 : i32
        %dma_start3A_513 = tpu.memref_slice %arg7[%dma_start3A_510, %dma_start3A_511, %dma_start3A_512] : memref<2x96x128xf32, #tpu.memory_space<vmem>> -> memref<1x48x128xf32, #tpu.memory_space<vmem>>
        %dma_start3A_514 = tpu.memref_squeeze %dma_start3A_513 : memref<1x48x128xf32, #tpu.memory_space<vmem>> -> memref<48x128xf32, #tpu.memory_space<vmem>>
        %dma_start3A_515 = arith.constant 0 : i32
        %dma_start3A_516 = tpu.memref_slice %arg6[%dma_start3A_508, %dma_start3A_509, %dma_start3A_515] : memref<3x2x96xi32, #tpu.memory_space<vmem>> -> memref<1x1x48xi32, #tpu.memory_space<vmem>>
        %dma_start3A_517 = tpu.memref_squeeze %dma_start3A_516 : memref<1x1x48xi32, #tpu.memory_space<vmem>> -> memref<48xi32, #tpu.memory_space<vmem>>
        %dma_start3A_518 = arith.constant 0 : i32
        %dma_start3A_519 = arith.constant 0 : i32
        %dma_start3A_520 = tpu.memref_slice %arg2[%dma_start3A_518, %dma_start3A_519] : memref<10000x128xf32, #tpu.memory_space<hbm>> -> memref<10000x128xf32, #tpu.memory_space<hbm>>
        tpu.enqueue_indirect_dma source(%dma_start3A_520 : memref<10000x128xf32, #tpu.memory_space<hbm>>) target(%dma_start3A_514 : memref<48x128xf32, #tpu.memory_space<vmem>>) offsets(%dma_start3A_517 : memref<48xi32, #tpu.memory_space<vmem>>) semaphore(%arg14 : memref<!tpu.dma_semaphore, #tpu.memory_space<semaphore_mem>>)
        %dma_start3A_521 = arith.constant 1 : i32
        %dma_start3A_522 = arith.constant 0 : i32
        %dma_start3A_523 = arith.constant 1 : i32
        %dma_start3A_524 = arith.constant 48 : i32
        %dma_start3A_525 = arith.constant 0 : i32
        %dma_start3A_526 = tpu.memref_slice %arg7[%dma_start3A_523, %dma_start3A_524, %dma_start3A_525] : memref<2x96x128xf32, #tpu.memory_space<vmem>> -> memref<1x48x128xf32, #tpu.memory_space<vmem>>
        %dma_start3A_527 = tpu.memref_squeeze %dma_start3A_526 : memref<1x48x128xf32, #tpu.memory_space<vmem>> -> memref<48x128xf32, #tpu.memory_space<vmem>>
        %dma_start3A_528 = arith.constant 48 : i32
        %dma_start3A_529 = tpu.memref_slice %arg6[%dma_start3A_521, %dma_start3A_522, %dma_start3A_528] : memref<3x2x96xi32, #tpu.memory_space<vmem>> -> memref<1x1x48xi32, #tpu.memory_space<vmem>>
        %dma_start3A_530 = tpu.memref_squeeze %dma_start3A_529 : memref<1x1x48xi32, #tpu.memory_space<vmem>> -> memref<48xi32, #tpu.memory_space<vmem>>
        %dma_start3A_531 = arith.constant 0 : i32
        %dma_start3A_532 = arith.constant 0 : i32
        %dma_start3A_533 = tpu.memref_slice %arg2[%dma_start3A_531, %dma_start3A_532] : memref<10000x128xf32, #tpu.memory_space<hbm>> -> memref<10000x128xf32, #tpu.memory_space<hbm>>
        tpu.enqueue_indirect_dma source(%dma_start3A_533 : memref<10000x128xf32, #tpu.memory_space<hbm>>) target(%dma_start3A_527 : memref<48x128xf32, #tpu.memory_space<vmem>>) offsets(%dma_start3A_530 : memref<48xi32, #tpu.memory_space<vmem>>) semaphore(%arg15 : memref<!tpu.dma_semaphore, #tpu.memory_space<semaphore_mem>>)
      } else {
      }
      %dma_wait3A_134 = arith.constant 0 : i32
      %dma_wait3A_135 = arith.constant 0 : i32
      %dma_wait3A_136 = arith.constant 0 : i32
      %dma_wait3A_137 = arith.constant 0 : i32
      %dma_wait3A_138 = arith.constant 0 : i32
      %dma_wait3A_139 = tpu.memref_slice %arg7[%dma_wait3A_136, %dma_wait3A_137, %dma_wait3A_138] : memref<2x96x128xf32, #tpu.memory_space<vmem>> -> memref<1x48x128xf32, #tpu.memory_space<vmem>>
      %dma_wait3A_140 = tpu.memref_squeeze %dma_wait3A_139 : memref<1x48x128xf32, #tpu.memory_space<vmem>> -> memref<48x128xf32, #tpu.memory_space<vmem>>
      %dma_wait3A_141 = arith.constant 0 : i32
      %dma_wait3A_142 = tpu.memref_slice %arg6[%dma_wait3A_134, %dma_wait3A_135, %dma_wait3A_141] : memref<3x2x96xi32, #tpu.memory_space<vmem>> -> memref<1x1x48xi32, #tpu.memory_space<vmem>>
      %dma_wait3A_143 = tpu.memref_squeeze %dma_wait3A_142 : memref<1x1x48xi32, #tpu.memory_space<vmem>> -> memref<48xi32, #tpu.memory_space<vmem>>
      %dma_wait3A_144 = arith.constant 0 : i32
      %dma_wait3A_145 = arith.constant 0 : i32
      %dma_wait3A_146 = tpu.memref_slice %arg2[%dma_wait3A_144, %dma_wait3A_145] : memref<10000x128xf32, #tpu.memory_space<hbm>> -> memref<10000x128xf32, #tpu.memory_space<hbm>>
      tpu.wait_indirect_dma semaphore(%arg12 : memref<!tpu.dma_semaphore, #tpu.memory_space<semaphore_mem>>) src(%dma_wait3A_146 : memref<10000x128xf32, #tpu.memory_space<hbm>>) dst(%dma_wait3A_140 : memref<48x128xf32, #tpu.memory_space<vmem>>)
      %dma_wait3A_147 = arith.constant 0 : i32
      %dma_wait3A_148 = arith.constant 0 : i32
      %dma_wait3A_149 = arith.constant 0 : i32
      %dma_wait3A_150 = arith.constant 48 : i32
      %dma_wait3A_151 = arith.constant 0 : i32
      %dma_wait3A_152 = tpu.memref_slice %arg7[%dma_wait3A_149, %dma_wait3A_150, %dma_wait3A_151] : memref<2x96x128xf32, #tpu.memory_space<vmem>> -> memref<1x48x128xf32, #tpu.memory_space<vmem>>
      %dma_wait3A_153 = tpu.memref_squeeze %dma_wait3A_152 : memref<1x48x128xf32, #tpu.memory_space<vmem>> -> memref<48x128xf32, #tpu.memory_space<vmem>>
      %dma_wait3A_154 = arith.constant 48 : i32
      %dma_wait3A_155 = tpu.memref_slice %arg6[%dma_wait3A_147, %dma_wait3A_148, %dma_wait3A_154] : memref<3x2x96xi32, #tpu.memory_space<vmem>> -> memref<1x1x48xi32, #tpu.memory_space<vmem>>
      %dma_wait3A_156 = tpu.memref_squeeze %dma_wait3A_155 : memref<1x1x48xi32, #tpu.memory_space<vmem>> -> memref<48xi32, #tpu.memory_space<vmem>>
      %dma_wait3A_157 = arith.constant 0 : i32
      %dma_wait3A_158 = arith.constant 0 : i32
      %dma_wait3A_159 = tpu.memref_slice %arg2[%dma_wait3A_157, %dma_wait3A_158] : memref<10000x128xf32, #tpu.memory_space<hbm>> -> memref<10000x128xf32, #tpu.memory_space<hbm>>
      tpu.wait_indirect_dma semaphore(%arg13 : memref<!tpu.dma_semaphore, #tpu.memory_space<semaphore_mem>>) src(%dma_wait3A_159 : memref<10000x128xf32, #tpu.memory_space<hbm>>) dst(%dma_wait3A_153 : memref<48x128xf32, #tpu.memory_space<vmem>>)
      %dma_start3A_160 = arith.constant 0 : i32
      %dma_start3A_161 = arith.constant 0 : i32
      %dma_start3A_162 = arith.constant 1 : i32
      %dma_start3A_163 = arith.constant 0 : i32
      %dma_start3A_164 = arith.constant 0 : i32
      %dma_start3A_165 = tpu.memref_slice %arg7[%dma_start3A_160, %dma_start3A_163, %dma_start3A_164] : memref<2x96x128xf32, #tpu.memory_space<vmem>> -> memref<1x96x128xf32, #tpu.memory_space<vmem>>
      %dma_start3A_166 = tpu.memref_squeeze %dma_start3A_165 : memref<1x96x128xf32, #tpu.memory_space<vmem>> -> memref<96x128xf32, #tpu.memory_space<vmem>>
      %dma_start3A_167 = arith.constant 0 : i32
      %dma_start3A_168 = tpu.memref_slice %arg6[%dma_start3A_161, %dma_start3A_162, %dma_start3A_167] : memref<3x2x96xi32, #tpu.memory_space<vmem>> -> memref<1x1x96xi32, #tpu.memory_space<vmem>>
      %dma_start3A_169 = tpu.memref_squeeze %dma_start3A_168 : memref<1x1x96xi32, #tpu.memory_space<vmem>> -> memref<96xi32, #tpu.memory_space<vmem>>
      %dma_start3A_170 = arith.constant 0 : i32
      %dma_start3A_171 = arith.constant 0 : i32
      %dma_start3A_172 = tpu.memref_slice %arg8[%dma_start3A_170, %dma_start3A_171] : memref<10112x128xf32, #tpu.memory_space<vmem_shared>> -> memref<10112x128xf32, #tpu.memory_space<vmem_shared>>
      tpu.enqueue_indirect_dma source(%dma_start3A_166 : memref<96x128xf32, #tpu.memory_space<vmem>>) target(%dma_start3A_172 : memref<10112x128xf32, #tpu.memory_space<vmem_shared>>) offsets(%dma_start3A_169 : memref<96xi32, #tpu.memory_space<vmem>>) semaphore(%arg16 : memref<!tpu.dma_semaphore, #tpu.memory_space<semaphore_mem>>) {add = true}
      %add3A_173 = arith.constant 1 : i32
      %add3A_174 = arith.addi %mul3A_109, %add3A_173 : i32
      %gt3A_175 = arith.constant 0 : i32
      %gt3A_176 = arith.cmpi sgt, %add3A_174, %gt3A_175 : i32
      %convert_element_type3A_177 = arith.extui %gt3A_176 : i1 to i32
      %cond3A_178 = arith.constant 0 : i32
      %cond3A_179 = arith.cmpi ne, %convert_element_type3A_177, %cond3A_178 : i32
      scf.if %cond3A_179 {
        %dma_wait3A_508 = arith.constant 0 : i32
        %dma_wait3A_509 = arith.constant 0 : i32
        %dma_wait3A_510 = arith.constant 1 : i32
        %dma_wait3A_511 = arith.constant 0 : i32
        %dma_wait3A_512 = arith.constant 0 : i32
        %dma_wait3A_513 = tpu.memref_slice %arg7[%dma_wait3A_508, %dma_wait3A_511, %dma_wait3A_512] : memref<2x96x128xf32, #tpu.memory_space<vmem>> -> memref<1x96x128xf32, #tpu.memory_space<vmem>>
        %dma_wait3A_514 = tpu.memref_squeeze %dma_wait3A_513 : memref<1x96x128xf32, #tpu.memory_space<vmem>> -> memref<96x128xf32, #tpu.memory_space<vmem>>
        %dma_wait3A_515 = arith.constant 0 : i32
        %dma_wait3A_516 = tpu.memref_slice %arg6[%dma_wait3A_509, %dma_wait3A_510, %dma_wait3A_515] : memref<3x2x96xi32, #tpu.memory_space<vmem>> -> memref<1x1x96xi32, #tpu.memory_space<vmem>>
        %dma_wait3A_517 = tpu.memref_squeeze %dma_wait3A_516 : memref<1x1x96xi32, #tpu.memory_space<vmem>> -> memref<96xi32, #tpu.memory_space<vmem>>
        %dma_wait3A_518 = arith.constant 0 : i32
        %dma_wait3A_519 = arith.constant 0 : i32
        %dma_wait3A_520 = tpu.memref_slice %arg8[%dma_wait3A_518, %dma_wait3A_519] : memref<10112x128xf32, #tpu.memory_space<vmem_shared>> -> memref<10112x128xf32, #tpu.memory_space<vmem_shared>>
        tpu.wait_indirect_dma semaphore(%arg16 : memref<!tpu.dma_semaphore, #tpu.memory_space<semaphore_mem>>) src(%dma_wait3A_514 : memref<96x128xf32, #tpu.memory_space<vmem>>) dst(%dma_wait3A_520 : memref<10112x128xf32, #tpu.memory_space<vmem_shared>>)
      } else {
      }
      %add3A_180 = arith.constant 2 : i32
      %add3A_181 = arith.addi %add3A_174, %add3A_180 : i32
      %lt3A_182 = arith.constant 108 : i32
      %lt3A_183 = arith.cmpi slt, %add3A_181, %lt3A_182 : i32
      %convert_element_type3A_184 = arith.extui %lt3A_183 : i1 to i32
      %cond3A_185 = arith.constant 0 : i32
      %cond3A_186 = arith.cmpi ne, %convert_element_type3A_184, %cond3A_185 : i32
      scf.if %cond3A_186 {
        %add3A_508 = arith.constant 2 : i32
        %add3A_509 = arith.addi %add3A_174, %add3A_508 : i32
        %dma_start3A_510 = arith.constant 0 : i32
        %dma_start3A_511 = arith.constant 0 : i32
        %dma_start3A_512 = arith.constant 0 : i32
        %dma_start3A_513 = tpu.memref_slice %arg6[%dma_start3A_510, %dma_start3A_511, %dma_start3A_512] : memref<3x2x96xi32, #tpu.memory_space<vmem>> -> memref<1x2x96xi32, #tpu.memory_space<vmem>>
        %dma_start3A_514 = tpu.memref_squeeze %dma_start3A_513 : memref<1x2x96xi32, #tpu.memory_space<vmem>> -> memref<2x96xi32, #tpu.memory_space<vmem>>
        %dma_start3A_515 = arith.constant 0 : i32
        %dma_start3A_516 = arith.constant 0 : i32
        %dma_start3A_517 = tpu.memref_slice %arg3[%add3A, %add3A_509, %dma_start3A_515, %dma_start3A_516] : memref<32x108x2x96xi32, #tpu.memory_space<hbm>> -> memref<1x1x2x96xi32, #tpu.memory_space<hbm>>
        %dma_start3A_518 = tpu.memref_squeeze %dma_start3A_517 : memref<1x1x2x96xi32, #tpu.memory_space<hbm>> -> memref<2x96xi32, #tpu.memory_space<hbm>>
        %dma_start3A_519 = arith.constant 0 : i32
        %dma_start3A_520 = arith.constant 0 : i32
        %dma_start3A_521 = tpu.memref_slice %arg6[%dma_start3A_510, %dma_start3A_519, %dma_start3A_520] : memref<3x2x96xi32, #tpu.memory_space<vmem>> -> memref<1x2x96xi32, #tpu.memory_space<vmem>>
        %dma_start3A_522 = tpu.memref_squeeze %dma_start3A_521 : memref<1x2x96xi32, #tpu.memory_space<vmem>> -> memref<2x96xi32, #tpu.memory_space<vmem>>
        %dma_start3A_523 = arith.constant 0 : i32
        %dma_start3A_524 = arith.constant 0 : i32
        %dma_start3A_525 = tpu.memref_slice %arg3[%add3A, %add3A_509, %dma_start3A_523, %dma_start3A_524] : memref<32x108x2x96xi32, #tpu.memory_space<hbm>> -> memref<1x1x2x96xi32, #tpu.memory_space<hbm>>
        %dma_start3A_526 = tpu.memref_squeeze %dma_start3A_525 : memref<1x1x2x96xi32, #tpu.memory_space<hbm>> -> memref<2x96xi32, #tpu.memory_space<hbm>>
        tpu.enqueue_dma source(%dma_start3A_526 : memref<2x96xi32, #tpu.memory_space<hbm>>) target(%dma_start3A_522 : memref<2x96xi32, #tpu.memory_space<vmem>>) target_semaphore(%arg9 : memref<!tpu.dma_semaphore, #tpu.memory_space<semaphore_mem>>)
      } else {
      }
      %add3A_187 = arith.constant 1 : i32
      %add3A_188 = arith.addi %add3A_174, %add3A_187 : i32
      %lt3A_189 = arith.constant 108 : i32
      %lt3A_190 = arith.cmpi slt, %add3A_188, %lt3A_189 : i32
      %convert_element_type3A_191 = arith.extui %lt3A_190 : i1 to i32
      %cond3A_192 = arith.constant 0 : i32
      %cond3A_193 = arith.cmpi ne, %convert_element_type3A_191, %cond3A_192 : i32
      scf.if %cond3A_193 {
        %add3A_508 = arith.constant 1 : i32
        %add3A_509 = arith.addi %add3A_174, %add3A_508 : i32
        %dma_wait3A_510 = arith.constant 2 : i32
        %dma_wait3A_511 = arith.constant 0 : i32
        %dma_wait3A_512 = arith.constant 0 : i32
        %dma_wait3A_513 = tpu.memref_slice %arg6[%dma_wait3A_510, %dma_wait3A_511, %dma_wait3A_512] : memref<3x2x96xi32, #tpu.memory_space<vmem>> -> memref<1x2x96xi32, #tpu.memory_space<vmem>>
        %dma_wait3A_514 = tpu.memref_squeeze %dma_wait3A_513 : memref<1x2x96xi32, #tpu.memory_space<vmem>> -> memref<2x96xi32, #tpu.memory_space<vmem>>
        %dma_wait3A_515 = arith.constant 0 : i32
        %dma_wait3A_516 = arith.constant 0 : i32
        %dma_wait3A_517 = tpu.memref_slice %arg3[%add3A, %add3A_509, %dma_wait3A_515, %dma_wait3A_516] : memref<32x108x2x96xi32, #tpu.memory_space<hbm>> -> memref<1x1x2x96xi32, #tpu.memory_space<hbm>>
        %dma_wait3A_518 = tpu.memref_squeeze %dma_wait3A_517 : memref<1x1x2x96xi32, #tpu.memory_space<hbm>> -> memref<2x96xi32, #tpu.memory_space<hbm>>
        %dma_wait3A_519 = arith.constant 0 : i32
        %dma_wait3A_520 = arith.constant 0 : i32
        %dma_wait3A_521 = tpu.memref_slice %arg6[%dma_wait3A_510, %dma_wait3A_519, %dma_wait3A_520] : memref<3x2x96xi32, #tpu.memory_space<vmem>> -> memref<1x2x96xi32, #tpu.memory_space<vmem>>
        %dma_wait3A_522 = tpu.memref_squeeze %dma_wait3A_521 : memref<1x2x96xi32, #tpu.memory_space<vmem>> -> memref<2x96xi32, #tpu.memory_space<vmem>>
        %dma_wait3A_523 = arith.constant 0 : i32
        %dma_wait3A_524 = arith.constant 0 : i32
        %dma_wait3A_525 = tpu.memref_slice %arg3[%add3A, %add3A_509, %dma_wait3A_523, %dma_wait3A_524] : memref<32x108x2x96xi32, #tpu.memory_space<hbm>> -> memref<1x1x2x96xi32, #tpu.memory_space<hbm>>
        %dma_wait3A_526 = tpu.memref_squeeze %dma_wait3A_525 : memref<1x1x2x96xi32, #tpu.memory_space<hbm>> -> memref<2x96xi32, #tpu.memory_space<hbm>>
        tpu.wait_dma2 semaphore(%arg11 : memref<!tpu.dma_semaphore, #tpu.memory_space<semaphore_mem>>) src(%dma_wait3A_526 : memref<2x96xi32, #tpu.memory_space<hbm>>) dst(%dma_wait3A_522 : memref<2x96xi32, #tpu.memory_space<vmem>>)
      } else {
      }
      %add3A_194 = arith.constant 1 : i32
      %add3A_195 = arith.addi %add3A_174, %add3A_194 : i32
      %lt3A_196 = arith.constant 108 : i32
      %lt3A_197 = arith.cmpi slt, %add3A_195, %lt3A_196 : i32
      %convert_element_type3A_198 = arith.extui %lt3A_197 : i1 to i32
      %cond3A_199 = arith.constant 0 : i32
      %cond3A_200 = arith.cmpi ne, %convert_element_type3A_198, %cond3A_199 : i32
      scf.if %cond3A_200 {
        %dma_start3A_508 = arith.constant 2 : i32
        %dma_start3A_509 = arith.constant 0 : i32
        %dma_start3A_510 = arith.constant 0 : i32
        %dma_start3A_511 = arith.constant 0 : i32
        %dma_start3A_512 = arith.constant 0 : i32
        %dma_start3A_513 = tpu.memref_slice %arg7[%dma_start3A_510, %dma_start3A_511, %dma_start3A_512] : memref<2x96x128xf32, #tpu.memory_space<vmem>> -> memref<1x48x128xf32, #tpu.memory_space<vmem>>
        %dma_start3A_514 = tpu.memref_squeeze %dma_start3A_513 : memref<1x48x128xf32, #tpu.memory_space<vmem>> -> memref<48x128xf32, #tpu.memory_space<vmem>>
        %dma_start3A_515 = arith.constant 0 : i32
        %dma_start3A_516 = tpu.memref_slice %arg6[%dma_start3A_508, %dma_start3A_509, %dma_start3A_515] : memref<3x2x96xi32, #tpu.memory_space<vmem>> -> memref<1x1x48xi32, #tpu.memory_space<vmem>>
        %dma_start3A_517 = tpu.memref_squeeze %dma_start3A_516 : memref<1x1x48xi32, #tpu.memory_space<vmem>> -> memref<48xi32, #tpu.memory_space<vmem>>
        %dma_start3A_518 = arith.constant 0 : i32
        %dma_start3A_519 = arith.constant 0 : i32
        %dma_start3A_520 = tpu.memref_slice %arg2[%dma_start3A_518, %dma_start3A_519] : memref<10000x128xf32, #tpu.memory_space<hbm>> -> memref<10000x128xf32, #tpu.memory_space<hbm>>
        tpu.enqueue_indirect_dma source(%dma_start3A_520 : memref<10000x128xf32, #tpu.memory_space<hbm>>) target(%dma_start3A_514 : memref<48x128xf32, #tpu.memory_space<vmem>>) offsets(%dma_start3A_517 : memref<48xi32, #tpu.memory_space<vmem>>) semaphore(%arg12 : memref<!tpu.dma_semaphore, #tpu.memory_space<semaphore_mem>>)
        %dma_start3A_521 = arith.constant 2 : i32
        %dma_start3A_522 = arith.constant 0 : i32
        %dma_start3A_523 = arith.constant 0 : i32
        %dma_start3A_524 = arith.constant 48 : i32
        %dma_start3A_525 = arith.constant 0 : i32
        %dma_start3A_526 = tpu.memref_slice %arg7[%dma_start3A_523, %dma_start3A_524, %dma_start3A_525] : memref<2x96x128xf32, #tpu.memory_space<vmem>> -> memref<1x48x128xf32, #tpu.memory_space<vmem>>
        %dma_start3A_527 = tpu.memref_squeeze %dma_start3A_526 : memref<1x48x128xf32, #tpu.memory_space<vmem>> -> memref<48x128xf32, #tpu.memory_space<vmem>>
        %dma_start3A_528 = arith.constant 48 : i32
        %dma_start3A_529 = tpu.memref_slice %arg6[%dma_start3A_521, %dma_start3A_522, %dma_start3A_528] : memref<3x2x96xi32, #tpu.memory_space<vmem>> -> memref<1x1x48xi32, #tpu.memory_space<vmem>>
        %dma_start3A_530 = tpu.memref_squeeze %dma_start3A_529 : memref<1x1x48xi32, #tpu.memory_space<vmem>> -> memref<48xi32, #tpu.memory_space<vmem>>
        %dma_start3A_531 = arith.constant 0 : i32
        %dma_start3A_532 = arith.constant 0 : i32
        %dma_start3A_533 = tpu.memref_slice %arg2[%dma_start3A_531, %dma_start3A_532] : memref<10000x128xf32, #tpu.memory_space<hbm>> -> memref<10000x128xf32, #tpu.memory_space<hbm>>
        tpu.enqueue_indirect_dma source(%dma_start3A_533 : memref<10000x128xf32, #tpu.memory_space<hbm>>) target(%dma_start3A_527 : memref<48x128xf32, #tpu.memory_space<vmem>>) offsets(%dma_start3A_530 : memref<48xi32, #tpu.memory_space<vmem>>) semaphore(%arg13 : memref<!tpu.dma_semaphore, #tpu.memory_space<semaphore_mem>>)
      } else {
      }
      %dma_wait3A_201 = arith.constant 1 : i32
      %dma_wait3A_202 = arith.constant 0 : i32
      %dma_wait3A_203 = arith.constant 1 : i32
      %dma_wait3A_204 = arith.constant 0 : i32
      %dma_wait3A_205 = arith.constant 0 : i32
      %dma_wait3A_206 = tpu.memref_slice %arg7[%dma_wait3A_203, %dma_wait3A_204, %dma_wait3A_205] : memref<2x96x128xf32, #tpu.memory_space<vmem>> -> memref<1x48x128xf32, #tpu.memory_space<vmem>>
      %dma_wait3A_207 = tpu.memref_squeeze %dma_wait3A_206 : memref<1x48x128xf32, #tpu.memory_space<vmem>> -> memref<48x128xf32, #tpu.memory_space<vmem>>
      %dma_wait3A_208 = arith.constant 0 : i32
      %dma_wait3A_209 = tpu.memref_slice %arg6[%dma_wait3A_201, %dma_wait3A_202, %dma_wait3A_208] : memref<3x2x96xi32, #tpu.memory_space<vmem>> -> memref<1x1x48xi32, #tpu.memory_space<vmem>>
      %dma_wait3A_210 = tpu.memref_squeeze %dma_wait3A_209 : memref<1x1x48xi32, #tpu.memory_space<vmem>> -> memref<48xi32, #tpu.memory_space<vmem>>
      %dma_wait3A_211 = arith.constant 0 : i32
      %dma_wait3A_212 = arith.constant 0 : i32
      %dma_wait3A_213 = tpu.memref_slice %arg2[%dma_wait3A_211, %dma_wait3A_212] : memref<10000x128xf32, #tpu.memory_space<hbm>> -> memref<10000x128xf32, #tpu.memory_space<hbm>>
      tpu.wait_indirect_dma semaphore(%arg14 : memref<!tpu.dma_semaphore, #tpu.memory_space<semaphore_mem>>) src(%dma_wait3A_213 : memref<10000x128xf32, #tpu.memory_space<hbm>>) dst(%dma_wait3A_207 : memref<48x128xf32, #tpu.memory_space<vmem>>)
      %dma_wait3A_214 = arith.constant 1 : i32
      %dma_wait3A_215 = arith.constant 0 : i32
      %dma_wait3A_216 = arith.constant 1 : i32
      %dma_wait3A_217 = arith.constant 48 : i32
      %dma_wait3A_218 = arith.constant 0 : i32
      %dma_wait3A_219 = tpu.memref_slice %arg7[%dma_wait3A_216, %dma_wait3A_217, %dma_wait3A_218] : memref<2x96x128xf32, #tpu.memory_space<vmem>> -> memref<1x48x128xf32, #tpu.memory_space<vmem>>
      %dma_wait3A_220 = tpu.memref_squeeze %dma_wait3A_219 : memref<1x48x128xf32, #tpu.memory_space<vmem>> -> memref<48x128xf32, #tpu.memory_space<vmem>>
      %dma_wait3A_221 = arith.constant 48 : i32
      %dma_wait3A_222 = tpu.memref_slice %arg6[%dma_wait3A_214, %dma_wait3A_215, %dma_wait3A_221] : memref<3x2x96xi32, #tpu.memory_space<vmem>> -> memref<1x1x48xi32, #tpu.memory_space<vmem>>
      %dma_wait3A_223 = tpu.memref_squeeze %dma_wait3A_222 : memref<1x1x48xi32, #tpu.memory_space<vmem>> -> memref<48xi32, #tpu.memory_space<vmem>>
      %dma_wait3A_224 = arith.constant 0 : i32
      %dma_wait3A_225 = arith.constant 0 : i32
      %dma_wait3A_226 = tpu.memref_slice %arg2[%dma_wait3A_224, %dma_wait3A_225] : memref<10000x128xf32, #tpu.memory_space<hbm>> -> memref<10000x128xf32, #tpu.memory_space<hbm>>
      tpu.wait_indirect_dma semaphore(%arg15 : memref<!tpu.dma_semaphore, #tpu.memory_space<semaphore_mem>>) src(%dma_wait3A_226 : memref<10000x128xf32, #tpu.memory_space<hbm>>) dst(%dma_wait3A_220 : memref<48x128xf32, #tpu.memory_space<vmem>>)
      %dma_start3A_227 = arith.constant 1 : i32
      %dma_start3A_228 = arith.constant 1 : i32
      %dma_start3A_229 = arith.constant 1 : i32
      %dma_start3A_230 = arith.constant 0 : i32
      %dma_start3A_231 = arith.constant 0 : i32
      %dma_start3A_232 = tpu.memref_slice %arg7[%dma_start3A_227, %dma_start3A_230, %dma_start3A_231] : memref<2x96x128xf32, #tpu.memory_space<vmem>> -> memref<1x96x128xf32, #tpu.memory_space<vmem>>
      %dma_start3A_233 = tpu.memref_squeeze %dma_start3A_232 : memref<1x96x128xf32, #tpu.memory_space<vmem>> -> memref<96x128xf32, #tpu.memory_space<vmem>>
      %dma_start3A_234 = arith.constant 0 : i32
      %dma_start3A_235 = tpu.memref_slice %arg6[%dma_start3A_228, %dma_start3A_229, %dma_start3A_234] : memref<3x2x96xi32, #tpu.memory_space<vmem>> -> memref<1x1x96xi32, #tpu.memory_space<vmem>>
      %dma_start3A_236 = tpu.memref_squeeze %dma_start3A_235 : memref<1x1x96xi32, #tpu.memory_space<vmem>> -> memref<96xi32, #tpu.memory_space<vmem>>
      %dma_start3A_237 = arith.constant 0 : i32
      %dma_start3A_238 = arith.constant 0 : i32
      %dma_start3A_239 = tpu.memref_slice %arg8[%dma_start3A_237, %dma_start3A_238] : memref<10112x128xf32, #tpu.memory_space<vmem_shared>> -> memref<10112x128xf32, #tpu.memory_space<vmem_shared>>
      tpu.enqueue_indirect_dma source(%dma_start3A_233 : memref<96x128xf32, #tpu.memory_space<vmem>>) target(%dma_start3A_239 : memref<10112x128xf32, #tpu.memory_space<vmem_shared>>) offsets(%dma_start3A_236 : memref<96xi32, #tpu.memory_space<vmem>>) semaphore(%arg17 : memref<!tpu.dma_semaphore, #tpu.memory_space<semaphore_mem>>) {add = true}
      %add3A_240 = arith.constant 2 : i32
      %add3A_241 = arith.addi %mul3A_109, %add3A_240 : i32
      %gt3A_242 = arith.constant 0 : i32
      %gt3A_243 = arith.cmpi sgt, %add3A_241, %gt3A_242 : i32
      %convert_element_type3A_244 = arith.extui %gt3A_243 : i1 to i32
      %cond3A_245 = arith.constant 0 : i32
      %cond3A_246 = arith.cmpi ne, %convert_element_type3A_244, %cond3A_245 : i32
      scf.if %cond3A_246 {
        %dma_wait3A_508 = arith.constant 1 : i32
        %dma_wait3A_509 = arith.constant 1 : i32
        %dma_wait3A_510 = arith.constant 1 : i32
        %dma_wait3A_511 = arith.constant 0 : i32
        %dma_wait3A_512 = arith.constant 0 : i32
        %dma_wait3A_513 = tpu.memref_slice %arg7[%dma_wait3A_508, %dma_wait3A_511, %dma_wait3A_512] : memref<2x96x128xf32, #tpu.memory_space<vmem>> -> memref<1x96x128xf32, #tpu.memory_space<vmem>>
        %dma_wait3A_514 = tpu.memref_squeeze %dma_wait3A_513 : memref<1x96x128xf32, #tpu.memory_space<vmem>> -> memref<96x128xf32, #tpu.memory_space<vmem>>
        %dma_wait3A_515 = arith.constant 0 : i32
        %dma_wait3A_516 = tpu.memref_slice %arg6[%dma_wait3A_509, %dma_wait3A_510, %dma_wait3A_515] : memref<3x2x96xi32, #tpu.memory_space<vmem>> -> memref<1x1x96xi32, #tpu.memory_space<vmem>>
        %dma_wait3A_517 = tpu.memref_squeeze %dma_wait3A_516 : memref<1x1x96xi32, #tpu.memory_space<vmem>> -> memref<96xi32, #tpu.memory_space<vmem>>
        %dma_wait3A_518 = arith.constant 0 : i32
        %dma_wait3A_519 = arith.constant 0 : i32
        %dma_wait3A_520 = tpu.memref_slice %arg8[%dma_wait3A_518, %dma_wait3A_519] : memref<10112x128xf32, #tpu.memory_space<vmem_shared>> -> memref<10112x128xf32, #tpu.memory_space<vmem_shared>>
        tpu.wait_indirect_dma semaphore(%arg17 : memref<!tpu.dma_semaphore, #tpu.memory_space<semaphore_mem>>) src(%dma_wait3A_514 : memref<96x128xf32, #tpu.memory_space<vmem>>) dst(%dma_wait3A_520 : memref<10112x128xf32, #tpu.memory_space<vmem_shared>>)
      } else {
      }
      %add3A_247 = arith.constant 2 : i32
      %add3A_248 = arith.addi %add3A_241, %add3A_247 : i32
      %lt3A_249 = arith.constant 108 : i32
      %lt3A_250 = arith.cmpi slt, %add3A_248, %lt3A_249 : i32
      %convert_element_type3A_251 = arith.extui %lt3A_250 : i1 to i32
      %cond3A_252 = arith.constant 0 : i32
      %cond3A_253 = arith.cmpi ne, %convert_element_type3A_251, %cond3A_252 : i32
      scf.if %cond3A_253 {
        %add3A_508 = arith.constant 2 : i32
        %add3A_509 = arith.addi %add3A_241, %add3A_508 : i32
        %dma_start3A_510 = arith.constant 1 : i32
        %dma_start3A_511 = arith.constant 0 : i32
        %dma_start3A_512 = arith.constant 0 : i32
        %dma_start3A_513 = tpu.memref_slice %arg6[%dma_start3A_510, %dma_start3A_511, %dma_start3A_512] : memref<3x2x96xi32, #tpu.memory_space<vmem>> -> memref<1x2x96xi32, #tpu.memory_space<vmem>>
        %dma_start3A_514 = tpu.memref_squeeze %dma_start3A_513 : memref<1x2x96xi32, #tpu.memory_space<vmem>> -> memref<2x96xi32, #tpu.memory_space<vmem>>
        %dma_start3A_515 = arith.constant 0 : i32
        %dma_start3A_516 = arith.constant 0 : i32
        %dma_start3A_517 = tpu.memref_slice %arg3[%add3A, %add3A_509, %dma_start3A_515, %dma_start3A_516] : memref<32x108x2x96xi32, #tpu.memory_space<hbm>> -> memref<1x1x2x96xi32, #tpu.memory_space<hbm>>
        %dma_start3A_518 = tpu.memref_squeeze %dma_start3A_517 : memref<1x1x2x96xi32, #tpu.memory_space<hbm>> -> memref<2x96xi32, #tpu.memory_space<hbm>>
        %dma_start3A_519 = arith.constant 0 : i32
        %dma_start3A_520 = arith.constant 0 : i32
        %dma_start3A_521 = tpu.memref_slice %arg6[%dma_start3A_510, %dma_start3A_519, %dma_start3A_520] : memref<3x2x96xi32, #tpu.memory_space<vmem>> -> memref<1x2x96xi32, #tpu.memory_space<vmem>>
        %dma_start3A_522 = tpu.memref_squeeze %dma_start3A_521 : memref<1x2x96xi32, #tpu.memory_space<vmem>> -> memref<2x96xi32, #tpu.memory_space<vmem>>
        %dma_start3A_523 = arith.constant 0 : i32
        %dma_start3A_524 = arith.constant 0 : i32
        %dma_start3A_525 = tpu.memref_slice %arg3[%add3A, %add3A_509, %dma_start3A_523, %dma_start3A_524] : memref<32x108x2x96xi32, #tpu.memory_space<hbm>> -> memref<1x1x2x96xi32, #tpu.memory_space<hbm>>
        %dma_start3A_526 = tpu.memref_squeeze %dma_start3A_525 : memref<1x1x2x96xi32, #tpu.memory_space<hbm>> -> memref<2x96xi32, #tpu.memory_space<hbm>>
        tpu.enqueue_dma source(%dma_start3A_526 : memref<2x96xi32, #tpu.memory_space<hbm>>) target(%dma_start3A_522 : memref<2x96xi32, #tpu.memory_space<vmem>>) target_semaphore(%arg10 : memref<!tpu.dma_semaphore, #tpu.memory_space<semaphore_mem>>)
      } else {
      }
      %add3A_254 = arith.constant 1 : i32
      %add3A_255 = arith.addi %add3A_241, %add3A_254 : i32
      %lt3A_256 = arith.constant 108 : i32
      %lt3A_257 = arith.cmpi slt, %add3A_255, %lt3A_256 : i32
      %convert_element_type3A_258 = arith.extui %lt3A_257 : i1 to i32
      %cond3A_259 = arith.constant 0 : i32
      %cond3A_260 = arith.cmpi ne, %convert_element_type3A_258, %cond3A_259 : i32
      scf.if %cond3A_260 {
        %add3A_508 = arith.constant 1 : i32
        %add3A_509 = arith.addi %add3A_241, %add3A_508 : i32
        %dma_wait3A_510 = arith.constant 0 : i32
        %dma_wait3A_511 = arith.constant 0 : i32
        %dma_wait3A_512 = arith.constant 0 : i32
        %dma_wait3A_513 = tpu.memref_slice %arg6[%dma_wait3A_510, %dma_wait3A_511, %dma_wait3A_512] : memref<3x2x96xi32, #tpu.memory_space<vmem>> -> memref<1x2x96xi32, #tpu.memory_space<vmem>>
        %dma_wait3A_514 = tpu.memref_squeeze %dma_wait3A_513 : memref<1x2x96xi32, #tpu.memory_space<vmem>> -> memref<2x96xi32, #tpu.memory_space<vmem>>
        %dma_wait3A_515 = arith.constant 0 : i32
        %dma_wait3A_516 = arith.constant 0 : i32
        %dma_wait3A_517 = tpu.memref_slice %arg3[%add3A, %add3A_509, %dma_wait3A_515, %dma_wait3A_516] : memref<32x108x2x96xi32, #tpu.memory_space<hbm>> -> memref<1x1x2x96xi32, #tpu.memory_space<hbm>>
        %dma_wait3A_518 = tpu.memref_squeeze %dma_wait3A_517 : memref<1x1x2x96xi32, #tpu.memory_space<hbm>> -> memref<2x96xi32, #tpu.memory_space<hbm>>
        %dma_wait3A_519 = arith.constant 0 : i32
        %dma_wait3A_520 = arith.constant 0 : i32
        %dma_wait3A_521 = tpu.memref_slice %arg6[%dma_wait3A_510, %dma_wait3A_519, %dma_wait3A_520] : memref<3x2x96xi32, #tpu.memory_space<vmem>> -> memref<1x2x96xi32, #tpu.memory_space<vmem>>
        %dma_wait3A_522 = tpu.memref_squeeze %dma_wait3A_521 : memref<1x2x96xi32, #tpu.memory_space<vmem>> -> memref<2x96xi32, #tpu.memory_space<vmem>>
        %dma_wait3A_523 = arith.constant 0 : i32
        %dma_wait3A_524 = arith.constant 0 : i32
        %dma_wait3A_525 = tpu.memref_slice %arg3[%add3A, %add3A_509, %dma_wait3A_523, %dma_wait3A_524] : memref<32x108x2x96xi32, #tpu.memory_space<hbm>> -> memref<1x1x2x96xi32, #tpu.memory_space<hbm>>
        %dma_wait3A_526 = tpu.memref_squeeze %dma_wait3A_525 : memref<1x1x2x96xi32, #tpu.memory_space<hbm>> -> memref<2x96xi32, #tpu.memory_space<hbm>>
        tpu.wait_dma2 semaphore(%arg9 : memref<!tpu.dma_semaphore, #tpu.memory_space<semaphore_mem>>) src(%dma_wait3A_526 : memref<2x96xi32, #tpu.memory_space<hbm>>) dst(%dma_wait3A_522 : memref<2x96xi32, #tpu.memory_space<vmem>>)
      } else {
      }
      %add3A_261 = arith.constant 1 : i32
      %add3A_262 = arith.addi %add3A_241, %add3A_261 : i32
      %lt3A_263 = arith.constant 108 : i32
      %lt3A_264 = arith.cmpi slt, %add3A_262, %lt3A_263 : i32
      %convert_element_type3A_265 = arith.extui %lt3A_264 : i1 to i32
      %cond3A_266 = arith.constant 0 : i32
      %cond3A_267 = arith.cmpi ne, %convert_element_type3A_265, %cond3A_266 : i32
      scf.if %cond3A_267 {
        %dma_start3A_508 = arith.constant 0 : i32
        %dma_start3A_509 = arith.constant 0 : i32
        %dma_start3A_510 = arith.constant 1 : i32
        %dma_start3A_511 = arith.constant 0 : i32
        %dma_start3A_512 = arith.constant 0 : i32
        %dma_start3A_513 = tpu.memref_slice %arg7[%dma_start3A_510, %dma_start3A_511, %dma_start3A_512] : memref<2x96x128xf32, #tpu.memory_space<vmem>> -> memref<1x48x128xf32, #tpu.memory_space<vmem>>
        %dma_start3A_514 = tpu.memref_squeeze %dma_start3A_513 : memref<1x48x128xf32, #tpu.memory_space<vmem>> -> memref<48x128xf32, #tpu.memory_space<vmem>>
        %dma_start3A_515 = arith.constant 0 : i32
        %dma_start3A_516 = tpu.memref_slice %arg6[%dma_start3A_508, %dma_start3A_509, %dma_start3A_515] : memref<3x2x96xi32, #tpu.memory_space<vmem>> -> memref<1x1x48xi32, #tpu.memory_space<vmem>>
        %dma_start3A_517 = tpu.memref_squeeze %dma_start3A_516 : memref<1x1x48xi32, #tpu.memory_space<vmem>> -> memref<48xi32, #tpu.memory_space<vmem>>
        %dma_start3A_518 = arith.constant 0 : i32
        %dma_start3A_519 = arith.constant 0 : i32
        %dma_start3A_520 = tpu.memref_slice %arg2[%dma_start3A_518, %dma_start3A_519] : memref<10000x128xf32, #tpu.memory_space<hbm>> -> memref<10000x128xf32, #tpu.memory_space<hbm>>
        tpu.enqueue_indirect_dma source(%dma_start3A_520 : memref<10000x128xf32, #tpu.memory_space<hbm>>) target(%dma_start3A_514 : memref<48x128xf32, #tpu.memory_space<vmem>>) offsets(%dma_start3A_517 : memref<48xi32, #tpu.memory_space<vmem>>) semaphore(%arg14 : memref<!tpu.dma_semaphore, #tpu.memory_space<semaphore_mem>>)
        %dma_start3A_521 = arith.constant 0 : i32
        %dma_start3A_522 = arith.constant 0 : i32
        %dma_start3A_523 = arith.constant 1 : i32
        %dma_start3A_524 = arith.constant 48 : i32
        %dma_start3A_525 = arith.constant 0 : i32
        %dma_start3A_526 = tpu.memref_slice %arg7[%dma_start3A_523, %dma_start3A_524, %dma_start3A_525] : memref<2x96x128xf32, #tpu.memory_space<vmem>> -> memref<1x48x128xf32, #tpu.memory_space<vmem>>
        %dma_start3A_527 = tpu.memref_squeeze %dma_start3A_526 : memref<1x48x128xf32, #tpu.memory_space<vmem>> -> memref<48x128xf32, #tpu.memory_space<vmem>>
        %dma_start3A_528 = arith.constant 48 : i32
        %dma_start3A_529 = tpu.memref_slice %arg6[%dma_start3A_521, %dma_start3A_522, %dma_start3A_528] : memref<3x2x96xi32, #tpu.memory_space<vmem>> -> memref<1x1x48xi32, #tpu.memory_space<vmem>>
        %dma_start3A_530 = tpu.memref_squeeze %dma_start3A_529 : memref<1x1x48xi32, #tpu.memory_space<vmem>> -> memref<48xi32, #tpu.memory_space<vmem>>
        %dma_start3A_531 = arith.constant 0 : i32
        %dma_start3A_532 = arith.constant 0 : i32
        %dma_start3A_533 = tpu.memref_slice %arg2[%dma_start3A_531, %dma_start3A_532] : memref<10000x128xf32, #tpu.memory_space<hbm>> -> memref<10000x128xf32, #tpu.memory_space<hbm>>
        tpu.enqueue_indirect_dma source(%dma_start3A_533 : memref<10000x128xf32, #tpu.memory_space<hbm>>) target(%dma_start3A_527 : memref<48x128xf32, #tpu.memory_space<vmem>>) offsets(%dma_start3A_530 : memref<48xi32, #tpu.memory_space<vmem>>) semaphore(%arg15 : memref<!tpu.dma_semaphore, #tpu.memory_space<semaphore_mem>>)
      } else {
      }
      %dma_wait3A_268 = arith.constant 2 : i32
      %dma_wait3A_269 = arith.constant 0 : i32
      %dma_wait3A_270 = arith.constant 0 : i32
      %dma_wait3A_271 = arith.constant 0 : i32
      %dma_wait3A_272 = arith.constant 0 : i32
      %dma_wait3A_273 = tpu.memref_slice %arg7[%dma_wait3A_270, %dma_wait3A_271, %dma_wait3A_272] : memref<2x96x128xf32, #tpu.memory_space<vmem>> -> memref<1x48x128xf32, #tpu.memory_space<vmem>>
      %dma_wait3A_274 = tpu.memref_squeeze %dma_wait3A_273 : memref<1x48x128xf32, #tpu.memory_space<vmem>> -> memref<48x128xf32, #tpu.memory_space<vmem>>
      %dma_wait3A_275 = arith.constant 0 : i32
      %dma_wait3A_276 = tpu.memref_slice %arg6[%dma_wait3A_268, %dma_wait3A_269, %dma_wait3A_275] : memref<3x2x96xi32, #tpu.memory_space<vmem>> -> memref<1x1x48xi32, #tpu.memory_space<vmem>>
      %dma_wait3A_277 = tpu.memref_squeeze %dma_wait3A_276 : memref<1x1x48xi32, #tpu.memory_space<vmem>> -> memref<48xi32, #tpu.memory_space<vmem>>
      %dma_wait3A_278 = arith.constant 0 : i32
      %dma_wait3A_279 = arith.constant 0 : i32
      %dma_wait3A_280 = tpu.memref_slice %arg2[%dma_wait3A_278, %dma_wait3A_279] : memref<10000x128xf32, #tpu.memory_space<hbm>> -> memref<10000x128xf32, #tpu.memory_space<hbm>>
      tpu.wait_indirect_dma semaphore(%arg12 : memref<!tpu.dma_semaphore, #tpu.memory_space<semaphore_mem>>) src(%dma_wait3A_280 : memref<10000x128xf32, #tpu.memory_space<hbm>>) dst(%dma_wait3A_274 : memref<48x128xf32, #tpu.memory_space<vmem>>)
      %dma_wait3A_281 = arith.constant 2 : i32
      %dma_wait3A_282 = arith.constant 0 : i32
      %dma_wait3A_283 = arith.constant 0 : i32
      %dma_wait3A_284 = arith.constant 48 : i32
      %dma_wait3A_285 = arith.constant 0 : i32
      %dma_wait3A_286 = tpu.memref_slice %arg7[%dma_wait3A_283, %dma_wait3A_284, %dma_wait3A_285] : memref<2x96x128xf32, #tpu.memory_space<vmem>> -> memref<1x48x128xf32, #tpu.memory_space<vmem>>
      %dma_wait3A_287 = tpu.memref_squeeze %dma_wait3A_286 : memref<1x48x128xf32, #tpu.memory_space<vmem>> -> memref<48x128xf32, #tpu.memory_space<vmem>>
      %dma_wait3A_288 = arith.constant 48 : i32
      %dma_wait3A_289 = tpu.memref_slice %arg6[%dma_wait3A_281, %dma_wait3A_282, %dma_wait3A_288] : memref<3x2x96xi32, #tpu.memory_space<vmem>> -> memref<1x1x48xi32, #tpu.memory_space<vmem>>
      %dma_wait3A_290 = tpu.memref_squeeze %dma_wait3A_289 : memref<1x1x48xi32, #tpu.memory_space<vmem>> -> memref<48xi32, #tpu.memory_space<vmem>>
      %dma_wait3A_291 = arith.constant 0 : i32
      %dma_wait3A_292 = arith.constant 0 : i32
      %dma_wait3A_293 = tpu.memref_slice %arg2[%dma_wait3A_291, %dma_wait3A_292] : memref<10000x128xf32, #tpu.memory_space<hbm>> -> memref<10000x128xf32, #tpu.memory_space<hbm>>
      tpu.wait_indirect_dma semaphore(%arg13 : memref<!tpu.dma_semaphore, #tpu.memory_space<semaphore_mem>>) src(%dma_wait3A_293 : memref<10000x128xf32, #tpu.memory_space<hbm>>) dst(%dma_wait3A_287 : memref<48x128xf32, #tpu.memory_space<vmem>>)
      %dma_start3A_294 = arith.constant 0 : i32
      %dma_start3A_295 = arith.constant 2 : i32
      %dma_start3A_296 = arith.constant 1 : i32
      %dma_start3A_297 = arith.constant 0 : i32
      %dma_start3A_298 = arith.constant 0 : i32
      %dma_start3A_299 = tpu.memref_slice %arg7[%dma_start3A_294, %dma_start3A_297, %dma_start3A_298] : memref<2x96x128xf32, #tpu.memory_space<vmem>> -> memref<1x96x128xf32, #tpu.memory_space<vmem>>
      %dma_start3A_300 = tpu.memref_squeeze %dma_start3A_299 : memref<1x96x128xf32, #tpu.memory_space<vmem>> -> memref<96x128xf32, #tpu.memory_space<vmem>>
      %dma_start3A_301 = arith.constant 0 : i32
      %dma_start3A_302 = tpu.memref_slice %arg6[%dma_start3A_295, %dma_start3A_296, %dma_start3A_301] : memref<3x2x96xi32, #tpu.memory_space<vmem>> -> memref<1x1x96xi32, #tpu.memory_space<vmem>>
      %dma_start3A_303 = tpu.memref_squeeze %dma_start3A_302 : memref<1x1x96xi32, #tpu.memory_space<vmem>> -> memref<96xi32, #tpu.memory_space<vmem>>
      %dma_start3A_304 = arith.constant 0 : i32
      %dma_start3A_305 = arith.constant 0 : i32
      %dma_start3A_306 = tpu.memref_slice %arg8[%dma_start3A_304, %dma_start3A_305] : memref<10112x128xf32, #tpu.memory_space<vmem_shared>> -> memref<10112x128xf32, #tpu.memory_space<vmem_shared>>
      tpu.enqueue_indirect_dma source(%dma_start3A_300 : memref<96x128xf32, #tpu.memory_space<vmem>>) target(%dma_start3A_306 : memref<10112x128xf32, #tpu.memory_space<vmem_shared>>) offsets(%dma_start3A_303 : memref<96xi32, #tpu.memory_space<vmem>>) semaphore(%arg16 : memref<!tpu.dma_semaphore, #tpu.memory_space<semaphore_mem>>) {add = true}
      %add3A_307 = arith.constant 3 : i32
      %add3A_308 = arith.addi %mul3A_109, %add3A_307 : i32
      %gt3A_309 = arith.constant 0 : i32
      %gt3A_310 = arith.cmpi sgt, %add3A_308, %gt3A_309 : i32
      %convert_element_type3A_311 = arith.extui %gt3A_310 : i1 to i32
      %cond3A_312 = arith.constant 0 : i32
      %cond3A_313 = arith.cmpi ne, %convert_element_type3A_311, %cond3A_312 : i32
      scf.if %cond3A_313 {
        %dma_wait3A_508 = arith.constant 0 : i32
        %dma_wait3A_509 = arith.constant 2 : i32
        %dma_wait3A_510 = arith.constant 1 : i32
        %dma_wait3A_511 = arith.constant 0 : i32
        %dma_wait3A_512 = arith.constant 0 : i32
        %dma_wait3A_513 = tpu.memref_slice %arg7[%dma_wait3A_508, %dma_wait3A_511, %dma_wait3A_512] : memref<2x96x128xf32, #tpu.memory_space<vmem>> -> memref<1x96x128xf32, #tpu.memory_space<vmem>>
        %dma_wait3A_514 = tpu.memref_squeeze %dma_wait3A_513 : memref<1x96x128xf32, #tpu.memory_space<vmem>> -> memref<96x128xf32, #tpu.memory_space<vmem>>
        %dma_wait3A_515 = arith.constant 0 : i32
        %dma_wait3A_516 = tpu.memref_slice %arg6[%dma_wait3A_509, %dma_wait3A_510, %dma_wait3A_515] : memref<3x2x96xi32, #tpu.memory_space<vmem>> -> memref<1x1x96xi32, #tpu.memory_space<vmem>>
        %dma_wait3A_517 = tpu.memref_squeeze %dma_wait3A_516 : memref<1x1x96xi32, #tpu.memory_space<vmem>> -> memref<96xi32, #tpu.memory_space<vmem>>
        %dma_wait3A_518 = arith.constant 0 : i32
        %dma_wait3A_519 = arith.constant 0 : i32
        %dma_wait3A_520 = tpu.memref_slice %arg8[%dma_wait3A_518, %dma_wait3A_519] : memref<10112x128xf32, #tpu.memory_space<vmem_shared>> -> memref<10112x128xf32, #tpu.memory_space<vmem_shared>>
        tpu.wait_indirect_dma semaphore(%arg16 : memref<!tpu.dma_semaphore, #tpu.memory_space<semaphore_mem>>) src(%dma_wait3A_514 : memref<96x128xf32, #tpu.memory_space<vmem>>) dst(%dma_wait3A_520 : memref<10112x128xf32, #tpu.memory_space<vmem_shared>>)
      } else {
      }
      %add3A_314 = arith.constant 2 : i32
      %add3A_315 = arith.addi %add3A_308, %add3A_314 : i32
      %lt3A_316 = arith.constant 108 : i32
      %lt3A_317 = arith.cmpi slt, %add3A_315, %lt3A_316 : i32
      %convert_element_type3A_318 = arith.extui %lt3A_317 : i1 to i32
      %cond3A_319 = arith.constant 0 : i32
      %cond3A_320 = arith.cmpi ne, %convert_element_type3A_318, %cond3A_319 : i32
      scf.if %cond3A_320 {
        %add3A_508 = arith.constant 2 : i32
        %add3A_509 = arith.addi %add3A_308, %add3A_508 : i32
        %dma_start3A_510 = arith.constant 2 : i32
        %dma_start3A_511 = arith.constant 0 : i32
        %dma_start3A_512 = arith.constant 0 : i32
        %dma_start3A_513 = tpu.memref_slice %arg6[%dma_start3A_510, %dma_start3A_511, %dma_start3A_512] : memref<3x2x96xi32, #tpu.memory_space<vmem>> -> memref<1x2x96xi32, #tpu.memory_space<vmem>>
        %dma_start3A_514 = tpu.memref_squeeze %dma_start3A_513 : memref<1x2x96xi32, #tpu.memory_space<vmem>> -> memref<2x96xi32, #tpu.memory_space<vmem>>
        %dma_start3A_515 = arith.constant 0 : i32
        %dma_start3A_516 = arith.constant 0 : i32
        %dma_start3A_517 = tpu.memref_slice %arg3[%add3A, %add3A_509, %dma_start3A_515, %dma_start3A_516] : memref<32x108x2x96xi32, #tpu.memory_space<hbm>> -> memref<1x1x2x96xi32, #tpu.memory_space<hbm>>
        %dma_start3A_518 = tpu.memref_squeeze %dma_start3A_517 : memref<1x1x2x96xi32, #tpu.memory_space<hbm>> -> memref<2x96xi32, #tpu.memory_space<hbm>>
        %dma_start3A_519 = arith.constant 0 : i32
        %dma_start3A_520 = arith.constant 0 : i32
        %dma_start3A_521 = tpu.memref_slice %arg6[%dma_start3A_510, %dma_start3A_519, %dma_start3A_520] : memref<3x2x96xi32, #tpu.memory_space<vmem>> -> memref<1x2x96xi32, #tpu.memory_space<vmem>>
        %dma_start3A_522 = tpu.memref_squeeze %dma_start3A_521 : memref<1x2x96xi32, #tpu.memory_space<vmem>> -> memref<2x96xi32, #tpu.memory_space<vmem>>
        %dma_start3A_523 = arith.constant 0 : i32
        %dma_start3A_524 = arith.constant 0 : i32
        %dma_start3A_525 = tpu.memref_slice %arg3[%add3A, %add3A_509, %dma_start3A_523, %dma_start3A_524] : memref<32x108x2x96xi32, #tpu.memory_space<hbm>> -> memref<1x1x2x96xi32, #tpu.memory_space<hbm>>
        %dma_start3A_526 = tpu.memref_squeeze %dma_start3A_525 : memref<1x1x2x96xi32, #tpu.memory_space<hbm>> -> memref<2x96xi32, #tpu.memory_space<hbm>>
        tpu.enqueue_dma source(%dma_start3A_526 : memref<2x96xi32, #tpu.memory_space<hbm>>) target(%dma_start3A_522 : memref<2x96xi32, #tpu.memory_space<vmem>>) target_semaphore(%arg11 : memref<!tpu.dma_semaphore, #tpu.memory_space<semaphore_mem>>)
      } else {
      }
      %add3A_321 = arith.constant 1 : i32
      %add3A_322 = arith.addi %add3A_308, %add3A_321 : i32
      %lt3A_323 = arith.constant 108 : i32
      %lt3A_324 = arith.cmpi slt, %add3A_322, %lt3A_323 : i32
      %convert_element_type3A_325 = arith.extui %lt3A_324 : i1 to i32
      %cond3A_326 = arith.constant 0 : i32
      %cond3A_327 = arith.cmpi ne, %convert_element_type3A_325, %cond3A_326 : i32
      scf.if %cond3A_327 {
        %add3A_508 = arith.constant 1 : i32
        %add3A_509 = arith.addi %add3A_308, %add3A_508 : i32
        %dma_wait3A_510 = arith.constant 1 : i32
        %dma_wait3A_511 = arith.constant 0 : i32
        %dma_wait3A_512 = arith.constant 0 : i32
        %dma_wait3A_513 = tpu.memref_slice %arg6[%dma_wait3A_510, %dma_wait3A_511, %dma_wait3A_512] : memref<3x2x96xi32, #tpu.memory_space<vmem>> -> memref<1x2x96xi32, #tpu.memory_space<vmem>>
        %dma_wait3A_514 = tpu.memref_squeeze %dma_wait3A_513 : memref<1x2x96xi32, #tpu.memory_space<vmem>> -> memref<2x96xi32, #tpu.memory_space<vmem>>
        %dma_wait3A_515 = arith.constant 0 : i32
        %dma_wait3A_516 = arith.constant 0 : i32
        %dma_wait3A_517 = tpu.memref_slice %arg3[%add3A, %add3A_509, %dma_wait3A_515, %dma_wait3A_516] : memref<32x108x2x96xi32, #tpu.memory_space<hbm>> -> memref<1x1x2x96xi32, #tpu.memory_space<hbm>>
        %dma_wait3A_518 = tpu.memref_squeeze %dma_wait3A_517 : memref<1x1x2x96xi32, #tpu.memory_space<hbm>> -> memref<2x96xi32, #tpu.memory_space<hbm>>
        %dma_wait3A_519 = arith.constant 0 : i32
        %dma_wait3A_520 = arith.constant 0 : i32
        %dma_wait3A_521 = tpu.memref_slice %arg6[%dma_wait3A_510, %dma_wait3A_519, %dma_wait3A_520] : memref<3x2x96xi32, #tpu.memory_space<vmem>> -> memref<1x2x96xi32, #tpu.memory_space<vmem>>
        %dma_wait3A_522 = tpu.memref_squeeze %dma_wait3A_521 : memref<1x2x96xi32, #tpu.memory_space<vmem>> -> memref<2x96xi32, #tpu.memory_space<vmem>>
        %dma_wait3A_523 = arith.constant 0 : i32
        %dma_wait3A_524 = arith.constant 0 : i32
        %dma_wait3A_525 = tpu.memref_slice %arg3[%add3A, %add3A_509, %dma_wait3A_523, %dma_wait3A_524] : memref<32x108x2x96xi32, #tpu.memory_space<hbm>> -> memref<1x1x2x96xi32, #tpu.memory_space<hbm>>
        %dma_wait3A_526 = tpu.memref_squeeze %dma_wait3A_525 : memref<1x1x2x96xi32, #tpu.memory_space<hbm>> -> memref<2x96xi32, #tpu.memory_space<hbm>>
        tpu.wait_dma2 semaphore(%arg10 : memref<!tpu.dma_semaphore, #tpu.memory_space<semaphore_mem>>) src(%dma_wait3A_526 : memref<2x96xi32, #tpu.memory_space<hbm>>) dst(%dma_wait3A_522 : memref<2x96xi32, #tpu.memory_space<vmem>>)
      } else {
      }
      %add3A_328 = arith.constant 1 : i32
      %add3A_329 = arith.addi %add3A_308, %add3A_328 : i32
      %lt3A_330 = arith.constant 108 : i32
      %lt3A_331 = arith.cmpi slt, %add3A_329, %lt3A_330 : i32
      %convert_element_type3A_332 = arith.extui %lt3A_331 : i1 to i32
      %cond3A_333 = arith.constant 0 : i32
      %cond3A_334 = arith.cmpi ne, %convert_element_type3A_332, %cond3A_333 : i32
      scf.if %cond3A_334 {
        %dma_start3A_508 = arith.constant 1 : i32
        %dma_start3A_509 = arith.constant 0 : i32
        %dma_start3A_510 = arith.constant 0 : i32
        %dma_start3A_511 = arith.constant 0 : i32
        %dma_start3A_512 = arith.constant 0 : i32
        %dma_start3A_513 = tpu.memref_slice %arg7[%dma_start3A_510, %dma_start3A_511, %dma_start3A_512] : memref<2x96x128xf32, #tpu.memory_space<vmem>> -> memref<1x48x128xf32, #tpu.memory_space<vmem>>
        %dma_start3A_514 = tpu.memref_squeeze %dma_start3A_513 : memref<1x48x128xf32, #tpu.memory_space<vmem>> -> memref<48x128xf32, #tpu.memory_space<vmem>>
        %dma_start3A_515 = arith.constant 0 : i32
        %dma_start3A_516 = tpu.memref_slice %arg6[%dma_start3A_508, %dma_start3A_509, %dma_start3A_515] : memref<3x2x96xi32, #tpu.memory_space<vmem>> -> memref<1x1x48xi32, #tpu.memory_space<vmem>>
        %dma_start3A_517 = tpu.memref_squeeze %dma_start3A_516 : memref<1x1x48xi32, #tpu.memory_space<vmem>> -> memref<48xi32, #tpu.memory_space<vmem>>
        %dma_start3A_518 = arith.constant 0 : i32
        %dma_start3A_519 = arith.constant 0 : i32
        %dma_start3A_520 = tpu.memref_slice %arg2[%dma_start3A_518, %dma_start3A_519] : memref<10000x128xf32, #tpu.memory_space<hbm>> -> memref<10000x128xf32, #tpu.memory_space<hbm>>
        tpu.enqueue_indirect_dma source(%dma_start3A_520 : memref<10000x128xf32, #tpu.memory_space<hbm>>) target(%dma_start3A_514 : memref<48x128xf32, #tpu.memory_space<vmem>>) offsets(%dma_start3A_517 : memref<48xi32, #tpu.memory_space<vmem>>) semaphore(%arg12 : memref<!tpu.dma_semaphore, #tpu.memory_space<semaphore_mem>>)
        %dma_start3A_521 = arith.constant 1 : i32
        %dma_start3A_522 = arith.constant 0 : i32
        %dma_start3A_523 = arith.constant 0 : i32
        %dma_start3A_524 = arith.constant 48 : i32
        %dma_start3A_525 = arith.constant 0 : i32
        %dma_start3A_526 = tpu.memref_slice %arg7[%dma_start3A_523, %dma_start3A_524, %dma_start3A_525] : memref<2x96x128xf32, #tpu.memory_space<vmem>> -> memref<1x48x128xf32, #tpu.memory_space<vmem>>
        %dma_start3A_527 = tpu.memref_squeeze %dma_start3A_526 : memref<1x48x128xf32, #tpu.memory_space<vmem>> -> memref<48x128xf32, #tpu.memory_space<vmem>>
        %dma_start3A_528 = arith.constant 48 : i32
        %dma_start3A_529 = tpu.memref_slice %arg6[%dma_start3A_521, %dma_start3A_522, %dma_start3A_528] : memref<3x2x96xi32, #tpu.memory_space<vmem>> -> memref<1x1x48xi32, #tpu.memory_space<vmem>>
        %dma_start3A_530 = tpu.memref_squeeze %dma_start3A_529 : memref<1x1x48xi32, #tpu.memory_space<vmem>> -> memref<48xi32, #tpu.memory_space<vmem>>
        %dma_start3A_531 = arith.constant 0 : i32
        %dma_start3A_532 = arith.constant 0 : i32
        %dma_start3A_533 = tpu.memref_slice %arg2[%dma_start3A_531, %dma_start3A_532] : memref<10000x128xf32, #tpu.memory_space<hbm>> -> memref<10000x128xf32, #tpu.memory_space<hbm>>
        tpu.enqueue_indirect_dma source(%dma_start3A_533 : memref<10000x128xf32, #tpu.memory_space<hbm>>) target(%dma_start3A_527 : memref<48x128xf32, #tpu.memory_space<vmem>>) offsets(%dma_start3A_530 : memref<48xi32, #tpu.memory_space<vmem>>) semaphore(%arg13 : memref<!tpu.dma_semaphore, #tpu.memory_space<semaphore_mem>>)
      } else {
      }
      %dma_wait3A_335 = arith.constant 0 : i32
      %dma_wait3A_336 = arith.constant 0 : i32
      %dma_wait3A_337 = arith.constant 1 : i32
      %dma_wait3A_338 = arith.constant 0 : i32
      %dma_wait3A_339 = arith.constant 0 : i32
      %dma_wait3A_340 = tpu.memref_slice %arg7[%dma_wait3A_337, %dma_wait3A_338, %dma_wait3A_339] : memref<2x96x128xf32, #tpu.memory_space<vmem>> -> memref<1x48x128xf32, #tpu.memory_space<vmem>>
      %dma_wait3A_341 = tpu.memref_squeeze %dma_wait3A_340 : memref<1x48x128xf32, #tpu.memory_space<vmem>> -> memref<48x128xf32, #tpu.memory_space<vmem>>
      %dma_wait3A_342 = arith.constant 0 : i32
      %dma_wait3A_343 = tpu.memref_slice %arg6[%dma_wait3A_335, %dma_wait3A_336, %dma_wait3A_342] : memref<3x2x96xi32, #tpu.memory_space<vmem>> -> memref<1x1x48xi32, #tpu.memory_space<vmem>>
      %dma_wait3A_344 = tpu.memref_squeeze %dma_wait3A_343 : memref<1x1x48xi32, #tpu.memory_space<vmem>> -> memref<48xi32, #tpu.memory_space<vmem>>
      %dma_wait3A_345 = arith.constant 0 : i32
      %dma_wait3A_346 = arith.constant 0 : i32
      %dma_wait3A_347 = tpu.memref_slice %arg2[%dma_wait3A_345, %dma_wait3A_346] : memref<10000x128xf32, #tpu.memory_space<hbm>> -> memref<10000x128xf32, #tpu.memory_space<hbm>>
      tpu.wait_indirect_dma semaphore(%arg14 : memref<!tpu.dma_semaphore, #tpu.memory_space<semaphore_mem>>) src(%dma_wait3A_347 : memref<10000x128xf32, #tpu.memory_space<hbm>>) dst(%dma_wait3A_341 : memref<48x128xf32, #tpu.memory_space<vmem>>)
      %dma_wait3A_348 = arith.constant 0 : i32
      %dma_wait3A_349 = arith.constant 0 : i32
      %dma_wait3A_350 = arith.constant 1 : i32
      %dma_wait3A_351 = arith.constant 48 : i32
      %dma_wait3A_352 = arith.constant 0 : i32
      %dma_wait3A_353 = tpu.memref_slice %arg7[%dma_wait3A_350, %dma_wait3A_351, %dma_wait3A_352] : memref<2x96x128xf32, #tpu.memory_space<vmem>> -> memref<1x48x128xf32, #tpu.memory_space<vmem>>
      %dma_wait3A_354 = tpu.memref_squeeze %dma_wait3A_353 : memref<1x48x128xf32, #tpu.memory_space<vmem>> -> memref<48x128xf32, #tpu.memory_space<vmem>>
      %dma_wait3A_355 = arith.constant 48 : i32
      %dma_wait3A_356 = tpu.memref_slice %arg6[%dma_wait3A_348, %dma_wait3A_349, %dma_wait3A_355] : memref<3x2x96xi32, #tpu.memory_space<vmem>> -> memref<1x1x48xi32, #tpu.memory_space<vmem>>
      %dma_wait3A_357 = tpu.memref_squeeze %dma_wait3A_356 : memref<1x1x48xi32, #tpu.memory_space<vmem>> -> memref<48xi32, #tpu.memory_space<vmem>>
      %dma_wait3A_358 = arith.constant 0 : i32
      %dma_wait3A_359 = arith.constant 0 : i32
      %dma_wait3A_360 = tpu.memref_slice %arg2[%dma_wait3A_358, %dma_wait3A_359] : memref<10000x128xf32, #tpu.memory_space<hbm>> -> memref<10000x128xf32, #tpu.memory_space<hbm>>
      tpu.wait_indirect_dma semaphore(%arg15 : memref<!tpu.dma_semaphore, #tpu.memory_space<semaphore_mem>>) src(%dma_wait3A_360 : memref<10000x128xf32, #tpu.memory_space<hbm>>) dst(%dma_wait3A_354 : memref<48x128xf32, #tpu.memory_space<vmem>>)
      %dma_start3A_361 = arith.constant 1 : i32
      %dma_start3A_362 = arith.constant 0 : i32
      %dma_start3A_363 = arith.constant 1 : i32
      %dma_start3A_364 = arith.constant 0 : i32
      %dma_start3A_365 = arith.constant 0 : i32
      %dma_start3A_366 = tpu.memref_slice %arg7[%dma_start3A_361, %dma_start3A_364, %dma_start3A_365] : memref<2x96x128xf32, #tpu.memory_space<vmem>> -> memref<1x96x128xf32, #tpu.memory_space<vmem>>
      %dma_start3A_367 = tpu.memref_squeeze %dma_start3A_366 : memref<1x96x128xf32, #tpu.memory_space<vmem>> -> memref<96x128xf32, #tpu.memory_space<vmem>>
      %dma_start3A_368 = arith.constant 0 : i32
      %dma_start3A_369 = tpu.memref_slice %arg6[%dma_start3A_362, %dma_start3A_363, %dma_start3A_368] : memref<3x2x96xi32, #tpu.memory_space<vmem>> -> memref<1x1x96xi32, #tpu.memory_space<vmem>>
      %dma_start3A_370 = tpu.memref_squeeze %dma_start3A_369 : memref<1x1x96xi32, #tpu.memory_space<vmem>> -> memref<96xi32, #tpu.memory_space<vmem>>
      %dma_start3A_371 = arith.constant 0 : i32
      %dma_start3A_372 = arith.constant 0 : i32
      %dma_start3A_373 = tpu.memref_slice %arg8[%dma_start3A_371, %dma_start3A_372] : memref<10112x128xf32, #tpu.memory_space<vmem_shared>> -> memref<10112x128xf32, #tpu.memory_space<vmem_shared>>
      tpu.enqueue_indirect_dma source(%dma_start3A_367 : memref<96x128xf32, #tpu.memory_space<vmem>>) target(%dma_start3A_373 : memref<10112x128xf32, #tpu.memory_space<vmem_shared>>) offsets(%dma_start3A_370 : memref<96xi32, #tpu.memory_space<vmem>>) semaphore(%arg17 : memref<!tpu.dma_semaphore, #tpu.memory_space<semaphore_mem>>) {add = true}
      %add3A_374 = arith.constant 4 : i32
      %add3A_375 = arith.addi %mul3A_109, %add3A_374 : i32
      %gt3A_376 = arith.constant 0 : i32
      %gt3A_377 = arith.cmpi sgt, %add3A_375, %gt3A_376 : i32
      %convert_element_type3A_378 = arith.extui %gt3A_377 : i1 to i32
      %cond3A_379 = arith.constant 0 : i32
      %cond3A_380 = arith.cmpi ne, %convert_element_type3A_378, %cond3A_379 : i32
      scf.if %cond3A_380 {
        %dma_wait3A_508 = arith.constant 1 : i32
        %dma_wait3A_509 = arith.constant 0 : i32
        %dma_wait3A_510 = arith.constant 1 : i32
        %dma_wait3A_511 = arith.constant 0 : i32
        %dma_wait3A_512 = arith.constant 0 : i32
        %dma_wait3A_513 = tpu.memref_slice %arg7[%dma_wait3A_508, %dma_wait3A_511, %dma_wait3A_512] : memref<2x96x128xf32, #tpu.memory_space<vmem>> -> memref<1x96x128xf32, #tpu.memory_space<vmem>>
        %dma_wait3A_514 = tpu.memref_squeeze %dma_wait3A_513 : memref<1x96x128xf32, #tpu.memory_space<vmem>> -> memref<96x128xf32, #tpu.memory_space<vmem>>
        %dma_wait3A_515 = arith.constant 0 : i32
        %dma_wait3A_516 = tpu.memref_slice %arg6[%dma_wait3A_509, %dma_wait3A_510, %dma_wait3A_515] : memref<3x2x96xi32, #tpu.memory_space<vmem>> -> memref<1x1x96xi32, #tpu.memory_space<vmem>>
        %dma_wait3A_517 = tpu.memref_squeeze %dma_wait3A_516 : memref<1x1x96xi32, #tpu.memory_space<vmem>> -> memref<96xi32, #tpu.memory_space<vmem>>
        %dma_wait3A_518 = arith.constant 0 : i32
        %dma_wait3A_519 = arith.constant 0 : i32
        %dma_wait3A_520 = tpu.memref_slice %arg8[%dma_wait3A_518, %dma_wait3A_519] : memref<10112x128xf32, #tpu.memory_space<vmem_shared>> -> memref<10112x128xf32, #tpu.memory_space<vmem_shared>>
        tpu.wait_indirect_dma semaphore(%arg17 : memref<!tpu.dma_semaphore, #tpu.memory_space<semaphore_mem>>) src(%dma_wait3A_514 : memref<96x128xf32, #tpu.memory_space<vmem>>) dst(%dma_wait3A_520 : memref<10112x128xf32, #tpu.memory_space<vmem_shared>>)
      } else {
      }
      %add3A_381 = arith.constant 2 : i32
      %add3A_382 = arith.addi %add3A_375, %add3A_381 : i32
      %lt3A_383 = arith.constant 108 : i32
      %lt3A_384 = arith.cmpi slt, %add3A_382, %lt3A_383 : i32
      %convert_element_type3A_385 = arith.extui %lt3A_384 : i1 to i32
      %cond3A_386 = arith.constant 0 : i32
      %cond3A_387 = arith.cmpi ne, %convert_element_type3A_385, %cond3A_386 : i32
      scf.if %cond3A_387 {
        %add3A_508 = arith.constant 2 : i32
        %add3A_509 = arith.addi %add3A_375, %add3A_508 : i32
        %dma_start3A_510 = arith.constant 0 : i32
        %dma_start3A_511 = arith.constant 0 : i32
        %dma_start3A_512 = arith.constant 0 : i32
        %dma_start3A_513 = tpu.memref_slice %arg6[%dma_start3A_510, %dma_start3A_511, %dma_start3A_512] : memref<3x2x96xi32, #tpu.memory_space<vmem>> -> memref<1x2x96xi32, #tpu.memory_space<vmem>>
        %dma_start3A_514 = tpu.memref_squeeze %dma_start3A_513 : memref<1x2x96xi32, #tpu.memory_space<vmem>> -> memref<2x96xi32, #tpu.memory_space<vmem>>
        %dma_start3A_515 = arith.constant 0 : i32
        %dma_start3A_516 = arith.constant 0 : i32
        %dma_start3A_517 = tpu.memref_slice %arg3[%add3A, %add3A_509, %dma_start3A_515, %dma_start3A_516] : memref<32x108x2x96xi32, #tpu.memory_space<hbm>> -> memref<1x1x2x96xi32, #tpu.memory_space<hbm>>
        %dma_start3A_518 = tpu.memref_squeeze %dma_start3A_517 : memref<1x1x2x96xi32, #tpu.memory_space<hbm>> -> memref<2x96xi32, #tpu.memory_space<hbm>>
        %dma_start3A_519 = arith.constant 0 : i32
        %dma_start3A_520 = arith.constant 0 : i32
        %dma_start3A_521 = tpu.memref_slice %arg6[%dma_start3A_510, %dma_start3A_519, %dma_start3A_520] : memref<3x2x96xi32, #tpu.memory_space<vmem>> -> memref<1x2x96xi32, #tpu.memory_space<vmem>>
        %dma_start3A_522 = tpu.memref_squeeze %dma_start3A_521 : memref<1x2x96xi32, #tpu.memory_space<vmem>> -> memref<2x96xi32, #tpu.memory_space<vmem>>
        %dma_start3A_523 = arith.constant 0 : i32
        %dma_start3A_524 = arith.constant 0 : i32
        %dma_start3A_525 = tpu.memref_slice %arg3[%add3A, %add3A_509, %dma_start3A_523, %dma_start3A_524] : memref<32x108x2x96xi32, #tpu.memory_space<hbm>> -> memref<1x1x2x96xi32, #tpu.memory_space<hbm>>
        %dma_start3A_526 = tpu.memref_squeeze %dma_start3A_525 : memref<1x1x2x96xi32, #tpu.memory_space<hbm>> -> memref<2x96xi32, #tpu.memory_space<hbm>>
        tpu.enqueue_dma source(%dma_start3A_526 : memref<2x96xi32, #tpu.memory_space<hbm>>) target(%dma_start3A_522 : memref<2x96xi32, #tpu.memory_space<vmem>>) target_semaphore(%arg9 : memref<!tpu.dma_semaphore, #tpu.memory_space<semaphore_mem>>)
      } else {
      }
      %add3A_388 = arith.constant 1 : i32
      %add3A_389 = arith.addi %add3A_375, %add3A_388 : i32
      %lt3A_390 = arith.constant 108 : i32
      %lt3A_391 = arith.cmpi slt, %add3A_389, %lt3A_390 : i32
      %convert_element_type3A_392 = arith.extui %lt3A_391 : i1 to i32
      %cond3A_393 = arith.constant 0 : i32
      %cond3A_394 = arith.cmpi ne, %convert_element_type3A_392, %cond3A_393 : i32
      scf.if %cond3A_394 {
        %add3A_508 = arith.constant 1 : i32
        %add3A_509 = arith.addi %add3A_375, %add3A_508 : i32
        %dma_wait3A_510 = arith.constant 2 : i32
        %dma_wait3A_511 = arith.constant 0 : i32
        %dma_wait3A_512 = arith.constant 0 : i32
        %dma_wait3A_513 = tpu.memref_slice %arg6[%dma_wait3A_510, %dma_wait3A_511, %dma_wait3A_512] : memref<3x2x96xi32, #tpu.memory_space<vmem>> -> memref<1x2x96xi32, #tpu.memory_space<vmem>>
        %dma_wait3A_514 = tpu.memref_squeeze %dma_wait3A_513 : memref<1x2x96xi32, #tpu.memory_space<vmem>> -> memref<2x96xi32, #tpu.memory_space<vmem>>
        %dma_wait3A_515 = arith.constant 0 : i32
        %dma_wait3A_516 = arith.constant 0 : i32
        %dma_wait3A_517 = tpu.memref_slice %arg3[%add3A, %add3A_509, %dma_wait3A_515, %dma_wait3A_516] : memref<32x108x2x96xi32, #tpu.memory_space<hbm>> -> memref<1x1x2x96xi32, #tpu.memory_space<hbm>>
        %dma_wait3A_518 = tpu.memref_squeeze %dma_wait3A_517 : memref<1x1x2x96xi32, #tpu.memory_space<hbm>> -> memref<2x96xi32, #tpu.memory_space<hbm>>
        %dma_wait3A_519 = arith.constant 0 : i32
        %dma_wait3A_520 = arith.constant 0 : i32
        %dma_wait3A_521 = tpu.memref_slice %arg6[%dma_wait3A_510, %dma_wait3A_519, %dma_wait3A_520] : memref<3x2x96xi32, #tpu.memory_space<vmem>> -> memref<1x2x96xi32, #tpu.memory_space<vmem>>
        %dma_wait3A_522 = tpu.memref_squeeze %dma_wait3A_521 : memref<1x2x96xi32, #tpu.memory_space<vmem>> -> memref<2x96xi32, #tpu.memory_space<vmem>>
        %dma_wait3A_523 = arith.constant 0 : i32
        %dma_wait3A_524 = arith.constant 0 : i32
        %dma_wait3A_525 = tpu.memref_slice %arg3[%add3A, %add3A_509, %dma_wait3A_523, %dma_wait3A_524] : memref<32x108x2x96xi32, #tpu.memory_space<hbm>> -> memref<1x1x2x96xi32, #tpu.memory_space<hbm>>
        %dma_wait3A_526 = tpu.memref_squeeze %dma_wait3A_525 : memref<1x1x2x96xi32, #tpu.memory_space<hbm>> -> memref<2x96xi32, #tpu.memory_space<hbm>>
        tpu.wait_dma2 semaphore(%arg11 : memref<!tpu.dma_semaphore, #tpu.memory_space<semaphore_mem>>) src(%dma_wait3A_526 : memref<2x96xi32, #tpu.memory_space<hbm>>) dst(%dma_wait3A_522 : memref<2x96xi32, #tpu.memory_space<vmem>>)
      } else {
      }
      %add3A_395 = arith.constant 1 : i32
      %add3A_396 = arith.addi %add3A_375, %add3A_395 : i32
      %lt3A_397 = arith.constant 108 : i32
      %lt3A_398 = arith.cmpi slt, %add3A_396, %lt3A_397 : i32
      %convert_element_type3A_399 = arith.extui %lt3A_398 : i1 to i32
      %cond3A_400 = arith.constant 0 : i32
      %cond3A_401 = arith.cmpi ne, %convert_element_type3A_399, %cond3A_400 : i32
      scf.if %cond3A_401 {
        %dma_start3A_508 = arith.constant 2 : i32
        %dma_start3A_509 = arith.constant 0 : i32
        %dma_start3A_510 = arith.constant 1 : i32
        %dma_start3A_511 = arith.constant 0 : i32
        %dma_start3A_512 = arith.constant 0 : i32
        %dma_start3A_513 = tpu.memref_slice %arg7[%dma_start3A_510, %dma_start3A_511, %dma_start3A_512] : memref<2x96x128xf32, #tpu.memory_space<vmem>> -> memref<1x48x128xf32, #tpu.memory_space<vmem>>
        %dma_start3A_514 = tpu.memref_squeeze %dma_start3A_513 : memref<1x48x128xf32, #tpu.memory_space<vmem>> -> memref<48x128xf32, #tpu.memory_space<vmem>>
        %dma_start3A_515 = arith.constant 0 : i32
        %dma_start3A_516 = tpu.memref_slice %arg6[%dma_start3A_508, %dma_start3A_509, %dma_start3A_515] : memref<3x2x96xi32, #tpu.memory_space<vmem>> -> memref<1x1x48xi32, #tpu.memory_space<vmem>>
        %dma_start3A_517 = tpu.memref_squeeze %dma_start3A_516 : memref<1x1x48xi32, #tpu.memory_space<vmem>> -> memref<48xi32, #tpu.memory_space<vmem>>
        %dma_start3A_518 = arith.constant 0 : i32
        %dma_start3A_519 = arith.constant 0 : i32
        %dma_start3A_520 = tpu.memref_slice %arg2[%dma_start3A_518, %dma_start3A_519] : memref<10000x128xf32, #tpu.memory_space<hbm>> -> memref<10000x128xf32, #tpu.memory_space<hbm>>
        tpu.enqueue_indirect_dma source(%dma_start3A_520 : memref<10000x128xf32, #tpu.memory_space<hbm>>) target(%dma_start3A_514 : memref<48x128xf32, #tpu.memory_space<vmem>>) offsets(%dma_start3A_517 : memref<48xi32, #tpu.memory_space<vmem>>) semaphore(%arg14 : memref<!tpu.dma_semaphore, #tpu.memory_space<semaphore_mem>>)
        %dma_start3A_521 = arith.constant 2 : i32
        %dma_start3A_522 = arith.constant 0 : i32
        %dma_start3A_523 = arith.constant 1 : i32
        %dma_start3A_524 = arith.constant 48 : i32
        %dma_start3A_525 = arith.constant 0 : i32
        %dma_start3A_526 = tpu.memref_slice %arg7[%dma_start3A_523, %dma_start3A_524, %dma_start3A_525] : memref<2x96x128xf32, #tpu.memory_space<vmem>> -> memref<1x48x128xf32, #tpu.memory_space<vmem>>
        %dma_start3A_527 = tpu.memref_squeeze %dma_start3A_526 : memref<1x48x128xf32, #tpu.memory_space<vmem>> -> memref<48x128xf32, #tpu.memory_space<vmem>>
        %dma_start3A_528 = arith.constant 48 : i32
        %dma_start3A_529 = tpu.memref_slice %arg6[%dma_start3A_521, %dma_start3A_522, %dma_start3A_528] : memref<3x2x96xi32, #tpu.memory_space<vmem>> -> memref<1x1x48xi32, #tpu.memory_space<vmem>>
        %dma_start3A_530 = tpu.memref_squeeze %dma_start3A_529 : memref<1x1x48xi32, #tpu.memory_space<vmem>> -> memref<48xi32, #tpu.memory_space<vmem>>
        %dma_start3A_531 = arith.constant 0 : i32
        %dma_start3A_532 = arith.constant 0 : i32
        %dma_start3A_533 = tpu.memref_slice %arg2[%dma_start3A_531, %dma_start3A_532] : memref<10000x128xf32, #tpu.memory_space<hbm>> -> memref<10000x128xf32, #tpu.memory_space<hbm>>
        tpu.enqueue_indirect_dma source(%dma_start3A_533 : memref<10000x128xf32, #tpu.memory_space<hbm>>) target(%dma_start3A_527 : memref<48x128xf32, #tpu.memory_space<vmem>>) offsets(%dma_start3A_530 : memref<48xi32, #tpu.memory_space<vmem>>) semaphore(%arg15 : memref<!tpu.dma_semaphore, #tpu.memory_space<semaphore_mem>>)
      } else {
      }
      %dma_wait3A_402 = arith.constant 1 : i32
      %dma_wait3A_403 = arith.constant 0 : i32
      %dma_wait3A_404 = arith.constant 0 : i32
      %dma_wait3A_405 = arith.constant 0 : i32
      %dma_wait3A_406 = arith.constant 0 : i32
      %dma_wait3A_407 = tpu.memref_slice %arg7[%dma_wait3A_404, %dma_wait3A_405, %dma_wait3A_406] : memref<2x96x128xf32, #tpu.memory_space<vmem>> -> memref<1x48x128xf32, #tpu.memory_space<vmem>>
      %dma_wait3A_408 = tpu.memref_squeeze %dma_wait3A_407 : memref<1x48x128xf32, #tpu.memory_space<vmem>> -> memref<48x128xf32, #tpu.memory_space<vmem>>
      %dma_wait3A_409 = arith.constant 0 : i32
      %dma_wait3A_410 = tpu.memref_slice %arg6[%dma_wait3A_402, %dma_wait3A_403, %dma_wait3A_409] : memref<3x2x96xi32, #tpu.memory_space<vmem>> -> memref<1x1x48xi32, #tpu.memory_space<vmem>>
      %dma_wait3A_411 = tpu.memref_squeeze %dma_wait3A_410 : memref<1x1x48xi32, #tpu.memory_space<vmem>> -> memref<48xi32, #tpu.memory_space<vmem>>
      %dma_wait3A_412 = arith.constant 0 : i32
      %dma_wait3A_413 = arith.constant 0 : i32
      %dma_wait3A_414 = tpu.memref_slice %arg2[%dma_wait3A_412, %dma_wait3A_413] : memref<10000x128xf32, #tpu.memory_space<hbm>> -> memref<10000x128xf32, #tpu.memory_space<hbm>>
      tpu.wait_indirect_dma semaphore(%arg12 : memref<!tpu.dma_semaphore, #tpu.memory_space<semaphore_mem>>) src(%dma_wait3A_414 : memref<10000x128xf32, #tpu.memory_space<hbm>>) dst(%dma_wait3A_408 : memref<48x128xf32, #tpu.memory_space<vmem>>)
      %dma_wait3A_415 = arith.constant 1 : i32
      %dma_wait3A_416 = arith.constant 0 : i32
      %dma_wait3A_417 = arith.constant 0 : i32
      %dma_wait3A_418 = arith.constant 48 : i32
      %dma_wait3A_419 = arith.constant 0 : i32
      %dma_wait3A_420 = tpu.memref_slice %arg7[%dma_wait3A_417, %dma_wait3A_418, %dma_wait3A_419] : memref<2x96x128xf32, #tpu.memory_space<vmem>> -> memref<1x48x128xf32, #tpu.memory_space<vmem>>
      %dma_wait3A_421 = tpu.memref_squeeze %dma_wait3A_420 : memref<1x48x128xf32, #tpu.memory_space<vmem>> -> memref<48x128xf32, #tpu.memory_space<vmem>>
      %dma_wait3A_422 = arith.constant 48 : i32
      %dma_wait3A_423 = tpu.memref_slice %arg6[%dma_wait3A_415, %dma_wait3A_416, %dma_wait3A_422] : memref<3x2x96xi32, #tpu.memory_space<vmem>> -> memref<1x1x48xi32, #tpu.memory_space<vmem>>
      %dma_wait3A_424 = tpu.memref_squeeze %dma_wait3A_423 : memref<1x1x48xi32, #tpu.memory_space<vmem>> -> memref<48xi32, #tpu.memory_space<vmem>>
      %dma_wait3A_425 = arith.constant 0 : i32
      %dma_wait3A_426 = arith.constant 0 : i32
      %dma_wait3A_427 = tpu.memref_slice %arg2[%dma_wait3A_425, %dma_wait3A_426] : memref<10000x128xf32, #tpu.memory_space<hbm>> -> memref<10000x128xf32, #tpu.memory_space<hbm>>
      tpu.wait_indirect_dma semaphore(%arg13 : memref<!tpu.dma_semaphore, #tpu.memory_space<semaphore_mem>>) src(%dma_wait3A_427 : memref<10000x128xf32, #tpu.memory_space<hbm>>) dst(%dma_wait3A_421 : memref<48x128xf32, #tpu.memory_space<vmem>>)
      %dma_start3A_428 = arith.constant 0 : i32
      %dma_start3A_429 = arith.constant 1 : i32
      %dma_start3A_430 = arith.constant 1 : i32
      %dma_start3A_431 = arith.constant 0 : i32
      %dma_start3A_432 = arith.constant 0 : i32
      %dma_start3A_433 = tpu.memref_slice %arg7[%dma_start3A_428, %dma_start3A_431, %dma_start3A_432] : memref<2x96x128xf32, #tpu.memory_space<vmem>> -> memref<1x96x128xf32, #tpu.memory_space<vmem>>
      %dma_start3A_434 = tpu.memref_squeeze %dma_start3A_433 : memref<1x96x128xf32, #tpu.memory_space<vmem>> -> memref<96x128xf32, #tpu.memory_space<vmem>>
      %dma_start3A_435 = arith.constant 0 : i32
      %dma_start3A_436 = tpu.memref_slice %arg6[%dma_start3A_429, %dma_start3A_430, %dma_start3A_435] : memref<3x2x96xi32, #tpu.memory_space<vmem>> -> memref<1x1x96xi32, #tpu.memory_space<vmem>>
      %dma_start3A_437 = tpu.memref_squeeze %dma_start3A_436 : memref<1x1x96xi32, #tpu.memory_space<vmem>> -> memref<96xi32, #tpu.memory_space<vmem>>
      %dma_start3A_438 = arith.constant 0 : i32
      %dma_start3A_439 = arith.constant 0 : i32
      %dma_start3A_440 = tpu.memref_slice %arg8[%dma_start3A_438, %dma_start3A_439] : memref<10112x128xf32, #tpu.memory_space<vmem_shared>> -> memref<10112x128xf32, #tpu.memory_space<vmem_shared>>
      tpu.enqueue_indirect_dma source(%dma_start3A_434 : memref<96x128xf32, #tpu.memory_space<vmem>>) target(%dma_start3A_440 : memref<10112x128xf32, #tpu.memory_space<vmem_shared>>) offsets(%dma_start3A_437 : memref<96xi32, #tpu.memory_space<vmem>>) semaphore(%arg16 : memref<!tpu.dma_semaphore, #tpu.memory_space<semaphore_mem>>) {add = true}
      %add3A_441 = arith.constant 5 : i32
      %add3A_442 = arith.addi %mul3A_109, %add3A_441 : i32
      %gt3A_443 = arith.constant 0 : i32
      %gt3A_444 = arith.cmpi sgt, %add3A_442, %gt3A_443 : i32
      %convert_element_type3A_445 = arith.extui %gt3A_444 : i1 to i32
      %cond3A_446 = arith.constant 0 : i32
      %cond3A_447 = arith.cmpi ne, %convert_element_type3A_445, %cond3A_446 : i32
      scf.if %cond3A_447 {
        %dma_wait3A_508 = arith.constant 0 : i32
        %dma_wait3A_509 = arith.constant 1 : i32
        %dma_wait3A_510 = arith.constant 1 : i32
        %dma_wait3A_511 = arith.constant 0 : i32
        %dma_wait3A_512 = arith.constant 0 : i32
        %dma_wait3A_513 = tpu.memref_slice %arg7[%dma_wait3A_508, %dma_wait3A_511, %dma_wait3A_512] : memref<2x96x128xf32, #tpu.memory_space<vmem>> -> memref<1x96x128xf32, #tpu.memory_space<vmem>>
        %dma_wait3A_514 = tpu.memref_squeeze %dma_wait3A_513 : memref<1x96x128xf32, #tpu.memory_space<vmem>> -> memref<96x128xf32, #tpu.memory_space<vmem>>
        %dma_wait3A_515 = arith.constant 0 : i32
        %dma_wait3A_516 = tpu.memref_slice %arg6[%dma_wait3A_509, %dma_wait3A_510, %dma_wait3A_515] : memref<3x2x96xi32, #tpu.memory_space<vmem>> -> memref<1x1x96xi32, #tpu.memory_space<vmem>>
        %dma_wait3A_517 = tpu.memref_squeeze %dma_wait3A_516 : memref<1x1x96xi32, #tpu.memory_space<vmem>> -> memref<96xi32, #tpu.memory_space<vmem>>
        %dma_wait3A_518 = arith.constant 0 : i32
        %dma_wait3A_519 = arith.constant 0 : i32
        %dma_wait3A_520 = tpu.memref_slice %arg8[%dma_wait3A_518, %dma_wait3A_519] : memref<10112x128xf32, #tpu.memory_space<vmem_shared>> -> memref<10112x128xf32, #tpu.memory_space<vmem_shared>>
        tpu.wait_indirect_dma semaphore(%arg16 : memref<!tpu.dma_semaphore, #tpu.memory_space<semaphore_mem>>) src(%dma_wait3A_514 : memref<96x128xf32, #tpu.memory_space<vmem>>) dst(%dma_wait3A_520 : memref<10112x128xf32, #tpu.memory_space<vmem_shared>>)
      } else {
      }
      %add3A_448 = arith.constant 2 : i32
      %add3A_449 = arith.addi %add3A_442, %add3A_448 : i32
      %lt3A_450 = arith.constant 108 : i32
      %lt3A_451 = arith.cmpi slt, %add3A_449, %lt3A_450 : i32
      %convert_element_type3A_452 = arith.extui %lt3A_451 : i1 to i32
      %cond3A_453 = arith.constant 0 : i32
      %cond3A_454 = arith.cmpi ne, %convert_element_type3A_452, %cond3A_453 : i32
      scf.if %cond3A_454 {
        %add3A_508 = arith.constant 2 : i32
        %add3A_509 = arith.addi %add3A_442, %add3A_508 : i32
        %dma_start3A_510 = arith.constant 1 : i32
        %dma_start3A_511 = arith.constant 0 : i32
        %dma_start3A_512 = arith.constant 0 : i32
        %dma_start3A_513 = tpu.memref_slice %arg6[%dma_start3A_510, %dma_start3A_511, %dma_start3A_512] : memref<3x2x96xi32, #tpu.memory_space<vmem>> -> memref<1x2x96xi32, #tpu.memory_space<vmem>>
        %dma_start3A_514 = tpu.memref_squeeze %dma_start3A_513 : memref<1x2x96xi32, #tpu.memory_space<vmem>> -> memref<2x96xi32, #tpu.memory_space<vmem>>
        %dma_start3A_515 = arith.constant 0 : i32
        %dma_start3A_516 = arith.constant 0 : i32
        %dma_start3A_517 = tpu.memref_slice %arg3[%add3A, %add3A_509, %dma_start3A_515, %dma_start3A_516] : memref<32x108x2x96xi32, #tpu.memory_space<hbm>> -> memref<1x1x2x96xi32, #tpu.memory_space<hbm>>
        %dma_start3A_518 = tpu.memref_squeeze %dma_start3A_517 : memref<1x1x2x96xi32, #tpu.memory_space<hbm>> -> memref<2x96xi32, #tpu.memory_space<hbm>>
        %dma_start3A_519 = arith.constant 0 : i32
        %dma_start3A_520 = arith.constant 0 : i32
        %dma_start3A_521 = tpu.memref_slice %arg6[%dma_start3A_510, %dma_start3A_519, %dma_start3A_520] : memref<3x2x96xi32, #tpu.memory_space<vmem>> -> memref<1x2x96xi32, #tpu.memory_space<vmem>>
        %dma_start3A_522 = tpu.memref_squeeze %dma_start3A_521 : memref<1x2x96xi32, #tpu.memory_space<vmem>> -> memref<2x96xi32, #tpu.memory_space<vmem>>
        %dma_start3A_523 = arith.constant 0 : i32
        %dma_start3A_524 = arith.constant 0 : i32
        %dma_start3A_525 = tpu.memref_slice %arg3[%add3A, %add3A_509, %dma_start3A_523, %dma_start3A_524] : memref<32x108x2x96xi32, #tpu.memory_space<hbm>> -> memref<1x1x2x96xi32, #tpu.memory_space<hbm>>
        %dma_start3A_526 = tpu.memref_squeeze %dma_start3A_525 : memref<1x1x2x96xi32, #tpu.memory_space<hbm>> -> memref<2x96xi32, #tpu.memory_space<hbm>>
        tpu.enqueue_dma source(%dma_start3A_526 : memref<2x96xi32, #tpu.memory_space<hbm>>) target(%dma_start3A_522 : memref<2x96xi32, #tpu.memory_space<vmem>>) target_semaphore(%arg10 : memref<!tpu.dma_semaphore, #tpu.memory_space<semaphore_mem>>)
      } else {
      }
      %add3A_455 = arith.constant 1 : i32
      %add3A_456 = arith.addi %add3A_442, %add3A_455 : i32
      %lt3A_457 = arith.constant 108 : i32
      %lt3A_458 = arith.cmpi slt, %add3A_456, %lt3A_457 : i32
      %convert_element_type3A_459 = arith.extui %lt3A_458 : i1 to i32
      %cond3A_460 = arith.constant 0 : i32
      %cond3A_461 = arith.cmpi ne, %convert_element_type3A_459, %cond3A_460 : i32
      scf.if %cond3A_461 {
        %add3A_508 = arith.constant 1 : i32
        %add3A_509 = arith.addi %add3A_442, %add3A_508 : i32
        %dma_wait3A_510 = arith.constant 0 : i32
        %dma_wait3A_511 = arith.constant 0 : i32
        %dma_wait3A_512 = arith.constant 0 : i32
        %dma_wait3A_513 = tpu.memref_slice %arg6[%dma_wait3A_510, %dma_wait3A_511, %dma_wait3A_512] : memref<3x2x96xi32, #tpu.memory_space<vmem>> -> memref<1x2x96xi32, #tpu.memory_space<vmem>>
        %dma_wait3A_514 = tpu.memref_squeeze %dma_wait3A_513 : memref<1x2x96xi32, #tpu.memory_space<vmem>> -> memref<2x96xi32, #tpu.memory_space<vmem>>
        %dma_wait3A_515 = arith.constant 0 : i32
        %dma_wait3A_516 = arith.constant 0 : i32
        %dma_wait3A_517 = tpu.memref_slice %arg3[%add3A, %add3A_509, %dma_wait3A_515, %dma_wait3A_516] : memref<32x108x2x96xi32, #tpu.memory_space<hbm>> -> memref<1x1x2x96xi32, #tpu.memory_space<hbm>>
        %dma_wait3A_518 = tpu.memref_squeeze %dma_wait3A_517 : memref<1x1x2x96xi32, #tpu.memory_space<hbm>> -> memref<2x96xi32, #tpu.memory_space<hbm>>
        %dma_wait3A_519 = arith.constant 0 : i32
        %dma_wait3A_520 = arith.constant 0 : i32
        %dma_wait3A_521 = tpu.memref_slice %arg6[%dma_wait3A_510, %dma_wait3A_519, %dma_wait3A_520] : memref<3x2x96xi32, #tpu.memory_space<vmem>> -> memref<1x2x96xi32, #tpu.memory_space<vmem>>
        %dma_wait3A_522 = tpu.memref_squeeze %dma_wait3A_521 : memref<1x2x96xi32, #tpu.memory_space<vmem>> -> memref<2x96xi32, #tpu.memory_space<vmem>>
        %dma_wait3A_523 = arith.constant 0 : i32
        %dma_wait3A_524 = arith.constant 0 : i32
        %dma_wait3A_525 = tpu.memref_slice %arg3[%add3A, %add3A_509, %dma_wait3A_523, %dma_wait3A_524] : memref<32x108x2x96xi32, #tpu.memory_space<hbm>> -> memref<1x1x2x96xi32, #tpu.memory_space<hbm>>
        %dma_wait3A_526 = tpu.memref_squeeze %dma_wait3A_525 : memref<1x1x2x96xi32, #tpu.memory_space<hbm>> -> memref<2x96xi32, #tpu.memory_space<hbm>>
        tpu.wait_dma2 semaphore(%arg9 : memref<!tpu.dma_semaphore, #tpu.memory_space<semaphore_mem>>) src(%dma_wait3A_526 : memref<2x96xi32, #tpu.memory_space<hbm>>) dst(%dma_wait3A_522 : memref<2x96xi32, #tpu.memory_space<vmem>>)
      } else {
      }
      %add3A_462 = arith.constant 1 : i32
      %add3A_463 = arith.addi %add3A_442, %add3A_462 : i32
      %lt3A_464 = arith.constant 108 : i32
      %lt3A_465 = arith.cmpi slt, %add3A_463, %lt3A_464 : i32
      %convert_element_type3A_466 = arith.extui %lt3A_465 : i1 to i32
      %cond3A_467 = arith.constant 0 : i32
      %cond3A_468 = arith.cmpi ne, %convert_element_type3A_466, %cond3A_467 : i32
      scf.if %cond3A_468 {
        %dma_start3A_508 = arith.constant 0 : i32
        %dma_start3A_509 = arith.constant 0 : i32
        %dma_start3A_510 = arith.constant 0 : i32
        %dma_start3A_511 = arith.constant 0 : i32
        %dma_start3A_512 = arith.constant 0 : i32
        %dma_start3A_513 = tpu.memref_slice %arg7[%dma_start3A_510, %dma_start3A_511, %dma_start3A_512] : memref<2x96x128xf32, #tpu.memory_space<vmem>> -> memref<1x48x128xf32, #tpu.memory_space<vmem>>
        %dma_start3A_514 = tpu.memref_squeeze %dma_start3A_513 : memref<1x48x128xf32, #tpu.memory_space<vmem>> -> memref<48x128xf32, #tpu.memory_space<vmem>>
        %dma_start3A_515 = arith.constant 0 : i32
        %dma_start3A_516 = tpu.memref_slice %arg6[%dma_start3A_508, %dma_start3A_509, %dma_start3A_515] : memref<3x2x96xi32, #tpu.memory_space<vmem>> -> memref<1x1x48xi32, #tpu.memory_space<vmem>>
        %dma_start3A_517 = tpu.memref_squeeze %dma_start3A_516 : memref<1x1x48xi32, #tpu.memory_space<vmem>> -> memref<48xi32, #tpu.memory_space<vmem>>
        %dma_start3A_518 = arith.constant 0 : i32
        %dma_start3A_519 = arith.constant 0 : i32
        %dma_start3A_520 = tpu.memref_slice %arg2[%dma_start3A_518, %dma_start3A_519] : memref<10000x128xf32, #tpu.memory_space<hbm>> -> memref<10000x128xf32, #tpu.memory_space<hbm>>
        tpu.enqueue_indirect_dma source(%dma_start3A_520 : memref<10000x128xf32, #tpu.memory_space<hbm>>) target(%dma_start3A_514 : memref<48x128xf32, #tpu.memory_space<vmem>>) offsets(%dma_start3A_517 : memref<48xi32, #tpu.memory_space<vmem>>) semaphore(%arg12 : memref<!tpu.dma_semaphore, #tpu.memory_space<semaphore_mem>>)
        %dma_start3A_521 = arith.constant 0 : i32
        %dma_start3A_522 = arith.constant 0 : i32
        %dma_start3A_523 = arith.constant 0 : i32
        %dma_start3A_524 = arith.constant 48 : i32
        %dma_start3A_525 = arith.constant 0 : i32
        %dma_start3A_526 = tpu.memref_slice %arg7[%dma_start3A_523, %dma_start3A_524, %dma_start3A_525] : memref<2x96x128xf32, #tpu.memory_space<vmem>> -> memref<1x48x128xf32, #tpu.memory_space<vmem>>
        %dma_start3A_527 = tpu.memref_squeeze %dma_start3A_526 : memref<1x48x128xf32, #tpu.memory_space<vmem>> -> memref<48x128xf32, #tpu.memory_space<vmem>>
        %dma_start3A_528 = arith.constant 48 : i32
        %dma_start3A_529 = tpu.memref_slice %arg6[%dma_start3A_521, %dma_start3A_522, %dma_start3A_528] : memref<3x2x96xi32, #tpu.memory_space<vmem>> -> memref<1x1x48xi32, #tpu.memory_space<vmem>>
        %dma_start3A_530 = tpu.memref_squeeze %dma_start3A_529 : memref<1x1x48xi32, #tpu.memory_space<vmem>> -> memref<48xi32, #tpu.memory_space<vmem>>
        %dma_start3A_531 = arith.constant 0 : i32
        %dma_start3A_532 = arith.constant 0 : i32
        %dma_start3A_533 = tpu.memref_slice %arg2[%dma_start3A_531, %dma_start3A_532] : memref<10000x128xf32, #tpu.memory_space<hbm>> -> memref<10000x128xf32, #tpu.memory_space<hbm>>
        tpu.enqueue_indirect_dma source(%dma_start3A_533 : memref<10000x128xf32, #tpu.memory_space<hbm>>) target(%dma_start3A_527 : memref<48x128xf32, #tpu.memory_space<vmem>>) offsets(%dma_start3A_530 : memref<48xi32, #tpu.memory_space<vmem>>) semaphore(%arg13 : memref<!tpu.dma_semaphore, #tpu.memory_space<semaphore_mem>>)
      } else {
      }
      %dma_wait3A_469 = arith.constant 2 : i32
      %dma_wait3A_470 = arith.constant 0 : i32
      %dma_wait3A_471 = arith.constant 1 : i32
      %dma_wait3A_472 = arith.constant 0 : i32
      %dma_wait3A_473 = arith.constant 0 : i32
      %dma_wait3A_474 = tpu.memref_slice %arg7[%dma_wait3A_471, %dma_wait3A_472, %dma_wait3A_473] : memref<2x96x128xf32, #tpu.memory_space<vmem>> -> memref<1x48x128xf32, #tpu.memory_space<vmem>>
      %dma_wait3A_475 = tpu.memref_squeeze %dma_wait3A_474 : memref<1x48x128xf32, #tpu.memory_space<vmem>> -> memref<48x128xf32, #tpu.memory_space<vmem>>
      %dma_wait3A_476 = arith.constant 0 : i32
      %dma_wait3A_477 = tpu.memref_slice %arg6[%dma_wait3A_469, %dma_wait3A_470, %dma_wait3A_476] : memref<3x2x96xi32, #tpu.memory_space<vmem>> -> memref<1x1x48xi32, #tpu.memory_space<vmem>>
      %dma_wait3A_478 = tpu.memref_squeeze %dma_wait3A_477 : memref<1x1x48xi32, #tpu.memory_space<vmem>> -> memref<48xi32, #tpu.memory_space<vmem>>
      %dma_wait3A_479 = arith.constant 0 : i32
      %dma_wait3A_480 = arith.constant 0 : i32
      %dma_wait3A_481 = tpu.memref_slice %arg2[%dma_wait3A_479, %dma_wait3A_480] : memref<10000x128xf32, #tpu.memory_space<hbm>> -> memref<10000x128xf32, #tpu.memory_space<hbm>>
      tpu.wait_indirect_dma semaphore(%arg14 : memref<!tpu.dma_semaphore, #tpu.memory_space<semaphore_mem>>) src(%dma_wait3A_481 : memref<10000x128xf32, #tpu.memory_space<hbm>>) dst(%dma_wait3A_475 : memref<48x128xf32, #tpu.memory_space<vmem>>)
      %dma_wait3A_482 = arith.constant 2 : i32
      %dma_wait3A_483 = arith.constant 0 : i32
      %dma_wait3A_484 = arith.constant 1 : i32
      %dma_wait3A_485 = arith.constant 48 : i32
      %dma_wait3A_486 = arith.constant 0 : i32
      %dma_wait3A_487 = tpu.memref_slice %arg7[%dma_wait3A_484, %dma_wait3A_485, %dma_wait3A_486] : memref<2x96x128xf32, #tpu.memory_space<vmem>> -> memref<1x48x128xf32, #tpu.memory_space<vmem>>
      %dma_wait3A_488 = tpu.memref_squeeze %dma_wait3A_487 : memref<1x48x128xf32, #tpu.memory_space<vmem>> -> memref<48x128xf32, #tpu.memory_space<vmem>>
      %dma_wait3A_489 = arith.constant 48 : i32
      %dma_wait3A_490 = tpu.memref_slice %arg6[%dma_wait3A_482, %dma_wait3A_483, %dma_wait3A_489] : memref<3x2x96xi32, #tpu.memory_space<vmem>> -> memref<1x1x48xi32, #tpu.memory_space<vmem>>
      %dma_wait3A_491 = tpu.memref_squeeze %dma_wait3A_490 : memref<1x1x48xi32, #tpu.memory_space<vmem>> -> memref<48xi32, #tpu.memory_space<vmem>>
      %dma_wait3A_492 = arith.constant 0 : i32
      %dma_wait3A_493 = arith.constant 0 : i32
      %dma_wait3A_494 = tpu.memref_slice %arg2[%dma_wait3A_492, %dma_wait3A_493] : memref<10000x128xf32, #tpu.memory_space<hbm>> -> memref<10000x128xf32, #tpu.memory_space<hbm>>
      tpu.wait_indirect_dma semaphore(%arg15 : memref<!tpu.dma_semaphore, #tpu.memory_space<semaphore_mem>>) src(%dma_wait3A_494 : memref<10000x128xf32, #tpu.memory_space<hbm>>) dst(%dma_wait3A_488 : memref<48x128xf32, #tpu.memory_space<vmem>>)
      %dma_start3A_495 = arith.constant 1 : i32
      %dma_start3A_496 = arith.constant 2 : i32
      %dma_start3A_497 = arith.constant 1 : i32
      %dma_start3A_498 = arith.constant 0 : i32
      %dma_start3A_499 = arith.constant 0 : i32
      %dma_start3A_500 = tpu.memref_slice %arg7[%dma_start3A_495, %dma_start3A_498, %dma_start3A_499] : memref<2x96x128xf32, #tpu.memory_space<vmem>> -> memref<1x96x128xf32, #tpu.memory_space<vmem>>
      %dma_start3A_501 = tpu.memref_squeeze %dma_start3A_500 : memref<1x96x128xf32, #tpu.memory_space<vmem>> -> memref<96x128xf32, #tpu.memory_space<vmem>>
      %dma_start3A_502 = arith.constant 0 : i32
      %dma_start3A_503 = tpu.memref_slice %arg6[%dma_start3A_496, %dma_start3A_497, %dma_start3A_502] : memref<3x2x96xi32, #tpu.memory_space<vmem>> -> memref<1x1x96xi32, #tpu.memory_space<vmem>>
      %dma_start3A_504 = tpu.memref_squeeze %dma_start3A_503 : memref<1x1x96xi32, #tpu.memory_space<vmem>> -> memref<96xi32, #tpu.memory_space<vmem>>
      %dma_start3A_505 = arith.constant 0 : i32
      %dma_start3A_506 = arith.constant 0 : i32
      %dma_start3A_507 = tpu.memref_slice %arg8[%dma_start3A_505, %dma_start3A_506] : memref<10112x128xf32, #tpu.memory_space<vmem_shared>> -> memref<10112x128xf32, #tpu.memory_space<vmem_shared>>
      tpu.enqueue_indirect_dma source(%dma_start3A_501 : memref<96x128xf32, #tpu.memory_space<vmem>>) target(%dma_start3A_507 : memref<10112x128xf32, #tpu.memory_space<vmem_shared>>) offsets(%dma_start3A_504 : memref<96xi32, #tpu.memory_space<vmem>>) semaphore(%arg17 : memref<!tpu.dma_semaphore, #tpu.memory_space<semaphore_mem>>) {add = true}
    }
    %scan3A_85 = arith.constant 18 : i32
    %dma_wait3A_86 = arith.constant 1 : i32
    %dma_wait3A_87 = arith.constant 2 : i32
    %dma_wait3A_88 = arith.constant 1 : i32
    %dma_wait3A_89 = arith.constant 0 : i32
    %dma_wait3A_90 = arith.constant 0 : i32
    %dma_wait3A_91 = tpu.memref_slice %arg7[%dma_wait3A_86, %dma_wait3A_89, %dma_wait3A_90] : memref<2x96x128xf32, #tpu.memory_space<vmem>> -> memref<1x96x128xf32, #tpu.memory_space<vmem>>
    %dma_wait3A_92 = tpu.memref_squeeze %dma_wait3A_91 : memref<1x96x128xf32, #tpu.memory_space<vmem>> -> memref<96x128xf32, #tpu.memory_space<vmem>>
    %dma_wait3A_93 = arith.constant 0 : i32
    %dma_wait3A_94 = tpu.memref_slice %arg6[%dma_wait3A_87, %dma_wait3A_88, %dma_wait3A_93] : memref<3x2x96xi32, #tpu.memory_space<vmem>> -> memref<1x1x96xi32, #tpu.memory_space<vmem>>
    %dma_wait3A_95 = tpu.memref_squeeze %dma_wait3A_94 : memref<1x1x96xi32, #tpu.memory_space<vmem>> -> memref<96xi32, #tpu.memory_space<vmem>>
    %dma_wait3A_96 = arith.constant 0 : i32
    %dma_wait3A_97 = arith.constant 0 : i32
    %dma_wait3A_98 = tpu.memref_slice %arg8[%dma_wait3A_96, %dma_wait3A_97] : memref<10112x128xf32, #tpu.memory_space<vmem_shared>> -> memref<10112x128xf32, #tpu.memory_space<vmem_shared>>
    tpu.wait_indirect_dma semaphore(%arg17 : memref<!tpu.dma_semaphore, #tpu.memory_space<semaphore_mem>>) src(%dma_wait3A_92 : memref<96x128xf32, #tpu.memory_space<vmem>>) dst(%dma_wait3A_98 : memref<10112x128xf32, #tpu.memory_space<vmem_shared>>)
    %barrier3A_99 = arith.constant 0 : index
    tpu.barrier barrier_id(%barrier3A_99)
    %mul3A_100 = arith.constant 632 : i32
    %mul3A_101 = arith.muli %arg1, %mul3A_100 : i32
    %mul3A_102 = arith.constant 10112 : i32
    %mul3A_103 = arith.muli %arg0, %mul3A_102 : i32
    %mul3A_104 = arith.constant 632 : i32
    %mul3A_105 = arith.muli %arg1, %mul3A_104 : i32
    %add3A_106 = arith.addi %mul3A_103, %mul3A_105 : i32
    "tpu.region"() ({
      %run_scoped3A = tpu.sem_alloc : memref<!tpu.dma_semaphore, #tpu.memory_space<semaphore_mem>>
      %dma_start3A_107 = arith.constant 0 : i32
      %dma_start3A_108 = tpu.memref_slice %arg5[%add3A_106, %dma_start3A_107] : memref<20224x128xf32, #tpu.memory_space<hbm>> -> memref<632x128xf32, #tpu.memory_space<hbm>>
      %dma_start3A_109 = arith.constant 0 : i32
      %dma_start3A_110 = tpu.memref_slice %arg8[%mul3A_101, %dma_start3A_109] : memref<10112x128xf32, #tpu.memory_space<vmem_shared>> -> memref<632x128xf32, #tpu.memory_space<vmem_shared>>
      tpu.enqueue_dma source(%dma_start3A_110 : memref<632x128xf32, #tpu.memory_space<vmem_shared>>) target(%dma_start3A_108 : memref<632x128xf32, #tpu.memory_space<hbm>>) target_semaphore(%run_scoped3A : memref<!tpu.dma_semaphore, #tpu.memory_space<semaphore_mem>>)
      %dma_wait3A_111 = arith.constant 0 : i32
      %dma_wait3A_112 = tpu.memref_slice %arg5[%add3A_106, %dma_wait3A_111] : memref<20224x128xf32, #tpu.memory_space<hbm>> -> memref<632x128xf32, #tpu.memory_space<hbm>>
      %dma_wait3A_113 = arith.constant 0 : i32
      %dma_wait3A_114 = tpu.memref_slice %arg8[%mul3A_101, %dma_wait3A_113] : memref<10112x128xf32, #tpu.memory_space<vmem_shared>> -> memref<632x128xf32, #tpu.memory_space<vmem_shared>>
      tpu.wait_dma2 semaphore(%run_scoped3A : memref<!tpu.dma_semaphore, #tpu.memory_space<semaphore_mem>>) src(%dma_wait3A_114 : memref<632x128xf32, #tpu.memory_space<vmem_shared>>) dst(%dma_wait3A_112 : memref<632x128xf32, #tpu.memory_space<hbm>>)
      tpu.yield
    }) : () -> ()
    return
  }
}

module attributes {stable_mosaic.version = 14 : i64} {
  func.func @_mm1_body(%arg0: i32, %arg1: memref<400x128xf32, #tpu.memory_space<vmem>>, %arg2: memref<128x128xf32, #tpu.memory_space<vmem>>, %arg3: memref<400x32xf32, #tpu.memory_space<vmem>>, %arg4: memref<400x128xf32, #tpu.memory_space<vmem>>) attributes {dimension_semantics = [#tpu.dimension_semantics<arbitrary>], iteration_bounds = array<i64: 25>, scalar_prefetch = 0 : i64, scratch_operands = 0 : i64, tpu.core_type = #tpu.core_type<tc>, window_params = [{transform_indices = @transform_0, window_bounds = array<i64: 400, 128>}, {pipeline_mode = #tpu.pipeline_mode<synchronous>, transform_indices = @transform_1, window_bounds = array<i64: 128, 128>}, {transform_indices = @transform_2, window_bounds = array<i64: 400, 32>}, {transform_indices = @transform_3, window_bounds = array<i64: 400, 128>}]} {
    %get3A = arith.constant 0 : index
    %get3A_0 = arith.constant 0 : index
    %get3A_1 = vector.load %arg1[%get3A, %get3A_0] : memref<400x128xf32, #tpu.memory_space<vmem>>, vector<400x128xf32>
    %get3A_2 = arith.constant 0 : index
    %get3A_3 = arith.constant 0 : index
    %get3A_4 = vector.load %arg2[%get3A_2, %get3A_3] : memref<128x128xf32, #tpu.memory_space<vmem>>, vector<128x128xf32>
    %dot_general3A = arith.constant dense<0.000000e+00> : vector<400x128xf32>
    %dot_general3A_5 = tpu.matmul %get3A_1, %get3A_4, %dot_general3A {dimension_numbers = #tpu.dot_dimension_numbers<[1], [0], [0], [1], [0, 0, 1, 1], [], []>, transpose_lhs_hint = false} : vector<400x128xf32>, vector<128x128xf32>, vector<400x128xf32> -> vector<400x128xf32>
    %get3A_6 = arith.constant 0 : index
    %get3A_7 = arith.constant 0 : index
    %get3A_8 = vector.load %arg3[%get3A_6, %get3A_7] : memref<400x32xf32, #tpu.memory_space<vmem>>, vector<400x32xf32>
    %reduce_sum3A = arith.constant dense<0.000000e+00> : vector<400xf32>
    %reduce_sum3A_9 = vector.multi_reduction <add>, %get3A_8, %reduce_sum3A [1] : vector<400x32xf32> to vector<400xf32>
    %broadcast_in_dim3A = vector.shape_cast %reduce_sum3A_9 : vector<400xf32> to vector<400x1xf32>
    %add3A = arith.constant 1.000000e+00 : f32
    %add3A_10 = vector.broadcast %add3A : f32 to vector<400x1xf32>
    %add3A_11 = arith.addf %broadcast_in_dim3A, %add3A_10 : vector<400x1xf32>
    %rsqrt3A = math.rsqrt %add3A_11 : vector<400x1xf32>
    %mul3A = vector.broadcast %rsqrt3A : vector<400x1xf32> to vector<400x128xf32>
    %mul3A_12 = arith.mulf %dot_general3A_5, %mul3A : vector<400x128xf32>
    %swap3A = arith.constant 0 : index
    %swap3A_13 = arith.constant 0 : index
    %swap3A_14 = vector.load %arg4[%swap3A, %swap3A_13] : memref<400x128xf32, #tpu.memory_space<vmem>>, vector<400x128xf32>
    tpu.vector_store %arg4[%swap3A, %swap3A_13], %mul3A_12 {strides = array<i32>} : memref<400x128xf32, #tpu.memory_space<vmem>>, vector<400x128xf32>,
    return
  }
  func.func @transform_0(%arg0: i32) -> (i32, i32) {
    %c0_i32 = arith.constant 0 : i32
    %c0_i32_0 = arith.constant 0 : i32
    return %arg0, %c0_i32 : i32, i32
  }
  func.func @transform_1(%arg0: i32) -> (i32, i32) {
    %c0_i32 = arith.constant 0 : i32
    %c0_i32_0 = arith.constant 0 : i32
    %c0_i32_1 = arith.constant 0 : i32
    return %c0_i32, %c0_i32_0 : i32, i32
  }
  func.func @transform_2(%arg0: i32) -> (i32, i32) {
    %c0_i32 = arith.constant 0 : i32
    %c0_i32_0 = arith.constant 0 : i32
    return %arg0, %c0_i32 : i32, i32
  }
  func.func @transform_3(%arg0: i32) -> (i32, i32) {
    %c0_i32 = arith.constant 0 : i32
    %c0_i32_0 = arith.constant 0 : i32
    return %arg0, %c0_i32 : i32, i32
  }
}

module attributes {stable_mosaic.version = 14 : i64} {
  func.func @_mid_body(%arg0: i32, %arg1: memref<400x128xf32, #tpu.memory_space<vmem>>, %arg2: memref<400x128xf32, #tpu.memory_space<vmem>>, %arg3: memref<400x128xf32, #tpu.memory_space<vmem>>, %arg4: memref<400x32xf32, #tpu.memory_space<vmem>>, %arg5: memref<1x128xf32, #tpu.memory_space<vmem>>, %arg6: memref<128x128xf32, #tpu.memory_space<vmem>>, %arg7: memref<400x128xf32, #tpu.memory_space<vmem>>) attributes {dimension_semantics = [#tpu.dimension_semantics<arbitrary>], iteration_bounds = array<i64: 25>, scalar_prefetch = 0 : i64, scratch_operands = 0 : i64, tpu.core_type = #tpu.core_type<tc>, window_params = [{transform_indices = @transform_0, window_bounds = array<i64: 400, 128>}, {transform_indices = @transform_1, window_bounds = array<i64: 400, 128>}, {transform_indices = @transform_2, window_bounds = array<i64: 400, 128>}, {transform_indices = @transform_3, window_bounds = array<i64: 400, 32>}, {pipeline_mode = #tpu.pipeline_mode<synchronous>, transform_indices = @transform_4, window_bounds = array<i64: 1, 128>}, {pipeline_mode = #tpu.pipeline_mode<synchronous>, transform_indices = @transform_5, window_bounds = array<i64: 128, 128>}, {transform_indices = @transform_6, window_bounds = array<i64: 400, 128>}]} {
    %get3A = arith.constant 0 : index
    %get3A_0 = arith.constant 0 : index
    %get3A_1 = vector.load %arg4[%get3A, %get3A_0] : memref<400x32xf32, #tpu.memory_space<vmem>>, vector<400x32xf32>
    %reduce_sum3A = arith.constant dense<0.000000e+00> : vector<400xf32>
    %reduce_sum3A_2 = vector.multi_reduction <add>, %get3A_1, %reduce_sum3A [1] : vector<400x32xf32> to vector<400xf32>
    %broadcast_in_dim3A = vector.shape_cast %reduce_sum3A_2 : vector<400xf32> to vector<400x1xf32>
    %add3A = arith.constant 1.000000e+00 : f32
    %add3A_3 = vector.broadcast %add3A : f32 to vector<400x1xf32>
    %add3A_4 = arith.addf %broadcast_in_dim3A, %add3A_3 : vector<400x1xf32>
    %rsqrt3A = math.rsqrt %add3A_4 : vector<400x1xf32>
    %get3A_5 = arith.constant 0 : index
    %get3A_6 = arith.constant 0 : index
    %get3A_7 = vector.load %arg1[%get3A_5, %get3A_6] : memref<400x128xf32, #tpu.memory_space<vmem>>, vector<400x128xf32>
    %get3A_8 = arith.constant 0 : index
    %get3A_9 = arith.constant 0 : index
    %get3A_10 = vector.load %arg2[%get3A_8, %get3A_9] : memref<400x128xf32, #tpu.memory_space<vmem>>, vector<400x128xf32>
    %add3A_11 = arith.addf %get3A_7, %get3A_10 : vector<400x128xf32>
    %get3A_12 = arith.constant 0 : index
    %get3A_13 = arith.constant 0 : index
    %get3A_14 = vector.load %arg3[%get3A_12, %get3A_13] : memref<400x128xf32, #tpu.memory_space<vmem>>, vector<400x128xf32>
    %add3A_15 = arith.addf %add3A_11, %get3A_14 : vector<400x128xf32>
    %mul3A = vector.broadcast %rsqrt3A : vector<400x1xf32> to vector<400x128xf32>
    %mul3A_16 = arith.mulf %add3A_15, %mul3A : vector<400x128xf32>
    %get3A_17 = arith.constant 0 : index
    %get3A_18 = arith.constant 0 : index
    %get3A_19 = vector.load %arg5[%get3A_17, %get3A_18] : memref<1x128xf32, #tpu.memory_space<vmem>>, vector<1x128xf32>
    %add3A_20 = vector.broadcast %get3A_19 : vector<1x128xf32> to vector<400x128xf32>
    %add3A_21 = arith.addf %mul3A_16, %add3A_20 : vector<400x128xf32>
    %tanh3A = math.tanh %add3A_21 : vector<400x128xf32>
    %get3A_22 = arith.constant 0 : index
    %get3A_23 = arith.constant 0 : index
    %get3A_24 = vector.load %arg6[%get3A_22, %get3A_23] : memref<128x128xf32, #tpu.memory_space<vmem>>, vector<128x128xf32>
    %dot_general3A = arith.constant dense<0.000000e+00> : vector<400x128xf32>
    %dot_general3A_25 = tpu.matmul %tanh3A, %get3A_24, %dot_general3A {dimension_numbers = #tpu.dot_dimension_numbers<[1], [0], [0], [1], [0, 0, 1, 1], [], []>, transpose_lhs_hint = false} : vector<400x128xf32>, vector<128x128xf32>, vector<400x128xf32> -> vector<400x128xf32>
    %mul3A_26 = vector.broadcast %rsqrt3A : vector<400x1xf32> to vector<400x128xf32>
    %mul3A_27 = arith.mulf %dot_general3A_25, %mul3A_26 : vector<400x128xf32>
    %swap3A = arith.constant 0 : index
    %swap3A_28 = arith.constant 0 : index
    %swap3A_29 = vector.load %arg7[%swap3A, %swap3A_28] : memref<400x128xf32, #tpu.memory_space<vmem>>, vector<400x128xf32>
    tpu.vector_store %arg7[%swap3A, %swap3A_28], %mul3A_27 {strides = array<i32>} : memref<400x128xf32, #tpu.memory_space<vmem>>, vector<400x128xf32>,
    return
  }
  func.func @transform_0(%arg0: i32) -> (i32, i32) {
    %c0_i32 = arith.constant 0 : i32
    %c0_i32_0 = arith.constant 0 : i32
    return %arg0, %c0_i32 : i32, i32
  }
  func.func @transform_1(%arg0: i32) -> (i32, i32) {
    %c0_i32 = arith.constant 0 : i32
    %c0_i32_0 = arith.constant 0 : i32
    return %arg0, %c0_i32 : i32, i32
  }
  func.func @transform_2(%arg0: i32) -> (i32, i32) {
    %c0_i32 = arith.constant 0 : i32
    %c0_i32_0 = arith.constant 0 : i32
    return %arg0, %c0_i32 : i32, i32
  }
  func.func @transform_3(%arg0: i32) -> (i32, i32) {
    %c0_i32 = arith.constant 0 : i32
    %c0_i32_0 = arith.constant 0 : i32
    return %arg0, %c0_i32 : i32, i32
  }
  func.func @transform_4(%arg0: i32) -> (i32, i32) {
    %c0_i32 = arith.constant 0 : i32
    %c0_i32_0 = arith.constant 0 : i32
    %c0_i32_1 = arith.constant 0 : i32
    return %c0_i32, %c0_i32_0 : i32, i32
  }
  func.func @transform_5(%arg0: i32) -> (i32, i32) {
    %c0_i32 = arith.constant 0 : i32
    %c0_i32_0 = arith.constant 0 : i32
    %c0_i32_1 = arith.constant 0 : i32
    return %c0_i32, %c0_i32_0 : i32, i32
  }
  func.func @transform_6(%arg0: i32) -> (i32, i32) {
    %c0_i32 = arith.constant 0 : i32
    %c0_i32_0 = arith.constant 0 : i32
    return %arg0, %c0_i32 : i32, i32
  }
}

module attributes {stable_mosaic.version = 14 : i64} {
  func.func @_fin_body(%arg0: i32, %arg1: memref<400x128xf32, #tpu.memory_space<vmem>>, %arg2: memref<400x128xf32, #tpu.memory_space<vmem>>, %arg3: memref<400x128xf32, #tpu.memory_space<vmem>>, %arg4: memref<400x32xf32, #tpu.memory_space<vmem>>, %arg5: memref<1x128xf32, #tpu.memory_space<vmem>>, %arg6: memref<400x128xf32, #tpu.memory_space<vmem>>) attributes {dimension_semantics = [#tpu.dimension_semantics<arbitrary>], iteration_bounds = array<i64: 25>, scalar_prefetch = 0 : i64, scratch_operands = 0 : i64, tpu.core_type = #tpu.core_type<tc>, window_params = [{transform_indices = @transform_0, window_bounds = array<i64: 400, 128>}, {transform_indices = @transform_1, window_bounds = array<i64: 400, 128>}, {transform_indices = @transform_2, window_bounds = array<i64: 400, 128>}, {transform_indices = @transform_3, window_bounds = array<i64: 400, 32>}, {pipeline_mode = #tpu.pipeline_mode<synchronous>, transform_indices = @transform_4, window_bounds = array<i64: 1, 128>}, {transform_indices = @transform_5, window_bounds = array<i64: 400, 128>}]} {
    %get3A = arith.constant 0 : index
    %get3A_0 = arith.constant 0 : index
    %get3A_1 = vector.load %arg4[%get3A, %get3A_0] : memref<400x32xf32, #tpu.memory_space<vmem>>, vector<400x32xf32>
    %reduce_sum3A = arith.constant dense<0.000000e+00> : vector<400xf32>
    %reduce_sum3A_2 = vector.multi_reduction <add>, %get3A_1, %reduce_sum3A [1] : vector<400x32xf32> to vector<400xf32>
    %broadcast_in_dim3A = vector.shape_cast %reduce_sum3A_2 : vector<400xf32> to vector<400x1xf32>
    %add3A = arith.constant 1.000000e+00 : f32
    %add3A_3 = vector.broadcast %add3A : f32 to vector<400x1xf32>
    %add3A_4 = arith.addf %broadcast_in_dim3A, %add3A_3 : vector<400x1xf32>
    %rsqrt3A = math.rsqrt %add3A_4 : vector<400x1xf32>
    %get3A_5 = arith.constant 0 : index
    %get3A_6 = arith.constant 0 : index
    %get3A_7 = vector.load %arg1[%get3A_5, %get3A_6] : memref<400x128xf32, #tpu.memory_space<vmem>>, vector<400x128xf32>
    %get3A_8 = arith.constant 0 : index
    %get3A_9 = arith.constant 0 : index
    %get3A_10 = vector.load %arg2[%get3A_8, %get3A_9] : memref<400x128xf32, #tpu.memory_space<vmem>>, vector<400x128xf32>
    %add3A_11 = arith.addf %get3A_7, %get3A_10 : vector<400x128xf32>
    %get3A_12 = arith.constant 0 : index
    %get3A_13 = arith.constant 0 : index
    %get3A_14 = vector.load %arg3[%get3A_12, %get3A_13] : memref<400x128xf32, #tpu.memory_space<vmem>>, vector<400x128xf32>
    %add3A_15 = arith.addf %add3A_11, %get3A_14 : vector<400x128xf32>
    %mul3A = vector.broadcast %rsqrt3A : vector<400x1xf32> to vector<400x128xf32>
    %mul3A_16 = arith.mulf %add3A_15, %mul3A : vector<400x128xf32>
    %get3A_17 = arith.constant 0 : index
    %get3A_18 = arith.constant 0 : index
    %get3A_19 = vector.load %arg5[%get3A_17, %get3A_18] : memref<1x128xf32, #tpu.memory_space<vmem>>, vector<1x128xf32>
    %add3A_20 = vector.broadcast %get3A_19 : vector<1x128xf32> to vector<400x128xf32>
    %add3A_21 = arith.addf %mul3A_16, %add3A_20 : vector<400x128xf32>
    %tanh3A = math.tanh %add3A_21 : vector<400x128xf32>
    %swap3A = arith.constant 0 : index
    %swap3A_22 = arith.constant 0 : index
    %swap3A_23 = vector.load %arg6[%swap3A, %swap3A_22] : memref<400x128xf32, #tpu.memory_space<vmem>>, vector<400x128xf32>
    tpu.vector_store %arg6[%swap3A, %swap3A_22], %tanh3A {strides = array<i32>} : memref<400x128xf32, #tpu.memory_space<vmem>>, vector<400x128xf32>,
    return
  }
  func.func @transform_0(%arg0: i32) -> (i32, i32) {
    %c0_i32 = arith.constant 0 : i32
    %c0_i32_0 = arith.constant 0 : i32
    return %arg0, %c0_i32 : i32, i32
  }
  func.func @transform_1(%arg0: i32) -> (i32, i32) {
    %c0_i32 = arith.constant 0 : i32
    %c0_i32_0 = arith.constant 0 : i32
    return %arg0, %c0_i32 : i32, i32
  }
  func.func @transform_2(%arg0: i32) -> (i32, i32) {
    %c0_i32 = arith.constant 0 : i32
    %c0_i32_0 = arith.constant 0 : i32
    return %arg0, %c0_i32 : i32, i32
  }
  func.func @transform_3(%arg0: i32) -> (i32, i32) {
    %c0_i32 = arith.constant 0 : i32
    %c0_i32_0 = arith.constant 0 : i32
    return %arg0, %c0_i32 : i32, i32
  }
  func.func @transform_4(%arg0: i32) -> (i32, i32) {
    %c0_i32 = arith.constant 0 : i32
    %c0_i32_0 = arith.constant 0 : i32
    %c0_i32_1 = arith.constant 0 : i32
    return %c0_i32, %c0_i32_0 : i32, i32
  }
  func.func @transform_5(%arg0: i32) -> (i32, i32) {
    %c0_i32 = arith.constant 0 : i32
    %c0_i32_0 = arith.constant 0 : i32
    return %arg0, %c0_i32 : i32, i32
  }
}

</mosaic_0001>

<sc_bundles>
// kernel: sc_aggregate.4.cloned.1.call-start
scs
__scs_entry_jumppad:
0x0: {  	(pc) =	sbr.rel $0x88, $3  }
0x1: {  	(tag) =	ssettag $0x0;
	lr =	simm.s32 $0x1  }
0x2: {  	[smem:$0x3F9B] =	sst lr;
	_ =	strace $0xD0000000  }
0x3: {  	_ = 	snop  }
0x4: {  	_ = 	snop  }
0x5: {  	_ = 	snop  }
0x6: {  	_ = 	snop  }
0x7: {  	_ = 	snop  }
__scs_overlays_trampoline_lowered:
0x8: {  	[smem:$0x3FAA] =	sst s0  }
0x9: {  	[smem:$0x3FAB] =	sst s1  }
0xa: {  	[smem:$0x3FAC] =	sst s2  }
0xb: {  	[smem:$0x3FAD] =	sst s3  }
0xc: {  	[smem:$0x3FAE] =	sst s4  }
0xd: {  	[smem:$0x3FAF] =	sst s5  }
0xe: {  	[smem:$0x3FB0] =	sst s6  }
0xf: {  	[smem:$0x3FB1] =	sst s7  }
0x10: {  	[smem:$0x3FB2] =	sst s8  }
0x11: {  	[smem:$0x3FB3] =	sst s9;
	s0 =	simm.s32 @!p0 $0x0  }
0x12: {  	s1 =	sld [smem:$0x3F99];
	s0 =	simm.s32 @p0 $0x1  }
0x13: {  	[smem:$0x3FB4] =	sst s0;
	s0 =	simm.s32 @!p1 $0x0  }
0x14: {  	s2 =	sld [smem:$0x3F98];
	s0 =	simm.s32 @p1 $0x1  }
0x15: {  	[smem:$0x3FB5] =	sst s0;
	s0 =	simm.s32 @!p2 $0x0  }
0x16: {  	s3 =	sld [smem:$0x3FDB];
	s0 =	simm.s32 @p2 $0x1  }
0x17: {  	s4 =	simm.s32 $0x1BF5;
	[smem:$0x3FB7] =	sst s0  }
0x18: {  	s0 =	sld [smem:$0x3F9A];
	_ =	swait.ge [sflag:s4], $0x0  }
0x19: {  	s7 =	sld [smem:$0x3F9B]  }
0x1a: {  	s8 =	sadd.s32 $0xFFFFE003, lr  }
0x1b: {  	s9 =	sadd.s32 $0xFFFFFEF7, lr;
	s5 =	simm.s32 $0xFFFFFFFF;
	p2 =	slt.u32 s8, $0xFFFFF086  }
0x1c: {  	p1 =	slt.u32 s9, $0xF7A;
	s5 =	simm.s32 @!p2 $0x0  }
0x1d: {  	s5 =	simm.s32 @p1 $0x1;
	p0 =	seq.s32 s7, s2  }
0x1e: {  	s7 =	smul.u32 @!p0 $0xF7A, s2;
	p2 =	seq.s32 @!p0 s5, $0x0  }
0x1f: {  	s9 =	smul.u32 $0xF7A, s1;
	s8 =	simm.s32 @!p0 $0x1BF5;
	p2 =	por !p2, p0  }
0x20: {  	[sflag:s8] =	ssyncset.s32 @!p0 $0xFFFFF086;
	s6 =	sadd.s32 @!p0 s3, s7;
	s7 =	simm.s32 @!p0 $0x108  }
0x21: {  	s3 =	sadd.s32 s3, s9;
	s6 =	sadd.s32 @!p0 $0x88, s6;
	s7 =	simm.s32 @p2 $0x1082  }
0x22: {  	[simem:s7], [sflag:s8] =	dma.local @!p0 [hbm:s6], $0xF7A  }
0x23: {  	s9 =	sor.u32 $0xD0000000, s2;
	s6 =	simm.s32 $0x108;
	_ =	swait.ge @!p0 [sflag:s8], $0x0  }
0x24: {  	s3 =	sadd.s32 $0x88, s3;
	s6 =	simm.s32 @!p1 $0x1082;
	[sflag:s4] =	ssyncset.s32 $0xFFFFF086  }
0x25: {  	[simem:s6], [sflag:s4] =	dma.local [hbm:s3], $0xF7A  }
0x26: {  	[smem:$0x3F9B] =	sst s1;
	(tag) =	ssettag s2;
	_ =	strace s9  }
0x27: {  	s1 =	sld [smem:$0x3FAB]  }
0x28: {  	s2 =	sld [smem:$0x3FAC]  }
0x29: {  	s4 =	sld [smem:$0x3FAE]  }
0x2a: {  	p0 =	seq.s32 s5, $0x0;
	s5 =	sld [smem:$0x3FAF]  }
0x2b: {  	s6 =	sld [smem:$0x3FB0]  }
0x2c: {  	s7 =	sld [smem:$0x3FB1]  }
0x2d: {  	s3 =	simm.s32 $0x108;
	s8 =	sld [smem:$0x3FB2]  }
0x2e: {  	s3 =	simm.s32 @!p0 $0x1082;
	s9 =	sld [smem:$0x3FB3]  }
0x2f: {  	lr =	sadd.s32 s0, s3;
	s0 =	sld [smem:$0x3FAA]  }
0x30: {  	s3 =	sld [smem:$0x3FAD]  }
0x31: {  	[smem:$0x3FB6] =	sst s10  }
0x32: {  	s10 =	sld [smem:$0x3FB4];
	_ =	sdelay $0x3  }
0x33: {  	p0 =	seq.s32 s10, $0x1;
	s10 =	sld [smem:$0x3FB6];
	_ =	sdelay $0x3  }
0x34: {  	[smem:$0x3FB6] =	sst s10  }
0x35: {  	s10 =	sld [smem:$0x3FB5];
	_ =	sdelay $0x3  }
0x36: {  	p1 =	seq.s32 s10, $0x1;
	s10 =	sld [smem:$0x3FB6];
	_ =	sdelay $0x3  }
0x37: {  	[smem:$0x3FB6] =	sst s10  }
0x38: {  	s10 =	sld [smem:$0x3FB7]  }
0x39: {  	_ = 	snop;
	(pc) =	sbr.ind lr, $3  }
0x3a: {  	_ = 	snop  }
0x3b: {  	_ = 	snop  }
0x3c: {  	p2 =	seq.s32 s10, $0x1;
	s10 =	sld [smem:$0x3FB6]  }
0x3d: {  	_ =	shalt  }
0x3e: {  	_ =	shalt  }
0x3f: {  	_ =	shalt  }
0x40: {  	_ =	shalt  }
0x41: {  	_ =	shalt  }
0x42: {  	_ =	shalt  }
0x43: {  	_ =	shalt  }
0x44: {  	_ =	shalt  }
0x45: {  	_ =	shalt  }
0x46: {  	_ =	shalt  }
0x47: {  	_ =	shalt  }
0x48: {  	_ =	shalt  }
0x49: {  	_ =	shalt  }
0x4a: {  	_ =	shalt  }
0x4b: {  	_ =	shalt  }
0x4c: {  	_ =	shalt  }
0x4d: {  	_ =	shalt  }
0x4e: {  	_ =	shalt  }
0x4f: {  	_ =	shalt  }
0x50: {  	_ =	shalt  }
0x51: {  	_ =	shalt  }
0x52: {  	_ =	shalt  }
0x53: {  	_ =	shalt  }
0x54: {  	_ =	shalt  }
0x55: {  	_ =	shalt  }
0x56: {  	_ =	shalt  }
0x57: {  	_ =	shalt  }
0x58: {  	_ =	shalt  }
0x59: {  	_ =	shalt  }
0x5a: {  	_ =	shalt  }
0x5b: {  	_ =	shalt  }
0x5c: {  	_ =	shalt  }
0x5d: {  	_ =	shalt  }
0x5e: {  	_ =	shalt  }
0x5f: {  	_ =	shalt  }
0x60: {  	_ =	shalt  }
0x61: {  	_ =	shalt  }
0x62: {  	_ =	shalt  }
0x63: {  	_ =	shalt  }
0x64: {  	_ =	shalt  }
0x65: {  	_ =	shalt  }
0x66: {  	_ =	shalt  }
0x67: {  	_ =	shalt  }
0x68: {  	_ =	shalt  }
0x69: {  	_ =	shalt  }
0x6a: {  	_ =	shalt  }
0x6b: {  	_ =	shalt  }
0x6c: {  	_ =	shalt  }
0x6d: {  	_ =	shalt  }
0x6e: {  	_ =	shalt  }
0x6f: {  	_ =	shalt  }
0x70: {  	_ =	shalt  }
0x71: {  	_ =	shalt  }
0x72: {  	_ =	shalt  }
0x73: {  	_ =	shalt  }
0x74: {  	_ =	shalt  }
0x75: {  	_ =	shalt  }
0x76: {  	_ =	shalt  }
0x77: {  	_ =	shalt  }
0x78: {  	_ =	shalt  }
0x79: {  	_ =	shalt  }
0x7a: {  	_ =	shalt  }
0x7b: {  	_ =	shalt  }
0x7c: {  	_ =	shalt  }
0x7d: {  	_ =	shalt  }
0x7e: {  	_ =	shalt  }
0x7f: {  	_ =	shalt  }
0x80: {  	_ =	shalt  }
0x81: {  	_ =	shalt  }
0x82: {  	_ =	shalt  }
0x83: {  	_ =	shalt  }
0x84: {  	_ =	shalt  }
0x85: {  	_ =	shalt  }
0x86: {  	_ =	shalt  }
0x87: {  	_ =	shalt  }
.Lfunc_end0:
.L_simem_size_0:
called_computation.1_lowered:
.L_overlay_start_0:
0x88: {  	s2 =	sld [smem:$0x3FD9]  }
0x89: {  	s3 =	sld [smem:$0x3FFE];
	_ =	sdelay $0x1  }
0x8a: {  	s1 =	srdreg.scid  }
0x8b: {  	s0 =	sand.u32 $0x1, s1  }
0x8c: {  	s17 =	sshll.u32 s0, $0xA;
	s2 =	sadd.s32 s3, s2  }
0x8d: {  	s2 =	sadd.s32 s2, s17  }
0x8e: {  	[smem:$0x3FC2] =	sst s2  }
0x8f: {  	_ = 	snop  }
0x90: {  	s2 =	sld [smem:$0x3FD0];
	(tm) =	ssettm $0x1  }
0x91: {  	s18 =	sld [smem:$0x3FFB];
	_ =	sdelay $0x3  }
0x92: {  	_ =	strace s18  }
0x93: {  	s3 =	sld [smem:$0x3FFC];
	_ =	sdelay $0x3  }
0x94: {  	_ =	strace s3  }
0x95: {  	s3 =	sld [smem:$0x3FFD];
	_ =	sdelay $0x3  }
0x96: {  	_ =	strace s3  }
0x97: {  	_ =	strace $0x8FFFFFFF  }
0x98: {  	s19 =	sld [smem:$0x3FDB];
	_ =	sdelay $0x1  }
0x99: {  	s4 =	simm.s32 $_scs_section_size  }
0x9a: {  	s5 =	simm.s32 $_size__tile_overlayer_lowered;
	s6 =	simm.s32 $_tile_overlayer_lowered  }
0x9b: {  	s22 =	simm.s32 $0x1BFF;
	s21 =	sshll.u32 s6, $0x1;
	s3 =	sadd.s32 s4, s19  }
0x9c: {  	s7 =	simm.s32 $0x0;
	s20 =	sshll.u32 s5, $0x1;
	s5 =	sadd.s32 s21, s3  }
0x9d: {  	[timem:s7], [sflag:s22] =	dma.local [hbm:s5], s20  }
0x9e: {  	_ =	swait.ge [sflag:s22], s20  }
0x9f: {  	s4 =	ssub.s32 $0x0, s20;
	[sflag:s22] =	ssyncset.done $0x0  }
0xa0: {  	[sflag:s22] =	ssyncadd.s32 s4;
	_ =	sdelay $0x1  }
0xa1: {  	s23 =	simm.s32 $0x1B8B  }
0xa2: {  	_ =	swait.ge [sflag:s23], $0x1  }
0xa3: {  	[sflag:s23] =	ssyncset.done $0x0  }
0xa4: {  	s25 =	simm.s32 $0x1B8E;
	s24 =	sld [smem:$0x3FFE];
	[sflag:s23] =	ssyncadd.s32 $0xFFFFFFFF  }
0xa5: {  	s26 =	simm.s32 $execute0_lowered;
	[smem:$0x3FD2] =	sst s25  }
0xa6: {  	s5 =	sshll.u32 s26, $0x1;
	_ =	strace $0x80000049;
	[dreg:$0x1] =	wrdreg $0xFFFFFFFF  }
0xa7: {  	s28 =	simm.s32 $_size_execute0_lowered;
	s3 =	sadd.s32 s3, s5;
	[dreg:$0x0] =	wrdreg $0x0  }
0xa8: {  	s5 =	sshll.u32 s28, $0x1;
	[dreg:$0x2] =	wrdreg s3  }
0xa9: {  	[dreg:$0x3] =	wrdreg s5  }
0xaa: {  	[dreg:$0x4] =	wrdreg $0xC0  }
0xab: {  	_ =	task [dreg:s7], $0x5FFFF  }
0xac: {  	[dreg:$0x1] =	wrdreg $0xFFFFFFFF  }
0xad: {  	[dreg:$0x0] =	wrdreg $0x60  }
0xae: {  	[dreg:$0x2] =	wrdreg s2  }
0xaf: {  	[dreg:$0x3] =	wrdreg s24  }
0xb0: {  	[dreg:$0x4] =	wrdreg $0x63000  }
0xb1: {  	[dreg:$0x5] =	wrdreg $0x9  }
0xb2: {  	_ =	task.clear_ibuf [dreg:s7], $0x6FFFF;
	_ =	strace $0x90000049  }
0xb3: {  	s29 =	simm.s32 $0x9;
	_ =	strace $0x8000004B  }
0xb4: {  	_ =	swait.ge [sflag:s29], $0x1  }
0xb5: {  	[sflag:s29] =	ssyncadd.s32 $0xFFFFFFFF  }
0xb6: {  	_ =	strace $0x9000004B  }
0xb7: {  	_ =	sfence  }
0xb8: {  	s30 =	sld [smem:$0x0];
	_ =	sdelay $0x2  }
0xb9: {  	s31 =	sshll.u32 s1, $0xD;
	s1 =	sshrl.u32 s1, $0x2  }
0xba: {  	s3 =	sand.u32 $0x4000, s31;
	s1 =	sadd.s32 s1, s30  }
0xbb: {  	s0 =	sor.u32 s3, s0;
	s1 =	sshll.u32 s1, $0x11  }
0xbc: {  	s0 =	sor.u32 s1, s0  }
0xbd: {  	s0 =	sadd.s32 $0x8F2B, s0  }
0xbe: {  	[sflag:s0] =	ssyncadd.remote.s32 $0x1  }
0xbf: {  	_ =	sfence.sel $0xFFFF  }
0xc0: {  	[dreg:$0x0] =	wrdreg $0xFFFFFFFF;
	(pc) =	sbr.abs _section_cstart, $3  }
0xc1: {  	[dreg:$0x1] =	wrdreg $0xFFFFFFFF  }
0xc2: {  	_ =	task.clear_ibuf [dreg:s7], $0x2FFFF;
	_ =	strace $0x9FFFFFFF  }
0xc3: {  	(tm) =	ssettm $0x7FFFFFFF  }
tec
execute0_lowered:
.L_overlay_start_1:
0x0: {  	(tag) =	ssettag $0x1  }
0x1: {  	s1 =	rddreg [dreg:$0x0]  }
0x2: {  	s0 =	rddreg [dreg:$0x1]  }
0x3: {  	s3 =	rddreg [dreg:$0x2];
	s2 =	srdreg.scid  }
0x4: {  	s12 =	stileid.u32;
	s4 =	simm.s32 $0x0;
	s28 =	simm.s32 $0x60  }
0x5: {  	s29 =	simm.s32 $0x80;
	s30 =	simm.s32 $0x8;
	s31 =	simm.s32 $0x3  }
0x6: {  	s2 =	sand.u32 $0x1, s2;
	s6 =	smul.u32 $0x2780, s12;
	[smem:$0x7FF] =	sst s4  }
0x7: {  	s5 =	sshll.u32 s12, $0x1;
	s9 =	smul.u32 $0x4F000, s12;
	s10 =	sadd.s32 $0x3400, s0  }
0x8: {  	s25 =	smul.u32 $0xD800, s12;
	s13 =	sshll.u32 s12, $0x6;
	s12 =	simm.s32 $0xA  }
0x9: {  	s7 =	smul.u32 $0x27800, s2;
	_ =	strace $0x8000004A;
	s8 =	sor.u32 s2, s5  }
0xa: {  	s5 =	sadd.s32 $0xD200, s0;
	s24 =	ssub.s32 $0x2, s2;
	s2 =	smul.u32 $0x6C00, s2  }
0xb: {  	[dreg:$0xa] =	wrdreg s10;
	s10 =	simm.s32 $0x9;
	s8 =	smul.u32 $0x6C00, s8  }
0xc: {  	s11 =	sshrl.u32 s24, $0x1;
	s9 =	sshrl.u32 s9, $0x2;
	[dreg:$0x9] =	wrdreg s5  }
0xd: {  	s6 =	sadd.s32 s6, s7;
	s26 =	ssub.s32 s24, s11;
	s7 =	sadd.s32 s9, s3  }
0xe: {  	s2 =	sadd.s32 s2, s25;
	s11 =	sor.u32 $0x1C0A, s13;
	s13 =	simm.s32 $0x0  }
0xf: {  	s0 =	sadd.s32 s6, s0;
	s8 =	sshrl.u32 s8, $0x3;
	s15 =	sadd.s32 $0x700, s2  }
0x10: {  	s16 =	sadd.s32 $0x500, s2;
	s20 =	sadd.s32 $0x400, s2;
	s22 =	sor.u32 $0x300, s2  }
0x11: {  	s23 =	sor.u32 $0x200, s2;
	s6 =	smax.u32 s26, $0x1;
	s2 =	sadd.s32 $0x600, s2  }
0x12: {  	s7 =	sshrl.u32 s7, $0x3;
	[dreg:$0xb] =	wrdreg s11;
	s14 =	sadd.s32 s5, s8  }
0x13: {  	s8 =	sshrl.u32 s15, $0x3;
	s0 =	sadd.s32 $0x4F400, s0;
	s18 =	sshrl.u32 s16, $0x3  }
0x14: {  	s21 =	sshrl.u32 s20, $0x3;
	s25 =	sshrl.u32 s23, $0x3;
	[dreg:$0xf] =	wrdreg s6  }
0x15: {  	[dreg:$0x10] =	wrdreg s2;
	s15 =	simm.s32 $0x100;
	s16 =	simm.s32 $0x1  }
0x16: {  	s20 =	simm.s32 $0x200;
	s23 =	simm.s32 $0x130;
	[dreg:$0x11] =	wrdreg s7  }
0x17: {  	s2 =	simm.s32 $0x6;
	s6 =	simm.s32 $0x7;
	[dreg:$0xc] =	wrdreg s14  }
0x18: {  	s9 =	sadd.s32 $0x20, s14;
	[dreg:$0xe] =	wrdreg s0;
	s17 =	sadd.s32 s8, s5  }
0x19: {  	s19 =	sadd.s32 s18, s5;
	s0 =	sadd.s32 s21, s5;
	[dreg:$0xd] =	wrdreg s9  }
0x1a: {  	s8 =	sshrl.u32 s22, $0x3;
	s26 =	sadd.s32 s25, s5;
	[dreg:$0x4] =	wrdreg s17  }
0x1b: {  	s18 =	simm.s32 $0x300;
	s21 =	simm.s32 $0x2;
	[dreg:$0x5] =	wrdreg s19  }
0x1c: {  	s22 =	simm.s32 $0x3300;
	s25 =	simm.s32 $0x4;
	[dreg:$0x6] =	wrdreg s0  }
0x1d: {  	s24 =	sadd.s32 s8, s5;
	[dreg:$0x8] =	wrdreg s26;
	s17 =	simm.s32 $0x30  }
0x1e: {  	s26 =	simm.s32 $0x5;
	s0 =	simm.s32 $0x230;
	s9 =	simm.s32 $0x180  }
0x1f: {  	s8 =	simm.s32 $0x280;
	[dreg:$0x7] =	wrdreg s24;
	s24 =	simm.s32 $0x4B00  }
.LBB2_1:
0x20: {  	[dreg:$0x12] =	wrdreg s13  }
0x21: {  	s5 =	rddreg [dreg:$0xa]  }
0x22: {  	[spmem:s7], [sflag:s11] =	dma.local [hbm:s5], $0x2780  }
0x23: {  	_ =	swait.ge [sflag:s12], $0x2780  }
0x24: {  	[sflag:s12] =	ssyncset.done $0x0  }
0x25: {  	[sflag:s12] =	ssyncadd.s32 $0xFFFFD880  }
0x26: {  	[bflag:$0x0] =	sbarrier.arrive $0xFFFF  }
0x27: {  	s19 =	rddreg [dreg:$0xc]  }
0x28: {  	[tilespmem:s4], [sflag:$0x1] =	stream.linear.gather [hbm4b:s19+s4], $0x100, $0x38;
	[tilespmem:$0x19F00] =	vst v63  }
0x29: {  	s7 =	rddreg [dreg:$0xd]  }
0x2a: {  	[tilespmem:s15], [sflag:$0x2] =	stream.linear.gather [hbm4b:s7+s4], $0x100, $0x38;
	[tilespmem:$0x19F00] =	vst v63  }
0x2b: {  	_ =	swait.ge [sflag:s16], $0x100  }
0x2c: {  	[sflag:s16] =	ssyncset.done $0x0  }
0x2d: {  	p0 =	por $0x1, $0x1;
	[sflag:s16] =	ssyncadd.s32 $0xFFFFFF00  }
0x2e: {  	[tilespmem:s18], [sflag:$0x4] =	stream.indirect.gather [hbm4b:s1+s17], $0x80, s4, s17, $0xb8;
	[tilespmem:$0x19F00] =	vst v63  }
0x2f: {  	s5 =	simm.s32 $0x1B00;
	s7 =	simm.s32 @!p0 $0x9  }
0x30: {  	[tilespmem:s5], [sflag:$0x5] =	stream.indirect.gather [hbm4b:s1+s17], $0x80, s17, s17, $0xb8;
	[tilespmem:$0x19F00] =	vst v63  }
0x31: {  	_ =	swait.ge @!p0 [sflag:s7], $0x3000  }
0x32: {  	s11 =	rddreg [dreg:$0x8];
	[sflag:s7] =	ssyncset.done @!p0 $0x0  }
0x33: {  	[sflag:s7] =	ssyncadd.s32 @!p0 $0xFFFFD000;
	s12 =	sadd.s32 $0x0, s11  }
0x34: {  	[tilespmem:s20], [sflag:$0x3] =	stream.linear.gather [hbm4b:s12+s4], $0x100, $0x38;
	[tilespmem:$0x19F00] =	vst v63  }
0x35: {  	_ =	swait.ge [sflag:s21], $0x100  }
0x36: {  	[sflag:s21] =	ssyncset.done $0x0  }
0x37: {  	[sflag:s21] =	ssyncadd.s32 $0xFFFFFF00  }
0x38: {  	[tilespmem:s22], [sflag:$0x6] =	stream.indirect.gather [hbm4b:s1+s17], $0x80, s15, s17, $0xb8;
	[tilespmem:$0x19F00] =	vst v63  }
0x39: {  	_ = 	snop  }
0x3a: {  	[tilespmem:s24], [sflag:$0x7] =	stream.indirect.gather [hbm4b:s1+s17], $0x80, s23, s17, $0xb8;
	[tilespmem:$0x19F00] =	vst v63  }
0x3b: {  	_ =	swait.ge [sflag:s25], $0x1800  }
0x3c: {  	[sflag:s25] =	ssyncset.done $0x0  }
0x3d: {  	[sflag:s25] =	ssyncadd.s32 $0xFFFFE800  }
0x3e: {  	_ =	swait.ge [sflag:s26], $0x1800  }
0x3f: {  	[sflag:s26] =	ssyncset.done $0x0  }
0x40: {  	[sflag:s26] =	ssyncadd.s32 $0xFFFFE800  }
0x41: {  	[spmem:s3] =	stream.indirect.scatter.add.f32 [tilespmem:s18], [sflag:$0x8], $0x80, s29, s28, $0xb8;
	[tilespmem:$0x19F00] =	vst v63  }
0x42: {  	_ =	swait.ge [sflag:s30], $0x3000  }
0x43: {  	s13 =	rddreg [dreg:$0x7];
	[sflag:s30] =	ssyncset.done $0x0  }
0x44: {  	[sflag:s30] =	ssyncadd.s32 $0xFFFFD000;
	s7 =	sadd.s32 $0x0, s13  }
0x45: {  	[tilespmem:s4], [sflag:$0x1] =	stream.linear.gather [hbm4b:s7+s4], $0x100, $0x38;
	[tilespmem:$0x19F00] =	vst v63  }
0x46: {  	_ =	swait.ge [sflag:s31], $0x100  }
0x47: {  	[sflag:s31] =	ssyncset.done $0x0  }
0x48: {  	[sflag:s31] =	ssyncadd.s32 $0xFFFFFF00  }
0x49: {  	[tilespmem:s18], [sflag:$0x4] =	stream.indirect.gather [hbm4b:s1+s17], $0x80, s20, s17, $0xb8;
	[tilespmem:$0x19F00] =	vst v63  }
0x4a: {  	_ = 	snop  }
0x4b: {  	[tilespmem:s5], [sflag:$0x5] =	stream.indirect.gather [hbm4b:s1+s17], $0x80, s0, s17, $0xb8;
	[tilespmem:$0x19F00] =	vst v63  }
0x4c: {  	_ =	swait.ge [sflag:s2], $0x1800  }
0x4d: {  	[sflag:s2] =	ssyncset.done $0x0  }
0x4e: {  	[sflag:s2] =	ssyncadd.s32 $0xFFFFE800  }
0x4f: {  	_ =	swait.ge [sflag:s6], $0x1800  }
0x50: {  	[sflag:s6] =	ssyncset.done $0x0  }
0x51: {  	[sflag:s6] =	ssyncadd.s32 $0xFFFFE800  }
0x52: {  	[spmem:s3] =	stream.indirect.scatter.add.f32 [tilespmem:s22], [sflag:$0x9], $0x80, s9, s28, $0xb8;
	[tilespmem:$0x19F00] =	vst v63  }
0x53: {  	_ =	swait.ge [sflag:s10], $0x3000  }
0x54: {  	s14 =	rddreg [dreg:$0x6];
	[sflag:s10] =	ssyncset.done $0x0  }
0x55: {  	[sflag:s10] =	ssyncadd.s32 $0xFFFFD000;
	s7 =	sadd.s32 $0x0, s14  }
0x56: {  	[tilespmem:s15], [sflag:$0x2] =	stream.linear.gather [hbm4b:s7+s4], $0x100, $0x38;
	[tilespmem:$0x19F00] =	vst v63  }
0x57: {  	_ =	swait.ge [sflag:s16], $0x100  }
0x58: {  	[sflag:s16] =	ssyncset.done $0x0  }
0x59: {  	[sflag:s16] =	ssyncadd.s32 $0xFFFFFF00  }
0x5a: {  	[tilespmem:s22], [sflag:$0x6] =	stream.indirect.gather [hbm4b:s1+s17], $0x80, s4, s17, $0xb8;
	[tilespmem:$0x19F00] =	vst v63  }
0x5b: {  	_ = 	snop  }
0x5c: {  	[tilespmem:s24], [sflag:$0x7] =	stream.indirect.gather [hbm4b:s1+s17], $0x80, s17, s17, $0xb8;
	[tilespmem:$0x19F00] =	vst v63  }
0x5d: {  	_ =	swait.ge [sflag:s25], $0x1800  }
0x5e: {  	[sflag:s25] =	ssyncset.done $0x0  }
0x5f: {  	[sflag:s25] =	ssyncadd.s32 $0xFFFFE800  }
0x60: {  	_ =	swait.ge [sflag:s26], $0x1800  }
0x61: {  	[sflag:s26] =	ssyncset.done $0x0  }
0x62: {  	[sflag:s26] =	ssyncadd.s32 $0xFFFFE800  }
0x63: {  	[spmem:s3] =	stream.indirect.scatter.add.f32 [tilespmem:s18], [sflag:$0x8], $0x80, s8, s28, $0xb8;
	[tilespmem:$0x19F00] =	vst v63  }
0x64: {  	_ =	swait.ge [sflag:s30], $0x3000  }
0x65: {  	s19 =	rddreg [dreg:$0x5];
	[sflag:s30] =	ssyncset.done $0x0  }
0x66: {  	[sflag:s30] =	ssyncadd.s32 $0xFFFFD000;
	s7 =	sadd.s32 $0x0, s19  }
0x67: {  	[tilespmem:s20], [sflag:$0x3] =	stream.linear.gather [hbm4b:s7+s4], $0x100, $0x38;
	[tilespmem:$0x19F00] =	vst v63  }
0x68: {  	_ =	swait.ge [sflag:s21], $0x100  }
0x69: {  	[sflag:s21] =	ssyncset.done $0x0  }
0x6a: {  	[sflag:s21] =	ssyncadd.s32 $0xFFFFFF00  }
0x6b: {  	[tilespmem:s18], [sflag:$0x4] =	stream.indirect.gather [hbm4b:s1+s17], $0x80, s15, s17, $0xb8;
	[tilespmem:$0x19F00] =	vst v63  }
0x6c: {  	_ = 	snop  }
0x6d: {  	[tilespmem:s5], [sflag:$0x5] =	stream.indirect.gather [hbm4b:s1+s17], $0x80, s23, s17, $0xb8;
	[tilespmem:$0x19F00] =	vst v63  }
0x6e: {  	_ =	swait.ge [sflag:s2], $0x1800  }
0x6f: {  	[sflag:s2] =	ssyncset.done $0x0  }
0x70: {  	[sflag:s2] =	ssyncadd.s32 $0xFFFFE800  }
0x71: {  	_ =	swait.ge [sflag:s6], $0x1800  }
0x72: {  	[sflag:s6] =	ssyncset.done $0x0  }
0x73: {  	[sflag:s6] =	ssyncadd.s32 $0xFFFFE800  }
0x74: {  	[spmem:s3] =	stream.indirect.scatter.add.f32 [tilespmem:s22], [sflag:$0x9], $0x80, s29, s28, $0xb8;
	[tilespmem:$0x19F00] =	vst v63  }
0x75: {  	_ =	swait.ge [sflag:s10], $0x3000  }
0x76: {  	p0 =	por $0x0, $0x0;
	s11 =	rddreg [dreg:$0x10]  }
0x77: {  	[sflag:s10] =	ssyncset.done $0x0;
	s5 =	rddreg [dreg:$0x9];
	s7 =	sshrl.u32 @!p0 s11, $0x3  }
0x78: {  	s12 =	simm.s32 @!p0 $0x0;
	[sflag:s10] =	ssyncadd.s32 $0xFFFFD000;
	s7 =	sadd.s32 @!p0 s5, s7  }
0x79: {  	[tilespmem:s12], [sflag:$0x1] =	stream.linear.gather @!p0 [hbm4b:s7+s12], $0x100, $0x38;
	[tilespmem:$0x19F00] =	vst v63  }
0x7a: {  	_ =	swait.ge [sflag:s31], $0x100  }
0x7b: {  	[sflag:s31] =	ssyncset.done $0x0  }
0x7c: {  	[sflag:s31] =	ssyncadd.s32 $0xFFFFFF00  }
0x7d: {  	[tilespmem:s22], [sflag:$0x6] =	stream.indirect.gather [hbm4b:s1+s17], $0x80, s20, s17, $0xb8;
	[tilespmem:$0x19F00] =	vst v63  }
0x7e: {  	_ = 	snop  }
0x7f: {  	[tilespmem:s24], [sflag:$0x7] =	stream.indirect.gather [hbm4b:s1+s17], $0x80, s0, s17, $0xb8;
	[tilespmem:$0x19F00] =	vst v63  }
0x80: {  	_ =	swait.ge [sflag:s25], $0x1800  }
0x81: {  	[sflag:s25] =	ssyncset.done $0x0  }
0x82: {  	[sflag:s25] =	ssyncadd.s32 $0xFFFFE800  }
0x83: {  	_ =	swait.ge [sflag:s26], $0x1800  }
0x84: {  	[sflag:s26] =	ssyncset.done $0x0  }
0x85: {  	[sflag:s26] =	ssyncadd.s32 $0xFFFFE800  }
0x86: {  	[spmem:s3] =	stream.indirect.scatter.add.f32 [tilespmem:s18], [sflag:$0x8], $0x80, s9, s28, $0xb8;
	[tilespmem:$0x19F00] =	vst v63  }
0x87: {  	_ =	swait.ge [sflag:s30], $0x3000  }
0x88: {  	s7 =	rddreg [dreg:$0x4];
	[sflag:s30] =	ssyncset.done $0x0  }
0x89: {  	s13 =	simm.s32 @!p0 $0x100;
	[sflag:s30] =	ssyncadd.s32 $0xFFFFD000;
	s7 =	sadd.s32 @!p0 $0x0, s7  }
0x8a: {  	[tilespmem:s13], [sflag:$0x2] =	stream.linear.gather @!p0 [hbm4b:s7+s12], $0x100, $0x38;
	[tilespmem:$0x19F00] =	vst v63  }
0x8b: {  	s7 =	simm.s32 @!p0 $0x1  }
0x8c: {  	_ =	swait.ge @!p0 [sflag:s7], $0x100  }
0x8d: {  	[sflag:s7] =	ssyncset.done @!p0 $0x0  }
0x8e: {  	s13 =	simm.s32 @!p0 $0x300;
	[sflag:s7] =	ssyncadd.s32 @!p0 $0xFFFFFF00;
	s7 =	simm.s32 @!p0 $0x30  }
0x8f: {  	[tilespmem:s13], [sflag:$0x4] =	stream.indirect.gather @!p0 [hbm4b:s1+s7], $0x80, s12, s7, $0xb8;
	[tilespmem:$0x19F00] =	vst v63  }
0x90: {  	s12 =	simm.s32 @!p0 $0x1B00  }
0x91: {  	[tilespmem:s12], [sflag:$0x5] =	stream.indirect.gather @!p0 [hbm4b:s1+s7], $0x80, s7, s7, $0xb8;
	[tilespmem:$0x19F00] =	vst v63  }
0x92: {  	_ =	swait.ge [sflag:s2], $0x1800  }
0x93: {  	[sflag:s2] =	ssyncset.done $0x0  }
0x94: {  	[sflag:s2] =	ssyncadd.s32 $0xFFFFE800  }
0x95: {  	p1 =	por $0x0, $0x0;
	s13 =	simm.s32 $0x180;
	_ =	swait.ge [sflag:s6], $0x1800  }
0x96: {  	s7 =	simm.s32 $0xC0;
	s12 =	sadd.s32 $0x600, s11;
	[sflag:s6] =	ssyncset.done $0x0  }
.LBB2_2:
0x97: {  	s11 =	simm.s32 @!p1 $0x9;
	[sflag:s6] =	ssyncadd.s32 $0xFFFFE800  }
0x98: {  	[spmem:s3] =	stream.indirect.scatter.add.f32 [tilespmem:s22], [sflag:$0x9], $0x80, s8, s28, $0xb8;
	[tilespmem:$0x19F00] =	vst v63  }
0x99: {  	_ =	swait.ge @!p1 [sflag:s11], $0x3000  }
0x9a: {  	[sflag:s11] =	ssyncset.done @!p1 $0x0;
	s5 =	rddreg [dreg:$0x8]  }
0x9b: {  	[sflag:s11] =	ssyncadd.s32 @!p1 $0xFFFFD000;
	s5 =	sadd.s32 s7, s5  }
0x9c: {  	[tilespmem:s20], [sflag:$0x3] =	stream.linear.gather [hbm4b:s5+s4], $0x100, $0x38;
	[tilespmem:$0x19F00] =	vst v63  }
0x9d: {  	_ =	swait.ge [sflag:s21], $0x100  }
0x9e: {  	[sflag:s21] =	ssyncset.done $0x0  }
0x9f: {  	[sflag:s21] =	ssyncadd.s32 $0xFFFFFF00  }
0xa0: {  	[tilespmem:s22], [sflag:$0x6] =	stream.indirect.gather [hbm4b:s1+s17], $0x80, s15, s17, $0xb8;
	[tilespmem:$0x19F00] =	vst v63  }
0xa1: {  	_ = 	snop  }
0xa2: {  	[tilespmem:s24], [sflag:$0x7] =	stream.indirect.gather [hbm4b:s1+s17], $0x80, s23, s17, $0xb8;
	[tilespmem:$0x19F00] =	vst v63  }
0xa3: {  	_ =	swait.ge [sflag:s25], $0x1800  }
0xa4: {  	[sflag:s25] =	ssyncset.done $0x0  }
0xa5: {  	[sflag:s25] =	ssyncadd.s32 $0xFFFFE800  }
0xa6: {  	_ =	swait.ge [sflag:s26], $0x1800  }
0xa7: {  	[sflag:s26] =	ssyncset.done $0x0  }
0xa8: {  	[sflag:s26] =	ssyncadd.s32 $0xFFFFE800  }
0xa9: {  	[spmem:s3] =	stream.indirect.scatter.add.f32 [tilespmem:s18], [sflag:$0x8], $0x80, s29, s28, $0xb8;
	[tilespmem:$0x19F00] =	vst v63  }
0xaa: {  	_ =	swait.ge [sflag:s30], $0x3000  }
0xab: {  	s11 =	rddreg [dreg:$0x7];
	[sflag:s30] =	ssyncset.done $0x0  }
0xac: {  	[sflag:s30] =	ssyncadd.s32 $0xFFFFD000;
	s5 =	sadd.s32 s7, s11  }
0xad: {  	[tilespmem:s4], [sflag:$0x1] =	stream.linear.gather [hbm4b:s5+s4], $0x100, $0x38;
	[tilespmem:$0x19F00] =	vst v63  }
0xae: {  	_ =	swait.ge [sflag:s31], $0x100  }
0xaf: {  	[sflag:s31] =	ssyncset.done $0x0  }
0xb0: {  	[sflag:s31] =	ssyncadd.s32 $0xFFFFFF00  }
0xb1: {  	[tilespmem:s18], [sflag:$0x4] =	stream.indirect.gather [hbm4b:s1+s17], $0x80, s20, s17, $0xb8;
	[tilespmem:$0x19F00] =	vst v63  }
0xb2: {  	s11 =	simm.s32 $0x1B00  }
0xb3: {  	[tilespmem:s11], [sflag:$0x5] =	stream.indirect.gather [hbm4b:s1+s17], $0x80, s0, s17, $0xb8;
	[tilespmem:$0x19F00] =	vst v63  }
0xb4: {  	_ =	swait.ge [sflag:s2], $0x1800  }
0xb5: {  	[sflag:s2] =	ssyncset.done $0x0  }
0xb6: {  	[sflag:s2] =	ssyncadd.s32 $0xFFFFE800  }
0xb7: {  	_ =	swait.ge [sflag:s6], $0x1800  }
0xb8: {  	[sflag:s6] =	ssyncset.done $0x0  }
0xb9: {  	[sflag:s6] =	ssyncadd.s32 $0xFFFFE800  }
0xba: {  	[spmem:s3] =	stream.indirect.scatter.add.f32 [tilespmem:s22], [sflag:$0x9], $0x80, s9, s28, $0xb8;
	[tilespmem:$0x19F00] =	vst v63  }
0xbb: {  	_ =	swait.ge [sflag:s10], $0x3000  }
0xbc: {  	s19 =	rddreg [dreg:$0x6];
	[sflag:s10] =	ssyncset.done $0x0  }
0xbd: {  	[sflag:s10] =	ssyncadd.s32 $0xFFFFD000;
	s5 =	sadd.s32 s7, s19  }
0xbe: {  	[tilespmem:s15], [sflag:$0x2] =	stream.linear.gather [hbm4b:s5+s4], $0x100, $0x38;
	[tilespmem:$0x19F00] =	vst v63  }
0xbf: {  	_ =	swait.ge [sflag:s16], $0x100  }
0xc0: {  	[sflag:s16] =	ssyncset.done $0x0  }
0xc1: {  	[sflag:s16] =	ssyncadd.s32 $0xFFFFFF00  }
0xc2: {  	[tilespmem:s22], [sflag:$0x6] =	stream.indirect.gather [hbm4b:s1+s17], $0x80, s4, s17, $0xb8;
	[tilespmem:$0x19F00] =	vst v63  }
0xc3: {  	_ = 	snop  }
0xc4: {  	[tilespmem:s24], [sflag:$0x7] =	stream.indirect.gather [hbm4b:s1+s17], $0x80, s17, s17, $0xb8;
	[tilespmem:$0x19F00] =	vst v63  }
0xc5: {  	_ =	swait.ge [sflag:s25], $0x1800  }
0xc6: {  	[sflag:s25] =	ssyncset.done $0x0  }
0xc7: {  	[sflag:s25] =	ssyncadd.s32 $0xFFFFE800  }
0xc8: {  	_ =	swait.ge [sflag:s26], $0x1800  }
0xc9: {  	[sflag:s26] =	ssyncset.done $0x0  }
0xca: {  	[sflag:s26] =	ssyncadd.s32 $0xFFFFE800  }
0xcb: {  	[spmem:s3] =	stream.indirect.scatter.add.f32 [tilespmem:s18], [sflag:$0x8], $0x80, s8, s28, $0xb8;
	[tilespmem:$0x19F00] =	vst v63  }
0xcc: {  	_ =	swait.ge [sflag:s30], $0x3000  }
0xcd: {  	s19 =	rddreg [dreg:$0x5];
	[sflag:s30] =	ssyncset.done $0x0  }
0xce: {  	[sflag:s30] =	ssyncadd.s32 $0xFFFFD000;
	s5 =	sadd.s32 s7, s19  }
0xcf: {  	[tilespmem:s20], [sflag:$0x3] =	stream.linear.gather [hbm4b:s5+s4], $0x100, $0x38;
	[tilespmem:$0x19F00] =	vst v63  }
0xd0: {  	_ =	swait.ge [sflag:s21], $0x100  }
0xd1: {  	[sflag:s21] =	ssyncset.done $0x0  }
0xd2: {  	[sflag:s21] =	ssyncadd.s32 $0xFFFFFF00  }
0xd3: {  	[tilespmem:s18], [sflag:$0x4] =	stream.indirect.gather [hbm4b:s1+s17], $0x80, s15, s17, $0xb8;
	[tilespmem:$0x19F00] =	vst v63  }
0xd4: {  	_ = 	snop  }
0xd5: {  	[tilespmem:s11], [sflag:$0x5] =	stream.indirect.gather [hbm4b:s1+s17], $0x80, s23, s17, $0xb8;
	[tilespmem:$0x19F00] =	vst v63  }
0xd6: {  	_ =	swait.ge [sflag:s2], $0x1800  }
0xd7: {  	[sflag:s2] =	ssyncset.done $0x0  }
0xd8: {  	[sflag:s2] =	ssyncadd.s32 $0xFFFFE800  }
0xd9: {  	_ =	swait.ge [sflag:s6], $0x1800  }
0xda: {  	[sflag:s6] =	ssyncset.done $0x0  }
0xdb: {  	[sflag:s6] =	ssyncadd.s32 $0xFFFFE800  }
0xdc: {  	[spmem:s3] =	stream.indirect.scatter.add.f32 [tilespmem:s22], [sflag:$0x9], $0x80, s29, s28, $0xb8;
	[tilespmem:$0x19F00] =	vst v63  }
0xdd: {  	p1 =	seq.s32 s7, $0xCC0;
	_ =	swait.ge [sflag:s10], $0x3000  }
0xde: {  	s5 =	sshrl.u32 @!p1 s12, $0x3;
	[sflag:s10] =	ssyncset.done $0x0;
	s11 =	rddreg [dreg:$0x9]  }
0xdf: {  	[sflag:s10] =	ssyncadd.s32 $0xFFFFD000;
	s5 =	sadd.s32 @!p1 s11, s5;
	s11 =	simm.s32 @!p1 $0x0  }
0xe0: {  	[tilespmem:s11], [sflag:$0x1] =	stream.linear.gather @!p1 [hbm4b:s5+s11], $0x100, $0x38;
	[tilespmem:$0x19F00] =	vst v63  }
0xe1: {  	_ =	swait.ge [sflag:s31], $0x100  }
0xe2: {  	[sflag:s31] =	ssyncset.done $0x0  }
0xe3: {  	[sflag:s31] =	ssyncadd.s32 $0xFFFFFF00  }
0xe4: {  	[tilespmem:s22], [sflag:$0x6] =	stream.indirect.gather [hbm4b:s1+s17], $0x80, s20, s17, $0xb8;
	[tilespmem:$0x19F00] =	vst v63  }
0xe5: {  	_ = 	snop  }
0xe6: {  	[tilespmem:s24], [sflag:$0x7] =	stream.indirect.gather [hbm4b:s1+s17], $0x80, s0, s17, $0xb8;
	[tilespmem:$0x19F00] =	vst v63  }
0xe7: {  	_ =	swait.ge [sflag:s25], $0x1800  }
0xe8: {  	[sflag:s25] =	ssyncset.done $0x0  }
0xe9: {  	[sflag:s25] =	ssyncadd.s32 $0xFFFFE800  }
0xea: {  	_ =	swait.ge [sflag:s26], $0x1800  }
0xeb: {  	[sflag:s26] =	ssyncset.done $0x0  }
0xec: {  	[sflag:s26] =	ssyncadd.s32 $0xFFFFE800  }
0xed: {  	[spmem:s3] =	stream.indirect.scatter.add.f32 [tilespmem:s18], [sflag:$0x8], $0x80, s9, s28, $0xb8;
	[tilespmem:$0x19F00] =	vst v63  }
0xee: {  	_ =	swait.ge [sflag:s30], $0x3000  }
0xef: {  	s19 =	simm.s32 @!p1 $0x1;
	s5 =	rddreg [dreg:$0x4];
	[sflag:s30] =	ssyncset.done $0x0  }
0xf0: {  	[sflag:s30] =	ssyncadd.s32 $0xFFFFD000;
	s5 =	sadd.s32 @!p1 s7, s5;
	s7 =	simm.s32 @!p1 $0x100  }
0xf1: {  	[tilespmem:s7], [sflag:$0x2] =	stream.linear.gather @!p1 [hbm4b:s5+s11], $0x100, $0x38;
	[tilespmem:$0x19F00] =	vst v63  }
0xf2: {  	s14 =	smov.u32 s13;
	_ =	swait.ge @!p1 [sflag:s19], $0x100  }
0xf3: {  	s13 =	sadd.s32 $0xC0, s13;
	s7 =	smov.u32 s14;
	[sflag:s19] =	ssyncset.done @!p1 $0x0  }
0xf4: {  	s5 =	simm.s32 @!p1 $0x30;
	s14 =	simm.s32 @!p1 $0x300;
	[sflag:s19] =	ssyncadd.s32 @!p1 $0xFFFFFF00  }
0xf5: {  	[tilespmem:s14], [sflag:$0x4] =	stream.indirect.gather @!p1 [hbm4b:s1+s5], $0x80, s11, s5, $0xb8;
	[tilespmem:$0x19F00] =	vst v63  }
0xf6: {  	p0 =	sne.s32 s13, $0xD80;
	s11 =	simm.s32 @!p1 $0x1B00  }
0xf7: {  	[tilespmem:s11], [sflag:$0x5] =	stream.indirect.gather @!p1 [hbm4b:s1+s5], $0x80, s5, s5, $0xb8;
	[tilespmem:$0x19F00] =	vst v63  }
.Ltmp0:
0xf8: {  	_ =	swait.ge [sflag:s2], $0x1800;
	(pc) =	sbr.rel @p0 .LBB2_2-.Ltmp0, $4  }
0xf9: {  	[sflag:s2] =	ssyncset.done $0x0  }
0xfa: {  	[sflag:s2] =	ssyncadd.s32 $0xFFFFE800  }
0xfb: {  	_ =	swait.ge [sflag:s6], $0x1800  }
0xfc: {  	s12 =	sadd.s32 $0x600, s12;
	p1 =	seq.s32 s7, $0x0;
	[sflag:s6] =	ssyncset.done $0x0  }
0xfd: {  	s5 =	simm.s32 @!p1 $0x9;
	[sflag:s6] =	ssyncadd.s32 $0xFFFFE800  }
0xfe: {  	[spmem:s3] =	stream.indirect.scatter.add.f32 [tilespmem:s22], [sflag:$0x9], $0x80, s8, s28, $0xb8;
	[tilespmem:$0x19F00] =	vst v63  }
0xff: {  	_ =	swait.ge @!p1 [sflag:s5], $0x3000  }
0x100: {  	s11 =	rddreg [dreg:$0x8];
	[sflag:s5] =	ssyncset.done @!p1 $0x0  }
0x101: {  	[sflag:s5] =	ssyncadd.s32 @!p1 $0xFFFFD000;
	s11 =	sadd.s32 s7, s11  }
0x102: {  	[tilespmem:s20], [sflag:$0x3] =	stream.linear.gather [hbm4b:s11+s4], $0x100, $0x38;
	[tilespmem:$0x19F00] =	vst v63  }
0x103: {  	_ =	swait.ge [sflag:s21], $0x100  }
0x104: {  	[sflag:s21] =	ssyncset.done $0x0  }
0x105: {  	[sflag:s21] =	ssyncadd.s32 $0xFFFFFF00  }
0x106: {  	[tilespmem:s22], [sflag:$0x6] =	stream.indirect.gather [hbm4b:s1+s17], $0x80, s15, s17, $0xb8;
	[tilespmem:$0x19F00] =	vst v63  }
0x107: {  	_ = 	snop  }
0x108: {  	[tilespmem:s24], [sflag:$0x7] =	stream.indirect.gather [hbm4b:s1+s17], $0x80, s23, s17, $0xb8;
	[tilespmem:$0x19F00] =	vst v63  }
0x109: {  	_ =	swait.ge [sflag:s25], $0x1800  }
0x10a: {  	[sflag:s25] =	ssyncset.done $0x0  }
0x10b: {  	[sflag:s25] =	ssyncadd.s32 $0xFFFFE800  }
0x10c: {  	_ =	swait.ge [sflag:s26], $0x1800  }
0x10d: {  	[sflag:s26] =	ssyncset.done $0x0  }
0x10e: {  	[sflag:s26] =	ssyncadd.s32 $0xFFFFE800  }
0x10f: {  	[spmem:s3] =	stream.indirect.scatter.add.f32 [tilespmem:s18], [sflag:$0x8], $0x80, s29, s28, $0xb8;
	[tilespmem:$0x19F00] =	vst v63  }
0x110: {  	_ =	swait.ge [sflag:s30], $0x3000  }
0x111: {  	s13 =	rddreg [dreg:$0x7];
	[sflag:s30] =	ssyncset.done $0x0  }
0x112: {  	[sflag:s30] =	ssyncadd.s32 $0xFFFFD000;
	s5 =	sadd.s32 s7, s13  }
0x113: {  	[tilespmem:s4], [sflag:$0x1] =	stream.linear.gather [hbm4b:s5+s4], $0x100, $0x38;
	[tilespmem:$0x19F00] =	vst v63  }
0x114: {  	_ =	swait.ge [sflag:s31], $0x100  }
0x115: {  	[sflag:s31] =	ssyncset.done $0x0  }
0x116: {  	[sflag:s31] =	ssyncadd.s32 $0xFFFFFF00  }
0x117: {  	[tilespmem:s18], [sflag:$0x4] =	stream.indirect.gather [hbm4b:s1+s17], $0x80, s20, s17, $0xb8;
	[tilespmem:$0x19F00] =	vst v63  }
0x118: {  	s14 =	simm.s32 $0x1B00  }
0x119: {  	[tilespmem:s14], [sflag:$0x5] =	stream.indirect.gather [hbm4b:s1+s17], $0x80, s0, s17, $0xb8;
	[tilespmem:$0x19F00] =	vst v63  }
0x11a: {  	_ =	swait.ge [sflag:s2], $0x1800  }
0x11b: {  	[sflag:s2] =	ssyncset.done $0x0  }
0x11c: {  	[sflag:s2] =	ssyncadd.s32 $0xFFFFE800  }
0x11d: {  	_ =	swait.ge [sflag:s6], $0x1800  }
0x11e: {  	[sflag:s6] =	ssyncset.done $0x0  }
0x11f: {  	[sflag:s6] =	ssyncadd.s32 $0xFFFFE800  }
0x120: {  	[spmem:s3] =	stream.indirect.scatter.add.f32 [tilespmem:s22], [sflag:$0x9], $0x80, s9, s28, $0xb8;
	[tilespmem:$0x19F00] =	vst v63  }
0x121: {  	_ =	swait.ge [sflag:s10], $0x3000  }
0x122: {  	s19 =	rddreg [dreg:$0x6];
	[sflag:s10] =	ssyncset.done $0x0  }
0x123: {  	[sflag:s10] =	ssyncadd.s32 $0xFFFFD000;
	s5 =	sadd.s32 s7, s19  }
0x124: {  	[tilespmem:s15], [sflag:$0x2] =	stream.linear.gather [hbm4b:s5+s4], $0x100, $0x38;
	[tilespmem:$0x19F00] =	vst v63  }
0x125: {  	_ =	swait.ge [sflag:s16], $0x100  }
0x126: {  	[sflag:s16] =	ssyncset.done $0x0  }
0x127: {  	[sflag:s16] =	ssyncadd.s32 $0xFFFFFF00  }
0x128: {  	[tilespmem:s22], [sflag:$0x6] =	stream.indirect.gather [hbm4b:s1+s17], $0x80, s4, s17, $0xb8;
	[tilespmem:$0x19F00] =	vst v63  }
0x129: {  	_ = 	snop  }
0x12a: {  	[tilespmem:s24], [sflag:$0x7] =	stream.indirect.gather [hbm4b:s1+s17], $0x80, s17, s17, $0xb8;
	[tilespmem:$0x19F00] =	vst v63  }
0x12b: {  	_ =	swait.ge [sflag:s25], $0x1800  }
0x12c: {  	[sflag:s25] =	ssyncset.done $0x0  }
0x12d: {  	[sflag:s25] =	ssyncadd.s32 $0xFFFFE800  }
0x12e: {  	_ =	swait.ge [sflag:s26], $0x1800  }
0x12f: {  	[sflag:s26] =	ssyncset.done $0x0  }
0x130: {  	[sflag:s26] =	ssyncadd.s32 $0xFFFFE800  }
0x131: {  	[spmem:s3] =	stream.indirect.scatter.add.f32 [tilespmem:s18], [sflag:$0x8], $0x80, s8, s28, $0xb8;
	[tilespmem:$0x19F00] =	vst v63  }
0x132: {  	_ =	swait.ge [sflag:s30], $0x3000  }
0x133: {  	s13 =	rddreg [dreg:$0x5];
	[sflag:s30] =	ssyncset.done $0x0  }
0x134: {  	[sflag:s30] =	ssyncadd.s32 $0xFFFFD000;
	s5 =	sadd.s32 s7, s13  }
0x135: {  	[tilespmem:s20], [sflag:$0x3] =	stream.linear.gather [hbm4b:s5+s4], $0x100, $0x38;
	[tilespmem:$0x19F00] =	vst v63  }
0x136: {  	_ =	swait.ge [sflag:s21], $0x100  }
0x137: {  	[sflag:s21] =	ssyncset.done $0x0  }
0x138: {  	[sflag:s21] =	ssyncadd.s32 $0xFFFFFF00  }
0x139: {  	[tilespmem:s18], [sflag:$0x4] =	stream.indirect.gather [hbm4b:s1+s17], $0x80, s15, s17, $0xb8;
	[tilespmem:$0x19F00] =	vst v63  }
0x13a: {  	_ = 	snop  }
0x13b: {  	[tilespmem:s14], [sflag:$0x5] =	stream.indirect.gather [hbm4b:s1+s17], $0x80, s23, s17, $0xb8;
	[tilespmem:$0x19F00] =	vst v63  }
0x13c: {  	_ =	swait.ge [sflag:s2], $0x1800  }
0x13d: {  	[sflag:s2] =	ssyncset.done $0x0  }
0x13e: {  	[sflag:s2] =	ssyncadd.s32 $0xFFFFE800  }
0x13f: {  	_ =	swait.ge [sflag:s6], $0x1800  }
0x140: {  	[sflag:s6] =	ssyncset.done $0x0  }
0x141: {  	[sflag:s6] =	ssyncadd.s32 $0xFFFFE800  }
0x142: {  	[spmem:s3] =	stream.indirect.scatter.add.f32 [tilespmem:s22], [sflag:$0x9], $0x80, s29, s28, $0xb8;
	[tilespmem:$0x19F00] =	vst v63  }
0x143: {  	p0 =	seq.s32 s7, $0xCC0;
	_ =	swait.ge [sflag:s10], $0x3000  }
0x144: {  	s5 =	sshrl.u32 @!p0 s12, $0x3;
	[sflag:s10] =	ssyncset.done $0x0;
	s11 =	rddreg [dreg:$0x9]  }
0x145: {  	[sflag:s10] =	ssyncadd.s32 $0xFFFFD000;
	s5 =	sadd.s32 @!p0 s11, s5;
	s11 =	simm.s32 @!p0 $0x0  }
0x146: {  	[tilespmem:s11], [sflag:$0x1] =	stream.linear.gather @!p0 [hbm4b:s5+s11], $0x100, $0x38;
	[tilespmem:$0x19F00] =	vst v63  }
0x147: {  	_ =	swait.ge [sflag:s31], $0x100  }
0x148: {  	[sflag:s31] =	ssyncset.done $0x0  }
0x149: {  	[sflag:s31] =	ssyncadd.s32 $0xFFFFFF00  }
0x14a: {  	[tilespmem:s22], [sflag:$0x6] =	stream.indirect.gather [hbm4b:s1+s17], $0x80, s20, s17, $0xb8;
	[tilespmem:$0x19F00] =	vst v63  }
0x14b: {  	_ = 	snop  }
0x14c: {  	[tilespmem:s24], [sflag:$0x7] =	stream.indirect.gather [hbm4b:s1+s17], $0x80, s0, s17, $0xb8;
	[tilespmem:$0x19F00] =	vst v63  }
0x14d: {  	_ =	swait.ge [sflag:s25], $0x1800  }
0x14e: {  	[sflag:s25] =	ssyncset.done $0x0  }
0x14f: {  	[sflag:s25] =	ssyncadd.s32 $0xFFFFE800  }
0x150: {  	_ =	swait.ge [sflag:s26], $0x1800  }
0x151: {  	[sflag:s26] =	ssyncset.done $0x0  }
0x152: {  	[sflag:s26] =	ssyncadd.s32 $0xFFFFE800  }
0x153: {  	[spmem:s3] =	stream.indirect.scatter.add.f32 [tilespmem:s18], [sflag:$0x8], $0x80, s9, s28, $0xb8;
	[tilespmem:$0x19F00] =	vst v63  }
0x154: {  	_ =	swait.ge [sflag:s30], $0x3000  }
0x155: {  	s5 =	rddreg [dreg:$0x4];
	[sflag:s30] =	ssyncset.done $0x0  }
0x156: {  	[sflag:s30] =	ssyncadd.s32 $0xFFFFD000;
	s5 =	sadd.s32 @!p0 s7, s5;
	s7 =	simm.s32 @!p0 $0x100  }
0x157: {  	[tilespmem:s7], [sflag:$0x2] =	stream.linear.gather @!p0 [hbm4b:s5+s11], $0x100, $0x38;
	[tilespmem:$0x19F00] =	vst v63  }
0x158: {  	s5 =	simm.s32 @!p0 $0x1  }
0x159: {  	_ =	swait.ge @!p0 [sflag:s5], $0x100  }
0x15a: {  	[sflag:s5] =	ssyncset.done @!p0 $0x0  }
0x15b: {  	s7 =	simm.s32 @!p0 $0x300;
	[sflag:s5] =	ssyncadd.s32 @!p0 $0xFFFFFF00;
	s5 =	simm.s32 @!p0 $0x30  }
0x15c: {  	[tilespmem:s7], [sflag:$0x4] =	stream.indirect.gather @!p0 [hbm4b:s1+s5], $0x80, s11, s5, $0xb8;
	[tilespmem:$0x19F00] =	vst v63  }
0x15d: {  	s7 =	simm.s32 @!p0 $0x1B00  }
0x15e: {  	[tilespmem:s7], [sflag:$0x5] =	stream.indirect.gather @!p0 [hbm4b:s1+s5], $0x80, s5, s5, $0xb8;
	[tilespmem:$0x19F00] =	vst v63  }
0x15f: {  	_ =	swait.ge [sflag:s2], $0x1800  }
0x160: {  	[sflag:s2] =	ssyncset.done $0x0  }
0x161: {  	[sflag:s2] =	ssyncadd.s32 $0xFFFFE800  }
0x162: {  	_ =	swait.ge [sflag:s6], $0x1800  }
0x163: {  	[sflag:s6] =	ssyncset.done $0x0  }
0x164: {  	[sflag:s6] =	ssyncadd.s32 $0xFFFFE800  }
0x165: {  	[spmem:s3] =	stream.indirect.scatter.add.f32 [tilespmem:s22], [sflag:$0x9], $0x80, s8, s28, $0xb8;
	[tilespmem:$0x19F00] =	vst v63  }
0x166: {  	_ =	swait.ge [sflag:s10], $0x3000  }
0x167: {  	[sflag:s10] =	ssyncset.done $0x0  }
0x168: {  	[sflag:s10] =	ssyncadd.s32 $0xFFFFD000  }
0x169: {  	[bflag:$0x0] =	sbarrier.arrive $0xFFFF  }
0x16a: {  	s11 =	rddreg [dreg:$0xb]  }
0x16b: {  	s14 =	rddreg [dreg:$0xe]  }
0x16c: {  	s12 =	simm.s32 $0xA;
	s7 =	rddreg [dreg:$0x11]  }
0x16d: {  	[hbm:s14], [sflag:s11] =	dma.local [spmem:s7], $0x2780  }
0x16e: {  	_ =	swait.ge [sflag:s12], $0x2780  }
0x16f: {  	s13 =	rddreg [dreg:$0x12]  }
0x170: {  	s19 =	rddreg [dreg:$0xf];
	s13 =	sadd.s32 $0x1, s13  }
0x171: {  	p0 =	sne.s32 s13, s19  }
.Ltmp1:
0x172: {  	_ = 	snop;
	(pc) =	sbr.rel @p0 .LBB2_1-.Ltmp1, $3  }
0x173: {  	_ =	sdelay $0x1  }
0x174: {  	[sflag:s12] =	ssyncset.done $0x0  }
0x175: {  	[sflag:s12] =	ssyncadd.s32 $0xFFFFD880  }
0x176: {  	_ =	sfence.sel $0x180000  }
0x177: {  	[bflag:$0x0] =	sbarrier.arrive $0xFFFF  }
0x178: {  	_ =	strace $0x9000004A  }
0x179: {  	s0 =	stileid.u32;
	[bflag:$0x2] =	sbarrier.arrive $0xFFFF  }
0x17a: {  	p0 =	sne.s32 s0, $0x0;
	s0 =	rddreg [dreg:$0x3]  }
0x17b: {  	s0 =	sadd.s32 @!p0 $0x100000, s0  }
0x17c: {  	[sflag:s0] =	ssyncadd.tile.s32 @!p0 $0x1;
	_ =	shalt  }
.Lfunc_end2:
_tile_overlayer_lowered:
.L_overlay_start_2:
0x17d: {  	(tag) =	ssettag $0x2  }
0x17e: {  	s0 =	rddreg [dreg:$0x0];
	s2 =	stileid.u32  }
0x17f: {  	s1 =	rddreg [dreg:$0x1];
	p0 =	sne.s32 s2, $0x0  }
0x180: {  	s3 =	rddreg [dreg:$0x2];
	[bflag:$0x3] =	sbarrier.arrive $0xFFFF;
	s2 =	simm.s32 @!p0 $0x1C0A  }
0x181: {  	[timem:s3], [sflag:s2] =	dma.local @!p0 [hbm:s0], s1  }
0x182: {  	s0 =	simm.s32 @!p0 $0xA  }
0x183: {  	_ =	swait.ge @!p0 [sflag:s0], s1  }
0x184: {  	s1 =	ssub.s32 @!p0 $0x0, s1;
	[sflag:s0] =	ssyncset.done @!p0 $0x0  }
0x185: {  	[sflag:s0] =	ssyncadd.s32 @!p0 s1  }
0x186: {  	[bflag:$0x3] =	sbarrier.arrive $0xFFFF  }
0x187: {  	_ =	shalt  }

// kernel: sc_aggregate.7.cloned.1.call-start
scs
__scs_entry_jumppad:
0x0: {  	(pc) =	sbr.rel $0x88, $3  }
0x1: {  	(tag) =	ssettag $0x0;
	lr =	simm.s32 $0x1  }
0x2: {  	[smem:$0x3F9B] =	sst lr;
	_ =	strace $0xD0000000  }
0x3: {  	_ = 	snop  }
0x4: {  	_ = 	snop  }
0x5: {  	_ = 	snop  }
0x6: {  	_ = 	snop  }
0x7: {  	_ = 	snop  }
__scs_overlays_trampoline_lowered:
0x8: {  	[smem:$0x3FAA] =	sst s0  }
0x9: {  	[smem:$0x3FAB] =	sst s1  }
0xa: {  	[smem:$0x3FAC] =	sst s2  }
0xb: {  	[smem:$0x3FAD] =	sst s3  }
0xc: {  	[smem:$0x3FAE] =	sst s4  }
0xd: {  	[smem:$0x3FAF] =	sst s5  }
0xe: {  	[smem:$0x3FB0] =	sst s6  }
0xf: {  	[smem:$0x3FB1] =	sst s7  }
0x10: {  	[smem:$0x3FB2] =	sst s8  }
0x11: {  	[smem:$0x3FB3] =	sst s9;
	s0 =	simm.s32 @!p0 $0x0  }
0x12: {  	s1 =	sld [smem:$0x3F99];
	s0 =	simm.s32 @p0 $0x1  }
0x13: {  	[smem:$0x3FB4] =	sst s0;
	s0 =	simm.s32 @!p1 $0x0  }
0x14: {  	s2 =	sld [smem:$0x3F98];
	s0 =	simm.s32 @p1 $0x1  }
0x15: {  	[smem:$0x3FB5] =	sst s0;
	s0 =	simm.s32 @!p2 $0x0  }
0x16: {  	s3 =	sld [smem:$0x3FDB];
	s0 =	simm.s32 @p2 $0x1  }
0x17: {  	s4 =	simm.s32 $0x1BF5;
	[smem:$0x3FB7] =	sst s0  }
0x18: {  	s0 =	sld [smem:$0x3F9A];
	_ =	swait.ge [sflag:s4], $0x0  }
0x19: {  	s7 =	sld [smem:$0x3F9B]  }
0x1a: {  	s8 =	sadd.s32 $0xFFFFE003, lr  }
0x1b: {  	s9 =	sadd.s32 $0xFFFFFEF7, lr;
	s5 =	simm.s32 $0xFFFFFFFF;
	p2 =	slt.u32 s8, $0xFFFFF086  }
0x1c: {  	p1 =	slt.u32 s9, $0xF7A;
	s5 =	simm.s32 @!p2 $0x0  }
0x1d: {  	s5 =	simm.s32 @p1 $0x1;
	p0 =	seq.s32 s7, s2  }
0x1e: {  	s7 =	smul.u32 @!p0 $0xF7A, s2;
	p2 =	seq.s32 @!p0 s5, $0x0  }
0x1f: {  	s9 =	smul.u32 $0xF7A, s1;
	s8 =	simm.s32 @!p0 $0x1BF5;
	p2 =	por !p2, p0  }
0x20: {  	[sflag:s8] =	ssyncset.s32 @!p0 $0xFFFFF086;
	s6 =	sadd.s32 @!p0 s3, s7;
	s7 =	simm.s32 @!p0 $0x108  }
0x21: {  	s3 =	sadd.s32 s3, s9;
	s6 =	sadd.s32 @!p0 $0x88, s6;
	s7 =	simm.s32 @p2 $0x1082  }
0x22: {  	[simem:s7], [sflag:s8] =	dma.local @!p0 [hbm:s6], $0xF7A  }
0x23: {  	s9 =	sor.u32 $0xD0000000, s2;
	s6 =	simm.s32 $0x108;
	_ =	swait.ge @!p0 [sflag:s8], $0x0  }
0x24: {  	s3 =	sadd.s32 $0x88, s3;
	s6 =	simm.s32 @!p1 $0x1082;
	[sflag:s4] =	ssyncset.s32 $0xFFFFF086  }
0x25: {  	[simem:s6], [sflag:s4] =	dma.local [hbm:s3], $0xF7A  }
0x26: {  	[smem:$0x3F9B] =	sst s1;
	(tag) =	ssettag s2;
	_ =	strace s9  }
0x27: {  	s1 =	sld [smem:$0x3FAB]  }
0x28: {  	s2 =	sld [smem:$0x3FAC]  }
0x29: {  	s4 =	sld [smem:$0x3FAE]  }
0x2a: {  	p0 =	seq.s32 s5, $0x0;
	s5 =	sld [smem:$0x3FAF]  }
0x2b: {  	s6 =	sld [smem:$0x3FB0]  }
0x2c: {  	s7 =	sld [smem:$0x3FB1]  }
0x2d: {  	s3 =	simm.s32 $0x108;
	s8 =	sld [smem:$0x3FB2]  }
0x2e: {  	s3 =	simm.s32 @!p0 $0x1082;
	s9 =	sld [smem:$0x3FB3]  }
0x2f: {  	lr =	sadd.s32 s0, s3;
	s0 =	sld [smem:$0x3FAA]  }
0x30: {  	s3 =	sld [smem:$0x3FAD]  }
0x31: {  	[smem:$0x3FB6] =	sst s10  }
0x32: {  	s10 =	sld [smem:$0x3FB4];
	_ =	sdelay $0x3  }
0x33: {  	p0 =	seq.s32 s10, $0x1;
	s10 =	sld [smem:$0x3FB6];
	_ =	sdelay $0x3  }
0x34: {  	[smem:$0x3FB6] =	sst s10  }
0x35: {  	s10 =	sld [smem:$0x3FB5];
	_ =	sdelay $0x3  }
0x36: {  	p1 =	seq.s32 s10, $0x1;
	s10 =	sld [smem:$0x3FB6];
	_ =	sdelay $0x3  }
0x37: {  	[smem:$0x3FB6] =	sst s10  }
0x38: {  	s10 =	sld [smem:$0x3FB7]  }
0x39: {  	_ = 	snop;
	(pc) =	sbr.ind lr, $3  }
0x3a: {  	_ = 	snop  }
0x3b: {  	_ = 	snop  }
0x3c: {  	p2 =	seq.s32 s10, $0x1;
	s10 =	sld [smem:$0x3FB6]  }
0x3d: {  	_ =	shalt  }
0x3e: {  	_ =	shalt  }
0x3f: {  	_ =	shalt  }
0x40: {  	_ =	shalt  }
0x41: {  	_ =	shalt  }
0x42: {  	_ =	shalt  }
0x43: {  	_ =	shalt  }
0x44: {  	_ =	shalt  }
0x45: {  	_ =	shalt  }
0x46: {  	_ =	shalt  }
0x47: {  	_ =	shalt  }
0x48: {  	_ =	shalt  }
0x49: {  	_ =	shalt  }
0x4a: {  	_ =	shalt  }
0x4b: {  	_ =	shalt  }
0x4c: {  	_ =	shalt  }
0x4d: {  	_ =	shalt  }
0x4e: {  	_ =	shalt  }
0x4f: {  	_ =	shalt  }
0x50: {  	_ =	shalt  }
0x51: {  	_ =	shalt  }
0x52: {  	_ =	shalt  }
0x53: {  	_ =	shalt  }
0x54: {  	_ =	shalt  }
0x55: {  	_ =	shalt  }
0x56: {  	_ =	shalt  }
0x57: {  	_ =	shalt  }
0x58: {  	_ =	shalt  }
0x59: {  	_ =	shalt  }
0x5a: {  	_ =	shalt  }
0x5b: {  	_ =	shalt  }
0x5c: {  	_ =	shalt  }
0x5d: {  	_ =	shalt  }
0x5e: {  	_ =	shalt  }
0x5f: {  	_ =	shalt  }
0x60: {  	_ =	shalt  }
0x61: {  	_ =	shalt  }
0x62: {  	_ =	shalt  }
0x63: {  	_ =	shalt  }
0x64: {  	_ =	shalt  }
0x65: {  	_ =	shalt  }
0x66: {  	_ =	shalt  }
0x67: {  	_ =	shalt  }
0x68: {  	_ =	shalt  }
0x69: {  	_ =	shalt  }
0x6a: {  	_ =	shalt  }
0x6b: {  	_ =	shalt  }
0x6c: {  	_ =	shalt  }
0x6d: {  	_ =	shalt  }
0x6e: {  	_ =	shalt  }
0x6f: {  	_ =	shalt  }
0x70: {  	_ =	shalt  }
0x71: {  	_ =	shalt  }
0x72: {  	_ =	shalt  }
0x73: {  	_ =	shalt  }
0x74: {  	_ =	shalt  }
0x75: {  	_ =	shalt  }
0x76: {  	_ =	shalt  }
0x77: {  	_ =	shalt  }
0x78: {  	_ =	shalt  }
0x79: {  	_ =	shalt  }
0x7a: {  	_ =	shalt  }
0x7b: {  	_ =	shalt  }
0x7c: {  	_ =	shalt  }
0x7d: {  	_ =	shalt  }
0x7e: {  	_ =	shalt  }
0x7f: {  	_ =	shalt  }
0x80: {  	_ =	shalt  }
0x81: {  	_ =	shalt  }
0x82: {  	_ =	shalt  }
0x83: {  	_ =	shalt  }
0x84: {  	_ =	shalt  }
0x85: {  	_ =	shalt  }
0x86: {  	_ =	shalt  }
0x87: {  	_ =	shalt  }
.Lfunc_end0:
.L_simem_size_0:
called_computation.2_lowered:
.L_overlay_start_0:
0x88: {  	s2 =	sld [smem:$0x3FD9]  }
0x89: {  	s3 =	sld [smem:$0x3FFE];
	_ =	sdelay $0x1  }
0x8a: {  	s1 =	srdreg.scid  }
0x8b: {  	s0 =	sand.u32 $0x1, s1  }
0x8c: {  	s17 =	sshll.u32 s0, $0xA;
	s2 =	sadd.s32 s3, s2  }
0x8d: {  	s2 =	sadd.s32 s2, s17  }
0x8e: {  	[smem:$0x3FC2] =	sst s2  }
0x8f: {  	_ = 	snop  }
0x90: {  	s2 =	sld [smem:$0x3FD0];
	(tm) =	ssettm $0x1  }
0x91: {  	s18 =	sld [smem:$0x3FFB];
	_ =	sdelay $0x3  }
0x92: {  	_ =	strace s18  }
0x93: {  	s3 =	sld [smem:$0x3FFC];
	_ =	sdelay $0x3  }
0x94: {  	_ =	strace s3  }
0x95: {  	s3 =	sld [smem:$0x3FFD];
	_ =	sdelay $0x3  }
0x96: {  	_ =	strace s3  }
0x97: {  	_ =	strace $0x8FFFFFFF  }
0x98: {  	s19 =	sld [smem:$0x3FDB];
	_ =	sdelay $0x1  }
0x99: {  	s4 =	simm.s32 $_scs_section_size  }
0x9a: {  	s5 =	simm.s32 $_size__tile_overlayer_lowered;
	s6 =	simm.s32 $_tile_overlayer_lowered  }
0x9b: {  	s22 =	simm.s32 $0x1BFF;
	s21 =	sshll.u32 s6, $0x1;
	s3 =	sadd.s32 s4, s19  }
0x9c: {  	s7 =	simm.s32 $0x0;
	s20 =	sshll.u32 s5, $0x1;
	s5 =	sadd.s32 s21, s3  }
0x9d: {  	[timem:s7], [sflag:s22] =	dma.local [hbm:s5], s20  }
0x9e: {  	_ =	swait.ge [sflag:s22], s20  }
0x9f: {  	s4 =	ssub.s32 $0x0, s20;
	[sflag:s22] =	ssyncset.done $0x0  }
0xa0: {  	[sflag:s22] =	ssyncadd.s32 s4;
	_ =	sdelay $0x1  }
0xa1: {  	s23 =	simm.s32 $0x1B8B  }
0xa2: {  	_ =	swait.ge [sflag:s23], $0x1  }
0xa3: {  	[sflag:s23] =	ssyncset.done $0x0  }
0xa4: {  	s25 =	simm.s32 $0x1B8E;
	s24 =	sld [smem:$0x3FFE];
	[sflag:s23] =	ssyncadd.s32 $0xFFFFFFFF  }
0xa5: {  	s26 =	simm.s32 $execute0_lowered;
	[smem:$0x3FD2] =	sst s25  }
0xa6: {  	s5 =	sshll.u32 s26, $0x1;
	_ =	strace $0x8000004C;
	[dreg:$0x1] =	wrdreg $0xFFFFFFFF  }
0xa7: {  	s28 =	simm.s32 $_size_execute0_lowered;
	s3 =	sadd.s32 s3, s5;
	[dreg:$0x0] =	wrdreg $0x0  }
0xa8: {  	s5 =	sshll.u32 s28, $0x1;
	[dreg:$0x2] =	wrdreg s3  }
0xa9: {  	[dreg:$0x3] =	wrdreg s5  }
0xaa: {  	[dreg:$0x4] =	wrdreg $0xC0  }
0xab: {  	_ =	task [dreg:s7], $0x5FFFF  }
0xac: {  	[dreg:$0x1] =	wrdreg $0xFFFFFFFF  }
0xad: {  	[dreg:$0x0] =	wrdreg $0x60  }
0xae: {  	[dreg:$0x2] =	wrdreg s2  }
0xaf: {  	[dreg:$0x3] =	wrdreg s24  }
0xb0: {  	[dreg:$0x4] =	wrdreg $0x63000  }
0xb1: {  	[dreg:$0x5] =	wrdreg $0x9  }
0xb2: {  	_ =	task.clear_ibuf [dreg:s7], $0x6FFFF;
	_ =	strace $0x9000004C  }
0xb3: {  	s29 =	simm.s32 $0x9;
	_ =	strace $0x8000004E  }
0xb4: {  	_ =	swait.ge [sflag:s29], $0x1  }
0xb5: {  	[sflag:s29] =	ssyncadd.s32 $0xFFFFFFFF  }
0xb6: {  	_ =	strace $0x9000004E  }
0xb7: {  	_ =	sfence  }
0xb8: {  	s30 =	sld [smem:$0x0];
	_ =	sdelay $0x2  }
0xb9: {  	s31 =	sshll.u32 s1, $0xD;
	s1 =	sshrl.u32 s1, $0x2  }
0xba: {  	s3 =	sand.u32 $0x4000, s31;
	s1 =	sadd.s32 s1, s30  }
0xbb: {  	s0 =	sor.u32 s3, s0;
	s1 =	sshll.u32 s1, $0x11  }
0xbc: {  	s0 =	sor.u32 s1, s0  }
0xbd: {  	s0 =	sadd.s32 $0x8F2B, s0  }
0xbe: {  	[sflag:s0] =	ssyncadd.remote.s32 $0x1  }
0xbf: {  	_ =	sfence.sel $0xFFFF  }
0xc0: {  	[dreg:$0x0] =	wrdreg $0xFFFFFFFF;
	(pc) =	sbr.abs _section_cstart, $3  }
0xc1: {  	[dreg:$0x1] =	wrdreg $0xFFFFFFFF  }
0xc2: {  	_ =	task.clear_ibuf [dreg:s7], $0x2FFFF;
	_ =	strace $0x9FFFFFFF  }
0xc3: {  	(tm) =	ssettm $0x7FFFFFFF  }
tec
execute0_lowered:
.L_overlay_start_1:
0x0: {  	(tag) =	ssettag $0x1  }
0x1: {  	s1 =	rddreg [dreg:$0x0]  }
0x2: {  	s0 =	rddreg [dreg:$0x1]  }
0x3: {  	s3 =	rddreg [dreg:$0x2];
	s2 =	srdreg.scid  }
0x4: {  	s12 =	stileid.u32;
	s4 =	simm.s32 $0x0;
	s28 =	simm.s32 $0x60  }
0x5: {  	s29 =	simm.s32 $0x80;
	s30 =	simm.s32 $0x8;
	s31 =	simm.s32 $0x3  }
0x6: {  	s2 =	sand.u32 $0x1, s2;
	s6 =	smul.u32 $0x2780, s12;
	[smem:$0x7FF] =	sst s4  }
0x7: {  	s5 =	sshll.u32 s12, $0x1;
	s9 =	smul.u32 $0x4F000, s12;
	s10 =	sadd.s32 $0x3400, s0  }
0x8: {  	s25 =	smul.u32 $0xD800, s12;
	s13 =	sshll.u32 s12, $0x6;
	s12 =	simm.s32 $0xA  }
0x9: {  	s7 =	smul.u32 $0x27800, s2;
	_ =	strace $0x8000004D;
	s8 =	sor.u32 s2, s5  }
0xa: {  	s5 =	sadd.s32 $0xD200, s0;
	s24 =	ssub.s32 $0x2, s2;
	s2 =	smul.u32 $0x6C00, s2  }
0xb: {  	[dreg:$0xa] =	wrdreg s10;
	s10 =	simm.s32 $0x9;
	s8 =	smul.u32 $0x6C00, s8  }
0xc: {  	s11 =	sshrl.u32 s24, $0x1;
	s9 =	sshrl.u32 s9, $0x2;
	[dreg:$0x9] =	wrdreg s5  }
0xd: {  	s6 =	sadd.s32 s6, s7;
	s26 =	ssub.s32 s24, s11;
	s7 =	sadd.s32 s9, s3  }
0xe: {  	s2 =	sadd.s32 s2, s25;
	s11 =	sor.u32 $0x1C0A, s13;
	s13 =	simm.s32 $0x0  }
0xf: {  	s0 =	sadd.s32 s6, s0;
	s8 =	sshrl.u32 s8, $0x3;
	s15 =	sadd.s32 $0x700, s2  }
0x10: {  	s16 =	sadd.s32 $0x500, s2;
	s20 =	sadd.s32 $0x400, s2;
	s22 =	sor.u32 $0x300, s2  }
0x11: {  	s23 =	sor.u32 $0x200, s2;
	s6 =	smax.u32 s26, $0x1;
	s2 =	sadd.s32 $0x600, s2  }
0x12: {  	s7 =	sshrl.u32 s7, $0x3;
	[dreg:$0xb] =	wrdreg s11;
	s14 =	sadd.s32 s5, s8  }
0x13: {  	s8 =	sshrl.u32 s15, $0x3;
	s0 =	sadd.s32 $0x4F400, s0;
	s18 =	sshrl.u32 s16, $0x3  }
0x14: {  	s21 =	sshrl.u32 s20, $0x3;
	s25 =	sshrl.u32 s23, $0x3;
	[dreg:$0xf] =	wrdreg s6  }
0x15: {  	[dreg:$0x10] =	wrdreg s2;
	s15 =	simm.s32 $0x100;
	s16 =	simm.s32 $0x1  }
0x16: {  	s20 =	simm.s32 $0x200;
	s23 =	simm.s32 $0x130;
	[dreg:$0x11] =	wrdreg s7  }
0x17: {  	s2 =	simm.s32 $0x6;
	s6 =	simm.s32 $0x7;
	[dreg:$0xc] =	wrdreg s14  }
0x18: {  	s9 =	sadd.s32 $0x20, s14;
	[dreg:$0xe] =	wrdreg s0;
	s17 =	sadd.s32 s8, s5  }
0x19: {  	s19 =	sadd.s32 s18, s5;
	s0 =	sadd.s32 s21, s5;
	[dreg:$0xd] =	wrdreg s9  }
0x1a: {  	s8 =	sshrl.u32 s22, $0x3;
	s26 =	sadd.s32 s25, s5;
	[dreg:$0x4] =	wrdreg s17  }
0x1b: {  	s18 =	simm.s32 $0x300;
	s21 =	simm.s32 $0x2;
	[dreg:$0x5] =	wrdreg s19  }
0x1c: {  	s22 =	simm.s32 $0x3300;
	s25 =	simm.s32 $0x4;
	[dreg:$0x6] =	wrdreg s0  }
0x1d: {  	s24 =	sadd.s32 s8, s5;
	[dreg:$0x8] =	wrdreg s26;
	s17 =	simm.s32 $0x30  }
0x1e: {  	s26 =	simm.s32 $0x5;
	s0 =	simm.s32 $0x230;
	s9 =	simm.s32 $0x180  }
0x1f: {  	s8 =	simm.s32 $0x280;
	[dreg:$0x7] =	wrdreg s24;
	s24 =	simm.s32 $0x4B00  }
.LBB2_1:
0x20: {  	[dreg:$0x12] =	wrdreg s13  }
0x21: {  	s5 =	rddreg [dreg:$0xa]  }
0x22: {  	[spmem:s7], [sflag:s11] =	dma.local [hbm:s5], $0x2780  }
0x23: {  	_ =	swait.ge [sflag:s12], $0x2780  }
0x24: {  	[sflag:s12] =	ssyncset.done $0x0  }
0x25: {  	[sflag:s12] =	ssyncadd.s32 $0xFFFFD880  }
0x26: {  	[bflag:$0x0] =	sbarrier.arrive $0xFFFF  }
0x27: {  	s19 =	rddreg [dreg:$0xc]  }
0x28: {  	[tilespmem:s4], [sflag:$0x1] =	stream.linear.gather [hbm4b:s19+s4], $0x100, $0x38;
	[tilespmem:$0x19F00] =	vst v63  }
0x29: {  	s7 =	rddreg [dreg:$0xd]  }
0x2a: {  	[tilespmem:s15], [sflag:$0x2] =	stream.linear.gather [hbm4b:s7+s4], $0x100, $0x38;
	[tilespmem:$0x19F00] =	vst v63  }
0x2b: {  	_ =	swait.ge [sflag:s16], $0x100  }
0x2c: {  	[sflag:s16] =	ssyncset.done $0x0  }
0x2d: {  	p0 =	por $0x1, $0x1;
	[sflag:s16] =	ssyncadd.s32 $0xFFFFFF00  }
0x2e: {  	[tilespmem:s18], [sflag:$0x4] =	stream.indirect.gather [hbm4b:s1+s17], $0x80, s4, s17, $0xb8;
	[tilespmem:$0x19F00] =	vst v63  }
0x2f: {  	s5 =	simm.s32 $0x1B00;
	s7 =	simm.s32 @!p0 $0x9  }
0x30: {  	[tilespmem:s5], [sflag:$0x5] =	stream.indirect.gather [hbm4b:s1+s17], $0x80, s17, s17, $0xb8;
	[tilespmem:$0x19F00] =	vst v63  }
0x31: {  	_ =	swait.ge @!p0 [sflag:s7], $0x3000  }
0x32: {  	s11 =	rddreg [dreg:$0x8];
	[sflag:s7] =	ssyncset.done @!p0 $0x0  }
0x33: {  	[sflag:s7] =	ssyncadd.s32 @!p0 $0xFFFFD000;
	s12 =	sadd.s32 $0x0, s11  }
0x34: {  	[tilespmem:s20], [sflag:$0x3] =	stream.linear.gather [hbm4b:s12+s4], $0x100, $0x38;
	[tilespmem:$0x19F00] =	vst v63  }
0x35: {  	_ =	swait.ge [sflag:s21], $0x100  }
0x36: {  	[sflag:s21] =	ssyncset.done $0x0  }
0x37: {  	[sflag:s21] =	ssyncadd.s32 $0xFFFFFF00  }
0x38: {  	[tilespmem:s22], [sflag:$0x6] =	stream.indirect.gather [hbm4b:s1+s17], $0x80, s15, s17, $0xb8;
	[tilespmem:$0x19F00] =	vst v63  }
0x39: {  	_ = 	snop  }
0x3a: {  	[tilespmem:s24], [sflag:$0x7] =	stream.indirect.gather [hbm4b:s1+s17], $0x80, s23, s17, $0xb8;
	[tilespmem:$0x19F00] =	vst v63  }
0x3b: {  	_ =	swait.ge [sflag:s25], $0x1800  }
0x3c: {  	[sflag:s25] =	ssyncset.done $0x0  }
0x3d: {  	[sflag:s25] =	ssyncadd.s32 $0xFFFFE800  }
0x3e: {  	_ =	swait.ge [sflag:s26], $0x1800  }
0x3f: {  	[sflag:s26] =	ssyncset.done $0x0  }
0x40: {  	[sflag:s26] =	ssyncadd.s32 $0xFFFFE800  }
0x41: {  	[spmem:s3] =	stream.indirect.scatter.add.f32 [tilespmem:s18], [sflag:$0x8], $0x80, s29, s28, $0xb8;
	[tilespmem:$0x19F00] =	vst v63  }
0x42: {  	_ =	swait.ge [sflag:s30], $0x3000  }
0x43: {  	s13 =	rddreg [dreg:$0x7];
	[sflag:s30] =	ssyncset.done $0x0  }
0x44: {  	[sflag:s30] =	ssyncadd.s32 $0xFFFFD000;
	s7 =	sadd.s32 $0x0, s13  }
0x45: {  	[tilespmem:s4], [sflag:$0x1] =	stream.linear.gather [hbm4b:s7+s4], $0x100, $0x38;
	[tilespmem:$0x19F00] =	vst v63  }
0x46: {  	_ =	swait.ge [sflag:s31], $0x100  }
0x47: {  	[sflag:s31] =	ssyncset.done $0x0  }
0x48: {  	[sflag:s31] =	ssyncadd.s32 $0xFFFFFF00  }
0x49: {  	[tilespmem:s18], [sflag:$0x4] =	stream.indirect.gather [hbm4b:s1+s17], $0x80, s20, s17, $0xb8;
	[tilespmem:$0x19F00] =	vst v63  }
0x4a: {  	_ = 	snop  }
0x4b: {  	[tilespmem:s5], [sflag:$0x5] =	stream.indirect.gather [hbm4b:s1+s17], $0x80, s0, s17, $0xb8;
	[tilespmem:$0x19F00] =	vst v63  }
0x4c: {  	_ =	swait.ge [sflag:s2], $0x1800  }
0x4d: {  	[sflag:s2] =	ssyncset.done $0x0  }
0x4e: {  	[sflag:s2] =	ssyncadd.s32 $0xFFFFE800  }
0x4f: {  	_ =	swait.ge [sflag:s6], $0x1800  }
0x50: {  	[sflag:s6] =	ssyncset.done $0x0  }
0x51: {  	[sflag:s6] =	ssyncadd.s32 $0xFFFFE800  }
0x52: {  	[spmem:s3] =	stream.indirect.scatter.add.f32 [tilespmem:s22], [sflag:$0x9], $0x80, s9, s28, $0xb8;
	[tilespmem:$0x19F00] =	vst v63  }
0x53: {  	_ =	swait.ge [sflag:s10], $0x3000  }
0x54: {  	s14 =	rddreg [dreg:$0x6];
	[sflag:s10] =	ssyncset.done $0x0  }
0x55: {  	[sflag:s10] =	ssyncadd.s32 $0xFFFFD000;
	s7 =	sadd.s32 $0x0, s14  }
0x56: {  	[tilespmem:s15], [sflag:$0x2] =	stream.linear.gather [hbm4b:s7+s4], $0x100, $0x38;
	[tilespmem:$0x19F00] =	vst v63  }
0x57: {  	_ =	swait.ge [sflag:s16], $0x100  }
0x58: {  	[sflag:s16] =	ssyncset.done $0x0  }
0x59: {  	[sflag:s16] =	ssyncadd.s32 $0xFFFFFF00  }
0x5a: {  	[tilespmem:s22], [sflag:$0x6] =	stream.indirect.gather [hbm4b:s1+s17], $0x80, s4, s17, $0xb8;
	[tilespmem:$0x19F00] =	vst v63  }
0x5b: {  	_ = 	snop  }
0x5c: {  	[tilespmem:s24], [sflag:$0x7] =	stream.indirect.gather [hbm4b:s1+s17], $0x80, s17, s17, $0xb8;
	[tilespmem:$0x19F00] =	vst v63  }
0x5d: {  	_ =	swait.ge [sflag:s25], $0x1800  }
0x5e: {  	[sflag:s25] =	ssyncset.done $0x0  }
0x5f: {  	[sflag:s25] =	ssyncadd.s32 $0xFFFFE800  }
0x60: {  	_ =	swait.ge [sflag:s26], $0x1800  }
0x61: {  	[sflag:s26] =	ssyncset.done $0x0  }
0x62: {  	[sflag:s26] =	ssyncadd.s32 $0xFFFFE800  }
0x63: {  	[spmem:s3] =	stream.indirect.scatter.add.f32 [tilespmem:s18], [sflag:$0x8], $0x80, s8, s28, $0xb8;
	[tilespmem:$0x19F00] =	vst v63  }
0x64: {  	_ =	swait.ge [sflag:s30], $0x3000  }
0x65: {  	s19 =	rddreg [dreg:$0x5];
	[sflag:s30] =	ssyncset.done $0x0  }
0x66: {  	[sflag:s30] =	ssyncadd.s32 $0xFFFFD000;
	s7 =	sadd.s32 $0x0, s19  }
0x67: {  	[tilespmem:s20], [sflag:$0x3] =	stream.linear.gather [hbm4b:s7+s4], $0x100, $0x38;
	[tilespmem:$0x19F00] =	vst v63  }
0x68: {  	_ =	swait.ge [sflag:s21], $0x100  }
0x69: {  	[sflag:s21] =	ssyncset.done $0x0  }
0x6a: {  	[sflag:s21] =	ssyncadd.s32 $0xFFFFFF00  }
0x6b: {  	[tilespmem:s18], [sflag:$0x4] =	stream.indirect.gather [hbm4b:s1+s17], $0x80, s15, s17, $0xb8;
	[tilespmem:$0x19F00] =	vst v63  }
0x6c: {  	_ = 	snop  }
0x6d: {  	[tilespmem:s5], [sflag:$0x5] =	stream.indirect.gather [hbm4b:s1+s17], $0x80, s23, s17, $0xb8;
	[tilespmem:$0x19F00] =	vst v63  }
0x6e: {  	_ =	swait.ge [sflag:s2], $0x1800  }
0x6f: {  	[sflag:s2] =	ssyncset.done $0x0  }
0x70: {  	[sflag:s2] =	ssyncadd.s32 $0xFFFFE800  }
0x71: {  	_ =	swait.ge [sflag:s6], $0x1800  }
0x72: {  	[sflag:s6] =	ssyncset.done $0x0  }
0x73: {  	[sflag:s6] =	ssyncadd.s32 $0xFFFFE800  }
0x74: {  	[spmem:s3] =	stream.indirect.scatter.add.f32 [tilespmem:s22], [sflag:$0x9], $0x80, s29, s28, $0xb8;
	[tilespmem:$0x19F00] =	vst v63  }
0x75: {  	_ =	swait.ge [sflag:s10], $0x3000  }
0x76: {  	p0 =	por $0x0, $0x0;
	s11 =	rddreg [dreg:$0x10]  }
0x77: {  	[sflag:s10] =	ssyncset.done $0x0;
	s5 =	rddreg [dreg:$0x9];
	s7 =	sshrl.u32 @!p0 s11, $0x3  }
0x78: {  	s12 =	simm.s32 @!p0 $0x0;
	[sflag:s10] =	ssyncadd.s32 $0xFFFFD000;
	s7 =	sadd.s32 @!p0 s5, s7  }
0x79: {  	[tilespmem:s12], [sflag:$0x1] =	stream.linear.gather @!p0 [hbm4b:s7+s12], $0x100, $0x38;
	[tilespmem:$0x19F00] =	vst v63  }
0x7a: {  	_ =	swait.ge [sflag:s31], $0x100  }
0x7b: {  	[sflag:s31] =	ssyncset.done $0x0  }
0x7c: {  	[sflag:s31] =	ssyncadd.s32 $0xFFFFFF00  }
0x7d: {  	[tilespmem:s22], [sflag:$0x6] =	stream.indirect.gather [hbm4b:s1+s17], $0x80, s20, s17, $0xb8;
	[tilespmem:$0x19F00] =	vst v63  }
0x7e: {  	_ = 	snop  }
0x7f: {  	[tilespmem:s24], [sflag:$0x7] =	stream.indirect.gather [hbm4b:s1+s17], $0x80, s0, s17, $0xb8;
	[tilespmem:$0x19F00] =	vst v63  }
0x80: {  	_ =	swait.ge [sflag:s25], $0x1800  }
0x81: {  	[sflag:s25] =	ssyncset.done $0x0  }
0x82: {  	[sflag:s25] =	ssyncadd.s32 $0xFFFFE800  }
0x83: {  	_ =	swait.ge [sflag:s26], $0x1800  }
0x84: {  	[sflag:s26] =	ssyncset.done $0x0  }
0x85: {  	[sflag:s26] =	ssyncadd.s32 $0xFFFFE800  }
0x86: {  	[spmem:s3] =	stream.indirect.scatter.add.f32 [tilespmem:s18], [sflag:$0x8], $0x80, s9, s28, $0xb8;
	[tilespmem:$0x19F00] =	vst v63  }
0x87: {  	_ =	swait.ge [sflag:s30], $0x3000  }
0x88: {  	s7 =	rddreg [dreg:$0x4];
	[sflag:s30] =	ssyncset.done $0x0  }
0x89: {  	s13 =	simm.s32 @!p0 $0x100;
	[sflag:s30] =	ssyncadd.s32 $0xFFFFD000;
	s7 =	sadd.s32 @!p0 $0x0, s7  }
0x8a: {  	[tilespmem:s13], [sflag:$0x2] =	stream.linear.gather @!p0 [hbm4b:s7+s12], $0x100, $0x38;
	[tilespmem:$0x19F00] =	vst v63  }
0x8b: {  	s7 =	simm.s32 @!p0 $0x1  }
0x8c: {  	_ =	swait.ge @!p0 [sflag:s7], $0x100  }
0x8d: {  	[sflag:s7] =	ssyncset.done @!p0 $0x0  }
0x8e: {  	s13 =	simm.s32 @!p0 $0x300;
	[sflag:s7] =	ssyncadd.s32 @!p0 $0xFFFFFF00;
	s7 =	simm.s32 @!p0 $0x30  }
0x8f: {  	[tilespmem:s13], [sflag:$0x4] =	stream.indirect.gather @!p0 [hbm4b:s1+s7], $0x80, s12, s7, $0xb8;
	[tilespmem:$0x19F00] =	vst v63  }
0x90: {  	s12 =	simm.s32 @!p0 $0x1B00  }
0x91: {  	[tilespmem:s12], [sflag:$0x5] =	stream.indirect.gather @!p0 [hbm4b:s1+s7], $0x80, s7, s7, $0xb8;
	[tilespmem:$0x19F00] =	vst v63  }
0x92: {  	_ =	swait.ge [sflag:s2], $0x1800  }
0x93: {  	[sflag:s2] =	ssyncset.done $0x0  }
0x94: {  	[sflag:s2] =	ssyncadd.s32 $0xFFFFE800  }
0x95: {  	p1 =	por $0x0, $0x0;
	s13 =	simm.s32 $0x180;
	_ =	swait.ge [sflag:s6], $0x1800  }
0x96: {  	s7 =	simm.s32 $0xC0;
	s12 =	sadd.s32 $0x600, s11;
	[sflag:s6] =	ssyncset.done $0x0  }
.LBB2_2:
0x97: {  	s11 =	simm.s32 @!p1 $0x9;
	[sflag:s6] =	ssyncadd.s32 $0xFFFFE800  }
0x98: {  	[spmem:s3] =	stream.indirect.scatter.add.f32 [tilespmem:s22], [sflag:$0x9], $0x80, s8, s28, $0xb8;
	[tilespmem:$0x19F00] =	vst v63  }
0x99: {  	_ =	swait.ge @!p1 [sflag:s11], $0x3000  }
0x9a: {  	[sflag:s11] =	ssyncset.done @!p1 $0x0;
	s5 =	rddreg [dreg:$0x8]  }
0x9b: {  	[sflag:s11] =	ssyncadd.s32 @!p1 $0xFFFFD000;
	s5 =	sadd.s32 s7, s5  }
0x9c: {  	[tilespmem:s20], [sflag:$0x3] =	stream.linear.gather [hbm4b:s5+s4], $0x100, $0x38;
	[tilespmem:$0x19F00] =	vst v63  }
0x9d: {  	_ =	swait.ge [sflag:s21], $0x100  }
0x9e: {  	[sflag:s21] =	ssyncset.done $0x0  }
0x9f: {  	[sflag:s21] =	ssyncadd.s32 $0xFFFFFF00  }
0xa0: {  	[tilespmem:s22], [sflag:$0x6] =	stream.indirect.gather [hbm4b:s1+s17], $0x80, s15, s17, $0xb8;
	[tilespmem:$0x19F00] =	vst v63  }
0xa1: {  	_ = 	snop  }
0xa2: {  	[tilespmem:s24], [sflag:$0x7] =	stream.indirect.gather [hbm4b:s1+s17], $0x80, s23, s17, $0xb8;
	[tilespmem:$0x19F00] =	vst v63  }
0xa3: {  	_ =	swait.ge [sflag:s25], $0x1800  }
0xa4: {  	[sflag:s25] =	ssyncset.done $0x0  }
0xa5: {  	[sflag:s25] =	ssyncadd.s32 $0xFFFFE800  }
0xa6: {  	_ =	swait.ge [sflag:s26], $0x1800  }
0xa7: {  	[sflag:s26] =	ssyncset.done $0x0  }
0xa8: {  	[sflag:s26] =	ssyncadd.s32 $0xFFFFE800  }
0xa9: {  	[spmem:s3] =	stream.indirect.scatter.add.f32 [tilespmem:s18], [sflag:$0x8], $0x80, s29, s28, $0xb8;
	[tilespmem:$0x19F00] =	vst v63  }
0xaa: {  	_ =	swait.ge [sflag:s30], $0x3000  }
0xab: {  	s11 =	rddreg [dreg:$0x7];
	[sflag:s30] =	ssyncset.done $0x0  }
0xac: {  	[sflag:s30] =	ssyncadd.s32 $0xFFFFD000;
	s5 =	sadd.s32 s7, s11  }
0xad: {  	[tilespmem:s4], [sflag:$0x1] =	stream.linear.gather [hbm4b:s5+s4], $0x100, $0x38;
	[tilespmem:$0x19F00] =	vst v63  }
0xae: {  	_ =	swait.ge [sflag:s31], $0x100  }
0xaf: {  	[sflag:s31] =	ssyncset.done $0x0  }
0xb0: {  	[sflag:s31] =	ssyncadd.s32 $0xFFFFFF00  }
0xb1: {  	[tilespmem:s18], [sflag:$0x4] =	stream.indirect.gather [hbm4b:s1+s17], $0x80, s20, s17, $0xb8;
	[tilespmem:$0x19F00] =	vst v63  }
0xb2: {  	s11 =	simm.s32 $0x1B00  }
0xb3: {  	[tilespmem:s11], [sflag:$0x5] =	stream.indirect.gather [hbm4b:s1+s17], $0x80, s0, s17, $0xb8;
	[tilespmem:$0x19F00] =	vst v63  }
0xb4: {  	_ =	swait.ge [sflag:s2], $0x1800  }
0xb5: {  	[sflag:s2] =	ssyncset.done $0x0  }
0xb6: {  	[sflag:s2] =	ssyncadd.s32 $0xFFFFE800  }
0xb7: {  	_ =	swait.ge [sflag:s6], $0x1800  }
0xb8: {  	[sflag:s6] =	ssyncset.done $0x0  }
0xb9: {  	[sflag:s6] =	ssyncadd.s32 $0xFFFFE800  }
0xba: {  	[spmem:s3] =	stream.indirect.scatter.add.f32 [tilespmem:s22], [sflag:$0x9], $0x80, s9, s28, $0xb8;
	[tilespmem:$0x19F00] =	vst v63  }
0xbb: {  	_ =	swait.ge [sflag:s10], $0x3000  }
0xbc: {  	s19 =	rddreg [dreg:$0x6];
	[sflag:s10] =	ssyncset.done $0x0  }
0xbd: {  	[sflag:s10] =	ssyncadd.s32 $0xFFFFD000;
	s5 =	sadd.s32 s7, s19  }
0xbe: {  	[tilespmem:s15], [sflag:$0x2] =	stream.linear.gather [hbm4b:s5+s4], $0x100, $0x38;
	[tilespmem:$0x19F00] =	vst v63  }
0xbf: {  	_ =	swait.ge [sflag:s16], $0x100  }
0xc0: {  	[sflag:s16] =	ssyncset.done $0x0  }
0xc1: {  	[sflag:s16] =	ssyncadd.s32 $0xFFFFFF00  }
0xc2: {  	[tilespmem:s22], [sflag:$0x6] =	stream.indirect.gather [hbm4b:s1+s17], $0x80, s4, s17, $0xb8;
	[tilespmem:$0x19F00] =	vst v63  }
0xc3: {  	_ = 	snop  }
0xc4: {  	[tilespmem:s24], [sflag:$0x7] =	stream.indirect.gather [hbm4b:s1+s17], $0x80, s17, s17, $0xb8;
	[tilespmem:$0x19F00] =	vst v63  }
0xc5: {  	_ =	swait.ge [sflag:s25], $0x1800  }
0xc6: {  	[sflag:s25] =	ssyncset.done $0x0  }
0xc7: {  	[sflag:s25] =	ssyncadd.s32 $0xFFFFE800  }
0xc8: {  	_ =	swait.ge [sflag:s26], $0x1800  }
0xc9: {  	[sflag:s26] =	ssyncset.done $0x0  }
0xca: {  	[sflag:s26] =	ssyncadd.s32 $0xFFFFE800  }
0xcb: {  	[spmem:s3] =	stream.indirect.scatter.add.f32 [tilespmem:s18], [sflag:$0x8], $0x80, s8, s28, $0xb8;
	[tilespmem:$0x19F00] =	vst v63  }
0xcc: {  	_ =	swait.ge [sflag:s30], $0x3000  }
0xcd: {  	s19 =	rddreg [dreg:$0x5];
	[sflag:s30] =	ssyncset.done $0x0  }
0xce: {  	[sflag:s30] =	ssyncadd.s32 $0xFFFFD000;
	s5 =	sadd.s32 s7, s19  }
0xcf: {  	[tilespmem:s20], [sflag:$0x3] =	stream.linear.gather [hbm4b:s5+s4], $0x100, $0x38;
	[tilespmem:$0x19F00] =	vst v63  }
0xd0: {  	_ =	swait.ge [sflag:s21], $0x100  }
0xd1: {  	[sflag:s21] =	ssyncset.done $0x0  }
0xd2: {  	[sflag:s21] =	ssyncadd.s32 $0xFFFFFF00  }
0xd3: {  	[tilespmem:s18], [sflag:$0x4] =	stream.indirect.gather [hbm4b:s1+s17], $0x80, s15, s17, $0xb8;
	[tilespmem:$0x19F00] =	vst v63  }
0xd4: {  	_ = 	snop  }
0xd5: {  	[tilespmem:s11], [sflag:$0x5] =	stream.indirect.gather [hbm4b:s1+s17], $0x80, s23, s17, $0xb8;
	[tilespmem:$0x19F00] =	vst v63  }
0xd6: {  	_ =	swait.ge [sflag:s2], $0x1800  }
0xd7: {  	[sflag:s2] =	ssyncset.done $0x0  }
0xd8: {  	[sflag:s2] =	ssyncadd.s32 $0xFFFFE800  }
0xd9: {  	_ =	swait.ge [sflag:s6], $0x1800  }
0xda: {  	[sflag:s6] =	ssyncset.done $0x0  }
0xdb: {  	[sflag:s6] =	ssyncadd.s32 $0xFFFFE800  }
0xdc: {  	[spmem:s3] =	stream.indirect.scatter.add.f32 [tilespmem:s22], [sflag:$0x9], $0x80, s29, s28, $0xb8;
	[tilespmem:$0x19F00] =	vst v63  }
0xdd: {  	p1 =	seq.s32 s7, $0xCC0;
	_ =	swait.ge [sflag:s10], $0x3000  }
0xde: {  	s5 =	sshrl.u32 @!p1 s12, $0x3;
	[sflag:s10] =	ssyncset.done $0x0;
	s11 =	rddreg [dreg:$0x9]  }
0xdf: {  	[sflag:s10] =	ssyncadd.s32 $0xFFFFD000;
	s5 =	sadd.s32 @!p1 s11, s5;
	s11 =	simm.s32 @!p1 $0x0  }
0xe0: {  	[tilespmem:s11], [sflag:$0x1] =	stream.linear.gather @!p1 [hbm4b:s5+s11], $0x100, $0x38;
	[tilespmem:$0x19F00] =	vst v63  }
0xe1: {  	_ =	swait.ge [sflag:s31], $0x100  }
0xe2: {  	[sflag:s31] =	ssyncset.done $0x0  }
0xe3: {  	[sflag:s31] =	ssyncadd.s32 $0xFFFFFF00  }
0xe4: {  	[tilespmem:s22], [sflag:$0x6] =	stream.indirect.gather [hbm4b:s1+s17], $0x80, s20, s17, $0xb8;
	[tilespmem:$0x19F00] =	vst v63  }
0xe5: {  	_ = 	snop  }
0xe6: {  	[tilespmem:s24], [sflag:$0x7] =	stream.indirect.gather [hbm4b:s1+s17], $0x80, s0, s17, $0xb8;
	[tilespmem:$0x19F00] =	vst v63  }
0xe7: {  	_ =	swait.ge [sflag:s25], $0x1800  }
0xe8: {  	[sflag:s25] =	ssyncset.done $0x0  }
0xe9: {  	[sflag:s25] =	ssyncadd.s32 $0xFFFFE800  }
0xea: {  	_ =	swait.ge [sflag:s26], $0x1800  }
0xeb: {  	[sflag:s26] =	ssyncset.done $0x0  }
0xec: {  	[sflag:s26] =	ssyncadd.s32 $0xFFFFE800  }
0xed: {  	[spmem:s3] =	stream.indirect.scatter.add.f32 [tilespmem:s18], [sflag:$0x8], $0x80, s9, s28, $0xb8;
	[tilespmem:$0x19F00] =	vst v63  }
0xee: {  	_ =	swait.ge [sflag:s30], $0x3000  }
0xef: {  	s19 =	simm.s32 @!p1 $0x1;
	s5 =	rddreg [dreg:$0x4];
	[sflag:s30] =	ssyncset.done $0x0  }
0xf0: {  	[sflag:s30] =	ssyncadd.s32 $0xFFFFD000;
	s5 =	sadd.s32 @!p1 s7, s5;
	s7 =	simm.s32 @!p1 $0x100  }
0xf1: {  	[tilespmem:s7], [sflag:$0x2] =	stream.linear.gather @!p1 [hbm4b:s5+s11], $0x100, $0x38;
	[tilespmem:$0x19F00] =	vst v63  }
0xf2: {  	s14 =	smov.u32 s13;
	_ =	swait.ge @!p1 [sflag:s19], $0x100  }
0xf3: {  	s13 =	sadd.s32 $0xC0, s13;
	s7 =	smov.u32 s14;
	[sflag:s19] =	ssyncset.done @!p1 $0x0  }
0xf4: {  	s5 =	simm.s32 @!p1 $0x30;
	s14 =	simm.s32 @!p1 $0x300;
	[sflag:s19] =	ssyncadd.s32 @!p1 $0xFFFFFF00  }
0xf5: {  	[tilespmem:s14], [sflag:$0x4] =	stream.indirect.gather @!p1 [hbm4b:s1+s5], $0x80, s11, s5, $0xb8;
	[tilespmem:$0x19F00] =	vst v63  }
0xf6: {  	p0 =	sne.s32 s13, $0xD80;
	s11 =	simm.s32 @!p1 $0x1B00  }
0xf7: {  	[tilespmem:s11], [sflag:$0x5] =	stream.indirect.gather @!p1 [hbm4b:s1+s5], $0x80, s5, s5, $0xb8;
	[tilespmem:$0x19F00] =	vst v63  }
.Ltmp0:
0xf8: {  	_ =	swait.ge [sflag:s2], $0x1800;
	(pc) =	sbr.rel @p0 .LBB2_2-.Ltmp0, $4  }
0xf9: {  	[sflag:s2] =	ssyncset.done $0x0  }
0xfa: {  	[sflag:s2] =	ssyncadd.s32 $0xFFFFE800  }
0xfb: {  	_ =	swait.ge [sflag:s6], $0x1800  }
0xfc: {  	s12 =	sadd.s32 $0x600, s12;
	p1 =	seq.s32 s7, $0x0;
	[sflag:s6] =	ssyncset.done $0x0  }
0xfd: {  	s5 =	simm.s32 @!p1 $0x9;
	[sflag:s6] =	ssyncadd.s32 $0xFFFFE800  }
0xfe: {  	[spmem:s3] =	stream.indirect.scatter.add.f32 [tilespmem:s22], [sflag:$0x9], $0x80, s8, s28, $0xb8;
	[tilespmem:$0x19F00] =	vst v63  }
0xff: {  	_ =	swait.ge @!p1 [sflag:s5], $0x3000  }
0x100: {  	s11 =	rddreg [dreg:$0x8];
	[sflag:s5] =	ssyncset.done @!p1 $0x0  }
0x101: {  	[sflag:s5] =	ssyncadd.s32 @!p1 $0xFFFFD000;
	s11 =	sadd.s32 s7, s11  }
0x102: {  	[tilespmem:s20], [sflag:$0x3] =	stream.linear.gather [hbm4b:s11+s4], $0x100, $0x38;
	[tilespmem:$0x19F00] =	vst v63  }
0x103: {  	_ =	swait.ge [sflag:s21], $0x100  }
0x104: {  	[sflag:s21] =	ssyncset.done $0x0  }
0x105: {  	[sflag:s21] =	ssyncadd.s32 $0xFFFFFF00  }
0x106: {  	[tilespmem:s22], [sflag:$0x6] =	stream.indirect.gather [hbm4b:s1+s17], $0x80, s15, s17, $0xb8;
	[tilespmem:$0x19F00] =	vst v63  }
0x107: {  	_ = 	snop  }
0x108: {  	[tilespmem:s24], [sflag:$0x7] =	stream.indirect.gather [hbm4b:s1+s17], $0x80, s23, s17, $0xb8;
	[tilespmem:$0x19F00] =	vst v63  }
0x109: {  	_ =	swait.ge [sflag:s25], $0x1800  }
0x10a: {  	[sflag:s25] =	ssyncset.done $0x0  }
0x10b: {  	[sflag:s25] =	ssyncadd.s32 $0xFFFFE800  }
0x10c: {  	_ =	swait.ge [sflag:s26], $0x1800  }
0x10d: {  	[sflag:s26] =	ssyncset.done $0x0  }
0x10e: {  	[sflag:s26] =	ssyncadd.s32 $0xFFFFE800  }
0x10f: {  	[spmem:s3] =	stream.indirect.scatter.add.f32 [tilespmem:s18], [sflag:$0x8], $0x80, s29, s28, $0xb8;
	[tilespmem:$0x19F00] =	vst v63  }
0x110: {  	_ =	swait.ge [sflag:s30], $0x3000  }
0x111: {  	s13 =	rddreg [dreg:$0x7];
	[sflag:s30] =	ssyncset.done $0x0  }
0x112: {  	[sflag:s30] =	ssyncadd.s32 $0xFFFFD000;
	s5 =	sadd.s32 s7, s13  }
0x113: {  	[tilespmem:s4], [sflag:$0x1] =	stream.linear.gather [hbm4b:s5+s4], $0x100, $0x38;
	[tilespmem:$0x19F00] =	vst v63  }
0x114: {  	_ =	swait.ge [sflag:s31], $0x100  }
0x115: {  	[sflag:s31] =	ssyncset.done $0x0  }
0x116: {  	[sflag:s31] =	ssyncadd.s32 $0xFFFFFF00  }
0x117: {  	[tilespmem:s18], [sflag:$0x4] =	stream.indirect.gather [hbm4b:s1+s17], $0x80, s20, s17, $0xb8;
	[tilespmem:$0x19F00] =	vst v63  }
0x118: {  	s14 =	simm.s32 $0x1B00  }
0x119: {  	[tilespmem:s14], [sflag:$0x5] =	stream.indirect.gather [hbm4b:s1+s17], $0x80, s0, s17, $0xb8;
	[tilespmem:$0x19F00] =	vst v63  }
0x11a: {  	_ =	swait.ge [sflag:s2], $0x1800  }
0x11b: {  	[sflag:s2] =	ssyncset.done $0x0  }
0x11c: {  	[sflag:s2] =	ssyncadd.s32 $0xFFFFE800  }
0x11d: {  	_ =	swait.ge [sflag:s6], $0x1800  }
0x11e: {  	[sflag:s6] =	ssyncset.done $0x0  }
0x11f: {  	[sflag:s6] =	ssyncadd.s32 $0xFFFFE800  }
0x120: {  	[spmem:s3] =	stream.indirect.scatter.add.f32 [tilespmem:s22], [sflag:$0x9], $0x80, s9, s28, $0xb8;
	[tilespmem:$0x19F00] =	vst v63  }
0x121: {  	_ =	swait.ge [sflag:s10], $0x3000  }
0x122: {  	s19 =	rddreg [dreg:$0x6];
	[sflag:s10] =	ssyncset.done $0x0  }
0x123: {  	[sflag:s10] =	ssyncadd.s32 $0xFFFFD000;
	s5 =	sadd.s32 s7, s19  }
0x124: {  	[tilespmem:s15], [sflag:$0x2] =	stream.linear.gather [hbm4b:s5+s4], $0x100, $0x38;
	[tilespmem:$0x19F00] =	vst v63  }
0x125: {  	_ =	swait.ge [sflag:s16], $0x100  }
0x126: {  	[sflag:s16] =	ssyncset.done $0x0  }
0x127: {  	[sflag:s16] =	ssyncadd.s32 $0xFFFFFF00  }
0x128: {  	[tilespmem:s22], [sflag:$0x6] =	stream.indirect.gather [hbm4b:s1+s17], $0x80, s4, s17, $0xb8;
	[tilespmem:$0x19F00] =	vst v63  }
0x129: {  	_ = 	snop  }
0x12a: {  	[tilespmem:s24], [sflag:$0x7] =	stream.indirect.gather [hbm4b:s1+s17], $0x80, s17, s17, $0xb8;
	[tilespmem:$0x19F00] =	vst v63  }
0x12b: {  	_ =	swait.ge [sflag:s25], $0x1800  }
0x12c: {  	[sflag:s25] =	ssyncset.done $0x0  }
0x12d: {  	[sflag:s25] =	ssyncadd.s32 $0xFFFFE800  }
0x12e: {  	_ =	swait.ge [sflag:s26], $0x1800  }
0x12f: {  	[sflag:s26] =	ssyncset.done $0x0  }
0x130: {  	[sflag:s26] =	ssyncadd.s32 $0xFFFFE800  }
0x131: {  	[spmem:s3] =	stream.indirect.scatter.add.f32 [tilespmem:s18], [sflag:$0x8], $0x80, s8, s28, $0xb8;
	[tilespmem:$0x19F00] =	vst v63  }
0x132: {  	_ =	swait.ge [sflag:s30], $0x3000  }
0x133: {  	s13 =	rddreg [dreg:$0x5];
	[sflag:s30] =	ssyncset.done $0x0  }
0x134: {  	[sflag:s30] =	ssyncadd.s32 $0xFFFFD000;
	s5 =	sadd.s32 s7, s13  }
0x135: {  	[tilespmem:s20], [sflag:$0x3] =	stream.linear.gather [hbm4b:s5+s4], $0x100, $0x38;
	[tilespmem:$0x19F00] =	vst v63  }
0x136: {  	_ =	swait.ge [sflag:s21], $0x100  }
0x137: {  	[sflag:s21] =	ssyncset.done $0x0  }
0x138: {  	[sflag:s21] =	ssyncadd.s32 $0xFFFFFF00  }
0x139: {  	[tilespmem:s18], [sflag:$0x4] =	stream.indirect.gather [hbm4b:s1+s17], $0x80, s15, s17, $0xb8;
	[tilespmem:$0x19F00] =	vst v63  }
0x13a: {  	_ = 	snop  }
0x13b: {  	[tilespmem:s14], [sflag:$0x5] =	stream.indirect.gather [hbm4b:s1+s17], $0x80, s23, s17, $0xb8;
	[tilespmem:$0x19F00] =	vst v63  }
0x13c: {  	_ =	swait.ge [sflag:s2], $0x1800  }
0x13d: {  	[sflag:s2] =	ssyncset.done $0x0  }
0x13e: {  	[sflag:s2] =	ssyncadd.s32 $0xFFFFE800  }
0x13f: {  	_ =	swait.ge [sflag:s6], $0x1800  }
0x140: {  	[sflag:s6] =	ssyncset.done $0x0  }
0x141: {  	[sflag:s6] =	ssyncadd.s32 $0xFFFFE800  }
0x142: {  	[spmem:s3] =	stream.indirect.scatter.add.f32 [tilespmem:s22], [sflag:$0x9], $0x80, s29, s28, $0xb8;
	[tilespmem:$0x19F00] =	vst v63  }
0x143: {  	p0 =	seq.s32 s7, $0xCC0;
	_ =	swait.ge [sflag:s10], $0x3000  }
0x144: {  	s5 =	sshrl.u32 @!p0 s12, $0x3;
	[sflag:s10] =	ssyncset.done $0x0;
	s11 =	rddreg [dreg:$0x9]  }
0x145: {  	[sflag:s10] =	ssyncadd.s32 $0xFFFFD000;
	s5 =	sadd.s32 @!p0 s11, s5;
	s11 =	simm.s32 @!p0 $0x0  }
0x146: {  	[tilespmem:s11], [sflag:$0x1] =	stream.linear.gather @!p0 [hbm4b:s5+s11], $0x100, $0x38;
	[tilespmem:$0x19F00] =	vst v63  }
0x147: {  	_ =	swait.ge [sflag:s31], $0x100  }
0x148: {  	[sflag:s31] =	ssyncset.done $0x0  }
0x149: {  	[sflag:s31] =	ssyncadd.s32 $0xFFFFFF00  }
0x14a: {  	[tilespmem:s22], [sflag:$0x6] =	stream.indirect.gather [hbm4b:s1+s17], $0x80, s20, s17, $0xb8;
	[tilespmem:$0x19F00] =	vst v63  }
0x14b: {  	_ = 	snop  }
0x14c: {  	[tilespmem:s24], [sflag:$0x7] =	stream.indirect.gather [hbm4b:s1+s17], $0x80, s0, s17, $0xb8;
	[tilespmem:$0x19F00] =	vst v63  }
0x14d: {  	_ =	swait.ge [sflag:s25], $0x1800  }
0x14e: {  	[sflag:s25] =	ssyncset.done $0x0  }
0x14f: {  	[sflag:s25] =	ssyncadd.s32 $0xFFFFE800  }
0x150: {  	_ =	swait.ge [sflag:s26], $0x1800  }
0x151: {  	[sflag:s26] =	ssyncset.done $0x0  }
0x152: {  	[sflag:s26] =	ssyncadd.s32 $0xFFFFE800  }
0x153: {  	[spmem:s3] =	stream.indirect.scatter.add.f32 [tilespmem:s18], [sflag:$0x8], $0x80, s9, s28, $0xb8;
	[tilespmem:$0x19F00] =	vst v63  }
0x154: {  	_ =	swait.ge [sflag:s30], $0x3000  }
0x155: {  	s5 =	rddreg [dreg:$0x4];
	[sflag:s30] =	ssyncset.done $0x0  }
0x156: {  	[sflag:s30] =	ssyncadd.s32 $0xFFFFD000;
	s5 =	sadd.s32 @!p0 s7, s5;
	s7 =	simm.s32 @!p0 $0x100  }
0x157: {  	[tilespmem:s7], [sflag:$0x2] =	stream.linear.gather @!p0 [hbm4b:s5+s11], $0x100, $0x38;
	[tilespmem:$0x19F00] =	vst v63  }
0x158: {  	s5 =	simm.s32 @!p0 $0x1  }
0x159: {  	_ =	swait.ge @!p0 [sflag:s5], $0x100  }
0x15a: {  	[sflag:s5] =	ssyncset.done @!p0 $0x0  }
0x15b: {  	s7 =	simm.s32 @!p0 $0x300;
	[sflag:s5] =	ssyncadd.s32 @!p0 $0xFFFFFF00;
	s5 =	simm.s32 @!p0 $0x30  }
0x15c: {  	[tilespmem:s7], [sflag:$0x4] =	stream.indirect.gather @!p0 [hbm4b:s1+s5], $0x80, s11, s5, $0xb8;
	[tilespmem:$0x19F00] =	vst v63  }
0x15d: {  	s7 =	simm.s32 @!p0 $0x1B00  }
0x15e: {  	[tilespmem:s7], [sflag:$0x5] =	stream.indirect.gather @!p0 [hbm4b:s1+s5], $0x80, s5, s5, $0xb8;
	[tilespmem:$0x19F00] =	vst v63  }
0x15f: {  	_ =	swait.ge [sflag:s2], $0x1800  }
0x160: {  	[sflag:s2] =	ssyncset.done $0x0  }
0x161: {  	[sflag:s2] =	ssyncadd.s32 $0xFFFFE800  }
0x162: {  	_ =	swait.ge [sflag:s6], $0x1800  }
0x163: {  	[sflag:s6] =	ssyncset.done $0x0  }
0x164: {  	[sflag:s6] =	ssyncadd.s32 $0xFFFFE800  }
0x165: {  	[spmem:s3] =	stream.indirect.scatter.add.f32 [tilespmem:s22], [sflag:$0x9], $0x80, s8, s28, $0xb8;
	[tilespmem:$0x19F00] =	vst v63  }
0x166: {  	_ =	swait.ge [sflag:s10], $0x3000  }
0x167: {  	[sflag:s10] =	ssyncset.done $0x0  }
0x168: {  	[sflag:s10] =	ssyncadd.s32 $0xFFFFD000  }
0x169: {  	[bflag:$0x0] =	sbarrier.arrive $0xFFFF  }
0x16a: {  	s11 =	rddreg [dreg:$0xb]  }
0x16b: {  	s14 =	rddreg [dreg:$0xe]  }
0x16c: {  	s12 =	simm.s32 $0xA;
	s7 =	rddreg [dreg:$0x11]  }
0x16d: {  	[hbm:s14], [sflag:s11] =	dma.local [spmem:s7], $0x2780  }
0x16e: {  	_ =	swait.ge [sflag:s12], $0x2780  }
0x16f: {  	s13 =	rddreg [dreg:$0x12]  }
0x170: {  	s19 =	rddreg [dreg:$0xf];
	s13 =	sadd.s32 $0x1, s13  }
0x171: {  	p0 =	sne.s32 s13, s19  }
.Ltmp1:
0x172: {  	_ = 	snop;
	(pc) =	sbr.rel @p0 .LBB2_1-.Ltmp1, $3  }
0x173: {  	_ =	sdelay $0x1  }
0x174: {  	[sflag:s12] =	ssyncset.done $0x0  }
0x175: {  	[sflag:s12] =	ssyncadd.s32 $0xFFFFD880  }
0x176: {  	_ =	sfence.sel $0x180000  }
0x177: {  	[bflag:$0x0] =	sbarrier.arrive $0xFFFF  }
0x178: {  	_ =	strace $0x9000004D  }
0x179: {  	s0 =	stileid.u32;
	[bflag:$0x2] =	sbarrier.arrive $0xFFFF  }
0x17a: {  	p0 =	sne.s32 s0, $0x0;
	s0 =	rddreg [dreg:$0x3]  }
0x17b: {  	s0 =	sadd.s32 @!p0 $0x100000, s0  }
0x17c: {  	[sflag:s0] =	ssyncadd.tile.s32 @!p0 $0x1;
	_ =	shalt  }
.Lfunc_end2:
_tile_overlayer_lowered:
.L_overlay_start_2:
0x17d: {  	(tag) =	ssettag $0x2  }
0x17e: {  	s0 =	rddreg [dreg:$0x0];
	s2 =	stileid.u32  }
0x17f: {  	s1 =	rddreg [dreg:$0x1];
	p0 =	sne.s32 s2, $0x0  }
0x180: {  	s3 =	rddreg [dreg:$0x2];
	[bflag:$0x3] =	sbarrier.arrive $0xFFFF;
	s2 =	simm.s32 @!p0 $0x1C0A  }
0x181: {  	[timem:s3], [sflag:s2] =	dma.local @!p0 [hbm:s0], s1  }
0x182: {  	s0 =	simm.s32 @!p0 $0xA  }
0x183: {  	_ =	swait.ge @!p0 [sflag:s0], s1  }
0x184: {  	s1 =	ssub.s32 @!p0 $0x0, s1;
	[sflag:s0] =	ssyncset.done @!p0 $0x0  }
0x185: {  	[sflag:s0] =	ssyncadd.s32 @!p0 s1  }
0x186: {  	[bflag:$0x3] =	sbarrier.arrive $0xFFFF  }
0x187: {  	_ =	shalt  }

// kernel: sc_degree.3.cloned.1.call-start
scs
__scs_entry_jumppad:
0x0: {  	(pc) =	sbr.rel $0x88, $3  }
0x1: {  	(tag) =	ssettag $0x0;
	lr =	simm.s32 $0x1  }
0x2: {  	[smem:$0x3F9B] =	sst lr;
	_ =	strace $0xD0000000  }
0x3: {  	_ = 	snop  }
0x4: {  	_ = 	snop  }
0x5: {  	_ = 	snop  }
0x6: {  	_ = 	snop  }
0x7: {  	_ = 	snop  }
__scs_overlays_trampoline_lowered:
0x8: {  	[smem:$0x3FAA] =	sst s0  }
0x9: {  	[smem:$0x3FAB] =	sst s1  }
0xa: {  	[smem:$0x3FAC] =	sst s2  }
0xb: {  	[smem:$0x3FAD] =	sst s3  }
0xc: {  	[smem:$0x3FAE] =	sst s4  }
0xd: {  	[smem:$0x3FAF] =	sst s5  }
0xe: {  	[smem:$0x3FB0] =	sst s6  }
0xf: {  	[smem:$0x3FB1] =	sst s7  }
0x10: {  	[smem:$0x3FB2] =	sst s8  }
0x11: {  	[smem:$0x3FB3] =	sst s9;
	s0 =	simm.s32 @!p0 $0x0  }
0x12: {  	s1 =	sld [smem:$0x3F99];
	s0 =	simm.s32 @p0 $0x1  }
0x13: {  	[smem:$0x3FB4] =	sst s0;
	s0 =	simm.s32 @!p1 $0x0  }
0x14: {  	s2 =	sld [smem:$0x3F98];
	s0 =	simm.s32 @p1 $0x1  }
0x15: {  	[smem:$0x3FB5] =	sst s0;
	s0 =	simm.s32 @!p2 $0x0  }
0x16: {  	s3 =	sld [smem:$0x3FDB];
	s0 =	simm.s32 @p2 $0x1  }
0x17: {  	s4 =	simm.s32 $0x1BF5;
	[smem:$0x3FB7] =	sst s0  }
0x18: {  	s0 =	sld [smem:$0x3F9A];
	_ =	swait.ge [sflag:s4], $0x0  }
0x19: {  	s7 =	sld [smem:$0x3F9B]  }
0x1a: {  	s8 =	sadd.s32 $0xFFFFE003, lr  }
0x1b: {  	s9 =	sadd.s32 $0xFFFFFEF7, lr;
	s5 =	simm.s32 $0xFFFFFFFF;
	p2 =	slt.u32 s8, $0xFFFFF086  }
0x1c: {  	p1 =	slt.u32 s9, $0xF7A;
	s5 =	simm.s32 @!p2 $0x0  }
0x1d: {  	s5 =	simm.s32 @p1 $0x1;
	p0 =	seq.s32 s7, s2  }
0x1e: {  	s7 =	smul.u32 @!p0 $0xF7A, s2;
	p2 =	seq.s32 @!p0 s5, $0x0  }
0x1f: {  	s9 =	smul.u32 $0xF7A, s1;
	s8 =	simm.s32 @!p0 $0x1BF5;
	p2 =	por !p2, p0  }
0x20: {  	[sflag:s8] =	ssyncset.s32 @!p0 $0xFFFFF086;
	s6 =	sadd.s32 @!p0 s3, s7;
	s7 =	simm.s32 @!p0 $0x108  }
0x21: {  	s3 =	sadd.s32 s3, s9;
	s6 =	sadd.s32 @!p0 $0x88, s6;
	s7 =	simm.s32 @p2 $0x1082  }
0x22: {  	[simem:s7], [sflag:s8] =	dma.local @!p0 [hbm:s6], $0xF7A  }
0x23: {  	s9 =	sor.u32 $0xD0000000, s2;
	s6 =	simm.s32 $0x108;
	_ =	swait.ge @!p0 [sflag:s8], $0x0  }
0x24: {  	s3 =	sadd.s32 $0x88, s3;
	s6 =	simm.s32 @!p1 $0x1082;
	[sflag:s4] =	ssyncset.s32 $0xFFFFF086  }
0x25: {  	[simem:s6], [sflag:s4] =	dma.local [hbm:s3], $0xF7A  }
0x26: {  	[smem:$0x3F9B] =	sst s1;
	(tag) =	ssettag s2;
	_ =	strace s9  }
0x27: {  	s1 =	sld [smem:$0x3FAB]  }
0x28: {  	s2 =	sld [smem:$0x3FAC]  }
0x29: {  	s4 =	sld [smem:$0x3FAE]  }
0x2a: {  	p0 =	seq.s32 s5, $0x0;
	s5 =	sld [smem:$0x3FAF]  }
0x2b: {  	s6 =	sld [smem:$0x3FB0]  }
0x2c: {  	s7 =	sld [smem:$0x3FB1]  }
0x2d: {  	s3 =	simm.s32 $0x108;
	s8 =	sld [smem:$0x3FB2]  }
0x2e: {  	s3 =	simm.s32 @!p0 $0x1082;
	s9 =	sld [smem:$0x3FB3]  }
0x2f: {  	lr =	sadd.s32 s0, s3;
	s0 =	sld [smem:$0x3FAA]  }
0x30: {  	s3 =	sld [smem:$0x3FAD]  }
0x31: {  	[smem:$0x3FB6] =	sst s10  }
0x32: {  	s10 =	sld [smem:$0x3FB4];
	_ =	sdelay $0x3  }
0x33: {  	p0 =	seq.s32 s10, $0x1;
	s10 =	sld [smem:$0x3FB6];
	_ =	sdelay $0x3  }
0x34: {  	[smem:$0x3FB6] =	sst s10  }
0x35: {  	s10 =	sld [smem:$0x3FB5];
	_ =	sdelay $0x3  }
0x36: {  	p1 =	seq.s32 s10, $0x1;
	s10 =	sld [smem:$0x3FB6];
	_ =	sdelay $0x3  }
0x37: {  	[smem:$0x3FB6] =	sst s10  }
0x38: {  	s10 =	sld [smem:$0x3FB7]  }
0x39: {  	_ = 	snop;
	(pc) =	sbr.ind lr, $3  }
0x3a: {  	_ = 	snop  }
0x3b: {  	_ = 	snop  }
0x3c: {  	p2 =	seq.s32 s10, $0x1;
	s10 =	sld [smem:$0x3FB6]  }
0x3d: {  	_ =	shalt  }
0x3e: {  	_ =	shalt  }
0x3f: {  	_ =	shalt  }
0x40: {  	_ =	shalt  }
0x41: {  	_ =	shalt  }
0x42: {  	_ =	shalt  }
0x43: {  	_ =	shalt  }
0x44: {  	_ =	shalt  }
0x45: {  	_ =	shalt  }
0x46: {  	_ =	shalt  }
0x47: {  	_ =	shalt  }
0x48: {  	_ =	shalt  }
0x49: {  	_ =	shalt  }
0x4a: {  	_ =	shalt  }
0x4b: {  	_ =	shalt  }
0x4c: {  	_ =	shalt  }
0x4d: {  	_ =	shalt  }
0x4e: {  	_ =	shalt  }
0x4f: {  	_ =	shalt  }
0x50: {  	_ =	shalt  }
0x51: {  	_ =	shalt  }
0x52: {  	_ =	shalt  }
0x53: {  	_ =	shalt  }
0x54: {  	_ =	shalt  }
0x55: {  	_ =	shalt  }
0x56: {  	_ =	shalt  }
0x57: {  	_ =	shalt  }
0x58: {  	_ =	shalt  }
0x59: {  	_ =	shalt  }
0x5a: {  	_ =	shalt  }
0x5b: {  	_ =	shalt  }
0x5c: {  	_ =	shalt  }
0x5d: {  	_ =	shalt  }
0x5e: {  	_ =	shalt  }
0x5f: {  	_ =	shalt  }
0x60: {  	_ =	shalt  }
0x61: {  	_ =	shalt  }
0x62: {  	_ =	shalt  }
0x63: {  	_ =	shalt  }
0x64: {  	_ =	shalt  }
0x65: {  	_ =	shalt  }
0x66: {  	_ =	shalt  }
0x67: {  	_ =	shalt  }
0x68: {  	_ =	shalt  }
0x69: {  	_ =	shalt  }
0x6a: {  	_ =	shalt  }
0x6b: {  	_ =	shalt  }
0x6c: {  	_ =	shalt  }
0x6d: {  	_ =	shalt  }
0x6e: {  	_ =	shalt  }
0x6f: {  	_ =	shalt  }
0x70: {  	_ =	shalt  }
0x71: {  	_ =	shalt  }
0x72: {  	_ =	shalt  }
0x73: {  	_ =	shalt  }
0x74: {  	_ =	shalt  }
0x75: {  	_ =	shalt  }
0x76: {  	_ =	shalt  }
0x77: {  	_ =	shalt  }
0x78: {  	_ =	shalt  }
0x79: {  	_ =	shalt  }
0x7a: {  	_ =	shalt  }
0x7b: {  	_ =	shalt  }
0x7c: {  	_ =	shalt  }
0x7d: {  	_ =	shalt  }
0x7e: {  	_ =	shalt  }
0x7f: {  	_ =	shalt  }
0x80: {  	_ =	shalt  }
0x81: {  	_ =	shalt  }
0x82: {  	_ =	shalt  }
0x83: {  	_ =	shalt  }
0x84: {  	_ =	shalt  }
0x85: {  	_ =	shalt  }
0x86: {  	_ =	shalt  }
0x87: {  	_ =	shalt  }
.Lfunc_end0:
.L_simem_size_0:
called_computation_lowered:
.L_overlay_start_0:
0x88: {  	s2 =	sld [smem:$0x3FD9]  }
0x89: {  	s3 =	sld [smem:$0x3FFE];
	_ =	sdelay $0x1  }
0x8a: {  	s1 =	srdreg.scid  }
0x8b: {  	s0 =	sand.u32 $0x1, s1  }
0x8c: {  	s17 =	sshll.u32 s0, $0xA;
	s2 =	sadd.s32 s3, s2  }
0x8d: {  	s2 =	sadd.s32 s2, s17  }
0x8e: {  	[smem:$0x3FC2] =	sst s2  }
0x8f: {  	_ = 	snop  }
0x90: {  	s2 =	sld [smem:$0x3FD0];
	(tm) =	ssettm $0x1  }
0x91: {  	s18 =	sld [smem:$0x3FFB];
	_ =	sdelay $0x3  }
0x92: {  	_ =	strace s18  }
0x93: {  	s3 =	sld [smem:$0x3FFC];
	_ =	sdelay $0x3  }
0x94: {  	_ =	strace s3  }
0x95: {  	s3 =	sld [smem:$0x3FFD];
	_ =	sdelay $0x3  }
0x96: {  	_ =	strace s3  }
0x97: {  	_ =	strace $0x8FFFFFFF  }
0x98: {  	s19 =	sld [smem:$0x3FDB];
	_ =	sdelay $0x1  }
0x99: {  	s4 =	simm.s32 $_scs_section_size  }
0x9a: {  	s5 =	simm.s32 $_size__tile_overlayer_lowered;
	s6 =	simm.s32 $_tile_overlayer_lowered  }
0x9b: {  	s22 =	simm.s32 $0x1BFF;
	s21 =	sshll.u32 s6, $0x1;
	s3 =	sadd.s32 s4, s19  }
0x9c: {  	s7 =	simm.s32 $0x0;
	s20 =	sshll.u32 s5, $0x1;
	s5 =	sadd.s32 s21, s3  }
0x9d: {  	[timem:s7], [sflag:s22] =	dma.local [hbm:s5], s20  }
0x9e: {  	_ =	swait.ge [sflag:s22], s20  }
0x9f: {  	s4 =	ssub.s32 $0x0, s20;
	[sflag:s22] =	ssyncset.done $0x0  }
0xa0: {  	[sflag:s22] =	ssyncadd.s32 s4;
	_ =	sdelay $0x1  }
0xa1: {  	s23 =	simm.s32 $0x1B8B  }
0xa2: {  	_ =	swait.ge [sflag:s23], $0x1  }
0xa3: {  	[sflag:s23] =	ssyncset.done $0x0  }
0xa4: {  	s25 =	simm.s32 $0x1B8E;
	s24 =	sld [smem:$0x3FFE];
	[sflag:s23] =	ssyncadd.s32 $0xFFFFFFFF  }
0xa5: {  	s26 =	simm.s32 $execute0_lowered;
	[smem:$0x3FD2] =	sst s25  }
0xa6: {  	s5 =	sshll.u32 s26, $0x1;
	_ =	strace $0x80000046;
	[dreg:$0x1] =	wrdreg $0xFFFFFFFF  }
0xa7: {  	s28 =	simm.s32 $_size_execute0_lowered;
	s3 =	sadd.s32 s3, s5;
	[dreg:$0x0] =	wrdreg $0x0  }
0xa8: {  	s5 =	sshll.u32 s28, $0x1;
	[dreg:$0x2] =	wrdreg s3  }
0xa9: {  	[dreg:$0x3] =	wrdreg s5  }
0xaa: {  	[dreg:$0x4] =	wrdreg $0xC0  }
0xab: {  	_ =	task [dreg:s7], $0x5FFFF  }
0xac: {  	[dreg:$0x1] =	wrdreg $0xFFFFFFFF  }
0xad: {  	[dreg:$0x0] =	wrdreg $0x60  }
0xae: {  	[dreg:$0x2] =	wrdreg s24  }
0xaf: {  	[dreg:$0x3] =	wrdreg s2  }
0xb0: {  	[dreg:$0x4] =	wrdreg $0x9  }
0xb1: {  	_ =	task.clear_ibuf [dreg:s7], $0x5FFFF;
	_ =	strace $0x90000046  }
0xb2: {  	s29 =	simm.s32 $0x9;
	_ =	strace $0x80000048  }
0xb3: {  	_ =	swait.ge [sflag:s29], $0x1  }
0xb4: {  	[sflag:s29] =	ssyncadd.s32 $0xFFFFFFFF  }
0xb5: {  	_ =	strace $0x90000048  }
0xb6: {  	_ =	sfence  }
0xb7: {  	s30 =	sld [smem:$0x0];
	_ =	sdelay $0x2  }
0xb8: {  	s31 =	sshll.u32 s1, $0xD;
	s1 =	sshrl.u32 s1, $0x2  }
0xb9: {  	s3 =	sand.u32 $0x4000, s31;
	s1 =	sadd.s32 s1, s30  }
0xba: {  	s0 =	sor.u32 s3, s0;
	s1 =	sshll.u32 s1, $0x11  }
0xbb: {  	s0 =	sor.u32 s1, s0  }
0xbc: {  	s0 =	sadd.s32 $0x8F2B, s0  }
0xbd: {  	[sflag:s0] =	ssyncadd.remote.s32 $0x1  }
0xbe: {  	_ =	sfence.sel $0xFFFF  }
0xbf: {  	[dreg:$0x0] =	wrdreg $0xFFFFFFFF;
	(pc) =	sbr.abs _section_cstart, $3  }
0xc0: {  	[dreg:$0x1] =	wrdreg $0xFFFFFFFF  }
0xc1: {  	_ =	task.clear_ibuf [dreg:s7], $0x2FFFF;
	_ =	strace $0x9FFFFFFF  }
0xc2: {  	(tm) =	ssettm $0x7FFFFFFF  }
0xc3: {  	_ =	shalt  }
tec
execute0_lowered:
.L_overlay_start_1:
0x0: {  	(tag) =	ssettag $0x1  }
0x1: {  	s3 =	rddreg [dreg:$0x0];
	s1 =	srdreg.scid  }
0x2: {  	s0 =	stileid.u32;
	s4 =	rddreg [dreg:$0x1];
	s9 =	simm.s32 $0x400  }
0x3: {  	s5 =	sand.u32 $0x1, s1;
	s2 =	sshll.u32 s0, $0x1;
	s8 =	sshrl.u32 s0, $0x2  }
0x4: {  	s1 =	rddreg [dreg:$0x2];
	s6 =	sor.u32 s5, s2;
	s8 =	smul.u32 $0x13C00, s8  }
0x5: {  	s2 =	simm.s32 $0x0;
	s5 =	ssub.s32 $0x2, s5;
	s7 =	smul.u32 $0x4E2, s6  }
0x6: {  	[smem:$0x7FF] =	sst s2;
	s6 =	sshll.u32 s6, $0x7;
	s31 =	sshrl.u32 s5, $0x1  }
0x7: {  	_ =	strace $0x80000047;
	s6 =	sand.u32 $0x380, s6;
	s5 =	ssub.s32 s5, s31  }
0x8: {  	s3 =	sadd.s32 s7, s3;
	s6 =	sor.u32 s8, s6;
	s5 =	smax.u32 s5, $0x1  }
0x9: {  	s7 =	simm.s32 $0x2780;
	s8 =	simm.s32 $0x80;
	s6 =	sshrl.u32 s6, $0x3  }
0xa: {  	v0 =	vimm.f32 $0.0e+00;
	v1 =	vimm.f32 $1.000000000e+00;
	s3 =	sadd.s32 $0x3400, s3;
	s4 =	sadd.s32 s4, s6;
	s6 =	simm.s32 $0x1  }
.LBB2_1:
0xb: {  	s10 =	simm.s32 $0x40;
	s11 =	simm.s32 $0x0  }
.LBB2_2:
0xc: {  	p0 =	sne.s32 s10, $0x9C00;
	[tilespmem:s11+$0x2780] =	vst v0;
	s11 =	smov.u32 s10;
	s10 =	sadd.s32 $0x40, s10  }
.Ltmp0:
0xd: {  	(pc) =	sbr.rel @p0 .LBB2_2-.Ltmp0, $2  }
0xe: {  	_ =	sdelay $0x2  }
0xf: {  	s11 =	sshra.s32 s11, $0x2  }
0x10: {  	[tilespmem:s11+$0x2780] =	vst v0;
	s10 =	simm.s32 $0x0  }
0x11: {  	[tilespmem:s10], [sflag:$0x1] =	stream.linear.gather [hbm4b:s3+s10], $0x2710, $0x38;
	[tilespmem:$0x4F00] =	vst v63  }
0x12: {  	_ =	swait.ge [sflag:s6], $0x2710  }
0x13: {  	[sflag:s6] =	ssyncset.done $0x0  }
0x14: {  	s11 =	simm.s32 $0x0;
	s10 =	simm.s32 $0x40;
	[sflag:s6] =	ssyncadd.s32 $0xFFFFD8F0  }
.LBB2_4:
0x15: {  	p0 =	sne.s32 s10, $0x9C00;
	v2 =	vld [tilespmem:s11+$0x0];
	_ =	sdelay $0x3  }
.Ltmp1:
0x16: {  	(pc) =	sbr.rel @p0 .LBB2_4-.Ltmp1, $2  }
0x17: {  	_ =	sdelay $0x2  }
0x18: {  	s11 =	sshra.s32 s10, $0x2;
	s10 =	sadd.s32 $0x40, s10;
	[tilespmem:v2+s7+$0x0] =	vst.idx.add.f32.msk $0xffff, v1  }
0x19: {  	v2 =	vld [tilespmem:s11+$0x0];
	_ =	sdelay $0x5  }
0x1a: {  	s2 =	sadd.s32 $0x1, s2  }
0x1b: {  	p0 =	sne.s32 s2, s5  }
.Ltmp2:
0x1c: {  	[tilespmem:v2+s7+$0x0] =	vst.idx.add.f32.msk $0xffff, v1;
	(pc) =	sbr.rel @p0 .LBB2_1-.Ltmp2, $4  }
0x1d: {  	[hbm4b:s4+s8] =	stream.strided.scatter [tilespmem:s7], [sflag:$0x1], $0x2780, s9, s8, $0x38;
	[tilespmem:$0x4F00] =	vst v63  }
0x1e: {  	_ =	swait.ge [sflag:s6], $0x2780  }
0x1f: {  	[sflag:s6] =	ssyncset.done $0x0  }
0x20: {  	[sflag:s6] =	ssyncadd.s32 $0xFFFFD880  }
0x21: {  	_ =	sfence.sel $0x180000  }
0x22: {  	[bflag:$0x0] =	sbarrier.arrive $0xFFFF  }
0x23: {  	p0 =	sne.s32 s0, $0x0;
	_ =	strace $0x90000047  }
0x24: {  	s0 =	sadd.s32 @!p0 $0x100000, s1;
	[bflag:$0x2] =	sbarrier.arrive $0xFFFF  }
0x25: {  	[sflag:s0] =	ssyncadd.tile.s32 @!p0 $0x1;
	_ =	shalt  }
.Lfunc_end2:
_tile_overlayer_lowered:
.L_overlay_start_2:
0x26: {  	(tag) =	ssettag $0x2  }
0x27: {  	s0 =	rddreg [dreg:$0x0];
	s2 =	stileid.u32  }
0x28: {  	s1 =	rddreg [dreg:$0x1];
	p0 =	sne.s32 s2, $0x0  }
0x29: {  	s3 =	rddreg [dreg:$0x2];
	[bflag:$0x3] =	sbarrier.arrive $0xFFFF;
	s2 =	simm.s32 @!p0 $0x1C01  }
0x2a: {  	[timem:s3], [sflag:s2] =	dma.local @!p0 [hbm:s0], s1  }
0x2b: {  	s0 =	simm.s32 @!p0 $0x1  }
0x2c: {  	_ =	swait.ge @!p0 [sflag:s0], s1  }
0x2d: {  	s1 =	ssub.s32 @!p0 $0x0, s1;
	[sflag:s0] =	ssyncset.done @!p0 $0x0  }
0x2e: {  	[sflag:s0] =	ssyncadd.s32 @!p0 s1  }
0x2f: {  	[bflag:$0x3] =	sbarrier.arrive $0xFFFF  }
0x30: {  	_ =	shalt  }

</sc_bundles>
